<compile_context>
chip_gen: v7x
topology: tpu7x:2x2x1
jax: 0.10.2.dev20260603
libtpu: 0.0.44.dev20260713+nightly
codegen_flags: <defaults>
</compile_context>

<pallas_src>
import jax
import jax.numpy as jnp
from jax import lax
from jax.experimental import pallas as pl
from jax.experimental.pallas import tpu as pltpu
from jax.experimental.pallas import tpu_sc as plsc

N_ENT = 100000
N_REL = 64
E_DIM = 128
K_NBR = 32
BATCH = 8192

NC = 2
NS = 16
NW = NC * NS
ROWS_W = BATCH // NW
T_ROWS_W = ROWS_W * K_NBR
CHUNK = 128


def _sc_mesh():
    return plsc.VectorSubcoreMesh(core_axis_name="c", subcore_axis_name="s")


def _wid():
    return lax.axis_index("s") * NC + lax.axis_index("c")



def _gather_adj_body(idx2_hbm, adj_hbm, out_hbm, idx_v, a_v, sem):
    wid = _wid()
    nrow = ROWS_W // 128
    pltpu.sync_copy(idx2_hbm.at[pl.ds(wid * nrow, nrow)], idx_v)
    for j in range(nrow):
        row0 = wid * ROWS_W + j * 128
        pltpu.async_copy(adj_hbm.at[idx_v.at[j]], a_v, sem).wait()
        pltpu.sync_copy(a_v, out_hbm.at[pl.ds(row0, 128)])


def _gather_adj(idx2, adj):
    kern = pl.kernel(
        _gather_adj_body,
        out_type=jax.ShapeDtypeStruct((BATCH, K_NBR), jnp.int32),
        mesh=_sc_mesh(),
        scratch_types=[
            pltpu.VMEM((ROWS_W // 128, 128), jnp.int32),
            pltpu.VMEM((128, K_NBR), jnp.int32),
            pltpu.SemaphoreType.DMA,
        ],
        compiler_params=pltpu.CompilerParams(use_tc_tiling_on_sc=False),
    )
    return kern(idx2, adj)



NBUF = 4


def _make_gather_t_body(sb, seg):
    trw = sb * K_NBR // NW
    nidx = trw // CHUNK
    hseg = sb // 128

    def body_fn(e2_hbm, idx2_hbm, ent_hbm, t_hbm, h_hbm, idx_v, hi_v, h_v,
                t_v0, t_v1, t_v2, t_v3,
                gs0, gs1, gs2, gs3, ws0, ws1, ws2, ws3, hs):
        wid = _wid()
        bufs = (t_v0, t_v1, t_v2, t_v3)
        gsems = (gs0, gs1, gs2, gs3)
        wsems = (ws0, ws1, ws2, ws3)
        pltpu.sync_copy(e2_hbm.at[pl.ds(seg * (sb * K_NBR // 128)
                                        + wid * nidx, nidx)], idx_v)
        base = wid * trw

        @pl.when(wid < hseg)
        def _():
            pltpu.sync_copy(idx2_hbm.at[pl.ds(seg * hseg + wid, 1)], hi_v)
            pltpu.async_copy(ent_hbm.at[hi_v.at[0]], h_v, hs).wait()
            pltpu.sync_copy(h_v, h_hbm.at[pl.ds(wid * 128, 128)])

        for b in range(NBUF):
            pltpu.async_copy(ent_hbm.at[idx_v.at[b]], bufs[b], gsems[b])

        def body(i, carry):
            c0 = i * NBUF
            for b in range(NBUF):
                c = c0 + b
                pltpu.make_async_copy(ent_hbm.at[idx_v.at[c]], bufs[b],
                                      gsems[b]).wait()
                pltpu.async_copy(bufs[b],
                                 t_hbm.at[pl.ds(base + c * CHUNK, CHUNK)],
                                 wsems[b])
            for b in range(NBUF):
                cn = c0 + NBUF + b

                @pl.when(cn < nidx)
                def _():
                    pltpu.make_async_copy(
                        bufs[b], t_hbm.at[pl.ds(base + (cn - NBUF) * CHUNK,
                                                CHUNK)], wsems[b]).wait()
                    pltpu.async_copy(ent_hbm.at[idx_v.at[cn]], bufs[b],
                                     gsems[b])
            return carry

        lax.fori_loop(0, nidx // NBUF, body, 0)
        for b in range(NBUF):
            c = nidx - NBUF + b
            pltpu.make_async_copy(bufs[b],
                                  t_hbm.at[pl.ds(base + c * CHUNK, CHUNK)],
                                  wsems[b]).wait()

    return body_fn


def _gather_t(e2, idx2, ent_embs, sb, seg):
    trw = sb * K_NBR // NW
    kern = pl.kernel(
        _make_gather_t_body(sb, seg),
        out_type=(
            jax.ShapeDtypeStruct((sb * K_NBR, E_DIM), jnp.float32),
            jax.ShapeDtypeStruct((sb, E_DIM), jnp.float32),
        ),
        mesh=_sc_mesh(),
        scratch_types=[
            pltpu.VMEM((trw // CHUNK, CHUNK), jnp.int32),
            pltpu.VMEM((1, 128), jnp.int32),
            pltpu.VMEM((128, E_DIM), jnp.float32),
        ] + [pltpu.VMEM((CHUNK, E_DIM), jnp.float32) for _ in range(NBUF)]
          + [pltpu.SemaphoreType.DMA for _ in range(2 * NBUF + 1)],
    )
    return kern(e2, idx2, ent_embs)



BB = 256


def _tc_body(t_ref, h_ref, rid_ref, rel_ref, wr_ref, wrb_ref,
             w1_ref, w1b_ref, w2_ref, w2b_ref, out_ref):
    f32 = jnp.float32

    def mx(e):
        n = jnp.sqrt(jnp.sum(e * e, axis=1, keepdims=True))
        return e * jnp.where(n > 1.0, 1.0 / jnp.maximum(n, 1e-7), 1.0)

    def dot_t(a, b):
        return lax.dot_general(a, b, (((1,), (1,)), ((), ())),
                               preferred_element_type=f32)

    hn = mx(h_ref[...])
    reln = mx(rel_ref[...])
    wrb = wrb_ref[...]
    hr = dot_t(hn, wr_ref[...]) + wrb

    t2 = t_ref[...].reshape(BB * K_NBR, E_DIM)
    ones_e = jnp.ones((E_DIM, E_DIM), f32)
    n2b = jnp.dot(t2 * t2, ones_e, preferred_element_type=f32)
    scb = lax.rsqrt(jnp.maximum(n2b, 1.0))
    t2n = t2 * scb
    t3n = t2n.reshape(BB, K_NBR, E_DIM)

    tr = dot_t(t2n, wr_ref[...]) + wrb
    hrb = jnp.broadcast_to(hr[:, None, :], (BB, K_NBR, E_DIM))
    hrb = hrb.reshape(BB * K_NBR, E_DIM)

    iota_rel = lax.broadcasted_iota(jnp.int32, (1, 1, N_REL), 2)
    oh = (rid_ref[...][:, :, None] == iota_rel).astype(f32)
    oh = oh.reshape(BB * K_NBR, N_REL)
    re = jnp.dot(oh, reln, preferred_element_type=f32)

    g = jnp.tanh(hrb + re)
    prod = (g * tr).reshape(BB, K_NBR, E_DIM)
    logits = jnp.sum(prod, axis=2)

    lt = logits.T
    m = jnp.max(lt, axis=0, keepdims=True)
    e = jnp.exp(lt - m)
    attt = e / jnp.sum(e, axis=0, keepdims=True)
    att = attt.T
    nh = jnp.sum(t3n * att[:, :, None], axis=1)

    leaky = lambda x: jnp.where(x > 0, x, 0.2 * x)
    agg1 = leaky(dot_t(hn + nh, w1_ref[...]) + w1b_ref[...])
    agg2 = leaky(dot_t(hn * nh, w2_ref[...]) + w2b_ref[...])
    out_ref[...] = agg1 + agg2


def _tc_call(t3, hraw, rids, rel_embs, wr, wrb, w1, w1b, w2, w2b, seg):
    grid = t3.shape[0] // BB
    soff = seg * grid
    full = lambda i: (0, 0)
    return pl.pallas_call(
        _tc_body,
        grid=(grid,),
        in_specs=[
            pl.BlockSpec((BB, K_NBR, E_DIM), lambda i: (i, 0, 0)),
            pl.BlockSpec((BB, E_DIM), lambda i: (i, 0)),
            pl.BlockSpec((BB, K_NBR), lambda i: (soff + i, 0)),
            pl.BlockSpec((N_REL, E_DIM), full),
            pl.BlockSpec((E_DIM, E_DIM), full),
            pl.BlockSpec((1, E_DIM), full),
            pl.BlockSpec((E_DIM, E_DIM), full),
            pl.BlockSpec((1, E_DIM), full),
            pl.BlockSpec((E_DIM, E_DIM), full),
            pl.BlockSpec((1, E_DIM), full),
        ],
        out_specs=pl.BlockSpec((BB, E_DIM), lambda i: (i, 0)),
        out_shape=jax.ShapeDtypeStruct((t3.shape[0], E_DIM), jnp.float32),
        compiler_params=pltpu.CompilerParams(
            dimension_semantics=("arbitrary",),
        ),
    )(t3, hraw, rids, rel_embs, wr, wrb, w1, w1b, w2, w2b)



SEG = 4


@jax.jit
def kernel(idx, adj_ent, adj_rel, ent_embs, rel_embs,
           Wr_w, Wr_b, W1_w, W1_b, W2_w, W2_b):
    idx = jnp.clip(idx.astype(jnp.int32), 0, N_ENT - 1)
    idx2 = idx.reshape(BATCH // 128, 128)
    eids = _gather_adj(idx2, adj_ent)
    e2 = eids.reshape(BATCH * K_NBR // 128, 128)
    sb = BATCH // SEG
    rids = None
    outs = []
    for s in range(SEG):
        traw, hraw = _gather_t(e2, idx2, ent_embs, sb, s)
        if rids is None:
            rids = _gather_adj(idx2, adj_rel)
        t3 = traw.reshape(sb, K_NBR, E_DIM)
        outs.append(_tc_call(t3, hraw, rids, rel_embs,
                             Wr_w, Wr_b.reshape(1, E_DIM),
                             W1_w, W1_b.reshape(1, E_DIM),
                             W2_w, W2_b.reshape(1, E_DIM), s))
    return jnp.concatenate(outs, axis=0) if SEG > 1 else outs[0]

# --- scband reference (transcript-rebuilt; emitter-appended) ---
"""Pipeline reference for scband-kgan-71425306133078 (READ-ONLY COPY).

The authoritative reference and input builder live on the scoring server;
editing this copy changes nothing except your own understanding.
"""

import jax, jax.numpy as jnp
import numpy as np

N_ENT = 100000
N_REL = 64
E_DIM = 128
R_DIM = 128
K_NBR = 32
BATCH = 8192


def _maxnorm(e):
    # emulate nn.Embedding(max_norm=1): rows with L2 norm > 1 are rescaled to norm 1 at lookup
    n = jnp.linalg.norm(e, axis=-1, keepdims=True)
    return e * jnp.where(n > 1.0, 1.0 / jnp.maximum(n, 1e-7), 1.0)


def _xavier(k, shape):
    fan_out, fan_in = shape[0], shape[1]
    limit = float(np.sqrt(6.0 / (fan_in + fan_out)))
    return jax.random.uniform(k, shape, minval=-limit, maxval=limit, dtype=jnp.float32)


def setup_inputs(seed: int = 0) -> dict:
    key = jax.random.key(seed)
    ks = jax.random.split(key, 12)
    return {
        "idx": jax.random.randint(ks[0], (BATCH,), 0, N_ENT, dtype=jnp.int64) if jax.config.read("jax_enable_x64") else jax.random.randint(ks[0], (BATCH,), 0, N_ENT, dtype=jnp.int32),
        "adj_ent": jax.random.randint(ks[1], (N_ENT, K_NBR), 0, N_ENT, dtype=jnp.int32),
        "adj_rel": jax.random.randint(ks[2], (N_ENT, K_NBR), 0, N_REL, dtype=jnp.int32),
        "ent_embs": _xavier(ks[3], (N_ENT, E_DIM)),
        "rel_embs": _xavier(ks[4], (N_REL, R_DIM)),
        "Wr_w": _xavier(ks[5], (R_DIM, E_DIM)),
        "Wr_b": jnp.zeros((R_DIM,), jnp.float32),
        "W1_w": _xavier(ks[6], (E_DIM, E_DIM)),
        "W1_b": jnp.zeros((E_DIM,), jnp.float32),
        "W2_w": _xavier(ks[7], (E_DIM, E_DIM)),
        "W2_b": jnp.zeros((E_DIM,), jnp.float32),
    }


def reference(idx, adj_ent, adj_rel, ent_embs, rel_embs, Wr_w, Wr_b, W1_w, W1_b, W2_w, W2_b):
    idx = jnp.clip(idx, 0, N_ENT - 1)
    # get_neighbors: gather neighbor entity/relation ids, then embedding lookups
    e_ids = jnp.take(adj_ent, idx, axis=0)            # [B, K]
    r_ids = jnp.take(adj_rel, idx, axis=0)            # [B, K]
    t_embs = _maxnorm(jnp.take(ent_embs, e_ids, axis=0))   # [B, K, E]
    r_embs = _maxnorm(jnp.take(rel_embs, r_ids, axis=0))   # [B, K, R]
    h_embs = _maxnorm(jnp.take(ent_embs, idx, axis=0))     # [B, E]
    # GATMessagePass
    h_broadcast = jnp.broadcast_to(h_embs[:, None, :], t_embs.shape)  # [B, K, E]
    tr = t_embs @ Wr_w.T + Wr_b                      # [B, K, R]
    hr = h_broadcast @ Wr_w.T + Wr_b                 # [B, K, R]
    att_logits = jnp.sum(jnp.tanh(hr + r_embs) * tr, axis=-1, keepdims=True)  # [B, K, 1]
    att = jax.nn.softmax(att_logits, axis=1)
    Nh = jnp.sum(t_embs * att, axis=1)               # [B, E]
    # aggregate: Bi-Interaction
    leaky = lambda x: jnp.where(x > 0, x, 0.2 * x)
    out = leaky((h_embs + Nh) @ W1_w.T + W1_b) + leaky((h_embs * Nh) @ W2_w.T + W2_b)
    return out

if __name__ == "__main__":
    import jax
    _d = setup_inputs()
    print(jax.jit(kernel)(*tuple(_d.values())))

</pallas_src>

<mosaic_0001>
#map = affine_map<(d0, d1) -> (0, 0)>
module attributes {stable_mosaic.version = 14 : i64} {
  func.func @body_fn(%arg0: i32, %arg1: i32, %arg2: memref<2048x128xi32, #tpu.memory_space<hbm>>, %arg3: memref<64x128xi32, #tpu.memory_space<hbm>>, %arg4: memref<100000x128xf32, #tpu.memory_space<hbm>>, %arg5: memref<65536x128xf32, #tpu.memory_space<hbm>>, %arg6: memref<2048x128xf32, #tpu.memory_space<hbm>>, %arg7: memref<16x128xi32, #tpu.memory_space<vmem>>, %arg8: memref<1x128xi32, #tpu.memory_space<vmem>>, %arg9: memref<128x128xf32, #tpu.memory_space<vmem>>, %arg10: memref<128x128xf32, #tpu.memory_space<vmem>>, %arg11: memref<128x128xf32, #tpu.memory_space<vmem>>, %arg12: memref<128x128xf32, #tpu.memory_space<vmem>>, %arg13: memref<128x128xf32, #tpu.memory_space<vmem>>, %arg14: memref<!tpu.dma_semaphore, #tpu.memory_space<semaphore_mem>>, %arg15: memref<!tpu.dma_semaphore, #tpu.memory_space<semaphore_mem>>, %arg16: memref<!tpu.dma_semaphore, #tpu.memory_space<semaphore_mem>>, %arg17: memref<!tpu.dma_semaphore, #tpu.memory_space<semaphore_mem>>, %arg18: memref<!tpu.dma_semaphore, #tpu.memory_space<semaphore_mem>>, %arg19: memref<!tpu.dma_semaphore, #tpu.memory_space<semaphore_mem>>, %arg20: memref<!tpu.dma_semaphore, #tpu.memory_space<semaphore_mem>>, %arg21: memref<!tpu.dma_semaphore, #tpu.memory_space<semaphore_mem>>, %arg22: memref<!tpu.dma_semaphore, #tpu.memory_space<semaphore_mem>>) attributes {dimension_semantics = [#tpu.dimension_semantics<core_parallel>, #tpu.dimension_semantics<subcore_parallel>], iteration_bounds = array<i64: 2, 16>, scalar_prefetch = 0 : i64, scratch_operands = 16 : i64, tpu.core_type = #tpu.core_type<sc_vector_subcore>, window_params = [{transform_indices = #map}, {transform_indices = #map}, {transform_indices = #map}, {transform_indices = #map}, {transform_indices = #map}]} {
    %mul3A = arith.constant 2 : i32
    %mul3A_0 = arith.muli %arg1, %mul3A : i32
    %add3A = arith.addi %mul3A_0, %arg0 : i32
    %mul3A_1 = arith.constant 16 : i32
    %mul3A_2 = arith.muli %add3A, %mul3A_1 : i32
    %add3A_3 = arith.constant 512 : i32
    %add3A_4 = arith.addi %add3A_3, %mul3A_2 : i32
    "tpu.region"() ({
      %run_scoped3A = tpu.sem_alloc : memref<!tpu.dma_semaphore, #tpu.memory_space<semaphore_mem>>
      %dma_start3A_64 = arith.constant 0 : i32
      %dma_start3A_65 = tpu.memref_slice %arg2[%add3A_4, %dma_start3A_64] : memref<2048x128xi32, #tpu.memory_space<hbm>> -> memref<16x128xi32, #tpu.memory_space<hbm>>
      %dma_start3A_66 = arith.constant 0 : i32
      %dma_start3A_67 = tpu.memref_slice %arg2[%add3A_4, %dma_start3A_66] : memref<2048x128xi32, #tpu.memory_space<hbm>> -> memref<16x128xi32, #tpu.memory_space<hbm>>
      tpu.enqueue_dma source(%dma_start3A_67 : memref<16x128xi32, #tpu.memory_space<hbm>>) target(%arg7 : memref<16x128xi32, #tpu.memory_space<vmem>>) target_semaphore(%run_scoped3A : memref<!tpu.dma_semaphore, #tpu.memory_space<semaphore_mem>>)
      %dma_wait3A_68 = arith.constant 0 : i32
      %dma_wait3A_69 = tpu.memref_slice %arg2[%add3A_4, %dma_wait3A_68] : memref<2048x128xi32, #tpu.memory_space<hbm>> -> memref<16x128xi32, #tpu.memory_space<hbm>>
      %dma_wait3A_70 = arith.constant 0 : i32
      %dma_wait3A_71 = tpu.memref_slice %arg2[%add3A_4, %dma_wait3A_70] : memref<2048x128xi32, #tpu.memory_space<hbm>> -> memref<16x128xi32, #tpu.memory_space<hbm>>
      tpu.wait_dma2 semaphore(%run_scoped3A : memref<!tpu.dma_semaphore, #tpu.memory_space<semaphore_mem>>) src(%dma_wait3A_71 : memref<16x128xi32, #tpu.memory_space<hbm>>) dst(%arg7 : memref<16x128xi32, #tpu.memory_space<vmem>>)
      tpu.yield
    }) : () -> ()
    %mul3A_5 = arith.constant 2048 : i32
    %mul3A_6 = arith.muli %add3A, %mul3A_5 : i32
    %lt3A = arith.constant 16 : i32
    %lt3A_7 = arith.cmpi slt, %add3A, %lt3A : i32
    %convert_element_type3A = arith.extui %lt3A_7 : i1 to i32
    %cond3A = arith.constant 0 : i32
    %cond3A_8 = arith.cmpi ne, %convert_element_type3A, %cond3A : i32
    scf.if %cond3A_8 {
      %add3A_64 = arith.constant 16 : i32
      %add3A_65 = arith.addi %add3A_64, %add3A : i32
      "tpu.region"() ({
        %run_scoped3A = tpu.sem_alloc : memref<!tpu.dma_semaphore, #tpu.memory_space<semaphore_mem>>
        %dma_start3A_82 = arith.constant 0 : i32
        %dma_start3A_83 = tpu.memref_slice %arg3[%add3A_65, %dma_start3A_82] : memref<64x128xi32, #tpu.memory_space<hbm>> -> memref<1x128xi32, #tpu.memory_space<hbm>>
        %dma_start3A_84 = arith.constant 0 : i32
        %dma_start3A_85 = tpu.memref_slice %arg3[%add3A_65, %dma_start3A_84] : memref<64x128xi32, #tpu.memory_space<hbm>> -> memref<1x128xi32, #tpu.memory_space<hbm>>
        tpu.enqueue_dma source(%dma_start3A_85 : memref<1x128xi32, #tpu.memory_space<hbm>>) target(%arg8 : memref<1x128xi32, #tpu.memory_space<vmem>>) target_semaphore(%run_scoped3A : memref<!tpu.dma_semaphore, #tpu.memory_space<semaphore_mem>>)
        %dma_wait3A_86 = arith.constant 0 : i32
        %dma_wait3A_87 = tpu.memref_slice %arg3[%add3A_65, %dma_wait3A_86] : memref<64x128xi32, #tpu.memory_space<hbm>> -> memref<1x128xi32, #tpu.memory_space<hbm>>
        %dma_wait3A_88 = arith.constant 0 : i32
        %dma_wait3A_89 = tpu.memref_slice %arg3[%add3A_65, %dma_wait3A_88] : memref<64x128xi32, #tpu.memory_space<hbm>> -> memref<1x128xi32, #tpu.memory_space<hbm>>
        tpu.wait_dma2 semaphore(%run_scoped3A : memref<!tpu.dma_semaphore, #tpu.memory_space<semaphore_mem>>) src(%dma_wait3A_89 : memref<1x128xi32, #tpu.memory_space<hbm>>) dst(%arg8 : memref<1x128xi32, #tpu.memory_space<vmem>>)
        tpu.yield
      }) : () -> ()
      %dma_start3A_66 = arith.constant 0 : i32
      %dma_start3A_67 = arith.constant 0 : i32
      %dma_start3A_68 = tpu.memref_slice %arg8[%dma_start3A_66, %dma_start3A_67] : memref<1x128xi32, #tpu.memory_space<vmem>> -> memref<1x128xi32, #tpu.memory_space<vmem>>
      %dma_start3A_69 = tpu.memref_squeeze %dma_start3A_68 : memref<1x128xi32, #tpu.memory_space<vmem>> -> memref<128xi32, #tpu.memory_space<vmem>>
      %dma_start3A_70 = arith.constant 0 : i32
      %dma_start3A_71 = arith.constant 0 : i32
      %dma_start3A_72 = tpu.memref_slice %arg4[%dma_start3A_70, %dma_start3A_71] : memref<100000x128xf32, #tpu.memory_space<hbm>> -> memref<100000x128xf32, #tpu.memory_space<hbm>>
      tpu.enqueue_indirect_dma source(%dma_start3A_72 : memref<100000x128xf32, #tpu.memory_space<hbm>>) target(%arg9 : memref<128x128xf32, #tpu.memory_space<vmem>>) offsets(%dma_start3A_69 : memref<128xi32, #tpu.memory_space<vmem>>) semaphore(%arg22 : memref<!tpu.dma_semaphore, #tpu.memory_space<semaphore_mem>>)
      %dma_wait3A_73 = arith.constant 0 : i32
      %dma_wait3A_74 = arith.constant 0 : i32
      %dma_wait3A_75 = tpu.memref_slice %arg8[%dma_wait3A_73, %dma_wait3A_74] : memref<1x128xi32, #tpu.memory_space<vmem>> -> memref<1x128xi32, #tpu.memory_space<vmem>>
      %dma_wait3A_76 = tpu.memref_squeeze %dma_wait3A_75 : memref<1x128xi32, #tpu.memory_space<vmem>> -> memref<128xi32, #tpu.memory_space<vmem>>
      %dma_wait3A_77 = arith.constant 0 : i32
      %dma_wait3A_78 = arith.constant 0 : i32
      %dma_wait3A_79 = tpu.memref_slice %arg4[%dma_wait3A_77, %dma_wait3A_78] : memref<100000x128xf32, #tpu.memory_space<hbm>> -> memref<100000x128xf32, #tpu.memory_space<hbm>>
      tpu.wait_indirect_dma semaphore(%arg22 : memref<!tpu.dma_semaphore, #tpu.memory_space<semaphore_mem>>) src(%dma_wait3A_79 : memref<100000x128xf32, #tpu.memory_space<hbm>>) dst(%arg9 : memref<128x128xf32, #tpu.memory_space<vmem>>)
      %mul3A_80 = arith.constant 128 : i32
      %mul3A_81 = arith.muli %add3A, %mul3A_80 : i32
      "tpu.region"() ({
        %run_scoped3A = tpu.sem_alloc : memref<!tpu.dma_semaphore, #tpu.memory_space<semaphore_mem>>
        %dma_start3A_82 = arith.constant 0 : i32
        %dma_start3A_83 = tpu.memref_slice %arg6[%mul3A_81, %dma_start3A_82] : memref<2048x128xf32, #tpu.memory_space<hbm>> -> memref<128x128xf32, #tpu.memory_space<hbm>>
        %dma_start3A_84 = arith.constant 0 : i32
        %dma_start3A_85 = tpu.memref_slice %arg6[%mul3A_81, %dma_start3A_84] : memref<2048x128xf32, #tpu.memory_space<hbm>> -> memref<128x128xf32, #tpu.memory_space<hbm>>
        tpu.enqueue_dma source(%arg9 : memref<128x128xf32, #tpu.memory_space<vmem>>) target(%dma_start3A_85 : memref<128x128xf32, #tpu.memory_space<hbm>>) target_semaphore(%run_scoped3A : memref<!tpu.dma_semaphore, #tpu.memory_space<semaphore_mem>>)
        %dma_wait3A_86 = arith.constant 0 : i32
        %dma_wait3A_87 = tpu.memref_slice %arg6[%mul3A_81, %dma_wait3A_86] : memref<2048x128xf32, #tpu.memory_space<hbm>> -> memref<128x128xf32, #tpu.memory_space<hbm>>
        %dma_wait3A_88 = arith.constant 0 : i32
        %dma_wait3A_89 = tpu.memref_slice %arg6[%mul3A_81, %dma_wait3A_88] : memref<2048x128xf32, #tpu.memory_space<hbm>> -> memref<128x128xf32, #tpu.memory_space<hbm>>
        tpu.wait_dma2 semaphore(%run_scoped3A : memref<!tpu.dma_semaphore, #tpu.memory_space<semaphore_mem>>) src(%arg9 : memref<128x128xf32, #tpu.memory_space<vmem>>) dst(%dma_wait3A_89 : memref<128x128xf32, #tpu.memory_space<hbm>>)
        tpu.yield
      }) : () -> ()
    } else {
    }
    %dma_start3A = arith.constant 0 : i32
    %dma_start3A_9 = arith.constant 0 : i32
    %dma_start3A_10 = tpu.memref_slice %arg7[%dma_start3A, %dma_start3A_9] : memref<16x128xi32, #tpu.memory_space<vmem>> -> memref<1x128xi32, #tpu.memory_space<vmem>>
    %dma_start3A_11 = tpu.memref_squeeze %dma_start3A_10 : memref<1x128xi32, #tpu.memory_space<vmem>> -> memref<128xi32, #tpu.memory_space<vmem>>
    %dma_start3A_12 = arith.constant 0 : i32
    %dma_start3A_13 = arith.constant 0 : i32
    %dma_start3A_14 = tpu.memref_slice %arg4[%dma_start3A_12, %dma_start3A_13] : memref<100000x128xf32, #tpu.memory_space<hbm>> -> memref<100000x128xf32, #tpu.memory_space<hbm>>
    tpu.enqueue_indirect_dma source(%dma_start3A_14 : memref<100000x128xf32, #tpu.memory_space<hbm>>) target(%arg10 : memref<128x128xf32, #tpu.memory_space<vmem>>) offsets(%dma_start3A_11 : memref<128xi32, #tpu.memory_space<vmem>>) semaphore(%arg14 : memref<!tpu.dma_semaphore, #tpu.memory_space<semaphore_mem>>)
    %dma_start3A_15 = arith.constant 1 : i32
    %dma_start3A_16 = arith.constant 0 : i32
    %dma_start3A_17 = tpu.memref_slice %arg7[%dma_start3A_15, %dma_start3A_16] : memref<16x128xi32, #tpu.memory_space<vmem>> -> memref<1x128xi32, #tpu.memory_space<vmem>>
    %dma_start3A_18 = tpu.memref_squeeze %dma_start3A_17 : memref<1x128xi32, #tpu.memory_space<vmem>> -> memref<128xi32, #tpu.memory_space<vmem>>
    %dma_start3A_19 = arith.constant 0 : i32
    %dma_start3A_20 = arith.constant 0 : i32
    %dma_start3A_21 = tpu.memref_slice %arg4[%dma_start3A_19, %dma_start3A_20] : memref<100000x128xf32, #tpu.memory_space<hbm>> -> memref<100000x128xf32, #tpu.memory_space<hbm>>
    tpu.enqueue_indirect_dma source(%dma_start3A_21 : memref<100000x128xf32, #tpu.memory_space<hbm>>) target(%arg11 : memref<128x128xf32, #tpu.memory_space<vmem>>) offsets(%dma_start3A_18 : memref<128xi32, #tpu.memory_space<vmem>>) semaphore(%arg15 : memref<!tpu.dma_semaphore, #tpu.memory_space<semaphore_mem>>)
    %dma_start3A_22 = arith.constant 2 : i32
    %dma_start3A_23 = arith.constant 0 : i32
    %dma_start3A_24 = tpu.memref_slice %arg7[%dma_start3A_22, %dma_start3A_23] : memref<16x128xi32, #tpu.memory_space<vmem>> -> memref<1x128xi32, #tpu.memory_space<vmem>>
    %dma_start3A_25 = tpu.memref_squeeze %dma_start3A_24 : memref<1x128xi32, #tpu.memory_space<vmem>> -> memref<128xi32, #tpu.memory_space<vmem>>
    %dma_start3A_26 = arith.constant 0 : i32
    %dma_start3A_27 = arith.constant 0 : i32
    %dma_start3A_28 = tpu.memref_slice %arg4[%dma_start3A_26, %dma_start3A_27] : memref<100000x128xf32, #tpu.memory_space<hbm>> -> memref<100000x128xf32, #tpu.memory_space<hbm>>
    tpu.enqueue_indirect_dma source(%dma_start3A_28 : memref<100000x128xf32, #tpu.memory_space<hbm>>) target(%arg12 : memref<128x128xf32, #tpu.memory_space<vmem>>) offsets(%dma_start3A_25 : memref<128xi32, #tpu.memory_space<vmem>>) semaphore(%arg16 : memref<!tpu.dma_semaphore, #tpu.memory_space<semaphore_mem>>)
    %dma_start3A_29 = arith.constant 3 : i32
    %dma_start3A_30 = arith.constant 0 : i32
    %dma_start3A_31 = tpu.memref_slice %arg7[%dma_start3A_29, %dma_start3A_30] : memref<16x128xi32, #tpu.memory_space<vmem>> -> memref<1x128xi32, #tpu.memory_space<vmem>>
    %dma_start3A_32 = tpu.memref_squeeze %dma_start3A_31 : memref<1x128xi32, #tpu.memory_space<vmem>> -> memref<128xi32, #tpu.memory_space<vmem>>
    %dma_start3A_33 = arith.constant 0 : i32
    %dma_start3A_34 = arith.constant 0 : i32
    %dma_start3A_35 = tpu.memref_slice %arg4[%dma_start3A_33, %dma_start3A_34] : memref<100000x128xf32, #tpu.memory_space<hbm>> -> memref<100000x128xf32, #tpu.memory_space<hbm>>
    tpu.enqueue_indirect_dma source(%dma_start3A_35 : memref<100000x128xf32, #tpu.memory_space<hbm>>) target(%arg13 : memref<128x128xf32, #tpu.memory_space<vmem>>) offsets(%dma_start3A_32 : memref<128xi32, #tpu.memory_space<vmem>>) semaphore(%arg17 : memref<!tpu.dma_semaphore, #tpu.memory_space<semaphore_mem>>)
    %scan3A = arith.constant 0 : i32
    %scan3A_36 = arith.constant 0 : i32
    %scan3A_37 = arith.constant 4 : i32
    %scan3A_38 = arith.addi %scan3A_36, %scan3A_37 : i32
    %scan3A_39 = arith.constant 1 : i32
    scf.for %scan3A_64 = %scan3A_36 to %scan3A_38 step %scan3A_39  : i32 {
      %mul3A_65 = arith.constant 4 : i32
      %mul3A_66 = arith.muli %scan3A_64, %mul3A_65 : i32
      %add3A_67 = arith.constant 0 : i32
      %add3A_68 = arith.addi %mul3A_66, %add3A_67 : i32
      %dma_wait3A_69 = arith.constant 0 : i32
      %dma_wait3A_70 = tpu.memref_slice %arg7[%add3A_68, %dma_wait3A_69] : memref<16x128xi32, #tpu.memory_space<vmem>> -> memref<1x128xi32, #tpu.memory_space<vmem>>
      %dma_wait3A_71 = tpu.memref_squeeze %dma_wait3A_70 : memref<1x128xi32, #tpu.memory_space<vmem>> -> memref<128xi32, #tpu.memory_space<vmem>>
      %dma_wait3A_72 = arith.constant 0 : i32
      %dma_wait3A_73 = arith.constant 0 : i32
      %dma_wait3A_74 = tpu.memref_slice %arg4[%dma_wait3A_72, %dma_wait3A_73] : memref<100000x128xf32, #tpu.memory_space<hbm>> -> memref<100000x128xf32, #tpu.memory_space<hbm>>
      tpu.wait_indirect_dma semaphore(%arg14 : memref<!tpu.dma_semaphore, #tpu.memory_space<semaphore_mem>>) src(%dma_wait3A_74 : memref<100000x128xf32, #tpu.memory_space<hbm>>) dst(%arg10 : memref<128x128xf32, #tpu.memory_space<vmem>>)
      %mul3A_75 = arith.constant 128 : i32
      %mul3A_76 = arith.muli %add3A_68, %mul3A_75 : i32
      %add3A_77 = arith.addi %mul3A_6, %mul3A_76 : i32
      %dma_start3A_78 = arith.constant 0 : i32
      %dma_start3A_79 = tpu.memref_slice %arg5[%add3A_77, %dma_start3A_78] : memref<65536x128xf32, #tpu.memory_space<hbm>> -> memref<128x128xf32, #tpu.memory_space<hbm>>
      %dma_start3A_80 = arith.constant 0 : i32
      %dma_start3A_81 = tpu.memref_slice %arg5[%add3A_77, %dma_start3A_80] : memref<65536x128xf32, #tpu.memory_space<hbm>> -> memref<128x128xf32, #tpu.memory_space<hbm>>
      tpu.enqueue_dma source(%arg10 : memref<128x128xf32, #tpu.memory_space<vmem>>) target(%dma_start3A_81 : memref<128x128xf32, #tpu.memory_space<hbm>>) target_semaphore(%arg18 : memref<!tpu.dma_semaphore, #tpu.memory_space<semaphore_mem>>)
      %add3A_82 = arith.constant 1 : i32
      %add3A_83 = arith.addi %mul3A_66, %add3A_82 : i32
      %dma_wait3A_84 = arith.constant 0 : i32
      %dma_wait3A_85 = tpu.memref_slice %arg7[%add3A_83, %dma_wait3A_84] : memref<16x128xi32, #tpu.memory_space<vmem>> -> memref<1x128xi32, #tpu.memory_space<vmem>>
      %dma_wait3A_86 = tpu.memref_squeeze %dma_wait3A_85 : memref<1x128xi32, #tpu.memory_space<vmem>> -> memref<128xi32, #tpu.memory_space<vmem>>
      %dma_wait3A_87 = arith.constant 0 : i32
      %dma_wait3A_88 = arith.constant 0 : i32
      %dma_wait3A_89 = tpu.memref_slice %arg4[%dma_wait3A_87, %dma_wait3A_88] : memref<100000x128xf32, #tpu.memory_space<hbm>> -> memref<100000x128xf32, #tpu.memory_space<hbm>>
      tpu.wait_indirect_dma semaphore(%arg15 : memref<!tpu.dma_semaphore, #tpu.memory_space<semaphore_mem>>) src(%dma_wait3A_89 : memref<100000x128xf32, #tpu.memory_space<hbm>>) dst(%arg11 : memref<128x128xf32, #tpu.memory_space<vmem>>)
      %mul3A_90 = arith.constant 128 : i32
      %mul3A_91 = arith.muli %add3A_83, %mul3A_90 : i32
      %add3A_92 = arith.addi %mul3A_6, %mul3A_91 : i32
      %dma_start3A_93 = arith.constant 0 : i32
      %dma_start3A_94 = tpu.memref_slice %arg5[%add3A_92, %dma_start3A_93] : memref<65536x128xf32, #tpu.memory_space<hbm>> -> memref<128x128xf32, #tpu.memory_space<hbm>>
      %dma_start3A_95 = arith.constant 0 : i32
      %dma_start3A_96 = tpu.memref_slice %arg5[%add3A_92, %dma_start3A_95] : memref<65536x128xf32, #tpu.memory_space<hbm>> -> memref<128x128xf32, #tpu.memory_space<hbm>>
      tpu.enqueue_dma source(%arg11 : memref<128x128xf32, #tpu.memory_space<vmem>>) target(%dma_start3A_96 : memref<128x128xf32, #tpu.memory_space<hbm>>) target_semaphore(%arg19 : memref<!tpu.dma_semaphore, #tpu.memory_space<semaphore_mem>>)
      %add3A_97 = arith.constant 2 : i32
      %add3A_98 = arith.addi %mul3A_66, %add3A_97 : i32
      %dma_wait3A_99 = arith.constant 0 : i32
      %dma_wait3A_100 = tpu.memref_slice %arg7[%add3A_98, %dma_wait3A_99] : memref<16x128xi32, #tpu.memory_space<vmem>> -> memref<1x128xi32, #tpu.memory_space<vmem>>
      %dma_wait3A_101 = tpu.memref_squeeze %dma_wait3A_100 : memref<1x128xi32, #tpu.memory_space<vmem>> -> memref<128xi32, #tpu.memory_space<vmem>>
      %dma_wait3A_102 = arith.constant 0 : i32
      %dma_wait3A_103 = arith.constant 0 : i32
      %dma_wait3A_104 = tpu.memref_slice %arg4[%dma_wait3A_102, %dma_wait3A_103] : memref<100000x128xf32, #tpu.memory_space<hbm>> -> memref<100000x128xf32, #tpu.memory_space<hbm>>
      tpu.wait_indirect_dma semaphore(%arg16 : memref<!tpu.dma_semaphore, #tpu.memory_space<semaphore_mem>>) src(%dma_wait3A_104 : memref<100000x128xf32, #tpu.memory_space<hbm>>) dst(%arg12 : memref<128x128xf32, #tpu.memory_space<vmem>>)
      %mul3A_105 = arith.constant 128 : i32
      %mul3A_106 = arith.muli %add3A_98, %mul3A_105 : i32
      %add3A_107 = arith.addi %mul3A_6, %mul3A_106 : i32
      %dma_start3A_108 = arith.constant 0 : i32
      %dma_start3A_109 = tpu.memref_slice %arg5[%add3A_107, %dma_start3A_108] : memref<65536x128xf32, #tpu.memory_space<hbm>> -> memref<128x128xf32, #tpu.memory_space<hbm>>
      %dma_start3A_110 = arith.constant 0 : i32
      %dma_start3A_111 = tpu.memref_slice %arg5[%add3A_107, %dma_start3A_110] : memref<65536x128xf32, #tpu.memory_space<hbm>> -> memref<128x128xf32, #tpu.memory_space<hbm>>
      tpu.enqueue_dma source(%arg12 : memref<128x128xf32, #tpu.memory_space<vmem>>) target(%dma_start3A_111 : memref<128x128xf32, #tpu.memory_space<hbm>>) target_semaphore(%arg20 : memref<!tpu.dma_semaphore, #tpu.memory_space<semaphore_mem>>)
      %add3A_112 = arith.constant 3 : i32
      %add3A_113 = arith.addi %mul3A_66, %add3A_112 : i32
      %dma_wait3A_114 = arith.constant 0 : i32
      %dma_wait3A_115 = tpu.memref_slice %arg7[%add3A_113, %dma_wait3A_114] : memref<16x128xi32, #tpu.memory_space<vmem>> -> memref<1x128xi32, #tpu.memory_space<vmem>>
      %dma_wait3A_116 = tpu.memref_squeeze %dma_wait3A_115 : memref<1x128xi32, #tpu.memory_space<vmem>> -> memref<128xi32, #tpu.memory_space<vmem>>
      %dma_wait3A_117 = arith.constant 0 : i32
      %dma_wait3A_118 = arith.constant 0 : i32
      %dma_wait3A_119 = tpu.memref_slice %arg4[%dma_wait3A_117, %dma_wait3A_118] : memref<100000x128xf32, #tpu.memory_space<hbm>> -> memref<100000x128xf32, #tpu.memory_space<hbm>>
      tpu.wait_indirect_dma semaphore(%arg17 : memref<!tpu.dma_semaphore, #tpu.memory_space<semaphore_mem>>) src(%dma_wait3A_119 : memref<100000x128xf32, #tpu.memory_space<hbm>>) dst(%arg13 : memref<128x128xf32, #tpu.memory_space<vmem>>)
      %mul3A_120 = arith.constant 128 : i32
      %mul3A_121 = arith.muli %add3A_113, %mul3A_120 : i32
      %add3A_122 = arith.addi %mul3A_6, %mul3A_121 : i32
      %dma_start3A_123 = arith.constant 0 : i32
      %dma_start3A_124 = tpu.memref_slice %arg5[%add3A_122, %dma_start3A_123] : memref<65536x128xf32, #tpu.memory_space<hbm>> -> memref<128x128xf32, #tpu.memory_space<hbm>>
      %dma_start3A_125 = arith.constant 0 : i32
      %dma_start3A_126 = tpu.memref_slice %arg5[%add3A_122, %dma_start3A_125] : memref<65536x128xf32, #tpu.memory_space<hbm>> -> memref<128x128xf32, #tpu.memory_space<hbm>>
      tpu.enqueue_dma source(%arg13 : memref<128x128xf32, #tpu.memory_space<vmem>>) target(%dma_start3A_126 : memref<128x128xf32, #tpu.memory_space<hbm>>) target_semaphore(%arg21 : memref<!tpu.dma_semaphore, #tpu.memory_space<semaphore_mem>>)
      %add3A_127 = arith.constant 4 : i32
      %add3A_128 = arith.addi %mul3A_66, %add3A_127 : i32
      %add3A_129 = arith.constant 0 : i32
      %add3A_130 = arith.addi %add3A_128, %add3A_129 : i32
      %lt3A_131 = arith.constant 16 : i32
      %lt3A_132 = arith.cmpi slt, %add3A_130, %lt3A_131 : i32
      %convert_element_type3A_133 = arith.extui %lt3A_132 : i1 to i32
      %cond3A_134 = arith.constant 0 : i32
      %cond3A_135 = arith.cmpi ne, %convert_element_type3A_133, %cond3A_134 : i32
      scf.if %cond3A_135 {
        %sub3A = arith.constant 4 : i32
        %sub3A_163 = arith.subi %add3A_130, %sub3A : i32
        %mul3A_164 = arith.constant 128 : i32
        %mul3A_165 = arith.muli %sub3A_163, %mul3A_164 : i32
        %add3A_166 = arith.addi %mul3A_6, %mul3A_165 : i32
        %dma_wait3A_167 = arith.constant 0 : i32
        %dma_wait3A_168 = tpu.memref_slice %arg5[%add3A_166, %dma_wait3A_167] : memref<65536x128xf32, #tpu.memory_space<hbm>> -> memref<128x128xf32, #tpu.memory_space<hbm>>
        %dma_wait3A_169 = arith.constant 0 : i32
        %dma_wait3A_170 = tpu.memref_slice %arg5[%add3A_166, %dma_wait3A_169] : memref<65536x128xf32, #tpu.memory_space<hbm>> -> memref<128x128xf32, #tpu.memory_space<hbm>>
        tpu.wait_dma2 semaphore(%arg18 : memref<!tpu.dma_semaphore, #tpu.memory_space<semaphore_mem>>) src(%arg10 : memref<128x128xf32, #tpu.memory_space<vmem>>) dst(%dma_wait3A_170 : memref<128x128xf32, #tpu.memory_space<hbm>>)
        %dma_start3A_171 = arith.constant 0 : i32
        %dma_start3A_172 = tpu.memref_slice %arg7[%add3A_130, %dma_start3A_171] : memref<16x128xi32, #tpu.memory_space<vmem>> -> memref<1x128xi32, #tpu.memory_space<vmem>>
        %dma_start3A_173 = tpu.memref_squeeze %dma_start3A_172 : memref<1x128xi32, #tpu.memory_space<vmem>> -> memref<128xi32, #tpu.memory_space<vmem>>
        %dma_start3A_174 = arith.constant 0 : i32
        %dma_start3A_175 = arith.constant 0 : i32
        %dma_start3A_176 = tpu.memref_slice %arg4[%dma_start3A_174, %dma_start3A_175] : memref<100000x128xf32, #tpu.memory_space<hbm>> -> memref<100000x128xf32, #tpu.memory_space<hbm>>
        tpu.enqueue_indirect_dma source(%dma_start3A_176 : memref<100000x128xf32, #tpu.memory_space<hbm>>) target(%arg10 : memref<128x128xf32, #tpu.memory_space<vmem>>) offsets(%dma_start3A_173 : memref<128xi32, #tpu.memory_space<vmem>>) semaphore(%arg14 : memref<!tpu.dma_semaphore, #tpu.memory_space<semaphore_mem>>)
      } else {
      }
      %add3A_136 = arith.constant 4 : i32
      %add3A_137 = arith.addi %mul3A_66, %add3A_136 : i32
      %add3A_138 = arith.constant 1 : i32
      %add3A_139 = arith.addi %add3A_137, %add3A_138 : i32
      %lt3A_140 = arith.constant 16 : i32
      %lt3A_141 = arith.cmpi slt, %add3A_139, %lt3A_140 : i32
      %convert_element_type3A_142 = arith.extui %lt3A_141 : i1 to i32
      %cond3A_143 = arith.constant 0 : i32
      %cond3A_144 = arith.cmpi ne, %convert_element_type3A_142, %cond3A_143 : i32
      scf.if %cond3A_144 {
        %sub3A = arith.constant 4 : i32
        %sub3A_163 = arith.subi %add3A_139, %sub3A : i32
        %mul3A_164 = arith.constant 128 : i32
        %mul3A_165 = arith.muli %sub3A_163, %mul3A_164 : i32
        %add3A_166 = arith.addi %mul3A_6, %mul3A_165 : i32
        %dma_wait3A_167 = arith.constant 0 : i32
        %dma_wait3A_168 = tpu.memref_slice %arg5[%add3A_166, %dma_wait3A_167] : memref<65536x128xf32, #tpu.memory_space<hbm>> -> memref<128x128xf32, #tpu.memory_space<hbm>>
        %dma_wait3A_169 = arith.constant 0 : i32
        %dma_wait3A_170 = tpu.memref_slice %arg5[%add3A_166, %dma_wait3A_169] : memref<65536x128xf32, #tpu.memory_space<hbm>> -> memref<128x128xf32, #tpu.memory_space<hbm>>
        tpu.wait_dma2 semaphore(%arg19 : memref<!tpu.dma_semaphore, #tpu.memory_space<semaphore_mem>>) src(%arg11 : memref<128x128xf32, #tpu.memory_space<vmem>>) dst(%dma_wait3A_170 : memref<128x128xf32, #tpu.memory_space<hbm>>)
        %dma_start3A_171 = arith.constant 0 : i32
        %dma_start3A_172 = tpu.memref_slice %arg7[%add3A_139, %dma_start3A_171] : memref<16x128xi32, #tpu.memory_space<vmem>> -> memref<1x128xi32, #tpu.memory_space<vmem>>
        %dma_start3A_173 = tpu.memref_squeeze %dma_start3A_172 : memref<1x128xi32, #tpu.memory_space<vmem>> -> memref<128xi32, #tpu.memory_space<vmem>>
        %dma_start3A_174 = arith.constant 0 : i32
        %dma_start3A_175 = arith.constant 0 : i32
        %dma_start3A_176 = tpu.memref_slice %arg4[%dma_start3A_174, %dma_start3A_175] : memref<100000x128xf32, #tpu.memory_space<hbm>> -> memref<100000x128xf32, #tpu.memory_space<hbm>>
        tpu.enqueue_indirect_dma source(%dma_start3A_176 : memref<100000x128xf32, #tpu.memory_space<hbm>>) target(%arg11 : memref<128x128xf32, #tpu.memory_space<vmem>>) offsets(%dma_start3A_173 : memref<128xi32, #tpu.memory_space<vmem>>) semaphore(%arg15 : memref<!tpu.dma_semaphore, #tpu.memory_space<semaphore_mem>>)
      } else {
      }
      %add3A_145 = arith.constant 4 : i32
      %add3A_146 = arith.addi %mul3A_66, %add3A_145 : i32
      %add3A_147 = arith.constant 2 : i32
      %add3A_148 = arith.addi %add3A_146, %add3A_147 : i32
      %lt3A_149 = arith.constant 16 : i32
      %lt3A_150 = arith.cmpi slt, %add3A_148, %lt3A_149 : i32
      %convert_element_type3A_151 = arith.extui %lt3A_150 : i1 to i32
      %cond3A_152 = arith.constant 0 : i32
      %cond3A_153 = arith.cmpi ne, %convert_element_type3A_151, %cond3A_152 : i32
      scf.if %cond3A_153 {
        %sub3A = arith.constant 4 : i32
        %sub3A_163 = arith.subi %add3A_148, %sub3A : i32
        %mul3A_164 = arith.constant 128 : i32
        %mul3A_165 = arith.muli %sub3A_163, %mul3A_164 : i32
        %add3A_166 = arith.addi %mul3A_6, %mul3A_165 : i32
        %dma_wait3A_167 = arith.constant 0 : i32
        %dma_wait3A_168 = tpu.memref_slice %arg5[%add3A_166, %dma_wait3A_167] : memref<65536x128xf32, #tpu.memory_space<hbm>> -> memref<128x128xf32, #tpu.memory_space<hbm>>
        %dma_wait3A_169 = arith.constant 0 : i32
        %dma_wait3A_170 = tpu.memref_slice %arg5[%add3A_166, %dma_wait3A_169] : memref<65536x128xf32, #tpu.memory_space<hbm>> -> memref<128x128xf32, #tpu.memory_space<hbm>>
        tpu.wait_dma2 semaphore(%arg20 : memref<!tpu.dma_semaphore, #tpu.memory_space<semaphore_mem>>) src(%arg12 : memref<128x128xf32, #tpu.memory_space<vmem>>) dst(%dma_wait3A_170 : memref<128x128xf32, #tpu.memory_space<hbm>>)
        %dma_start3A_171 = arith.constant 0 : i32
        %dma_start3A_172 = tpu.memref_slice %arg7[%add3A_148, %dma_start3A_171] : memref<16x128xi32, #tpu.memory_space<vmem>> -> memref<1x128xi32, #tpu.memory_space<vmem>>
        %dma_start3A_173 = tpu.memref_squeeze %dma_start3A_172 : memref<1x128xi32, #tpu.memory_space<vmem>> -> memref<128xi32, #tpu.memory_space<vmem>>
        %dma_start3A_174 = arith.constant 0 : i32
        %dma_start3A_175 = arith.constant 0 : i32
        %dma_start3A_176 = tpu.memref_slice %arg4[%dma_start3A_174, %dma_start3A_175] : memref<100000x128xf32, #tpu.memory_space<hbm>> -> memref<100000x128xf32, #tpu.memory_space<hbm>>
        tpu.enqueue_indirect_dma source(%dma_start3A_176 : memref<100000x128xf32, #tpu.memory_space<hbm>>) target(%arg12 : memref<128x128xf32, #tpu.memory_space<vmem>>) offsets(%dma_start3A_173 : memref<128xi32, #tpu.memory_space<vmem>>) semaphore(%arg16 : memref<!tpu.dma_semaphore, #tpu.memory_space<semaphore_mem>>)
      } else {
      }
      %add3A_154 = arith.constant 4 : i32
      %add3A_155 = arith.addi %mul3A_66, %add3A_154 : i32
      %add3A_156 = arith.constant 3 : i32
      %add3A_157 = arith.addi %add3A_155, %add3A_156 : i32
      %lt3A_158 = arith.constant 16 : i32
      %lt3A_159 = arith.cmpi slt, %add3A_157, %lt3A_158 : i32
      %convert_element_type3A_160 = arith.extui %lt3A_159 : i1 to i32
      %cond3A_161 = arith.constant 0 : i32
      %cond3A_162 = arith.cmpi ne, %convert_element_type3A_160, %cond3A_161 : i32
      scf.if %cond3A_162 {
        %sub3A = arith.constant 4 : i32
        %sub3A_163 = arith.subi %add3A_157, %sub3A : i32
        %mul3A_164 = arith.constant 128 : i32
        %mul3A_165 = arith.muli %sub3A_163, %mul3A_164 : i32
        %add3A_166 = arith.addi %mul3A_6, %mul3A_165 : i32
        %dma_wait3A_167 = arith.constant 0 : i32
        %dma_wait3A_168 = tpu.memref_slice %arg5[%add3A_166, %dma_wait3A_167] : memref<65536x128xf32, #tpu.memory_space<hbm>> -> memref<128x128xf32, #tpu.memory_space<hbm>>
        %dma_wait3A_169 = arith.constant 0 : i32
        %dma_wait3A_170 = tpu.memref_slice %arg5[%add3A_166, %dma_wait3A_169] : memref<65536x128xf32, #tpu.memory_space<hbm>> -> memref<128x128xf32, #tpu.memory_space<hbm>>
        tpu.wait_dma2 semaphore(%arg21 : memref<!tpu.dma_semaphore, #tpu.memory_space<semaphore_mem>>) src(%arg13 : memref<128x128xf32, #tpu.memory_space<vmem>>) dst(%dma_wait3A_170 : memref<128x128xf32, #tpu.memory_space<hbm>>)
        %dma_start3A_171 = arith.constant 0 : i32
        %dma_start3A_172 = tpu.memref_slice %arg7[%add3A_157, %dma_start3A_171] : memref<16x128xi32, #tpu.memory_space<vmem>> -> memref<1x128xi32, #tpu.memory_space<vmem>>
        %dma_start3A_173 = tpu.memref_squeeze %dma_start3A_172 : memref<1x128xi32, #tpu.memory_space<vmem>> -> memref<128xi32, #tpu.memory_space<vmem>>
        %dma_start3A_174 = arith.constant 0 : i32
        %dma_start3A_175 = arith.constant 0 : i32
        %dma_start3A_176 = tpu.memref_slice %arg4[%dma_start3A_174, %dma_start3A_175] : memref<100000x128xf32, #tpu.memory_space<hbm>> -> memref<100000x128xf32, #tpu.memory_space<hbm>>
        tpu.enqueue_indirect_dma source(%dma_start3A_176 : memref<100000x128xf32, #tpu.memory_space<hbm>>) target(%arg13 : memref<128x128xf32, #tpu.memory_space<vmem>>) offsets(%dma_start3A_173 : memref<128xi32, #tpu.memory_space<vmem>>) semaphore(%arg17 : memref<!tpu.dma_semaphore, #tpu.memory_space<semaphore_mem>>)
      } else {
      }
    }
    %scan3A_40 = arith.constant 4 : i32
    %add3A_41 = arith.constant 1536 : i32
    %add3A_42 = arith.addi %mul3A_6, %add3A_41 : i32
    %dma_wait3A = arith.constant 0 : i32
    %dma_wait3A_43 = tpu.memref_slice %arg5[%add3A_42, %dma_wait3A] : memref<65536x128xf32, #tpu.memory_space<hbm>> -> memref<128x128xf32, #tpu.memory_space<hbm>>
    %dma_wait3A_44 = arith.constant 0 : i32
    %dma_wait3A_45 = tpu.memref_slice %arg5[%add3A_42, %dma_wait3A_44] : memref<65536x128xf32, #tpu.memory_space<hbm>> -> memref<128x128xf32, #tpu.memory_space<hbm>>
    tpu.wait_dma2 semaphore(%arg18 : memref<!tpu.dma_semaphore, #tpu.memory_space<semaphore_mem>>) src(%arg10 : memref<128x128xf32, #tpu.memory_space<vmem>>) dst(%dma_wait3A_45 : memref<128x128xf32, #tpu.memory_space<hbm>>)
    %add3A_46 = arith.constant 1664 : i32
    %add3A_47 = arith.addi %mul3A_6, %add3A_46 : i32
    %dma_wait3A_48 = arith.constant 0 : i32
    %dma_wait3A_49 = tpu.memref_slice %arg5[%add3A_47, %dma_wait3A_48] : memref<65536x128xf32, #tpu.memory_space<hbm>> -> memref<128x128xf32, #tpu.memory_space<hbm>>
    %dma_wait3A_50 = arith.constant 0 : i32
    %dma_wait3A_51 = tpu.memref_slice %arg5[%add3A_47, %dma_wait3A_50] : memref<65536x128xf32, #tpu.memory_space<hbm>> -> memref<128x128xf32, #tpu.memory_space<hbm>>
    tpu.wait_dma2 semaphore(%arg19 : memref<!tpu.dma_semaphore, #tpu.memory_space<semaphore_mem>>) src(%arg11 : memref<128x128xf32, #tpu.memory_space<vmem>>) dst(%dma_wait3A_51 : memref<128x128xf32, #tpu.memory_space<hbm>>)
    %add3A_52 = arith.constant 1792 : i32
    %add3A_53 = arith.addi %mul3A_6, %add3A_52 : i32
    %dma_wait3A_54 = arith.constant 0 : i32
    %dma_wait3A_55 = tpu.memref_slice %arg5[%add3A_53, %dma_wait3A_54] : memref<65536x128xf32, #tpu.memory_space<hbm>> -> memref<128x128xf32, #tpu.memory_space<hbm>>
    %dma_wait3A_56 = arith.constant 0 : i32
    %dma_wait3A_57 = tpu.memref_slice %arg5[%add3A_53, %dma_wait3A_56] : memref<65536x128xf32, #tpu.memory_space<hbm>> -> memref<128x128xf32, #tpu.memory_space<hbm>>
    tpu.wait_dma2 semaphore(%arg20 : memref<!tpu.dma_semaphore, #tpu.memory_space<semaphore_mem>>) src(%arg12 : memref<128x128xf32, #tpu.memory_space<vmem>>) dst(%dma_wait3A_57 : memref<128x128xf32, #tpu.memory_space<hbm>>)
    %add3A_58 = arith.constant 1920 : i32
    %add3A_59 = arith.addi %mul3A_6, %add3A_58 : i32
    %dma_wait3A_60 = arith.constant 0 : i32
    %dma_wait3A_61 = tpu.memref_slice %arg5[%add3A_59, %dma_wait3A_60] : memref<65536x128xf32, #tpu.memory_space<hbm>> -> memref<128x128xf32, #tpu.memory_space<hbm>>
    %dma_wait3A_62 = arith.constant 0 : i32
    %dma_wait3A_63 = tpu.memref_slice %arg5[%add3A_59, %dma_wait3A_62] : memref<65536x128xf32, #tpu.memory_space<hbm>> -> memref<128x128xf32, #tpu.memory_space<hbm>>
    tpu.wait_dma2 semaphore(%arg21 : memref<!tpu.dma_semaphore, #tpu.memory_space<semaphore_mem>>) src(%arg13 : memref<128x128xf32, #tpu.memory_space<vmem>>) dst(%dma_wait3A_63 : memref<128x128xf32, #tpu.memory_space<hbm>>)
    return
  }
}

#map = affine_map<(d0, d1) -> (0, 0)>
module attributes {stable_mosaic.version = 14 : i64} {
  func.func @body_fn(%arg0: i32, %arg1: i32, %arg2: memref<2048x128xi32, #tpu.memory_space<hbm>>, %arg3: memref<64x128xi32, #tpu.memory_space<hbm>>, %arg4: memref<100000x128xf32, #tpu.memory_space<hbm>>, %arg5: memref<65536x128xf32, #tpu.memory_space<hbm>>, %arg6: memref<2048x128xf32, #tpu.memory_space<hbm>>, %arg7: memref<16x128xi32, #tpu.memory_space<vmem>>, %arg8: memref<1x128xi32, #tpu.memory_space<vmem>>, %arg9: memref<128x128xf32, #tpu.memory_space<vmem>>, %arg10: memref<128x128xf32, #tpu.memory_space<vmem>>, %arg11: memref<128x128xf32, #tpu.memory_space<vmem>>, %arg12: memref<128x128xf32, #tpu.memory_space<vmem>>, %arg13: memref<128x128xf32, #tpu.memory_space<vmem>>, %arg14: memref<!tpu.dma_semaphore, #tpu.memory_space<semaphore_mem>>, %arg15: memref<!tpu.dma_semaphore, #tpu.memory_space<semaphore_mem>>, %arg16: memref<!tpu.dma_semaphore, #tpu.memory_space<semaphore_mem>>, %arg17: memref<!tpu.dma_semaphore, #tpu.memory_space<semaphore_mem>>, %arg18: memref<!tpu.dma_semaphore, #tpu.memory_space<semaphore_mem>>, %arg19: memref<!tpu.dma_semaphore, #tpu.memory_space<semaphore_mem>>, %arg20: memref<!tpu.dma_semaphore, #tpu.memory_space<semaphore_mem>>, %arg21: memref<!tpu.dma_semaphore, #tpu.memory_space<semaphore_mem>>, %arg22: memref<!tpu.dma_semaphore, #tpu.memory_space<semaphore_mem>>) attributes {dimension_semantics = [#tpu.dimension_semantics<core_parallel>, #tpu.dimension_semantics<subcore_parallel>], iteration_bounds = array<i64: 2, 16>, scalar_prefetch = 0 : i64, scratch_operands = 16 : i64, tpu.core_type = #tpu.core_type<sc_vector_subcore>, window_params = [{transform_indices = #map}, {transform_indices = #map}, {transform_indices = #map}, {transform_indices = #map}, {transform_indices = #map}]} {
    %mul3A = arith.constant 2 : i32
    %mul3A_0 = arith.muli %arg1, %mul3A : i32
    %add3A = arith.addi %mul3A_0, %arg0 : i32
    %mul3A_1 = arith.constant 16 : i32
    %mul3A_2 = arith.muli %add3A, %mul3A_1 : i32
    %add3A_3 = arith.constant 0 : i32
    %add3A_4 = arith.addi %add3A_3, %mul3A_2 : i32
    "tpu.region"() ({
      %run_scoped3A = tpu.sem_alloc : memref<!tpu.dma_semaphore, #tpu.memory_space<semaphore_mem>>
      %dma_start3A_64 = arith.constant 0 : i32
      %dma_start3A_65 = tpu.memref_slice %arg2[%add3A_4, %dma_start3A_64] : memref<2048x128xi32, #tpu.memory_space<hbm>> -> memref<16x128xi32, #tpu.memory_space<hbm>>
      %dma_start3A_66 = arith.constant 0 : i32
      %dma_start3A_67 = tpu.memref_slice %arg2[%add3A_4, %dma_start3A_66] : memref<2048x128xi32, #tpu.memory_space<hbm>> -> memref<16x128xi32, #tpu.memory_space<hbm>>
      tpu.enqueue_dma source(%dma_start3A_67 : memref<16x128xi32, #tpu.memory_space<hbm>>) target(%arg7 : memref<16x128xi32, #tpu.memory_space<vmem>>) target_semaphore(%run_scoped3A : memref<!tpu.dma_semaphore, #tpu.memory_space<semaphore_mem>>)
      %dma_wait3A_68 = arith.constant 0 : i32
      %dma_wait3A_69 = tpu.memref_slice %arg2[%add3A_4, %dma_wait3A_68] : memref<2048x128xi32, #tpu.memory_space<hbm>> -> memref<16x128xi32, #tpu.memory_space<hbm>>
      %dma_wait3A_70 = arith.constant 0 : i32
      %dma_wait3A_71 = tpu.memref_slice %arg2[%add3A_4, %dma_wait3A_70] : memref<2048x128xi32, #tpu.memory_space<hbm>> -> memref<16x128xi32, #tpu.memory_space<hbm>>
      tpu.wait_dma2 semaphore(%run_scoped3A : memref<!tpu.dma_semaphore, #tpu.memory_space<semaphore_mem>>) src(%dma_wait3A_71 : memref<16x128xi32, #tpu.memory_space<hbm>>) dst(%arg7 : memref<16x128xi32, #tpu.memory_space<vmem>>)
      tpu.yield
    }) : () -> ()
    %mul3A_5 = arith.constant 2048 : i32
    %mul3A_6 = arith.muli %add3A, %mul3A_5 : i32
    %lt3A = arith.constant 16 : i32
    %lt3A_7 = arith.cmpi slt, %add3A, %lt3A : i32
    %convert_element_type3A = arith.extui %lt3A_7 : i1 to i32
    %cond3A = arith.constant 0 : i32
    %cond3A_8 = arith.cmpi ne, %convert_element_type3A, %cond3A : i32
    scf.if %cond3A_8 {
      %add3A_64 = arith.constant 0 : i32
      %add3A_65 = arith.addi %add3A_64, %add3A : i32
      "tpu.region"() ({
        %run_scoped3A = tpu.sem_alloc : memref<!tpu.dma_semaphore, #tpu.memory_space<semaphore_mem>>
        %dma_start3A_82 = arith.constant 0 : i32
        %dma_start3A_83 = tpu.memref_slice %arg3[%add3A_65, %dma_start3A_82] : memref<64x128xi32, #tpu.memory_space<hbm>> -> memref<1x128xi32, #tpu.memory_space<hbm>>
        %dma_start3A_84 = arith.constant 0 : i32
        %dma_start3A_85 = tpu.memref_slice %arg3[%add3A_65, %dma_start3A_84] : memref<64x128xi32, #tpu.memory_space<hbm>> -> memref<1x128xi32, #tpu.memory_space<hbm>>
        tpu.enqueue_dma source(%dma_start3A_85 : memref<1x128xi32, #tpu.memory_space<hbm>>) target(%arg8 : memref<1x128xi32, #tpu.memory_space<vmem>>) target_semaphore(%run_scoped3A : memref<!tpu.dma_semaphore, #tpu.memory_space<semaphore_mem>>)
        %dma_wait3A_86 = arith.constant 0 : i32
        %dma_wait3A_87 = tpu.memref_slice %arg3[%add3A_65, %dma_wait3A_86] : memref<64x128xi32, #tpu.memory_space<hbm>> -> memref<1x128xi32, #tpu.memory_space<hbm>>
        %dma_wait3A_88 = arith.constant 0 : i32
        %dma_wait3A_89 = tpu.memref_slice %arg3[%add3A_65, %dma_wait3A_88] : memref<64x128xi32, #tpu.memory_space<hbm>> -> memref<1x128xi32, #tpu.memory_space<hbm>>
        tpu.wait_dma2 semaphore(%run_scoped3A : memref<!tpu.dma_semaphore, #tpu.memory_space<semaphore_mem>>) src(%dma_wait3A_89 : memref<1x128xi32, #tpu.memory_space<hbm>>) dst(%arg8 : memref<1x128xi32, #tpu.memory_space<vmem>>)
        tpu.yield
      }) : () -> ()
      %dma_start3A_66 = arith.constant 0 : i32
      %dma_start3A_67 = arith.constant 0 : i32
      %dma_start3A_68 = tpu.memref_slice %arg8[%dma_start3A_66, %dma_start3A_67] : memref<1x128xi32, #tpu.memory_space<vmem>> -> memref<1x128xi32, #tpu.memory_space<vmem>>
      %dma_start3A_69 = tpu.memref_squeeze %dma_start3A_68 : memref<1x128xi32, #tpu.memory_space<vmem>> -> memref<128xi32, #tpu.memory_space<vmem>>
      %dma_start3A_70 = arith.constant 0 : i32
      %dma_start3A_71 = arith.constant 0 : i32
      %dma_start3A_72 = tpu.memref_slice %arg4[%dma_start3A_70, %dma_start3A_71] : memref<100000x128xf32, #tpu.memory_space<hbm>> -> memref<100000x128xf32, #tpu.memory_space<hbm>>
      tpu.enqueue_indirect_dma source(%dma_start3A_72 : memref<100000x128xf32, #tpu.memory_space<hbm>>) target(%arg9 : memref<128x128xf32, #tpu.memory_space<vmem>>) offsets(%dma_start3A_69 : memref<128xi32, #tpu.memory_space<vmem>>) semaphore(%arg22 : memref<!tpu.dma_semaphore, #tpu.memory_space<semaphore_mem>>)
      %dma_wait3A_73 = arith.constant 0 : i32
      %dma_wait3A_74 = arith.constant 0 : i32
      %dma_wait3A_75 = tpu.memref_slice %arg8[%dma_wait3A_73, %dma_wait3A_74] : memref<1x128xi32, #tpu.memory_space<vmem>> -> memref<1x128xi32, #tpu.memory_space<vmem>>
      %dma_wait3A_76 = tpu.memref_squeeze %dma_wait3A_75 : memref<1x128xi32, #tpu.memory_space<vmem>> -> memref<128xi32, #tpu.memory_space<vmem>>
      %dma_wait3A_77 = arith.constant 0 : i32
      %dma_wait3A_78 = arith.constant 0 : i32
      %dma_wait3A_79 = tpu.memref_slice %arg4[%dma_wait3A_77, %dma_wait3A_78] : memref<100000x128xf32, #tpu.memory_space<hbm>> -> memref<100000x128xf32, #tpu.memory_space<hbm>>
      tpu.wait_indirect_dma semaphore(%arg22 : memref<!tpu.dma_semaphore, #tpu.memory_space<semaphore_mem>>) src(%dma_wait3A_79 : memref<100000x128xf32, #tpu.memory_space<hbm>>) dst(%arg9 : memref<128x128xf32, #tpu.memory_space<vmem>>)
      %mul3A_80 = arith.constant 128 : i32
      %mul3A_81 = arith.muli %add3A, %mul3A_80 : i32
      "tpu.region"() ({
        %run_scoped3A = tpu.sem_alloc : memref<!tpu.dma_semaphore, #tpu.memory_space<semaphore_mem>>
        %dma_start3A_82 = arith.constant 0 : i32
        %dma_start3A_83 = tpu.memref_slice %arg6[%mul3A_81, %dma_start3A_82] : memref<2048x128xf32, #tpu.memory_space<hbm>> -> memref<128x128xf32, #tpu.memory_space<hbm>>
        %dma_start3A_84 = arith.constant 0 : i32
        %dma_start3A_85 = tpu.memref_slice %arg6[%mul3A_81, %dma_start3A_84] : memref<2048x128xf32, #tpu.memory_space<hbm>> -> memref<128x128xf32, #tpu.memory_space<hbm>>
        tpu.enqueue_dma source(%arg9 : memref<128x128xf32, #tpu.memory_space<vmem>>) target(%dma_start3A_85 : memref<128x128xf32, #tpu.memory_space<hbm>>) target_semaphore(%run_scoped3A : memref<!tpu.dma_semaphore, #tpu.memory_space<semaphore_mem>>)
        %dma_wait3A_86 = arith.constant 0 : i32
        %dma_wait3A_87 = tpu.memref_slice %arg6[%mul3A_81, %dma_wait3A_86] : memref<2048x128xf32, #tpu.memory_space<hbm>> -> memref<128x128xf32, #tpu.memory_space<hbm>>
        %dma_wait3A_88 = arith.constant 0 : i32
        %dma_wait3A_89 = tpu.memref_slice %arg6[%mul3A_81, %dma_wait3A_88] : memref<2048x128xf32, #tpu.memory_space<hbm>> -> memref<128x128xf32, #tpu.memory_space<hbm>>
        tpu.wait_dma2 semaphore(%run_scoped3A : memref<!tpu.dma_semaphore, #tpu.memory_space<semaphore_mem>>) src(%arg9 : memref<128x128xf32, #tpu.memory_space<vmem>>) dst(%dma_wait3A_89 : memref<128x128xf32, #tpu.memory_space<hbm>>)
        tpu.yield
      }) : () -> ()
    } else {
    }
    %dma_start3A = arith.constant 0 : i32
    %dma_start3A_9 = arith.constant 0 : i32
    %dma_start3A_10 = tpu.memref_slice %arg7[%dma_start3A, %dma_start3A_9] : memref<16x128xi32, #tpu.memory_space<vmem>> -> memref<1x128xi32, #tpu.memory_space<vmem>>
    %dma_start3A_11 = tpu.memref_squeeze %dma_start3A_10 : memref<1x128xi32, #tpu.memory_space<vmem>> -> memref<128xi32, #tpu.memory_space<vmem>>
    %dma_start3A_12 = arith.constant 0 : i32
    %dma_start3A_13 = arith.constant 0 : i32
    %dma_start3A_14 = tpu.memref_slice %arg4[%dma_start3A_12, %dma_start3A_13] : memref<100000x128xf32, #tpu.memory_space<hbm>> -> memref<100000x128xf32, #tpu.memory_space<hbm>>
    tpu.enqueue_indirect_dma source(%dma_start3A_14 : memref<100000x128xf32, #tpu.memory_space<hbm>>) target(%arg10 : memref<128x128xf32, #tpu.memory_space<vmem>>) offsets(%dma_start3A_11 : memref<128xi32, #tpu.memory_space<vmem>>) semaphore(%arg14 : memref<!tpu.dma_semaphore, #tpu.memory_space<semaphore_mem>>)
    %dma_start3A_15 = arith.constant 1 : i32
    %dma_start3A_16 = arith.constant 0 : i32
    %dma_start3A_17 = tpu.memref_slice %arg7[%dma_start3A_15, %dma_start3A_16] : memref<16x128xi32, #tpu.memory_space<vmem>> -> memref<1x128xi32, #tpu.memory_space<vmem>>
    %dma_start3A_18 = tpu.memref_squeeze %dma_start3A_17 : memref<1x128xi32, #tpu.memory_space<vmem>> -> memref<128xi32, #tpu.memory_space<vmem>>
    %dma_start3A_19 = arith.constant 0 : i32
    %dma_start3A_20 = arith.constant 0 : i32
    %dma_start3A_21 = tpu.memref_slice %arg4[%dma_start3A_19, %dma_start3A_20] : memref<100000x128xf32, #tpu.memory_space<hbm>> -> memref<100000x128xf32, #tpu.memory_space<hbm>>
    tpu.enqueue_indirect_dma source(%dma_start3A_21 : memref<100000x128xf32, #tpu.memory_space<hbm>>) target(%arg11 : memref<128x128xf32, #tpu.memory_space<vmem>>) offsets(%dma_start3A_18 : memref<128xi32, #tpu.memory_space<vmem>>) semaphore(%arg15 : memref<!tpu.dma_semaphore, #tpu.memory_space<semaphore_mem>>)
    %dma_start3A_22 = arith.constant 2 : i32
    %dma_start3A_23 = arith.constant 0 : i32
    %dma_start3A_24 = tpu.memref_slice %arg7[%dma_start3A_22, %dma_start3A_23] : memref<16x128xi32, #tpu.memory_space<vmem>> -> memref<1x128xi32, #tpu.memory_space<vmem>>
    %dma_start3A_25 = tpu.memref_squeeze %dma_start3A_24 : memref<1x128xi32, #tpu.memory_space<vmem>> -> memref<128xi32, #tpu.memory_space<vmem>>
    %dma_start3A_26 = arith.constant 0 : i32
    %dma_start3A_27 = arith.constant 0 : i32
    %dma_start3A_28 = tpu.memref_slice %arg4[%dma_start3A_26, %dma_start3A_27] : memref<100000x128xf32, #tpu.memory_space<hbm>> -> memref<100000x128xf32, #tpu.memory_space<hbm>>
    tpu.enqueue_indirect_dma source(%dma_start3A_28 : memref<100000x128xf32, #tpu.memory_space<hbm>>) target(%arg12 : memref<128x128xf32, #tpu.memory_space<vmem>>) offsets(%dma_start3A_25 : memref<128xi32, #tpu.memory_space<vmem>>) semaphore(%arg16 : memref<!tpu.dma_semaphore, #tpu.memory_space<semaphore_mem>>)
    %dma_start3A_29 = arith.constant 3 : i32
    %dma_start3A_30 = arith.constant 0 : i32
    %dma_start3A_31 = tpu.memref_slice %arg7[%dma_start3A_29, %dma_start3A_30] : memref<16x128xi32, #tpu.memory_space<vmem>> -> memref<1x128xi32, #tpu.memory_space<vmem>>
    %dma_start3A_32 = tpu.memref_squeeze %dma_start3A_31 : memref<1x128xi32, #tpu.memory_space<vmem>> -> memref<128xi32, #tpu.memory_space<vmem>>
    %dma_start3A_33 = arith.constant 0 : i32
    %dma_start3A_34 = arith.constant 0 : i32
    %dma_start3A_35 = tpu.memref_slice %arg4[%dma_start3A_33, %dma_start3A_34] : memref<100000x128xf32, #tpu.memory_space<hbm>> -> memref<100000x128xf32, #tpu.memory_space<hbm>>
    tpu.enqueue_indirect_dma source(%dma_start3A_35 : memref<100000x128xf32, #tpu.memory_space<hbm>>) target(%arg13 : memref<128x128xf32, #tpu.memory_space<vmem>>) offsets(%dma_start3A_32 : memref<128xi32, #tpu.memory_space<vmem>>) semaphore(%arg17 : memref<!tpu.dma_semaphore, #tpu.memory_space<semaphore_mem>>)
    %scan3A = arith.constant 0 : i32
    %scan3A_36 = arith.constant 0 : i32
    %scan3A_37 = arith.constant 4 : i32
    %scan3A_38 = arith.addi %scan3A_36, %scan3A_37 : i32
    %scan3A_39 = arith.constant 1 : i32
    scf.for %scan3A_64 = %scan3A_36 to %scan3A_38 step %scan3A_39  : i32 {
      %mul3A_65 = arith.constant 4 : i32
      %mul3A_66 = arith.muli %scan3A_64, %mul3A_65 : i32
      %add3A_67 = arith.constant 0 : i32
      %add3A_68 = arith.addi %mul3A_66, %add3A_67 : i32
      %dma_wait3A_69 = arith.constant 0 : i32
      %dma_wait3A_70 = tpu.memref_slice %arg7[%add3A_68, %dma_wait3A_69] : memref<16x128xi32, #tpu.memory_space<vmem>> -> memref<1x128xi32, #tpu.memory_space<vmem>>
      %dma_wait3A_71 = tpu.memref_squeeze %dma_wait3A_70 : memref<1x128xi32, #tpu.memory_space<vmem>> -> memref<128xi32, #tpu.memory_space<vmem>>
      %dma_wait3A_72 = arith.constant 0 : i32
      %dma_wait3A_73 = arith.constant 0 : i32
      %dma_wait3A_74 = tpu.memref_slice %arg4[%dma_wait3A_72, %dma_wait3A_73] : memref<100000x128xf32, #tpu.memory_space<hbm>> -> memref<100000x128xf32, #tpu.memory_space<hbm>>
      tpu.wait_indirect_dma semaphore(%arg14 : memref<!tpu.dma_semaphore, #tpu.memory_space<semaphore_mem>>) src(%dma_wait3A_74 : memref<100000x128xf32, #tpu.memory_space<hbm>>) dst(%arg10 : memref<128x128xf32, #tpu.memory_space<vmem>>)
      %mul3A_75 = arith.constant 128 : i32
      %mul3A_76 = arith.muli %add3A_68, %mul3A_75 : i32
      %add3A_77 = arith.addi %mul3A_6, %mul3A_76 : i32
      %dma_start3A_78 = arith.constant 0 : i32
      %dma_start3A_79 = tpu.memref_slice %arg5[%add3A_77, %dma_start3A_78] : memref<65536x128xf32, #tpu.memory_space<hbm>> -> memref<128x128xf32, #tpu.memory_space<hbm>>
      %dma_start3A_80 = arith.constant 0 : i32
      %dma_start3A_81 = tpu.memref_slice %arg5[%add3A_77, %dma_start3A_80] : memref<65536x128xf32, #tpu.memory_space<hbm>> -> memref<128x128xf32, #tpu.memory_space<hbm>>
      tpu.enqueue_dma source(%arg10 : memref<128x128xf32, #tpu.memory_space<vmem>>) target(%dma_start3A_81 : memref<128x128xf32, #tpu.memory_space<hbm>>) target_semaphore(%arg18 : memref<!tpu.dma_semaphore, #tpu.memory_space<semaphore_mem>>)
      %add3A_82 = arith.constant 1 : i32
      %add3A_83 = arith.addi %mul3A_66, %add3A_82 : i32
      %dma_wait3A_84 = arith.constant 0 : i32
      %dma_wait3A_85 = tpu.memref_slice %arg7[%add3A_83, %dma_wait3A_84] : memref<16x128xi32, #tpu.memory_space<vmem>> -> memref<1x128xi32, #tpu.memory_space<vmem>>
      %dma_wait3A_86 = tpu.memref_squeeze %dma_wait3A_85 : memref<1x128xi32, #tpu.memory_space<vmem>> -> memref<128xi32, #tpu.memory_space<vmem>>
      %dma_wait3A_87 = arith.constant 0 : i32
      %dma_wait3A_88 = arith.constant 0 : i32
      %dma_wait3A_89 = tpu.memref_slice %arg4[%dma_wait3A_87, %dma_wait3A_88] : memref<100000x128xf32, #tpu.memory_space<hbm>> -> memref<100000x128xf32, #tpu.memory_space<hbm>>
      tpu.wait_indirect_dma semaphore(%arg15 : memref<!tpu.dma_semaphore, #tpu.memory_space<semaphore_mem>>) src(%dma_wait3A_89 : memref<100000x128xf32, #tpu.memory_space<hbm>>) dst(%arg11 : memref<128x128xf32, #tpu.memory_space<vmem>>)
      %mul3A_90 = arith.constant 128 : i32
      %mul3A_91 = arith.muli %add3A_83, %mul3A_90 : i32
      %add3A_92 = arith.addi %mul3A_6, %mul3A_91 : i32
      %dma_start3A_93 = arith.constant 0 : i32
      %dma_start3A_94 = tpu.memref_slice %arg5[%add3A_92, %dma_start3A_93] : memref<65536x128xf32, #tpu.memory_space<hbm>> -> memref<128x128xf32, #tpu.memory_space<hbm>>
      %dma_start3A_95 = arith.constant 0 : i32
      %dma_start3A_96 = tpu.memref_slice %arg5[%add3A_92, %dma_start3A_95] : memref<65536x128xf32, #tpu.memory_space<hbm>> -> memref<128x128xf32, #tpu.memory_space<hbm>>
      tpu.enqueue_dma source(%arg11 : memref<128x128xf32, #tpu.memory_space<vmem>>) target(%dma_start3A_96 : memref<128x128xf32, #tpu.memory_space<hbm>>) target_semaphore(%arg19 : memref<!tpu.dma_semaphore, #tpu.memory_space<semaphore_mem>>)
      %add3A_97 = arith.constant 2 : i32
      %add3A_98 = arith.addi %mul3A_66, %add3A_97 : i32
      %dma_wait3A_99 = arith.constant 0 : i32
      %dma_wait3A_100 = tpu.memref_slice %arg7[%add3A_98, %dma_wait3A_99] : memref<16x128xi32, #tpu.memory_space<vmem>> -> memref<1x128xi32, #tpu.memory_space<vmem>>
      %dma_wait3A_101 = tpu.memref_squeeze %dma_wait3A_100 : memref<1x128xi32, #tpu.memory_space<vmem>> -> memref<128xi32, #tpu.memory_space<vmem>>
      %dma_wait3A_102 = arith.constant 0 : i32
      %dma_wait3A_103 = arith.constant 0 : i32
      %dma_wait3A_104 = tpu.memref_slice %arg4[%dma_wait3A_102, %dma_wait3A_103] : memref<100000x128xf32, #tpu.memory_space<hbm>> -> memref<100000x128xf32, #tpu.memory_space<hbm>>
      tpu.wait_indirect_dma semaphore(%arg16 : memref<!tpu.dma_semaphore, #tpu.memory_space<semaphore_mem>>) src(%dma_wait3A_104 : memref<100000x128xf32, #tpu.memory_space<hbm>>) dst(%arg12 : memref<128x128xf32, #tpu.memory_space<vmem>>)
      %mul3A_105 = arith.constant 128 : i32
      %mul3A_106 = arith.muli %add3A_98, %mul3A_105 : i32
      %add3A_107 = arith.addi %mul3A_6, %mul3A_106 : i32
      %dma_start3A_108 = arith.constant 0 : i32
      %dma_start3A_109 = tpu.memref_slice %arg5[%add3A_107, %dma_start3A_108] : memref<65536x128xf32, #tpu.memory_space<hbm>> -> memref<128x128xf32, #tpu.memory_space<hbm>>
      %dma_start3A_110 = arith.constant 0 : i32
      %dma_start3A_111 = tpu.memref_slice %arg5[%add3A_107, %dma_start3A_110] : memref<65536x128xf32, #tpu.memory_space<hbm>> -> memref<128x128xf32, #tpu.memory_space<hbm>>
      tpu.enqueue_dma source(%arg12 : memref<128x128xf32, #tpu.memory_space<vmem>>) target(%dma_start3A_111 : memref<128x128xf32, #tpu.memory_space<hbm>>) target_semaphore(%arg20 : memref<!tpu.dma_semaphore, #tpu.memory_space<semaphore_mem>>)
      %add3A_112 = arith.constant 3 : i32
      %add3A_113 = arith.addi %mul3A_66, %add3A_112 : i32
      %dma_wait3A_114 = arith.constant 0 : i32
      %dma_wait3A_115 = tpu.memref_slice %arg7[%add3A_113, %dma_wait3A_114] : memref<16x128xi32, #tpu.memory_space<vmem>> -> memref<1x128xi32, #tpu.memory_space<vmem>>
      %dma_wait3A_116 = tpu.memref_squeeze %dma_wait3A_115 : memref<1x128xi32, #tpu.memory_space<vmem>> -> memref<128xi32, #tpu.memory_space<vmem>>
      %dma_wait3A_117 = arith.constant 0 : i32
      %dma_wait3A_118 = arith.constant 0 : i32
      %dma_wait3A_119 = tpu.memref_slice %arg4[%dma_wait3A_117, %dma_wait3A_118] : memref<100000x128xf32, #tpu.memory_space<hbm>> -> memref<100000x128xf32, #tpu.memory_space<hbm>>
      tpu.wait_indirect_dma semaphore(%arg17 : memref<!tpu.dma_semaphore, #tpu.memory_space<semaphore_mem>>) src(%dma_wait3A_119 : memref<100000x128xf32, #tpu.memory_space<hbm>>) dst(%arg13 : memref<128x128xf32, #tpu.memory_space<vmem>>)
      %mul3A_120 = arith.constant 128 : i32
      %mul3A_121 = arith.muli %add3A_113, %mul3A_120 : i32
      %add3A_122 = arith.addi %mul3A_6, %mul3A_121 : i32
      %dma_start3A_123 = arith.constant 0 : i32
      %dma_start3A_124 = tpu.memref_slice %arg5[%add3A_122, %dma_start3A_123] : memref<65536x128xf32, #tpu.memory_space<hbm>> -> memref<128x128xf32, #tpu.memory_space<hbm>>
      %dma_start3A_125 = arith.constant 0 : i32
      %dma_start3A_126 = tpu.memref_slice %arg5[%add3A_122, %dma_start3A_125] : memref<65536x128xf32, #tpu.memory_space<hbm>> -> memref<128x128xf32, #tpu.memory_space<hbm>>
      tpu.enqueue_dma source(%arg13 : memref<128x128xf32, #tpu.memory_space<vmem>>) target(%dma_start3A_126 : memref<128x128xf32, #tpu.memory_space<hbm>>) target_semaphore(%arg21 : memref<!tpu.dma_semaphore, #tpu.memory_space<semaphore_mem>>)
      %add3A_127 = arith.constant 4 : i32
      %add3A_128 = arith.addi %mul3A_66, %add3A_127 : i32
      %add3A_129 = arith.constant 0 : i32
      %add3A_130 = arith.addi %add3A_128, %add3A_129 : i32
      %lt3A_131 = arith.constant 16 : i32
      %lt3A_132 = arith.cmpi slt, %add3A_130, %lt3A_131 : i32
      %convert_element_type3A_133 = arith.extui %lt3A_132 : i1 to i32
      %cond3A_134 = arith.constant 0 : i32
      %cond3A_135 = arith.cmpi ne, %convert_element_type3A_133, %cond3A_134 : i32
      scf.if %cond3A_135 {
        %sub3A = arith.constant 4 : i32
        %sub3A_163 = arith.subi %add3A_130, %sub3A : i32
        %mul3A_164 = arith.constant 128 : i32
        %mul3A_165 = arith.muli %sub3A_163, %mul3A_164 : i32
        %add3A_166 = arith.addi %mul3A_6, %mul3A_165 : i32
        %dma_wait3A_167 = arith.constant 0 : i32
        %dma_wait3A_168 = tpu.memref_slice %arg5[%add3A_166, %dma_wait3A_167] : memref<65536x128xf32, #tpu.memory_space<hbm>> -> memref<128x128xf32, #tpu.memory_space<hbm>>
        %dma_wait3A_169 = arith.constant 0 : i32
        %dma_wait3A_170 = tpu.memref_slice %arg5[%add3A_166, %dma_wait3A_169] : memref<65536x128xf32, #tpu.memory_space<hbm>> -> memref<128x128xf32, #tpu.memory_space<hbm>>
        tpu.wait_dma2 semaphore(%arg18 : memref<!tpu.dma_semaphore, #tpu.memory_space<semaphore_mem>>) src(%arg10 : memref<128x128xf32, #tpu.memory_space<vmem>>) dst(%dma_wait3A_170 : memref<128x128xf32, #tpu.memory_space<hbm>>)
        %dma_start3A_171 = arith.constant 0 : i32
        %dma_start3A_172 = tpu.memref_slice %arg7[%add3A_130, %dma_start3A_171] : memref<16x128xi32, #tpu.memory_space<vmem>> -> memref<1x128xi32, #tpu.memory_space<vmem>>
        %dma_start3A_173 = tpu.memref_squeeze %dma_start3A_172 : memref<1x128xi32, #tpu.memory_space<vmem>> -> memref<128xi32, #tpu.memory_space<vmem>>
        %dma_start3A_174 = arith.constant 0 : i32
        %dma_start3A_175 = arith.constant 0 : i32
        %dma_start3A_176 = tpu.memref_slice %arg4[%dma_start3A_174, %dma_start3A_175] : memref<100000x128xf32, #tpu.memory_space<hbm>> -> memref<100000x128xf32, #tpu.memory_space<hbm>>
        tpu.enqueue_indirect_dma source(%dma_start3A_176 : memref<100000x128xf32, #tpu.memory_space<hbm>>) target(%arg10 : memref<128x128xf32, #tpu.memory_space<vmem>>) offsets(%dma_start3A_173 : memref<128xi32, #tpu.memory_space<vmem>>) semaphore(%arg14 : memref<!tpu.dma_semaphore, #tpu.memory_space<semaphore_mem>>)
      } else {
      }
      %add3A_136 = arith.constant 4 : i32
      %add3A_137 = arith.addi %mul3A_66, %add3A_136 : i32
      %add3A_138 = arith.constant 1 : i32
      %add3A_139 = arith.addi %add3A_137, %add3A_138 : i32
      %lt3A_140 = arith.constant 16 : i32
      %lt3A_141 = arith.cmpi slt, %add3A_139, %lt3A_140 : i32
      %convert_element_type3A_142 = arith.extui %lt3A_141 : i1 to i32
      %cond3A_143 = arith.constant 0 : i32
      %cond3A_144 = arith.cmpi ne, %convert_element_type3A_142, %cond3A_143 : i32
      scf.if %cond3A_144 {
        %sub3A = arith.constant 4 : i32
        %sub3A_163 = arith.subi %add3A_139, %sub3A : i32
        %mul3A_164 = arith.constant 128 : i32
        %mul3A_165 = arith.muli %sub3A_163, %mul3A_164 : i32
        %add3A_166 = arith.addi %mul3A_6, %mul3A_165 : i32
        %dma_wait3A_167 = arith.constant 0 : i32
        %dma_wait3A_168 = tpu.memref_slice %arg5[%add3A_166, %dma_wait3A_167] : memref<65536x128xf32, #tpu.memory_space<hbm>> -> memref<128x128xf32, #tpu.memory_space<hbm>>
        %dma_wait3A_169 = arith.constant 0 : i32
        %dma_wait3A_170 = tpu.memref_slice %arg5[%add3A_166, %dma_wait3A_169] : memref<65536x128xf32, #tpu.memory_space<hbm>> -> memref<128x128xf32, #tpu.memory_space<hbm>>
        tpu.wait_dma2 semaphore(%arg19 : memref<!tpu.dma_semaphore, #tpu.memory_space<semaphore_mem>>) src(%arg11 : memref<128x128xf32, #tpu.memory_space<vmem>>) dst(%dma_wait3A_170 : memref<128x128xf32, #tpu.memory_space<hbm>>)
        %dma_start3A_171 = arith.constant 0 : i32
        %dma_start3A_172 = tpu.memref_slice %arg7[%add3A_139, %dma_start3A_171] : memref<16x128xi32, #tpu.memory_space<vmem>> -> memref<1x128xi32, #tpu.memory_space<vmem>>
        %dma_start3A_173 = tpu.memref_squeeze %dma_start3A_172 : memref<1x128xi32, #tpu.memory_space<vmem>> -> memref<128xi32, #tpu.memory_space<vmem>>
        %dma_start3A_174 = arith.constant 0 : i32
        %dma_start3A_175 = arith.constant 0 : i32
        %dma_start3A_176 = tpu.memref_slice %arg4[%dma_start3A_174, %dma_start3A_175] : memref<100000x128xf32, #tpu.memory_space<hbm>> -> memref<100000x128xf32, #tpu.memory_space<hbm>>
        tpu.enqueue_indirect_dma source(%dma_start3A_176 : memref<100000x128xf32, #tpu.memory_space<hbm>>) target(%arg11 : memref<128x128xf32, #tpu.memory_space<vmem>>) offsets(%dma_start3A_173 : memref<128xi32, #tpu.memory_space<vmem>>) semaphore(%arg15 : memref<!tpu.dma_semaphore, #tpu.memory_space<semaphore_mem>>)
      } else {
      }
      %add3A_145 = arith.constant 4 : i32
      %add3A_146 = arith.addi %mul3A_66, %add3A_145 : i32
      %add3A_147 = arith.constant 2 : i32
      %add3A_148 = arith.addi %add3A_146, %add3A_147 : i32
      %lt3A_149 = arith.constant 16 : i32
      %lt3A_150 = arith.cmpi slt, %add3A_148, %lt3A_149 : i32
      %convert_element_type3A_151 = arith.extui %lt3A_150 : i1 to i32
      %cond3A_152 = arith.constant 0 : i32
      %cond3A_153 = arith.cmpi ne, %convert_element_type3A_151, %cond3A_152 : i32
      scf.if %cond3A_153 {
        %sub3A = arith.constant 4 : i32
        %sub3A_163 = arith.subi %add3A_148, %sub3A : i32
        %mul3A_164 = arith.constant 128 : i32
        %mul3A_165 = arith.muli %sub3A_163, %mul3A_164 : i32
        %add3A_166 = arith.addi %mul3A_6, %mul3A_165 : i32
        %dma_wait3A_167 = arith.constant 0 : i32
        %dma_wait3A_168 = tpu.memref_slice %arg5[%add3A_166, %dma_wait3A_167] : memref<65536x128xf32, #tpu.memory_space<hbm>> -> memref<128x128xf32, #tpu.memory_space<hbm>>
        %dma_wait3A_169 = arith.constant 0 : i32
        %dma_wait3A_170 = tpu.memref_slice %arg5[%add3A_166, %dma_wait3A_169] : memref<65536x128xf32, #tpu.memory_space<hbm>> -> memref<128x128xf32, #tpu.memory_space<hbm>>
        tpu.wait_dma2 semaphore(%arg20 : memref<!tpu.dma_semaphore, #tpu.memory_space<semaphore_mem>>) src(%arg12 : memref<128x128xf32, #tpu.memory_space<vmem>>) dst(%dma_wait3A_170 : memref<128x128xf32, #tpu.memory_space<hbm>>)
        %dma_start3A_171 = arith.constant 0 : i32
        %dma_start3A_172 = tpu.memref_slice %arg7[%add3A_148, %dma_start3A_171] : memref<16x128xi32, #tpu.memory_space<vmem>> -> memref<1x128xi32, #tpu.memory_space<vmem>>
        %dma_start3A_173 = tpu.memref_squeeze %dma_start3A_172 : memref<1x128xi32, #tpu.memory_space<vmem>> -> memref<128xi32, #tpu.memory_space<vmem>>
        %dma_start3A_174 = arith.constant 0 : i32
        %dma_start3A_175 = arith.constant 0 : i32
        %dma_start3A_176 = tpu.memref_slice %arg4[%dma_start3A_174, %dma_start3A_175] : memref<100000x128xf32, #tpu.memory_space<hbm>> -> memref<100000x128xf32, #tpu.memory_space<hbm>>
        tpu.enqueue_indirect_dma source(%dma_start3A_176 : memref<100000x128xf32, #tpu.memory_space<hbm>>) target(%arg12 : memref<128x128xf32, #tpu.memory_space<vmem>>) offsets(%dma_start3A_173 : memref<128xi32, #tpu.memory_space<vmem>>) semaphore(%arg16 : memref<!tpu.dma_semaphore, #tpu.memory_space<semaphore_mem>>)
      } else {
      }
      %add3A_154 = arith.constant 4 : i32
      %add3A_155 = arith.addi %mul3A_66, %add3A_154 : i32
      %add3A_156 = arith.constant 3 : i32
      %add3A_157 = arith.addi %add3A_155, %add3A_156 : i32
      %lt3A_158 = arith.constant 16 : i32
      %lt3A_159 = arith.cmpi slt, %add3A_157, %lt3A_158 : i32
      %convert_element_type3A_160 = arith.extui %lt3A_159 : i1 to i32
      %cond3A_161 = arith.constant 0 : i32
      %cond3A_162 = arith.cmpi ne, %convert_element_type3A_160, %cond3A_161 : i32
      scf.if %cond3A_162 {
        %sub3A = arith.constant 4 : i32
        %sub3A_163 = arith.subi %add3A_157, %sub3A : i32
        %mul3A_164 = arith.constant 128 : i32
        %mul3A_165 = arith.muli %sub3A_163, %mul3A_164 : i32
        %add3A_166 = arith.addi %mul3A_6, %mul3A_165 : i32
        %dma_wait3A_167 = arith.constant 0 : i32
        %dma_wait3A_168 = tpu.memref_slice %arg5[%add3A_166, %dma_wait3A_167] : memref<65536x128xf32, #tpu.memory_space<hbm>> -> memref<128x128xf32, #tpu.memory_space<hbm>>
        %dma_wait3A_169 = arith.constant 0 : i32
        %dma_wait3A_170 = tpu.memref_slice %arg5[%add3A_166, %dma_wait3A_169] : memref<65536x128xf32, #tpu.memory_space<hbm>> -> memref<128x128xf32, #tpu.memory_space<hbm>>
        tpu.wait_dma2 semaphore(%arg21 : memref<!tpu.dma_semaphore, #tpu.memory_space<semaphore_mem>>) src(%arg13 : memref<128x128xf32, #tpu.memory_space<vmem>>) dst(%dma_wait3A_170 : memref<128x128xf32, #tpu.memory_space<hbm>>)
        %dma_start3A_171 = arith.constant 0 : i32
        %dma_start3A_172 = tpu.memref_slice %arg7[%add3A_157, %dma_start3A_171] : memref<16x128xi32, #tpu.memory_space<vmem>> -> memref<1x128xi32, #tpu.memory_space<vmem>>
        %dma_start3A_173 = tpu.memref_squeeze %dma_start3A_172 : memref<1x128xi32, #tpu.memory_space<vmem>> -> memref<128xi32, #tpu.memory_space<vmem>>
        %dma_start3A_174 = arith.constant 0 : i32
        %dma_start3A_175 = arith.constant 0 : i32
        %dma_start3A_176 = tpu.memref_slice %arg4[%dma_start3A_174, %dma_start3A_175] : memref<100000x128xf32, #tpu.memory_space<hbm>> -> memref<100000x128xf32, #tpu.memory_space<hbm>>
        tpu.enqueue_indirect_dma source(%dma_start3A_176 : memref<100000x128xf32, #tpu.memory_space<hbm>>) target(%arg13 : memref<128x128xf32, #tpu.memory_space<vmem>>) offsets(%dma_start3A_173 : memref<128xi32, #tpu.memory_space<vmem>>) semaphore(%arg17 : memref<!tpu.dma_semaphore, #tpu.memory_space<semaphore_mem>>)
      } else {
      }
    }
    %scan3A_40 = arith.constant 4 : i32
    %add3A_41 = arith.constant 1536 : i32
    %add3A_42 = arith.addi %mul3A_6, %add3A_41 : i32
    %dma_wait3A = arith.constant 0 : i32
    %dma_wait3A_43 = tpu.memref_slice %arg5[%add3A_42, %dma_wait3A] : memref<65536x128xf32, #tpu.memory_space<hbm>> -> memref<128x128xf32, #tpu.memory_space<hbm>>
    %dma_wait3A_44 = arith.constant 0 : i32
    %dma_wait3A_45 = tpu.memref_slice %arg5[%add3A_42, %dma_wait3A_44] : memref<65536x128xf32, #tpu.memory_space<hbm>> -> memref<128x128xf32, #tpu.memory_space<hbm>>
    tpu.wait_dma2 semaphore(%arg18 : memref<!tpu.dma_semaphore, #tpu.memory_space<semaphore_mem>>) src(%arg10 : memref<128x128xf32, #tpu.memory_space<vmem>>) dst(%dma_wait3A_45 : memref<128x128xf32, #tpu.memory_space<hbm>>)
    %add3A_46 = arith.constant 1664 : i32
    %add3A_47 = arith.addi %mul3A_6, %add3A_46 : i32
    %dma_wait3A_48 = arith.constant 0 : i32
    %dma_wait3A_49 = tpu.memref_slice %arg5[%add3A_47, %dma_wait3A_48] : memref<65536x128xf32, #tpu.memory_space<hbm>> -> memref<128x128xf32, #tpu.memory_space<hbm>>
    %dma_wait3A_50 = arith.constant 0 : i32
    %dma_wait3A_51 = tpu.memref_slice %arg5[%add3A_47, %dma_wait3A_50] : memref<65536x128xf32, #tpu.memory_space<hbm>> -> memref<128x128xf32, #tpu.memory_space<hbm>>
    tpu.wait_dma2 semaphore(%arg19 : memref<!tpu.dma_semaphore, #tpu.memory_space<semaphore_mem>>) src(%arg11 : memref<128x128xf32, #tpu.memory_space<vmem>>) dst(%dma_wait3A_51 : memref<128x128xf32, #tpu.memory_space<hbm>>)
    %add3A_52 = arith.constant 1792 : i32
    %add3A_53 = arith.addi %mul3A_6, %add3A_52 : i32
    %dma_wait3A_54 = arith.constant 0 : i32
    %dma_wait3A_55 = tpu.memref_slice %arg5[%add3A_53, %dma_wait3A_54] : memref<65536x128xf32, #tpu.memory_space<hbm>> -> memref<128x128xf32, #tpu.memory_space<hbm>>
    %dma_wait3A_56 = arith.constant 0 : i32
    %dma_wait3A_57 = tpu.memref_slice %arg5[%add3A_53, %dma_wait3A_56] : memref<65536x128xf32, #tpu.memory_space<hbm>> -> memref<128x128xf32, #tpu.memory_space<hbm>>
    tpu.wait_dma2 semaphore(%arg20 : memref<!tpu.dma_semaphore, #tpu.memory_space<semaphore_mem>>) src(%arg12 : memref<128x128xf32, #tpu.memory_space<vmem>>) dst(%dma_wait3A_57 : memref<128x128xf32, #tpu.memory_space<hbm>>)
    %add3A_58 = arith.constant 1920 : i32
    %add3A_59 = arith.addi %mul3A_6, %add3A_58 : i32
    %dma_wait3A_60 = arith.constant 0 : i32
    %dma_wait3A_61 = tpu.memref_slice %arg5[%add3A_59, %dma_wait3A_60] : memref<65536x128xf32, #tpu.memory_space<hbm>> -> memref<128x128xf32, #tpu.memory_space<hbm>>
    %dma_wait3A_62 = arith.constant 0 : i32
    %dma_wait3A_63 = tpu.memref_slice %arg5[%add3A_59, %dma_wait3A_62] : memref<65536x128xf32, #tpu.memory_space<hbm>> -> memref<128x128xf32, #tpu.memory_space<hbm>>
    tpu.wait_dma2 semaphore(%arg21 : memref<!tpu.dma_semaphore, #tpu.memory_space<semaphore_mem>>) src(%arg13 : memref<128x128xf32, #tpu.memory_space<vmem>>) dst(%dma_wait3A_63 : memref<128x128xf32, #tpu.memory_space<hbm>>)
    return
  }
}

#map = affine_map<(d0, d1) -> (0, 0)>
module attributes {stable_mosaic.version = 14 : i64} {
  func.func @_gather_adj_body(%arg0: i32, %arg1: i32, %arg2: memref<64x128xi32, #tpu.memory_space<hbm>>, %arg3: memref<100000x32xi32, #tpu.memory_space<hbm>>, %arg4: memref<8192x32xi32, #tpu.memory_space<hbm>>, %arg5: memref<2x128xi32, #tpu.memory_space<vmem>>, %arg6: memref<128x32xi32, #tpu.memory_space<vmem>>, %arg7: memref<!tpu.dma_semaphore, #tpu.memory_space<semaphore_mem>>) attributes {dimension_semantics = [#tpu.dimension_semantics<core_parallel>, #tpu.dimension_semantics<subcore_parallel>], iteration_bounds = array<i64: 2, 16>, scalar_prefetch = 0 : i64, scratch_operands = 3 : i64, tpu.core_type = #tpu.core_type<sc_vector_subcore>, window_params = [{transform_indices = #map}, {transform_indices = #map}, {transform_indices = #map}]} {
    %mul3A = arith.constant 2 : i32
    %mul3A_0 = arith.muli %arg1, %mul3A : i32
    %add3A = arith.addi %mul3A_0, %arg0 : i32
    %mul3A_1 = arith.constant 2 : i32
    %mul3A_2 = arith.muli %add3A, %mul3A_1 : i32
    "tpu.region"() ({
      %run_scoped3A = tpu.sem_alloc : memref<!tpu.dma_semaphore, #tpu.memory_space<semaphore_mem>>
      %dma_start3A_37 = arith.constant 0 : i32
      %dma_start3A_38 = tpu.memref_slice %arg2[%mul3A_2, %dma_start3A_37] : memref<64x128xi32, #tpu.memory_space<hbm>> -> memref<2x128xi32, #tpu.memory_space<hbm>>
      %dma_start3A_39 = arith.constant 0 : i32
      %dma_start3A_40 = tpu.memref_slice %arg2[%mul3A_2, %dma_start3A_39] : memref<64x128xi32, #tpu.memory_space<hbm>> -> memref<2x128xi32, #tpu.memory_space<hbm>>
      tpu.enqueue_dma source(%dma_start3A_40 : memref<2x128xi32, #tpu.memory_space<hbm>>) target(%arg5 : memref<2x128xi32, #tpu.memory_space<vmem>>) target_semaphore(%run_scoped3A : memref<!tpu.dma_semaphore, #tpu.memory_space<semaphore_mem>>)
      %dma_wait3A_41 = arith.constant 0 : i32
      %dma_wait3A_42 = tpu.memref_slice %arg2[%mul3A_2, %dma_wait3A_41] : memref<64x128xi32, #tpu.memory_space<hbm>> -> memref<2x128xi32, #tpu.memory_space<hbm>>
      %dma_wait3A_43 = arith.constant 0 : i32
      %dma_wait3A_44 = tpu.memref_slice %arg2[%mul3A_2, %dma_wait3A_43] : memref<64x128xi32, #tpu.memory_space<hbm>> -> memref<2x128xi32, #tpu.memory_space<hbm>>
      tpu.wait_dma2 semaphore(%run_scoped3A : memref<!tpu.dma_semaphore, #tpu.memory_space<semaphore_mem>>) src(%dma_wait3A_44 : memref<2x128xi32, #tpu.memory_space<hbm>>) dst(%arg5 : memref<2x128xi32, #tpu.memory_space<vmem>>)
      tpu.yield
    }) : () -> ()
    %mul3A_3 = arith.constant 256 : i32
    %mul3A_4 = arith.muli %add3A, %mul3A_3 : i32
    %add3A_5 = arith.constant 0 : i32
    %add3A_6 = arith.addi %mul3A_4, %add3A_5 : i32
    %dma_start3A = arith.constant 0 : i32
    %dma_start3A_7 = arith.constant 0 : i32
    %dma_start3A_8 = tpu.memref_slice %arg5[%dma_start3A, %dma_start3A_7] : memref<2x128xi32, #tpu.memory_space<vmem>> -> memref<1x128xi32, #tpu.memory_space<vmem>>
    %dma_start3A_9 = tpu.memref_squeeze %dma_start3A_8 : memref<1x128xi32, #tpu.memory_space<vmem>> -> memref<128xi32, #tpu.memory_space<vmem>>
    %dma_start3A_10 = arith.constant 0 : i32
    %dma_start3A_11 = arith.constant 0 : i32
    %dma_start3A_12 = tpu.memref_slice %arg3[%dma_start3A_10, %dma_start3A_11] : memref<100000x32xi32, #tpu.memory_space<hbm>> -> memref<100000x32xi32, #tpu.memory_space<hbm>>
    tpu.enqueue_indirect_dma source(%dma_start3A_12 : memref<100000x32xi32, #tpu.memory_space<hbm>>) target(%arg6 : memref<128x32xi32, #tpu.memory_space<vmem>>) offsets(%dma_start3A_9 : memref<128xi32, #tpu.memory_space<vmem>>) semaphore(%arg7 : memref<!tpu.dma_semaphore, #tpu.memory_space<semaphore_mem>>)
    %dma_wait3A = arith.constant 0 : i32
    %dma_wait3A_13 = arith.constant 0 : i32
    %dma_wait3A_14 = tpu.memref_slice %arg5[%dma_wait3A, %dma_wait3A_13] : memref<2x128xi32, #tpu.memory_space<vmem>> -> memref<1x128xi32, #tpu.memory_space<vmem>>
    %dma_wait3A_15 = tpu.memref_squeeze %dma_wait3A_14 : memref<1x128xi32, #tpu.memory_space<vmem>> -> memref<128xi32, #tpu.memory_space<vmem>>
    %dma_wait3A_16 = arith.constant 0 : i32
    %dma_wait3A_17 = arith.constant 0 : i32
    %dma_wait3A_18 = tpu.memref_slice %arg3[%dma_wait3A_16, %dma_wait3A_17] : memref<100000x32xi32, #tpu.memory_space<hbm>> -> memref<100000x32xi32, #tpu.memory_space<hbm>>
    tpu.wait_indirect_dma semaphore(%arg7 : memref<!tpu.dma_semaphore, #tpu.memory_space<semaphore_mem>>) src(%dma_wait3A_18 : memref<100000x32xi32, #tpu.memory_space<hbm>>) dst(%arg6 : memref<128x32xi32, #tpu.memory_space<vmem>>)
    "tpu.region"() ({
      %run_scoped3A = tpu.sem_alloc : memref<!tpu.dma_semaphore, #tpu.memory_space<semaphore_mem>>
      %dma_start3A_37 = arith.constant 0 : i32
      %dma_start3A_38 = tpu.memref_slice %arg4[%add3A_6, %dma_start3A_37] : memref<8192x32xi32, #tpu.memory_space<hbm>> -> memref<128x32xi32, #tpu.memory_space<hbm>>
      %dma_start3A_39 = arith.constant 0 : i32
      %dma_start3A_40 = tpu.memref_slice %arg4[%add3A_6, %dma_start3A_39] : memref<8192x32xi32, #tpu.memory_space<hbm>> -> memref<128x32xi32, #tpu.memory_space<hbm>>
      tpu.enqueue_dma source(%arg6 : memref<128x32xi32, #tpu.memory_space<vmem>>) target(%dma_start3A_40 : memref<128x32xi32, #tpu.memory_space<hbm>>) target_semaphore(%run_scoped3A : memref<!tpu.dma_semaphore, #tpu.memory_space<semaphore_mem>>)
      %dma_wait3A_41 = arith.constant 0 : i32
      %dma_wait3A_42 = tpu.memref_slice %arg4[%add3A_6, %dma_wait3A_41] : memref<8192x32xi32, #tpu.memory_space<hbm>> -> memref<128x32xi32, #tpu.memory_space<hbm>>
      %dma_wait3A_43 = arith.constant 0 : i32
      %dma_wait3A_44 = tpu.memref_slice %arg4[%add3A_6, %dma_wait3A_43] : memref<8192x32xi32, #tpu.memory_space<hbm>> -> memref<128x32xi32, #tpu.memory_space<hbm>>
      tpu.wait_dma2 semaphore(%run_scoped3A : memref<!tpu.dma_semaphore, #tpu.memory_space<semaphore_mem>>) src(%arg6 : memref<128x32xi32, #tpu.memory_space<vmem>>) dst(%dma_wait3A_44 : memref<128x32xi32, #tpu.memory_space<hbm>>)
      tpu.yield
    }) : () -> ()
    %mul3A_19 = arith.constant 256 : i32
    %mul3A_20 = arith.muli %add3A, %mul3A_19 : i32
    %add3A_21 = arith.constant 128 : i32
    %add3A_22 = arith.addi %mul3A_20, %add3A_21 : i32
    %dma_start3A_23 = arith.constant 1 : i32
    %dma_start3A_24 = arith.constant 0 : i32
    %dma_start3A_25 = tpu.memref_slice %arg5[%dma_start3A_23, %dma_start3A_24] : memref<2x128xi32, #tpu.memory_space<vmem>> -> memref<1x128xi32, #tpu.memory_space<vmem>>
    %dma_start3A_26 = tpu.memref_squeeze %dma_start3A_25 : memref<1x128xi32, #tpu.memory_space<vmem>> -> memref<128xi32, #tpu.memory_space<vmem>>
    %dma_start3A_27 = arith.constant 0 : i32
    %dma_start3A_28 = arith.constant 0 : i32
    %dma_start3A_29 = tpu.memref_slice %arg3[%dma_start3A_27, %dma_start3A_28] : memref<100000x32xi32, #tpu.memory_space<hbm>> -> memref<100000x32xi32, #tpu.memory_space<hbm>>
    tpu.enqueue_indirect_dma source(%dma_start3A_29 : memref<100000x32xi32, #tpu.memory_space<hbm>>) target(%arg6 : memref<128x32xi32, #tpu.memory_space<vmem>>) offsets(%dma_start3A_26 : memref<128xi32, #tpu.memory_space<vmem>>) semaphore(%arg7 : memref<!tpu.dma_semaphore, #tpu.memory_space<semaphore_mem>>)
    %dma_wait3A_30 = arith.constant 1 : i32
    %dma_wait3A_31 = arith.constant 0 : i32
    %dma_wait3A_32 = tpu.memref_slice %arg5[%dma_wait3A_30, %dma_wait3A_31] : memref<2x128xi32, #tpu.memory_space<vmem>> -> memref<1x128xi32, #tpu.memory_space<vmem>>
    %dma_wait3A_33 = tpu.memref_squeeze %dma_wait3A_32 : memref<1x128xi32, #tpu.memory_space<vmem>> -> memref<128xi32, #tpu.memory_space<vmem>>
    %dma_wait3A_34 = arith.constant 0 : i32
    %dma_wait3A_35 = arith.constant 0 : i32
    %dma_wait3A_36 = tpu.memref_slice %arg3[%dma_wait3A_34, %dma_wait3A_35] : memref<100000x32xi32, #tpu.memory_space<hbm>> -> memref<100000x32xi32, #tpu.memory_space<hbm>>
    tpu.wait_indirect_dma semaphore(%arg7 : memref<!tpu.dma_semaphore, #tpu.memory_space<semaphore_mem>>) src(%dma_wait3A_36 : memref<100000x32xi32, #tpu.memory_space<hbm>>) dst(%arg6 : memref<128x32xi32, #tpu.memory_space<vmem>>)
    "tpu.region"() ({
      %run_scoped3A = tpu.sem_alloc : memref<!tpu.dma_semaphore, #tpu.memory_space<semaphore_mem>>
      %dma_start3A_37 = arith.constant 0 : i32
      %dma_start3A_38 = tpu.memref_slice %arg4[%add3A_22, %dma_start3A_37] : memref<8192x32xi32, #tpu.memory_space<hbm>> -> memref<128x32xi32, #tpu.memory_space<hbm>>
      %dma_start3A_39 = arith.constant 0 : i32
      %dma_start3A_40 = tpu.memref_slice %arg4[%add3A_22, %dma_start3A_39] : memref<8192x32xi32, #tpu.memory_space<hbm>> -> memref<128x32xi32, #tpu.memory_space<hbm>>
      tpu.enqueue_dma source(%arg6 : memref<128x32xi32, #tpu.memory_space<vmem>>) target(%dma_start3A_40 : memref<128x32xi32, #tpu.memory_space<hbm>>) target_semaphore(%run_scoped3A : memref<!tpu.dma_semaphore, #tpu.memory_space<semaphore_mem>>)
      %dma_wait3A_41 = arith.constant 0 : i32
      %dma_wait3A_42 = tpu.memref_slice %arg4[%add3A_22, %dma_wait3A_41] : memref<8192x32xi32, #tpu.memory_space<hbm>> -> memref<128x32xi32, #tpu.memory_space<hbm>>
      %dma_wait3A_43 = arith.constant 0 : i32
      %dma_wait3A_44 = tpu.memref_slice %arg4[%add3A_22, %dma_wait3A_43] : memref<8192x32xi32, #tpu.memory_space<hbm>> -> memref<128x32xi32, #tpu.memory_space<hbm>>
      tpu.wait_dma2 semaphore(%run_scoped3A : memref<!tpu.dma_semaphore, #tpu.memory_space<semaphore_mem>>) src(%arg6 : memref<128x32xi32, #tpu.memory_space<vmem>>) dst(%dma_wait3A_44 : memref<128x32xi32, #tpu.memory_space<hbm>>)
      tpu.yield
    }) : () -> ()
    return
  }
}

#map = affine_map<(d0, d1) -> (0, 0)>
module attributes {stable_mosaic.version = 14 : i64} {
  func.func @_gather_adj_body(%arg0: i32, %arg1: i32, %arg2: memref<64x128xi32, #tpu.memory_space<hbm>>, %arg3: memref<100000x32xi32, #tpu.memory_space<hbm>>, %arg4: memref<8192x32xi32, #tpu.memory_space<hbm>>, %arg5: memref<2x128xi32, #tpu.memory_space<vmem>>, %arg6: memref<128x32xi32, #tpu.memory_space<vmem>>, %arg7: memref<!tpu.dma_semaphore, #tpu.memory_space<semaphore_mem>>) attributes {dimension_semantics = [#tpu.dimension_semantics<core_parallel>, #tpu.dimension_semantics<subcore_parallel>], iteration_bounds = array<i64: 2, 16>, scalar_prefetch = 0 : i64, scratch_operands = 3 : i64, tpu.core_type = #tpu.core_type<sc_vector_subcore>, window_params = [{transform_indices = #map}, {transform_indices = #map}, {transform_indices = #map}]} {
    %mul3A = arith.constant 2 : i32
    %mul3A_0 = arith.muli %arg1, %mul3A : i32
    %add3A = arith.addi %mul3A_0, %arg0 : i32
    %mul3A_1 = arith.constant 2 : i32
    %mul3A_2 = arith.muli %add3A, %mul3A_1 : i32
    "tpu.region"() ({
      %run_scoped3A = tpu.sem_alloc : memref<!tpu.dma_semaphore, #tpu.memory_space<semaphore_mem>>
      %dma_start3A_37 = arith.constant 0 : i32
      %dma_start3A_38 = tpu.memref_slice %arg2[%mul3A_2, %dma_start3A_37] : memref<64x128xi32, #tpu.memory_space<hbm>> -> memref<2x128xi32, #tpu.memory_space<hbm>>
      %dma_start3A_39 = arith.constant 0 : i32
      %dma_start3A_40 = tpu.memref_slice %arg2[%mul3A_2, %dma_start3A_39] : memref<64x128xi32, #tpu.memory_space<hbm>> -> memref<2x128xi32, #tpu.memory_space<hbm>>
      tpu.enqueue_dma source(%dma_start3A_40 : memref<2x128xi32, #tpu.memory_space<hbm>>) target(%arg5 : memref<2x128xi32, #tpu.memory_space<vmem>>) target_semaphore(%run_scoped3A : memref<!tpu.dma_semaphore, #tpu.memory_space<semaphore_mem>>)
      %dma_wait3A_41 = arith.constant 0 : i32
      %dma_wait3A_42 = tpu.memref_slice %arg2[%mul3A_2, %dma_wait3A_41] : memref<64x128xi32, #tpu.memory_space<hbm>> -> memref<2x128xi32, #tpu.memory_space<hbm>>
      %dma_wait3A_43 = arith.constant 0 : i32
      %dma_wait3A_44 = tpu.memref_slice %arg2[%mul3A_2, %dma_wait3A_43] : memref<64x128xi32, #tpu.memory_space<hbm>> -> memref<2x128xi32, #tpu.memory_space<hbm>>
      tpu.wait_dma2 semaphore(%run_scoped3A : memref<!tpu.dma_semaphore, #tpu.memory_space<semaphore_mem>>) src(%dma_wait3A_44 : memref<2x128xi32, #tpu.memory_space<hbm>>) dst(%arg5 : memref<2x128xi32, #tpu.memory_space<vmem>>)
      tpu.yield
    }) : () -> ()
    %mul3A_3 = arith.constant 256 : i32
    %mul3A_4 = arith.muli %add3A, %mul3A_3 : i32
    %add3A_5 = arith.constant 0 : i32
    %add3A_6 = arith.addi %mul3A_4, %add3A_5 : i32
    %dma_start3A = arith.constant 0 : i32
    %dma_start3A_7 = arith.constant 0 : i32
    %dma_start3A_8 = tpu.memref_slice %arg5[%dma_start3A, %dma_start3A_7] : memref<2x128xi32, #tpu.memory_space<vmem>> -> memref<1x128xi32, #tpu.memory_space<vmem>>
    %dma_start3A_9 = tpu.memref_squeeze %dma_start3A_8 : memref<1x128xi32, #tpu.memory_space<vmem>> -> memref<128xi32, #tpu.memory_space<vmem>>
    %dma_start3A_10 = arith.constant 0 : i32
    %dma_start3A_11 = arith.constant 0 : i32
    %dma_start3A_12 = tpu.memref_slice %arg3[%dma_start3A_10, %dma_start3A_11] : memref<100000x32xi32, #tpu.memory_space<hbm>> -> memref<100000x32xi32, #tpu.memory_space<hbm>>
    tpu.enqueue_indirect_dma source(%dma_start3A_12 : memref<100000x32xi32, #tpu.memory_space<hbm>>) target(%arg6 : memref<128x32xi32, #tpu.memory_space<vmem>>) offsets(%dma_start3A_9 : memref<128xi32, #tpu.memory_space<vmem>>) semaphore(%arg7 : memref<!tpu.dma_semaphore, #tpu.memory_space<semaphore_mem>>)
    %dma_wait3A = arith.constant 0 : i32
    %dma_wait3A_13 = arith.constant 0 : i32
    %dma_wait3A_14 = tpu.memref_slice %arg5[%dma_wait3A, %dma_wait3A_13] : memref<2x128xi32, #tpu.memory_space<vmem>> -> memref<1x128xi32, #tpu.memory_space<vmem>>
    %dma_wait3A_15 = tpu.memref_squeeze %dma_wait3A_14 : memref<1x128xi32, #tpu.memory_space<vmem>> -> memref<128xi32, #tpu.memory_space<vmem>>
    %dma_wait3A_16 = arith.constant 0 : i32
    %dma_wait3A_17 = arith.constant 0 : i32
    %dma_wait3A_18 = tpu.memref_slice %arg3[%dma_wait3A_16, %dma_wait3A_17] : memref<100000x32xi32, #tpu.memory_space<hbm>> -> memref<100000x32xi32, #tpu.memory_space<hbm>>
    tpu.wait_indirect_dma semaphore(%arg7 : memref<!tpu.dma_semaphore, #tpu.memory_space<semaphore_mem>>) src(%dma_wait3A_18 : memref<100000x32xi32, #tpu.memory_space<hbm>>) dst(%arg6 : memref<128x32xi32, #tpu.memory_space<vmem>>)
    "tpu.region"() ({
      %run_scoped3A = tpu.sem_alloc : memref<!tpu.dma_semaphore, #tpu.memory_space<semaphore_mem>>
      %dma_start3A_37 = arith.constant 0 : i32
      %dma_start3A_38 = tpu.memref_slice %arg4[%add3A_6, %dma_start3A_37] : memref<8192x32xi32, #tpu.memory_space<hbm>> -> memref<128x32xi32, #tpu.memory_space<hbm>>
      %dma_start3A_39 = arith.constant 0 : i32
      %dma_start3A_40 = tpu.memref_slice %arg4[%add3A_6, %dma_start3A_39] : memref<8192x32xi32, #tpu.memory_space<hbm>> -> memref<128x32xi32, #tpu.memory_space<hbm>>
      tpu.enqueue_dma source(%arg6 : memref<128x32xi32, #tpu.memory_space<vmem>>) target(%dma_start3A_40 : memref<128x32xi32, #tpu.memory_space<hbm>>) target_semaphore(%run_scoped3A : memref<!tpu.dma_semaphore, #tpu.memory_space<semaphore_mem>>)
      %dma_wait3A_41 = arith.constant 0 : i32
      %dma_wait3A_42 = tpu.memref_slice %arg4[%add3A_6, %dma_wait3A_41] : memref<8192x32xi32, #tpu.memory_space<hbm>> -> memref<128x32xi32, #tpu.memory_space<hbm>>
      %dma_wait3A_43 = arith.constant 0 : i32
      %dma_wait3A_44 = tpu.memref_slice %arg4[%add3A_6, %dma_wait3A_43] : memref<8192x32xi32, #tpu.memory_space<hbm>> -> memref<128x32xi32, #tpu.memory_space<hbm>>
      tpu.wait_dma2 semaphore(%run_scoped3A : memref<!tpu.dma_semaphore, #tpu.memory_space<semaphore_mem>>) src(%arg6 : memref<128x32xi32, #tpu.memory_space<vmem>>) dst(%dma_wait3A_44 : memref<128x32xi32, #tpu.memory_space<hbm>>)
      tpu.yield
    }) : () -> ()
    %mul3A_19 = arith.constant 256 : i32
    %mul3A_20 = arith.muli %add3A, %mul3A_19 : i32
    %add3A_21 = arith.constant 128 : i32
    %add3A_22 = arith.addi %mul3A_20, %add3A_21 : i32
    %dma_start3A_23 = arith.constant 1 : i32
    %dma_start3A_24 = arith.constant 0 : i32
    %dma_start3A_25 = tpu.memref_slice %arg5[%dma_start3A_23, %dma_start3A_24] : memref<2x128xi32, #tpu.memory_space<vmem>> -> memref<1x128xi32, #tpu.memory_space<vmem>>
    %dma_start3A_26 = tpu.memref_squeeze %dma_start3A_25 : memref<1x128xi32, #tpu.memory_space<vmem>> -> memref<128xi32, #tpu.memory_space<vmem>>
    %dma_start3A_27 = arith.constant 0 : i32
    %dma_start3A_28 = arith.constant 0 : i32
    %dma_start3A_29 = tpu.memref_slice %arg3[%dma_start3A_27, %dma_start3A_28] : memref<100000x32xi32, #tpu.memory_space<hbm>> -> memref<100000x32xi32, #tpu.memory_space<hbm>>
    tpu.enqueue_indirect_dma source(%dma_start3A_29 : memref<100000x32xi32, #tpu.memory_space<hbm>>) target(%arg6 : memref<128x32xi32, #tpu.memory_space<vmem>>) offsets(%dma_start3A_26 : memref<128xi32, #tpu.memory_space<vmem>>) semaphore(%arg7 : memref<!tpu.dma_semaphore, #tpu.memory_space<semaphore_mem>>)
    %dma_wait3A_30 = arith.constant 1 : i32
    %dma_wait3A_31 = arith.constant 0 : i32
    %dma_wait3A_32 = tpu.memref_slice %arg5[%dma_wait3A_30, %dma_wait3A_31] : memref<2x128xi32, #tpu.memory_space<vmem>> -> memref<1x128xi32, #tpu.memory_space<vmem>>
    %dma_wait3A_33 = tpu.memref_squeeze %dma_wait3A_32 : memref<1x128xi32, #tpu.memory_space<vmem>> -> memref<128xi32, #tpu.memory_space<vmem>>
    %dma_wait3A_34 = arith.constant 0 : i32
    %dma_wait3A_35 = arith.constant 0 : i32
    %dma_wait3A_36 = tpu.memref_slice %arg3[%dma_wait3A_34, %dma_wait3A_35] : memref<100000x32xi32, #tpu.memory_space<hbm>> -> memref<100000x32xi32, #tpu.memory_space<hbm>>
    tpu.wait_indirect_dma semaphore(%arg7 : memref<!tpu.dma_semaphore, #tpu.memory_space<semaphore_mem>>) src(%dma_wait3A_36 : memref<100000x32xi32, #tpu.memory_space<hbm>>) dst(%arg6 : memref<128x32xi32, #tpu.memory_space<vmem>>)
    "tpu.region"() ({
      %run_scoped3A = tpu.sem_alloc : memref<!tpu.dma_semaphore, #tpu.memory_space<semaphore_mem>>
      %dma_start3A_37 = arith.constant 0 : i32
      %dma_start3A_38 = tpu.memref_slice %arg4[%add3A_22, %dma_start3A_37] : memref<8192x32xi32, #tpu.memory_space<hbm>> -> memref<128x32xi32, #tpu.memory_space<hbm>>
      %dma_start3A_39 = arith.constant 0 : i32
      %dma_start3A_40 = tpu.memref_slice %arg4[%add3A_22, %dma_start3A_39] : memref<8192x32xi32, #tpu.memory_space<hbm>> -> memref<128x32xi32, #tpu.memory_space<hbm>>
      tpu.enqueue_dma source(%arg6 : memref<128x32xi32, #tpu.memory_space<vmem>>) target(%dma_start3A_40 : memref<128x32xi32, #tpu.memory_space<hbm>>) target_semaphore(%run_scoped3A : memref<!tpu.dma_semaphore, #tpu.memory_space<semaphore_mem>>)
      %dma_wait3A_41 = arith.constant 0 : i32
      %dma_wait3A_42 = tpu.memref_slice %arg4[%add3A_22, %dma_wait3A_41] : memref<8192x32xi32, #tpu.memory_space<hbm>> -> memref<128x32xi32, #tpu.memory_space<hbm>>
      %dma_wait3A_43 = arith.constant 0 : i32
      %dma_wait3A_44 = tpu.memref_slice %arg4[%add3A_22, %dma_wait3A_43] : memref<8192x32xi32, #tpu.memory_space<hbm>> -> memref<128x32xi32, #tpu.memory_space<hbm>>
      tpu.wait_dma2 semaphore(%run_scoped3A : memref<!tpu.dma_semaphore, #tpu.memory_space<semaphore_mem>>) src(%arg6 : memref<128x32xi32, #tpu.memory_space<vmem>>) dst(%dma_wait3A_44 : memref<128x32xi32, #tpu.memory_space<hbm>>)
      tpu.yield
    }) : () -> ()
    return
  }
}

#map = affine_map<(d0, d1) -> (0, 0)>
module attributes {stable_mosaic.version = 14 : i64} {
  func.func @body_fn(%arg0: i32, %arg1: i32, %arg2: memref<2048x128xi32, #tpu.memory_space<hbm>>, %arg3: memref<64x128xi32, #tpu.memory_space<hbm>>, %arg4: memref<100000x128xf32, #tpu.memory_space<hbm>>, %arg5: memref<65536x128xf32, #tpu.memory_space<hbm>>, %arg6: memref<2048x128xf32, #tpu.memory_space<hbm>>, %arg7: memref<16x128xi32, #tpu.memory_space<vmem>>, %arg8: memref<1x128xi32, #tpu.memory_space<vmem>>, %arg9: memref<128x128xf32, #tpu.memory_space<vmem>>, %arg10: memref<128x128xf32, #tpu.memory_space<vmem>>, %arg11: memref<128x128xf32, #tpu.memory_space<vmem>>, %arg12: memref<128x128xf32, #tpu.memory_space<vmem>>, %arg13: memref<128x128xf32, #tpu.memory_space<vmem>>, %arg14: memref<!tpu.dma_semaphore, #tpu.memory_space<semaphore_mem>>, %arg15: memref<!tpu.dma_semaphore, #tpu.memory_space<semaphore_mem>>, %arg16: memref<!tpu.dma_semaphore, #tpu.memory_space<semaphore_mem>>, %arg17: memref<!tpu.dma_semaphore, #tpu.memory_space<semaphore_mem>>, %arg18: memref<!tpu.dma_semaphore, #tpu.memory_space<semaphore_mem>>, %arg19: memref<!tpu.dma_semaphore, #tpu.memory_space<semaphore_mem>>, %arg20: memref<!tpu.dma_semaphore, #tpu.memory_space<semaphore_mem>>, %arg21: memref<!tpu.dma_semaphore, #tpu.memory_space<semaphore_mem>>, %arg22: memref<!tpu.dma_semaphore, #tpu.memory_space<semaphore_mem>>) attributes {dimension_semantics = [#tpu.dimension_semantics<core_parallel>, #tpu.dimension_semantics<subcore_parallel>], iteration_bounds = array<i64: 2, 16>, scalar_prefetch = 0 : i64, scratch_operands = 16 : i64, tpu.core_type = #tpu.core_type<sc_vector_subcore>, window_params = [{transform_indices = #map}, {transform_indices = #map}, {transform_indices = #map}, {transform_indices = #map}, {transform_indices = #map}]} {
    %mul3A = arith.constant 2 : i32
    %mul3A_0 = arith.muli %arg1, %mul3A : i32
    %add3A = arith.addi %mul3A_0, %arg0 : i32
    %mul3A_1 = arith.constant 16 : i32
    %mul3A_2 = arith.muli %add3A, %mul3A_1 : i32
    %add3A_3 = arith.constant 1024 : i32
    %add3A_4 = arith.addi %add3A_3, %mul3A_2 : i32
    "tpu.region"() ({
      %run_scoped3A = tpu.sem_alloc : memref<!tpu.dma_semaphore, #tpu.memory_space<semaphore_mem>>
      %dma_start3A_64 = arith.constant 0 : i32
      %dma_start3A_65 = tpu.memref_slice %arg2[%add3A_4, %dma_start3A_64] : memref<2048x128xi32, #tpu.memory_space<hbm>> -> memref<16x128xi32, #tpu.memory_space<hbm>>
      %dma_start3A_66 = arith.constant 0 : i32
      %dma_start3A_67 = tpu.memref_slice %arg2[%add3A_4, %dma_start3A_66] : memref<2048x128xi32, #tpu.memory_space<hbm>> -> memref<16x128xi32, #tpu.memory_space<hbm>>
      tpu.enqueue_dma source(%dma_start3A_67 : memref<16x128xi32, #tpu.memory_space<hbm>>) target(%arg7 : memref<16x128xi32, #tpu.memory_space<vmem>>) target_semaphore(%run_scoped3A : memref<!tpu.dma_semaphore, #tpu.memory_space<semaphore_mem>>)
      %dma_wait3A_68 = arith.constant 0 : i32
      %dma_wait3A_69 = tpu.memref_slice %arg2[%add3A_4, %dma_wait3A_68] : memref<2048x128xi32, #tpu.memory_space<hbm>> -> memref<16x128xi32, #tpu.memory_space<hbm>>
      %dma_wait3A_70 = arith.constant 0 : i32
      %dma_wait3A_71 = tpu.memref_slice %arg2[%add3A_4, %dma_wait3A_70] : memref<2048x128xi32, #tpu.memory_space<hbm>> -> memref<16x128xi32, #tpu.memory_space<hbm>>
      tpu.wait_dma2 semaphore(%run_scoped3A : memref<!tpu.dma_semaphore, #tpu.memory_space<semaphore_mem>>) src(%dma_wait3A_71 : memref<16x128xi32, #tpu.memory_space<hbm>>) dst(%arg7 : memref<16x128xi32, #tpu.memory_space<vmem>>)
      tpu.yield
    }) : () -> ()
    %mul3A_5 = arith.constant 2048 : i32
    %mul3A_6 = arith.muli %add3A, %mul3A_5 : i32
    %lt3A = arith.constant 16 : i32
    %lt3A_7 = arith.cmpi slt, %add3A, %lt3A : i32
    %convert_element_type3A = arith.extui %lt3A_7 : i1 to i32
    %cond3A = arith.constant 0 : i32
    %cond3A_8 = arith.cmpi ne, %convert_element_type3A, %cond3A : i32
    scf.if %cond3A_8 {
      %add3A_64 = arith.constant 32 : i32
      %add3A_65 = arith.addi %add3A_64, %add3A : i32
      "tpu.region"() ({
        %run_scoped3A = tpu.sem_alloc : memref<!tpu.dma_semaphore, #tpu.memory_space<semaphore_mem>>
        %dma_start3A_82 = arith.constant 0 : i32
        %dma_start3A_83 = tpu.memref_slice %arg3[%add3A_65, %dma_start3A_82] : memref<64x128xi32, #tpu.memory_space<hbm>> -> memref<1x128xi32, #tpu.memory_space<hbm>>
        %dma_start3A_84 = arith.constant 0 : i32
        %dma_start3A_85 = tpu.memref_slice %arg3[%add3A_65, %dma_start3A_84] : memref<64x128xi32, #tpu.memory_space<hbm>> -> memref<1x128xi32, #tpu.memory_space<hbm>>
        tpu.enqueue_dma source(%dma_start3A_85 : memref<1x128xi32, #tpu.memory_space<hbm>>) target(%arg8 : memref<1x128xi32, #tpu.memory_space<vmem>>) target_semaphore(%run_scoped3A : memref<!tpu.dma_semaphore, #tpu.memory_space<semaphore_mem>>)
        %dma_wait3A_86 = arith.constant 0 : i32
        %dma_wait3A_87 = tpu.memref_slice %arg3[%add3A_65, %dma_wait3A_86] : memref<64x128xi32, #tpu.memory_space<hbm>> -> memref<1x128xi32, #tpu.memory_space<hbm>>
        %dma_wait3A_88 = arith.constant 0 : i32
        %dma_wait3A_89 = tpu.memref_slice %arg3[%add3A_65, %dma_wait3A_88] : memref<64x128xi32, #tpu.memory_space<hbm>> -> memref<1x128xi32, #tpu.memory_space<hbm>>
        tpu.wait_dma2 semaphore(%run_scoped3A : memref<!tpu.dma_semaphore, #tpu.memory_space<semaphore_mem>>) src(%dma_wait3A_89 : memref<1x128xi32, #tpu.memory_space<hbm>>) dst(%arg8 : memref<1x128xi32, #tpu.memory_space<vmem>>)
        tpu.yield
      }) : () -> ()
      %dma_start3A_66 = arith.constant 0 : i32
      %dma_start3A_67 = arith.constant 0 : i32
      %dma_start3A_68 = tpu.memref_slice %arg8[%dma_start3A_66, %dma_start3A_67] : memref<1x128xi32, #tpu.memory_space<vmem>> -> memref<1x128xi32, #tpu.memory_space<vmem>>
      %dma_start3A_69 = tpu.memref_squeeze %dma_start3A_68 : memref<1x128xi32, #tpu.memory_space<vmem>> -> memref<128xi32, #tpu.memory_space<vmem>>
      %dma_start3A_70 = arith.constant 0 : i32
      %dma_start3A_71 = arith.constant 0 : i32
      %dma_start3A_72 = tpu.memref_slice %arg4[%dma_start3A_70, %dma_start3A_71] : memref<100000x128xf32, #tpu.memory_space<hbm>> -> memref<100000x128xf32, #tpu.memory_space<hbm>>
      tpu.enqueue_indirect_dma source(%dma_start3A_72 : memref<100000x128xf32, #tpu.memory_space<hbm>>) target(%arg9 : memref<128x128xf32, #tpu.memory_space<vmem>>) offsets(%dma_start3A_69 : memref<128xi32, #tpu.memory_space<vmem>>) semaphore(%arg22 : memref<!tpu.dma_semaphore, #tpu.memory_space<semaphore_mem>>)
      %dma_wait3A_73 = arith.constant 0 : i32
      %dma_wait3A_74 = arith.constant 0 : i32
      %dma_wait3A_75 = tpu.memref_slice %arg8[%dma_wait3A_73, %dma_wait3A_74] : memref<1x128xi32, #tpu.memory_space<vmem>> -> memref<1x128xi32, #tpu.memory_space<vmem>>
      %dma_wait3A_76 = tpu.memref_squeeze %dma_wait3A_75 : memref<1x128xi32, #tpu.memory_space<vmem>> -> memref<128xi32, #tpu.memory_space<vmem>>
      %dma_wait3A_77 = arith.constant 0 : i32
      %dma_wait3A_78 = arith.constant 0 : i32
      %dma_wait3A_79 = tpu.memref_slice %arg4[%dma_wait3A_77, %dma_wait3A_78] : memref<100000x128xf32, #tpu.memory_space<hbm>> -> memref<100000x128xf32, #tpu.memory_space<hbm>>
      tpu.wait_indirect_dma semaphore(%arg22 : memref<!tpu.dma_semaphore, #tpu.memory_space<semaphore_mem>>) src(%dma_wait3A_79 : memref<100000x128xf32, #tpu.memory_space<hbm>>) dst(%arg9 : memref<128x128xf32, #tpu.memory_space<vmem>>)
      %mul3A_80 = arith.constant 128 : i32
      %mul3A_81 = arith.muli %add3A, %mul3A_80 : i32
      "tpu.region"() ({
        %run_scoped3A = tpu.sem_alloc : memref<!tpu.dma_semaphore, #tpu.memory_space<semaphore_mem>>
        %dma_start3A_82 = arith.constant 0 : i32
        %dma_start3A_83 = tpu.memref_slice %arg6[%mul3A_81, %dma_start3A_82] : memref<2048x128xf32, #tpu.memory_space<hbm>> -> memref<128x128xf32, #tpu.memory_space<hbm>>
        %dma_start3A_84 = arith.constant 0 : i32
        %dma_start3A_85 = tpu.memref_slice %arg6[%mul3A_81, %dma_start3A_84] : memref<2048x128xf32, #tpu.memory_space<hbm>> -> memref<128x128xf32, #tpu.memory_space<hbm>>
        tpu.enqueue_dma source(%arg9 : memref<128x128xf32, #tpu.memory_space<vmem>>) target(%dma_start3A_85 : memref<128x128xf32, #tpu.memory_space<hbm>>) target_semaphore(%run_scoped3A : memref<!tpu.dma_semaphore, #tpu.memory_space<semaphore_mem>>)
        %dma_wait3A_86 = arith.constant 0 : i32
        %dma_wait3A_87 = tpu.memref_slice %arg6[%mul3A_81, %dma_wait3A_86] : memref<2048x128xf32, #tpu.memory_space<hbm>> -> memref<128x128xf32, #tpu.memory_space<hbm>>
        %dma_wait3A_88 = arith.constant 0 : i32
        %dma_wait3A_89 = tpu.memref_slice %arg6[%mul3A_81, %dma_wait3A_88] : memref<2048x128xf32, #tpu.memory_space<hbm>> -> memref<128x128xf32, #tpu.memory_space<hbm>>
        tpu.wait_dma2 semaphore(%run_scoped3A : memref<!tpu.dma_semaphore, #tpu.memory_space<semaphore_mem>>) src(%arg9 : memref<128x128xf32, #tpu.memory_space<vmem>>) dst(%dma_wait3A_89 : memref<128x128xf32, #tpu.memory_space<hbm>>)
        tpu.yield
      }) : () -> ()
    } else {
    }
    %dma_start3A = arith.constant 0 : i32
    %dma_start3A_9 = arith.constant 0 : i32
    %dma_start3A_10 = tpu.memref_slice %arg7[%dma_start3A, %dma_start3A_9] : memref<16x128xi32, #tpu.memory_space<vmem>> -> memref<1x128xi32, #tpu.memory_space<vmem>>
    %dma_start3A_11 = tpu.memref_squeeze %dma_start3A_10 : memref<1x128xi32, #tpu.memory_space<vmem>> -> memref<128xi32, #tpu.memory_space<vmem>>
    %dma_start3A_12 = arith.constant 0 : i32
    %dma_start3A_13 = arith.constant 0 : i32
    %dma_start3A_14 = tpu.memref_slice %arg4[%dma_start3A_12, %dma_start3A_13] : memref<100000x128xf32, #tpu.memory_space<hbm>> -> memref<100000x128xf32, #tpu.memory_space<hbm>>
    tpu.enqueue_indirect_dma source(%dma_start3A_14 : memref<100000x128xf32, #tpu.memory_space<hbm>>) target(%arg10 : memref<128x128xf32, #tpu.memory_space<vmem>>) offsets(%dma_start3A_11 : memref<128xi32, #tpu.memory_space<vmem>>) semaphore(%arg14 : memref<!tpu.dma_semaphore, #tpu.memory_space<semaphore_mem>>)
    %dma_start3A_15 = arith.constant 1 : i32
    %dma_start3A_16 = arith.constant 0 : i32
    %dma_start3A_17 = tpu.memref_slice %arg7[%dma_start3A_15, %dma_start3A_16] : memref<16x128xi32, #tpu.memory_space<vmem>> -> memref<1x128xi32, #tpu.memory_space<vmem>>
    %dma_start3A_18 = tpu.memref_squeeze %dma_start3A_17 : memref<1x128xi32, #tpu.memory_space<vmem>> -> memref<128xi32, #tpu.memory_space<vmem>>
    %dma_start3A_19 = arith.constant 0 : i32
    %dma_start3A_20 = arith.constant 0 : i32
    %dma_start3A_21 = tpu.memref_slice %arg4[%dma_start3A_19, %dma_start3A_20] : memref<100000x128xf32, #tpu.memory_space<hbm>> -> memref<100000x128xf32, #tpu.memory_space<hbm>>
    tpu.enqueue_indirect_dma source(%dma_start3A_21 : memref<100000x128xf32, #tpu.memory_space<hbm>>) target(%arg11 : memref<128x128xf32, #tpu.memory_space<vmem>>) offsets(%dma_start3A_18 : memref<128xi32, #tpu.memory_space<vmem>>) semaphore(%arg15 : memref<!tpu.dma_semaphore, #tpu.memory_space<semaphore_mem>>)
    %dma_start3A_22 = arith.constant 2 : i32
    %dma_start3A_23 = arith.constant 0 : i32
    %dma_start3A_24 = tpu.memref_slice %arg7[%dma_start3A_22, %dma_start3A_23] : memref<16x128xi32, #tpu.memory_space<vmem>> -> memref<1x128xi32, #tpu.memory_space<vmem>>
    %dma_start3A_25 = tpu.memref_squeeze %dma_start3A_24 : memref<1x128xi32, #tpu.memory_space<vmem>> -> memref<128xi32, #tpu.memory_space<vmem>>
    %dma_start3A_26 = arith.constant 0 : i32
    %dma_start3A_27 = arith.constant 0 : i32
    %dma_start3A_28 = tpu.memref_slice %arg4[%dma_start3A_26, %dma_start3A_27] : memref<100000x128xf32, #tpu.memory_space<hbm>> -> memref<100000x128xf32, #tpu.memory_space<hbm>>
    tpu.enqueue_indirect_dma source(%dma_start3A_28 : memref<100000x128xf32, #tpu.memory_space<hbm>>) target(%arg12 : memref<128x128xf32, #tpu.memory_space<vmem>>) offsets(%dma_start3A_25 : memref<128xi32, #tpu.memory_space<vmem>>) semaphore(%arg16 : memref<!tpu.dma_semaphore, #tpu.memory_space<semaphore_mem>>)
    %dma_start3A_29 = arith.constant 3 : i32
    %dma_start3A_30 = arith.constant 0 : i32
    %dma_start3A_31 = tpu.memref_slice %arg7[%dma_start3A_29, %dma_start3A_30] : memref<16x128xi32, #tpu.memory_space<vmem>> -> memref<1x128xi32, #tpu.memory_space<vmem>>
    %dma_start3A_32 = tpu.memref_squeeze %dma_start3A_31 : memref<1x128xi32, #tpu.memory_space<vmem>> -> memref<128xi32, #tpu.memory_space<vmem>>
    %dma_start3A_33 = arith.constant 0 : i32
    %dma_start3A_34 = arith.constant 0 : i32
    %dma_start3A_35 = tpu.memref_slice %arg4[%dma_start3A_33, %dma_start3A_34] : memref<100000x128xf32, #tpu.memory_space<hbm>> -> memref<100000x128xf32, #tpu.memory_space<hbm>>
    tpu.enqueue_indirect_dma source(%dma_start3A_35 : memref<100000x128xf32, #tpu.memory_space<hbm>>) target(%arg13 : memref<128x128xf32, #tpu.memory_space<vmem>>) offsets(%dma_start3A_32 : memref<128xi32, #tpu.memory_space<vmem>>) semaphore(%arg17 : memref<!tpu.dma_semaphore, #tpu.memory_space<semaphore_mem>>)
    %scan3A = arith.constant 0 : i32
    %scan3A_36 = arith.constant 0 : i32
    %scan3A_37 = arith.constant 4 : i32
    %scan3A_38 = arith.addi %scan3A_36, %scan3A_37 : i32
    %scan3A_39 = arith.constant 1 : i32
    scf.for %scan3A_64 = %scan3A_36 to %scan3A_38 step %scan3A_39  : i32 {
      %mul3A_65 = arith.constant 4 : i32
      %mul3A_66 = arith.muli %scan3A_64, %mul3A_65 : i32
      %add3A_67 = arith.constant 0 : i32
      %add3A_68 = arith.addi %mul3A_66, %add3A_67 : i32
      %dma_wait3A_69 = arith.constant 0 : i32
      %dma_wait3A_70 = tpu.memref_slice %arg7[%add3A_68, %dma_wait3A_69] : memref<16x128xi32, #tpu.memory_space<vmem>> -> memref<1x128xi32, #tpu.memory_space<vmem>>
      %dma_wait3A_71 = tpu.memref_squeeze %dma_wait3A_70 : memref<1x128xi32, #tpu.memory_space<vmem>> -> memref<128xi32, #tpu.memory_space<vmem>>
      %dma_wait3A_72 = arith.constant 0 : i32
      %dma_wait3A_73 = arith.constant 0 : i32
      %dma_wait3A_74 = tpu.memref_slice %arg4[%dma_wait3A_72, %dma_wait3A_73] : memref<100000x128xf32, #tpu.memory_space<hbm>> -> memref<100000x128xf32, #tpu.memory_space<hbm>>
      tpu.wait_indirect_dma semaphore(%arg14 : memref<!tpu.dma_semaphore, #tpu.memory_space<semaphore_mem>>) src(%dma_wait3A_74 : memref<100000x128xf32, #tpu.memory_space<hbm>>) dst(%arg10 : memref<128x128xf32, #tpu.memory_space<vmem>>)
      %mul3A_75 = arith.constant 128 : i32
      %mul3A_76 = arith.muli %add3A_68, %mul3A_75 : i32
      %add3A_77 = arith.addi %mul3A_6, %mul3A_76 : i32
      %dma_start3A_78 = arith.constant 0 : i32
      %dma_start3A_79 = tpu.memref_slice %arg5[%add3A_77, %dma_start3A_78] : memref<65536x128xf32, #tpu.memory_space<hbm>> -> memref<128x128xf32, #tpu.memory_space<hbm>>
      %dma_start3A_80 = arith.constant 0 : i32
      %dma_start3A_81 = tpu.memref_slice %arg5[%add3A_77, %dma_start3A_80] : memref<65536x128xf32, #tpu.memory_space<hbm>> -> memref<128x128xf32, #tpu.memory_space<hbm>>
      tpu.enqueue_dma source(%arg10 : memref<128x128xf32, #tpu.memory_space<vmem>>) target(%dma_start3A_81 : memref<128x128xf32, #tpu.memory_space<hbm>>) target_semaphore(%arg18 : memref<!tpu.dma_semaphore, #tpu.memory_space<semaphore_mem>>)
      %add3A_82 = arith.constant 1 : i32
      %add3A_83 = arith.addi %mul3A_66, %add3A_82 : i32
      %dma_wait3A_84 = arith.constant 0 : i32
      %dma_wait3A_85 = tpu.memref_slice %arg7[%add3A_83, %dma_wait3A_84] : memref<16x128xi32, #tpu.memory_space<vmem>> -> memref<1x128xi32, #tpu.memory_space<vmem>>
      %dma_wait3A_86 = tpu.memref_squeeze %dma_wait3A_85 : memref<1x128xi32, #tpu.memory_space<vmem>> -> memref<128xi32, #tpu.memory_space<vmem>>
      %dma_wait3A_87 = arith.constant 0 : i32
      %dma_wait3A_88 = arith.constant 0 : i32
      %dma_wait3A_89 = tpu.memref_slice %arg4[%dma_wait3A_87, %dma_wait3A_88] : memref<100000x128xf32, #tpu.memory_space<hbm>> -> memref<100000x128xf32, #tpu.memory_space<hbm>>
      tpu.wait_indirect_dma semaphore(%arg15 : memref<!tpu.dma_semaphore, #tpu.memory_space<semaphore_mem>>) src(%dma_wait3A_89 : memref<100000x128xf32, #tpu.memory_space<hbm>>) dst(%arg11 : memref<128x128xf32, #tpu.memory_space<vmem>>)
      %mul3A_90 = arith.constant 128 : i32
      %mul3A_91 = arith.muli %add3A_83, %mul3A_90 : i32
      %add3A_92 = arith.addi %mul3A_6, %mul3A_91 : i32
      %dma_start3A_93 = arith.constant 0 : i32
      %dma_start3A_94 = tpu.memref_slice %arg5[%add3A_92, %dma_start3A_93] : memref<65536x128xf32, #tpu.memory_space<hbm>> -> memref<128x128xf32, #tpu.memory_space<hbm>>
      %dma_start3A_95 = arith.constant 0 : i32
      %dma_start3A_96 = tpu.memref_slice %arg5[%add3A_92, %dma_start3A_95] : memref<65536x128xf32, #tpu.memory_space<hbm>> -> memref<128x128xf32, #tpu.memory_space<hbm>>
      tpu.enqueue_dma source(%arg11 : memref<128x128xf32, #tpu.memory_space<vmem>>) target(%dma_start3A_96 : memref<128x128xf32, #tpu.memory_space<hbm>>) target_semaphore(%arg19 : memref<!tpu.dma_semaphore, #tpu.memory_space<semaphore_mem>>)
      %add3A_97 = arith.constant 2 : i32
      %add3A_98 = arith.addi %mul3A_66, %add3A_97 : i32
      %dma_wait3A_99 = arith.constant 0 : i32
      %dma_wait3A_100 = tpu.memref_slice %arg7[%add3A_98, %dma_wait3A_99] : memref<16x128xi32, #tpu.memory_space<vmem>> -> memref<1x128xi32, #tpu.memory_space<vmem>>
      %dma_wait3A_101 = tpu.memref_squeeze %dma_wait3A_100 : memref<1x128xi32, #tpu.memory_space<vmem>> -> memref<128xi32, #tpu.memory_space<vmem>>
      %dma_wait3A_102 = arith.constant 0 : i32
      %dma_wait3A_103 = arith.constant 0 : i32
      %dma_wait3A_104 = tpu.memref_slice %arg4[%dma_wait3A_102, %dma_wait3A_103] : memref<100000x128xf32, #tpu.memory_space<hbm>> -> memref<100000x128xf32, #tpu.memory_space<hbm>>
      tpu.wait_indirect_dma semaphore(%arg16 : memref<!tpu.dma_semaphore, #tpu.memory_space<semaphore_mem>>) src(%dma_wait3A_104 : memref<100000x128xf32, #tpu.memory_space<hbm>>) dst(%arg12 : memref<128x128xf32, #tpu.memory_space<vmem>>)
      %mul3A_105 = arith.constant 128 : i32
      %mul3A_106 = arith.muli %add3A_98, %mul3A_105 : i32
      %add3A_107 = arith.addi %mul3A_6, %mul3A_106 : i32
      %dma_start3A_108 = arith.constant 0 : i32
      %dma_start3A_109 = tpu.memref_slice %arg5[%add3A_107, %dma_start3A_108] : memref<65536x128xf32, #tpu.memory_space<hbm>> -> memref<128x128xf32, #tpu.memory_space<hbm>>
      %dma_start3A_110 = arith.constant 0 : i32
      %dma_start3A_111 = tpu.memref_slice %arg5[%add3A_107, %dma_start3A_110] : memref<65536x128xf32, #tpu.memory_space<hbm>> -> memref<128x128xf32, #tpu.memory_space<hbm>>
      tpu.enqueue_dma source(%arg12 : memref<128x128xf32, #tpu.memory_space<vmem>>) target(%dma_start3A_111 : memref<128x128xf32, #tpu.memory_space<hbm>>) target_semaphore(%arg20 : memref<!tpu.dma_semaphore, #tpu.memory_space<semaphore_mem>>)
      %add3A_112 = arith.constant 3 : i32
      %add3A_113 = arith.addi %mul3A_66, %add3A_112 : i32
      %dma_wait3A_114 = arith.constant 0 : i32
      %dma_wait3A_115 = tpu.memref_slice %arg7[%add3A_113, %dma_wait3A_114] : memref<16x128xi32, #tpu.memory_space<vmem>> -> memref<1x128xi32, #tpu.memory_space<vmem>>
      %dma_wait3A_116 = tpu.memref_squeeze %dma_wait3A_115 : memref<1x128xi32, #tpu.memory_space<vmem>> -> memref<128xi32, #tpu.memory_space<vmem>>
      %dma_wait3A_117 = arith.constant 0 : i32
      %dma_wait3A_118 = arith.constant 0 : i32
      %dma_wait3A_119 = tpu.memref_slice %arg4[%dma_wait3A_117, %dma_wait3A_118] : memref<100000x128xf32, #tpu.memory_space<hbm>> -> memref<100000x128xf32, #tpu.memory_space<hbm>>
      tpu.wait_indirect_dma semaphore(%arg17 : memref<!tpu.dma_semaphore, #tpu.memory_space<semaphore_mem>>) src(%dma_wait3A_119 : memref<100000x128xf32, #tpu.memory_space<hbm>>) dst(%arg13 : memref<128x128xf32, #tpu.memory_space<vmem>>)
      %mul3A_120 = arith.constant 128 : i32
      %mul3A_121 = arith.muli %add3A_113, %mul3A_120 : i32
      %add3A_122 = arith.addi %mul3A_6, %mul3A_121 : i32
      %dma_start3A_123 = arith.constant 0 : i32
      %dma_start3A_124 = tpu.memref_slice %arg5[%add3A_122, %dma_start3A_123] : memref<65536x128xf32, #tpu.memory_space<hbm>> -> memref<128x128xf32, #tpu.memory_space<hbm>>
      %dma_start3A_125 = arith.constant 0 : i32
      %dma_start3A_126 = tpu.memref_slice %arg5[%add3A_122, %dma_start3A_125] : memref<65536x128xf32, #tpu.memory_space<hbm>> -> memref<128x128xf32, #tpu.memory_space<hbm>>
      tpu.enqueue_dma source(%arg13 : memref<128x128xf32, #tpu.memory_space<vmem>>) target(%dma_start3A_126 : memref<128x128xf32, #tpu.memory_space<hbm>>) target_semaphore(%arg21 : memref<!tpu.dma_semaphore, #tpu.memory_space<semaphore_mem>>)
      %add3A_127 = arith.constant 4 : i32
      %add3A_128 = arith.addi %mul3A_66, %add3A_127 : i32
      %add3A_129 = arith.constant 0 : i32
      %add3A_130 = arith.addi %add3A_128, %add3A_129 : i32
      %lt3A_131 = arith.constant 16 : i32
      %lt3A_132 = arith.cmpi slt, %add3A_130, %lt3A_131 : i32
      %convert_element_type3A_133 = arith.extui %lt3A_132 : i1 to i32
      %cond3A_134 = arith.constant 0 : i32
      %cond3A_135 = arith.cmpi ne, %convert_element_type3A_133, %cond3A_134 : i32
      scf.if %cond3A_135 {
        %sub3A = arith.constant 4 : i32
        %sub3A_163 = arith.subi %add3A_130, %sub3A : i32
        %mul3A_164 = arith.constant 128 : i32
        %mul3A_165 = arith.muli %sub3A_163, %mul3A_164 : i32
        %add3A_166 = arith.addi %mul3A_6, %mul3A_165 : i32
        %dma_wait3A_167 = arith.constant 0 : i32
        %dma_wait3A_168 = tpu.memref_slice %arg5[%add3A_166, %dma_wait3A_167] : memref<65536x128xf32, #tpu.memory_space<hbm>> -> memref<128x128xf32, #tpu.memory_space<hbm>>
        %dma_wait3A_169 = arith.constant 0 : i32
        %dma_wait3A_170 = tpu.memref_slice %arg5[%add3A_166, %dma_wait3A_169] : memref<65536x128xf32, #tpu.memory_space<hbm>> -> memref<128x128xf32, #tpu.memory_space<hbm>>
        tpu.wait_dma2 semaphore(%arg18 : memref<!tpu.dma_semaphore, #tpu.memory_space<semaphore_mem>>) src(%arg10 : memref<128x128xf32, #tpu.memory_space<vmem>>) dst(%dma_wait3A_170 : memref<128x128xf32, #tpu.memory_space<hbm>>)
        %dma_start3A_171 = arith.constant 0 : i32
        %dma_start3A_172 = tpu.memref_slice %arg7[%add3A_130, %dma_start3A_171] : memref<16x128xi32, #tpu.memory_space<vmem>> -> memref<1x128xi32, #tpu.memory_space<vmem>>
        %dma_start3A_173 = tpu.memref_squeeze %dma_start3A_172 : memref<1x128xi32, #tpu.memory_space<vmem>> -> memref<128xi32, #tpu.memory_space<vmem>>
        %dma_start3A_174 = arith.constant 0 : i32
        %dma_start3A_175 = arith.constant 0 : i32
        %dma_start3A_176 = tpu.memref_slice %arg4[%dma_start3A_174, %dma_start3A_175] : memref<100000x128xf32, #tpu.memory_space<hbm>> -> memref<100000x128xf32, #tpu.memory_space<hbm>>
        tpu.enqueue_indirect_dma source(%dma_start3A_176 : memref<100000x128xf32, #tpu.memory_space<hbm>>) target(%arg10 : memref<128x128xf32, #tpu.memory_space<vmem>>) offsets(%dma_start3A_173 : memref<128xi32, #tpu.memory_space<vmem>>) semaphore(%arg14 : memref<!tpu.dma_semaphore, #tpu.memory_space<semaphore_mem>>)
      } else {
      }
      %add3A_136 = arith.constant 4 : i32
      %add3A_137 = arith.addi %mul3A_66, %add3A_136 : i32
      %add3A_138 = arith.constant 1 : i32
      %add3A_139 = arith.addi %add3A_137, %add3A_138 : i32
      %lt3A_140 = arith.constant 16 : i32
      %lt3A_141 = arith.cmpi slt, %add3A_139, %lt3A_140 : i32
      %convert_element_type3A_142 = arith.extui %lt3A_141 : i1 to i32
      %cond3A_143 = arith.constant 0 : i32
      %cond3A_144 = arith.cmpi ne, %convert_element_type3A_142, %cond3A_143 : i32
      scf.if %cond3A_144 {
        %sub3A = arith.constant 4 : i32
        %sub3A_163 = arith.subi %add3A_139, %sub3A : i32
        %mul3A_164 = arith.constant 128 : i32
        %mul3A_165 = arith.muli %sub3A_163, %mul3A_164 : i32
        %add3A_166 = arith.addi %mul3A_6, %mul3A_165 : i32
        %dma_wait3A_167 = arith.constant 0 : i32
        %dma_wait3A_168 = tpu.memref_slice %arg5[%add3A_166, %dma_wait3A_167] : memref<65536x128xf32, #tpu.memory_space<hbm>> -> memref<128x128xf32, #tpu.memory_space<hbm>>
        %dma_wait3A_169 = arith.constant 0 : i32
        %dma_wait3A_170 = tpu.memref_slice %arg5[%add3A_166, %dma_wait3A_169] : memref<65536x128xf32, #tpu.memory_space<hbm>> -> memref<128x128xf32, #tpu.memory_space<hbm>>
        tpu.wait_dma2 semaphore(%arg19 : memref<!tpu.dma_semaphore, #tpu.memory_space<semaphore_mem>>) src(%arg11 : memref<128x128xf32, #tpu.memory_space<vmem>>) dst(%dma_wait3A_170 : memref<128x128xf32, #tpu.memory_space<hbm>>)
        %dma_start3A_171 = arith.constant 0 : i32
        %dma_start3A_172 = tpu.memref_slice %arg7[%add3A_139, %dma_start3A_171] : memref<16x128xi32, #tpu.memory_space<vmem>> -> memref<1x128xi32, #tpu.memory_space<vmem>>
        %dma_start3A_173 = tpu.memref_squeeze %dma_start3A_172 : memref<1x128xi32, #tpu.memory_space<vmem>> -> memref<128xi32, #tpu.memory_space<vmem>>
        %dma_start3A_174 = arith.constant 0 : i32
        %dma_start3A_175 = arith.constant 0 : i32
        %dma_start3A_176 = tpu.memref_slice %arg4[%dma_start3A_174, %dma_start3A_175] : memref<100000x128xf32, #tpu.memory_space<hbm>> -> memref<100000x128xf32, #tpu.memory_space<hbm>>
        tpu.enqueue_indirect_dma source(%dma_start3A_176 : memref<100000x128xf32, #tpu.memory_space<hbm>>) target(%arg11 : memref<128x128xf32, #tpu.memory_space<vmem>>) offsets(%dma_start3A_173 : memref<128xi32, #tpu.memory_space<vmem>>) semaphore(%arg15 : memref<!tpu.dma_semaphore, #tpu.memory_space<semaphore_mem>>)
      } else {
      }
      %add3A_145 = arith.constant 4 : i32
      %add3A_146 = arith.addi %mul3A_66, %add3A_145 : i32
      %add3A_147 = arith.constant 2 : i32
      %add3A_148 = arith.addi %add3A_146, %add3A_147 : i32
      %lt3A_149 = arith.constant 16 : i32
      %lt3A_150 = arith.cmpi slt, %add3A_148, %lt3A_149 : i32
      %convert_element_type3A_151 = arith.extui %lt3A_150 : i1 to i32
      %cond3A_152 = arith.constant 0 : i32
      %cond3A_153 = arith.cmpi ne, %convert_element_type3A_151, %cond3A_152 : i32
      scf.if %cond3A_153 {
        %sub3A = arith.constant 4 : i32
        %sub3A_163 = arith.subi %add3A_148, %sub3A : i32
        %mul3A_164 = arith.constant 128 : i32
        %mul3A_165 = arith.muli %sub3A_163, %mul3A_164 : i32
        %add3A_166 = arith.addi %mul3A_6, %mul3A_165 : i32
        %dma_wait3A_167 = arith.constant 0 : i32
        %dma_wait3A_168 = tpu.memref_slice %arg5[%add3A_166, %dma_wait3A_167] : memref<65536x128xf32, #tpu.memory_space<hbm>> -> memref<128x128xf32, #tpu.memory_space<hbm>>
        %dma_wait3A_169 = arith.constant 0 : i32
        %dma_wait3A_170 = tpu.memref_slice %arg5[%add3A_166, %dma_wait3A_169] : memref<65536x128xf32, #tpu.memory_space<hbm>> -> memref<128x128xf32, #tpu.memory_space<hbm>>
        tpu.wait_dma2 semaphore(%arg20 : memref<!tpu.dma_semaphore, #tpu.memory_space<semaphore_mem>>) src(%arg12 : memref<128x128xf32, #tpu.memory_space<vmem>>) dst(%dma_wait3A_170 : memref<128x128xf32, #tpu.memory_space<hbm>>)
        %dma_start3A_171 = arith.constant 0 : i32
        %dma_start3A_172 = tpu.memref_slice %arg7[%add3A_148, %dma_start3A_171] : memref<16x128xi32, #tpu.memory_space<vmem>> -> memref<1x128xi32, #tpu.memory_space<vmem>>
        %dma_start3A_173 = tpu.memref_squeeze %dma_start3A_172 : memref<1x128xi32, #tpu.memory_space<vmem>> -> memref<128xi32, #tpu.memory_space<vmem>>
        %dma_start3A_174 = arith.constant 0 : i32
        %dma_start3A_175 = arith.constant 0 : i32
        %dma_start3A_176 = tpu.memref_slice %arg4[%dma_start3A_174, %dma_start3A_175] : memref<100000x128xf32, #tpu.memory_space<hbm>> -> memref<100000x128xf32, #tpu.memory_space<hbm>>
        tpu.enqueue_indirect_dma source(%dma_start3A_176 : memref<100000x128xf32, #tpu.memory_space<hbm>>) target(%arg12 : memref<128x128xf32, #tpu.memory_space<vmem>>) offsets(%dma_start3A_173 : memref<128xi32, #tpu.memory_space<vmem>>) semaphore(%arg16 : memref<!tpu.dma_semaphore, #tpu.memory_space<semaphore_mem>>)
      } else {
      }
      %add3A_154 = arith.constant 4 : i32
      %add3A_155 = arith.addi %mul3A_66, %add3A_154 : i32
      %add3A_156 = arith.constant 3 : i32
      %add3A_157 = arith.addi %add3A_155, %add3A_156 : i32
      %lt3A_158 = arith.constant 16 : i32
      %lt3A_159 = arith.cmpi slt, %add3A_157, %lt3A_158 : i32
      %convert_element_type3A_160 = arith.extui %lt3A_159 : i1 to i32
      %cond3A_161 = arith.constant 0 : i32
      %cond3A_162 = arith.cmpi ne, %convert_element_type3A_160, %cond3A_161 : i32
      scf.if %cond3A_162 {
        %sub3A = arith.constant 4 : i32
        %sub3A_163 = arith.subi %add3A_157, %sub3A : i32
        %mul3A_164 = arith.constant 128 : i32
        %mul3A_165 = arith.muli %sub3A_163, %mul3A_164 : i32
        %add3A_166 = arith.addi %mul3A_6, %mul3A_165 : i32
        %dma_wait3A_167 = arith.constant 0 : i32
        %dma_wait3A_168 = tpu.memref_slice %arg5[%add3A_166, %dma_wait3A_167] : memref<65536x128xf32, #tpu.memory_space<hbm>> -> memref<128x128xf32, #tpu.memory_space<hbm>>
        %dma_wait3A_169 = arith.constant 0 : i32
        %dma_wait3A_170 = tpu.memref_slice %arg5[%add3A_166, %dma_wait3A_169] : memref<65536x128xf32, #tpu.memory_space<hbm>> -> memref<128x128xf32, #tpu.memory_space<hbm>>
        tpu.wait_dma2 semaphore(%arg21 : memref<!tpu.dma_semaphore, #tpu.memory_space<semaphore_mem>>) src(%arg13 : memref<128x128xf32, #tpu.memory_space<vmem>>) dst(%dma_wait3A_170 : memref<128x128xf32, #tpu.memory_space<hbm>>)
        %dma_start3A_171 = arith.constant 0 : i32
        %dma_start3A_172 = tpu.memref_slice %arg7[%add3A_157, %dma_start3A_171] : memref<16x128xi32, #tpu.memory_space<vmem>> -> memref<1x128xi32, #tpu.memory_space<vmem>>
        %dma_start3A_173 = tpu.memref_squeeze %dma_start3A_172 : memref<1x128xi32, #tpu.memory_space<vmem>> -> memref<128xi32, #tpu.memory_space<vmem>>
        %dma_start3A_174 = arith.constant 0 : i32
        %dma_start3A_175 = arith.constant 0 : i32
        %dma_start3A_176 = tpu.memref_slice %arg4[%dma_start3A_174, %dma_start3A_175] : memref<100000x128xf32, #tpu.memory_space<hbm>> -> memref<100000x128xf32, #tpu.memory_space<hbm>>
        tpu.enqueue_indirect_dma source(%dma_start3A_176 : memref<100000x128xf32, #tpu.memory_space<hbm>>) target(%arg13 : memref<128x128xf32, #tpu.memory_space<vmem>>) offsets(%dma_start3A_173 : memref<128xi32, #tpu.memory_space<vmem>>) semaphore(%arg17 : memref<!tpu.dma_semaphore, #tpu.memory_space<semaphore_mem>>)
      } else {
      }
    }
    %scan3A_40 = arith.constant 4 : i32
    %add3A_41 = arith.constant 1536 : i32
    %add3A_42 = arith.addi %mul3A_6, %add3A_41 : i32
    %dma_wait3A = arith.constant 0 : i32
    %dma_wait3A_43 = tpu.memref_slice %arg5[%add3A_42, %dma_wait3A] : memref<65536x128xf32, #tpu.memory_space<hbm>> -> memref<128x128xf32, #tpu.memory_space<hbm>>
    %dma_wait3A_44 = arith.constant 0 : i32
    %dma_wait3A_45 = tpu.memref_slice %arg5[%add3A_42, %dma_wait3A_44] : memref<65536x128xf32, #tpu.memory_space<hbm>> -> memref<128x128xf32, #tpu.memory_space<hbm>>
    tpu.wait_dma2 semaphore(%arg18 : memref<!tpu.dma_semaphore, #tpu.memory_space<semaphore_mem>>) src(%arg10 : memref<128x128xf32, #tpu.memory_space<vmem>>) dst(%dma_wait3A_45 : memref<128x128xf32, #tpu.memory_space<hbm>>)
    %add3A_46 = arith.constant 1664 : i32
    %add3A_47 = arith.addi %mul3A_6, %add3A_46 : i32
    %dma_wait3A_48 = arith.constant 0 : i32
    %dma_wait3A_49 = tpu.memref_slice %arg5[%add3A_47, %dma_wait3A_48] : memref<65536x128xf32, #tpu.memory_space<hbm>> -> memref<128x128xf32, #tpu.memory_space<hbm>>
    %dma_wait3A_50 = arith.constant 0 : i32
    %dma_wait3A_51 = tpu.memref_slice %arg5[%add3A_47, %dma_wait3A_50] : memref<65536x128xf32, #tpu.memory_space<hbm>> -> memref<128x128xf32, #tpu.memory_space<hbm>>
    tpu.wait_dma2 semaphore(%arg19 : memref<!tpu.dma_semaphore, #tpu.memory_space<semaphore_mem>>) src(%arg11 : memref<128x128xf32, #tpu.memory_space<vmem>>) dst(%dma_wait3A_51 : memref<128x128xf32, #tpu.memory_space<hbm>>)
    %add3A_52 = arith.constant 1792 : i32
    %add3A_53 = arith.addi %mul3A_6, %add3A_52 : i32
    %dma_wait3A_54 = arith.constant 0 : i32
    %dma_wait3A_55 = tpu.memref_slice %arg5[%add3A_53, %dma_wait3A_54] : memref<65536x128xf32, #tpu.memory_space<hbm>> -> memref<128x128xf32, #tpu.memory_space<hbm>>
    %dma_wait3A_56 = arith.constant 0 : i32
    %dma_wait3A_57 = tpu.memref_slice %arg5[%add3A_53, %dma_wait3A_56] : memref<65536x128xf32, #tpu.memory_space<hbm>> -> memref<128x128xf32, #tpu.memory_space<hbm>>
    tpu.wait_dma2 semaphore(%arg20 : memref<!tpu.dma_semaphore, #tpu.memory_space<semaphore_mem>>) src(%arg12 : memref<128x128xf32, #tpu.memory_space<vmem>>) dst(%dma_wait3A_57 : memref<128x128xf32, #tpu.memory_space<hbm>>)
    %add3A_58 = arith.constant 1920 : i32
    %add3A_59 = arith.addi %mul3A_6, %add3A_58 : i32
    %dma_wait3A_60 = arith.constant 0 : i32
    %dma_wait3A_61 = tpu.memref_slice %arg5[%add3A_59, %dma_wait3A_60] : memref<65536x128xf32, #tpu.memory_space<hbm>> -> memref<128x128xf32, #tpu.memory_space<hbm>>
    %dma_wait3A_62 = arith.constant 0 : i32
    %dma_wait3A_63 = tpu.memref_slice %arg5[%add3A_59, %dma_wait3A_62] : memref<65536x128xf32, #tpu.memory_space<hbm>> -> memref<128x128xf32, #tpu.memory_space<hbm>>
    tpu.wait_dma2 semaphore(%arg21 : memref<!tpu.dma_semaphore, #tpu.memory_space<semaphore_mem>>) src(%arg13 : memref<128x128xf32, #tpu.memory_space<vmem>>) dst(%dma_wait3A_63 : memref<128x128xf32, #tpu.memory_space<hbm>>)
    return
  }
}

#map = affine_map<(d0, d1) -> (0, 0)>
module attributes {stable_mosaic.version = 14 : i64} {
  func.func @body_fn(%arg0: i32, %arg1: i32, %arg2: memref<2048x128xi32, #tpu.memory_space<hbm>>, %arg3: memref<64x128xi32, #tpu.memory_space<hbm>>, %arg4: memref<100000x128xf32, #tpu.memory_space<hbm>>, %arg5: memref<65536x128xf32, #tpu.memory_space<hbm>>, %arg6: memref<2048x128xf32, #tpu.memory_space<hbm>>, %arg7: memref<16x128xi32, #tpu.memory_space<vmem>>, %arg8: memref<1x128xi32, #tpu.memory_space<vmem>>, %arg9: memref<128x128xf32, #tpu.memory_space<vmem>>, %arg10: memref<128x128xf32, #tpu.memory_space<vmem>>, %arg11: memref<128x128xf32, #tpu.memory_space<vmem>>, %arg12: memref<128x128xf32, #tpu.memory_space<vmem>>, %arg13: memref<128x128xf32, #tpu.memory_space<vmem>>, %arg14: memref<!tpu.dma_semaphore, #tpu.memory_space<semaphore_mem>>, %arg15: memref<!tpu.dma_semaphore, #tpu.memory_space<semaphore_mem>>, %arg16: memref<!tpu.dma_semaphore, #tpu.memory_space<semaphore_mem>>, %arg17: memref<!tpu.dma_semaphore, #tpu.memory_space<semaphore_mem>>, %arg18: memref<!tpu.dma_semaphore, #tpu.memory_space<semaphore_mem>>, %arg19: memref<!tpu.dma_semaphore, #tpu.memory_space<semaphore_mem>>, %arg20: memref<!tpu.dma_semaphore, #tpu.memory_space<semaphore_mem>>, %arg21: memref<!tpu.dma_semaphore, #tpu.memory_space<semaphore_mem>>, %arg22: memref<!tpu.dma_semaphore, #tpu.memory_space<semaphore_mem>>) attributes {dimension_semantics = [#tpu.dimension_semantics<core_parallel>, #tpu.dimension_semantics<subcore_parallel>], iteration_bounds = array<i64: 2, 16>, scalar_prefetch = 0 : i64, scratch_operands = 16 : i64, tpu.core_type = #tpu.core_type<sc_vector_subcore>, window_params = [{transform_indices = #map}, {transform_indices = #map}, {transform_indices = #map}, {transform_indices = #map}, {transform_indices = #map}]} {
    %mul3A = arith.constant 2 : i32
    %mul3A_0 = arith.muli %arg1, %mul3A : i32
    %add3A = arith.addi %mul3A_0, %arg0 : i32
    %mul3A_1 = arith.constant 16 : i32
    %mul3A_2 = arith.muli %add3A, %mul3A_1 : i32
    %add3A_3 = arith.constant 1536 : i32
    %add3A_4 = arith.addi %add3A_3, %mul3A_2 : i32
    "tpu.region"() ({
      %run_scoped3A = tpu.sem_alloc : memref<!tpu.dma_semaphore, #tpu.memory_space<semaphore_mem>>
      %dma_start3A_64 = arith.constant 0 : i32
      %dma_start3A_65 = tpu.memref_slice %arg2[%add3A_4, %dma_start3A_64] : memref<2048x128xi32, #tpu.memory_space<hbm>> -> memref<16x128xi32, #tpu.memory_space<hbm>>
      %dma_start3A_66 = arith.constant 0 : i32
      %dma_start3A_67 = tpu.memref_slice %arg2[%add3A_4, %dma_start3A_66] : memref<2048x128xi32, #tpu.memory_space<hbm>> -> memref<16x128xi32, #tpu.memory_space<hbm>>
      tpu.enqueue_dma source(%dma_start3A_67 : memref<16x128xi32, #tpu.memory_space<hbm>>) target(%arg7 : memref<16x128xi32, #tpu.memory_space<vmem>>) target_semaphore(%run_scoped3A : memref<!tpu.dma_semaphore, #tpu.memory_space<semaphore_mem>>)
      %dma_wait3A_68 = arith.constant 0 : i32
      %dma_wait3A_69 = tpu.memref_slice %arg2[%add3A_4, %dma_wait3A_68] : memref<2048x128xi32, #tpu.memory_space<hbm>> -> memref<16x128xi32, #tpu.memory_space<hbm>>
      %dma_wait3A_70 = arith.constant 0 : i32
      %dma_wait3A_71 = tpu.memref_slice %arg2[%add3A_4, %dma_wait3A_70] : memref<2048x128xi32, #tpu.memory_space<hbm>> -> memref<16x128xi32, #tpu.memory_space<hbm>>
      tpu.wait_dma2 semaphore(%run_scoped3A : memref<!tpu.dma_semaphore, #tpu.memory_space<semaphore_mem>>) src(%dma_wait3A_71 : memref<16x128xi32, #tpu.memory_space<hbm>>) dst(%arg7 : memref<16x128xi32, #tpu.memory_space<vmem>>)
      tpu.yield
    }) : () -> ()
    %mul3A_5 = arith.constant 2048 : i32
    %mul3A_6 = arith.muli %add3A, %mul3A_5 : i32
    %lt3A = arith.constant 16 : i32
    %lt3A_7 = arith.cmpi slt, %add3A, %lt3A : i32
    %convert_element_type3A = arith.extui %lt3A_7 : i1 to i32
    %cond3A = arith.constant 0 : i32
    %cond3A_8 = arith.cmpi ne, %convert_element_type3A, %cond3A : i32
    scf.if %cond3A_8 {
      %add3A_64 = arith.constant 48 : i32
      %add3A_65 = arith.addi %add3A_64, %add3A : i32
      "tpu.region"() ({
        %run_scoped3A = tpu.sem_alloc : memref<!tpu.dma_semaphore, #tpu.memory_space<semaphore_mem>>
        %dma_start3A_82 = arith.constant 0 : i32
        %dma_start3A_83 = tpu.memref_slice %arg3[%add3A_65, %dma_start3A_82] : memref<64x128xi32, #tpu.memory_space<hbm>> -> memref<1x128xi32, #tpu.memory_space<hbm>>
        %dma_start3A_84 = arith.constant 0 : i32
        %dma_start3A_85 = tpu.memref_slice %arg3[%add3A_65, %dma_start3A_84] : memref<64x128xi32, #tpu.memory_space<hbm>> -> memref<1x128xi32, #tpu.memory_space<hbm>>
        tpu.enqueue_dma source(%dma_start3A_85 : memref<1x128xi32, #tpu.memory_space<hbm>>) target(%arg8 : memref<1x128xi32, #tpu.memory_space<vmem>>) target_semaphore(%run_scoped3A : memref<!tpu.dma_semaphore, #tpu.memory_space<semaphore_mem>>)
        %dma_wait3A_86 = arith.constant 0 : i32
        %dma_wait3A_87 = tpu.memref_slice %arg3[%add3A_65, %dma_wait3A_86] : memref<64x128xi32, #tpu.memory_space<hbm>> -> memref<1x128xi32, #tpu.memory_space<hbm>>
        %dma_wait3A_88 = arith.constant 0 : i32
        %dma_wait3A_89 = tpu.memref_slice %arg3[%add3A_65, %dma_wait3A_88] : memref<64x128xi32, #tpu.memory_space<hbm>> -> memref<1x128xi32, #tpu.memory_space<hbm>>
        tpu.wait_dma2 semaphore(%run_scoped3A : memref<!tpu.dma_semaphore, #tpu.memory_space<semaphore_mem>>) src(%dma_wait3A_89 : memref<1x128xi32, #tpu.memory_space<hbm>>) dst(%arg8 : memref<1x128xi32, #tpu.memory_space<vmem>>)
        tpu.yield
      }) : () -> ()
      %dma_start3A_66 = arith.constant 0 : i32
      %dma_start3A_67 = arith.constant 0 : i32
      %dma_start3A_68 = tpu.memref_slice %arg8[%dma_start3A_66, %dma_start3A_67] : memref<1x128xi32, #tpu.memory_space<vmem>> -> memref<1x128xi32, #tpu.memory_space<vmem>>
      %dma_start3A_69 = tpu.memref_squeeze %dma_start3A_68 : memref<1x128xi32, #tpu.memory_space<vmem>> -> memref<128xi32, #tpu.memory_space<vmem>>
      %dma_start3A_70 = arith.constant 0 : i32
      %dma_start3A_71 = arith.constant 0 : i32
      %dma_start3A_72 = tpu.memref_slice %arg4[%dma_start3A_70, %dma_start3A_71] : memref<100000x128xf32, #tpu.memory_space<hbm>> -> memref<100000x128xf32, #tpu.memory_space<hbm>>
      tpu.enqueue_indirect_dma source(%dma_start3A_72 : memref<100000x128xf32, #tpu.memory_space<hbm>>) target(%arg9 : memref<128x128xf32, #tpu.memory_space<vmem>>) offsets(%dma_start3A_69 : memref<128xi32, #tpu.memory_space<vmem>>) semaphore(%arg22 : memref<!tpu.dma_semaphore, #tpu.memory_space<semaphore_mem>>)
      %dma_wait3A_73 = arith.constant 0 : i32
      %dma_wait3A_74 = arith.constant 0 : i32
      %dma_wait3A_75 = tpu.memref_slice %arg8[%dma_wait3A_73, %dma_wait3A_74] : memref<1x128xi32, #tpu.memory_space<vmem>> -> memref<1x128xi32, #tpu.memory_space<vmem>>
      %dma_wait3A_76 = tpu.memref_squeeze %dma_wait3A_75 : memref<1x128xi32, #tpu.memory_space<vmem>> -> memref<128xi32, #tpu.memory_space<vmem>>
      %dma_wait3A_77 = arith.constant 0 : i32
      %dma_wait3A_78 = arith.constant 0 : i32
      %dma_wait3A_79 = tpu.memref_slice %arg4[%dma_wait3A_77, %dma_wait3A_78] : memref<100000x128xf32, #tpu.memory_space<hbm>> -> memref<100000x128xf32, #tpu.memory_space<hbm>>
      tpu.wait_indirect_dma semaphore(%arg22 : memref<!tpu.dma_semaphore, #tpu.memory_space<semaphore_mem>>) src(%dma_wait3A_79 : memref<100000x128xf32, #tpu.memory_space<hbm>>) dst(%arg9 : memref<128x128xf32, #tpu.memory_space<vmem>>)
      %mul3A_80 = arith.constant 128 : i32
      %mul3A_81 = arith.muli %add3A, %mul3A_80 : i32
      "tpu.region"() ({
        %run_scoped3A = tpu.sem_alloc : memref<!tpu.dma_semaphore, #tpu.memory_space<semaphore_mem>>
        %dma_start3A_82 = arith.constant 0 : i32
        %dma_start3A_83 = tpu.memref_slice %arg6[%mul3A_81, %dma_start3A_82] : memref<2048x128xf32, #tpu.memory_space<hbm>> -> memref<128x128xf32, #tpu.memory_space<hbm>>
        %dma_start3A_84 = arith.constant 0 : i32
        %dma_start3A_85 = tpu.memref_slice %arg6[%mul3A_81, %dma_start3A_84] : memref<2048x128xf32, #tpu.memory_space<hbm>> -> memref<128x128xf32, #tpu.memory_space<hbm>>
        tpu.enqueue_dma source(%arg9 : memref<128x128xf32, #tpu.memory_space<vmem>>) target(%dma_start3A_85 : memref<128x128xf32, #tpu.memory_space<hbm>>) target_semaphore(%run_scoped3A : memref<!tpu.dma_semaphore, #tpu.memory_space<semaphore_mem>>)
        %dma_wait3A_86 = arith.constant 0 : i32
        %dma_wait3A_87 = tpu.memref_slice %arg6[%mul3A_81, %dma_wait3A_86] : memref<2048x128xf32, #tpu.memory_space<hbm>> -> memref<128x128xf32, #tpu.memory_space<hbm>>
        %dma_wait3A_88 = arith.constant 0 : i32
        %dma_wait3A_89 = tpu.memref_slice %arg6[%mul3A_81, %dma_wait3A_88] : memref<2048x128xf32, #tpu.memory_space<hbm>> -> memref<128x128xf32, #tpu.memory_space<hbm>>
        tpu.wait_dma2 semaphore(%run_scoped3A : memref<!tpu.dma_semaphore, #tpu.memory_space<semaphore_mem>>) src(%arg9 : memref<128x128xf32, #tpu.memory_space<vmem>>) dst(%dma_wait3A_89 : memref<128x128xf32, #tpu.memory_space<hbm>>)
        tpu.yield
      }) : () -> ()
    } else {
    }
    %dma_start3A = arith.constant 0 : i32
    %dma_start3A_9 = arith.constant 0 : i32
    %dma_start3A_10 = tpu.memref_slice %arg7[%dma_start3A, %dma_start3A_9] : memref<16x128xi32, #tpu.memory_space<vmem>> -> memref<1x128xi32, #tpu.memory_space<vmem>>
    %dma_start3A_11 = tpu.memref_squeeze %dma_start3A_10 : memref<1x128xi32, #tpu.memory_space<vmem>> -> memref<128xi32, #tpu.memory_space<vmem>>
    %dma_start3A_12 = arith.constant 0 : i32
    %dma_start3A_13 = arith.constant 0 : i32
    %dma_start3A_14 = tpu.memref_slice %arg4[%dma_start3A_12, %dma_start3A_13] : memref<100000x128xf32, #tpu.memory_space<hbm>> -> memref<100000x128xf32, #tpu.memory_space<hbm>>
    tpu.enqueue_indirect_dma source(%dma_start3A_14 : memref<100000x128xf32, #tpu.memory_space<hbm>>) target(%arg10 : memref<128x128xf32, #tpu.memory_space<vmem>>) offsets(%dma_start3A_11 : memref<128xi32, #tpu.memory_space<vmem>>) semaphore(%arg14 : memref<!tpu.dma_semaphore, #tpu.memory_space<semaphore_mem>>)
    %dma_start3A_15 = arith.constant 1 : i32
    %dma_start3A_16 = arith.constant 0 : i32
    %dma_start3A_17 = tpu.memref_slice %arg7[%dma_start3A_15, %dma_start3A_16] : memref<16x128xi32, #tpu.memory_space<vmem>> -> memref<1x128xi32, #tpu.memory_space<vmem>>
    %dma_start3A_18 = tpu.memref_squeeze %dma_start3A_17 : memref<1x128xi32, #tpu.memory_space<vmem>> -> memref<128xi32, #tpu.memory_space<vmem>>
    %dma_start3A_19 = arith.constant 0 : i32
    %dma_start3A_20 = arith.constant 0 : i32
    %dma_start3A_21 = tpu.memref_slice %arg4[%dma_start3A_19, %dma_start3A_20] : memref<100000x128xf32, #tpu.memory_space<hbm>> -> memref<100000x128xf32, #tpu.memory_space<hbm>>
    tpu.enqueue_indirect_dma source(%dma_start3A_21 : memref<100000x128xf32, #tpu.memory_space<hbm>>) target(%arg11 : memref<128x128xf32, #tpu.memory_space<vmem>>) offsets(%dma_start3A_18 : memref<128xi32, #tpu.memory_space<vmem>>) semaphore(%arg15 : memref<!tpu.dma_semaphore, #tpu.memory_space<semaphore_mem>>)
    %dma_start3A_22 = arith.constant 2 : i32
    %dma_start3A_23 = arith.constant 0 : i32
    %dma_start3A_24 = tpu.memref_slice %arg7[%dma_start3A_22, %dma_start3A_23] : memref<16x128xi32, #tpu.memory_space<vmem>> -> memref<1x128xi32, #tpu.memory_space<vmem>>
    %dma_start3A_25 = tpu.memref_squeeze %dma_start3A_24 : memref<1x128xi32, #tpu.memory_space<vmem>> -> memref<128xi32, #tpu.memory_space<vmem>>
    %dma_start3A_26 = arith.constant 0 : i32
    %dma_start3A_27 = arith.constant 0 : i32
    %dma_start3A_28 = tpu.memref_slice %arg4[%dma_start3A_26, %dma_start3A_27] : memref<100000x128xf32, #tpu.memory_space<hbm>> -> memref<100000x128xf32, #tpu.memory_space<hbm>>
    tpu.enqueue_indirect_dma source(%dma_start3A_28 : memref<100000x128xf32, #tpu.memory_space<hbm>>) target(%arg12 : memref<128x128xf32, #tpu.memory_space<vmem>>) offsets(%dma_start3A_25 : memref<128xi32, #tpu.memory_space<vmem>>) semaphore(%arg16 : memref<!tpu.dma_semaphore, #tpu.memory_space<semaphore_mem>>)
    %dma_start3A_29 = arith.constant 3 : i32
    %dma_start3A_30 = arith.constant 0 : i32
    %dma_start3A_31 = tpu.memref_slice %arg7[%dma_start3A_29, %dma_start3A_30] : memref<16x128xi32, #tpu.memory_space<vmem>> -> memref<1x128xi32, #tpu.memory_space<vmem>>
    %dma_start3A_32 = tpu.memref_squeeze %dma_start3A_31 : memref<1x128xi32, #tpu.memory_space<vmem>> -> memref<128xi32, #tpu.memory_space<vmem>>
    %dma_start3A_33 = arith.constant 0 : i32
    %dma_start3A_34 = arith.constant 0 : i32
    %dma_start3A_35 = tpu.memref_slice %arg4[%dma_start3A_33, %dma_start3A_34] : memref<100000x128xf32, #tpu.memory_space<hbm>> -> memref<100000x128xf32, #tpu.memory_space<hbm>>
    tpu.enqueue_indirect_dma source(%dma_start3A_35 : memref<100000x128xf32, #tpu.memory_space<hbm>>) target(%arg13 : memref<128x128xf32, #tpu.memory_space<vmem>>) offsets(%dma_start3A_32 : memref<128xi32, #tpu.memory_space<vmem>>) semaphore(%arg17 : memref<!tpu.dma_semaphore, #tpu.memory_space<semaphore_mem>>)
    %scan3A = arith.constant 0 : i32
    %scan3A_36 = arith.constant 0 : i32
    %scan3A_37 = arith.constant 4 : i32
    %scan3A_38 = arith.addi %scan3A_36, %scan3A_37 : i32
    %scan3A_39 = arith.constant 1 : i32
    scf.for %scan3A_64 = %scan3A_36 to %scan3A_38 step %scan3A_39  : i32 {
      %mul3A_65 = arith.constant 4 : i32
      %mul3A_66 = arith.muli %scan3A_64, %mul3A_65 : i32
      %add3A_67 = arith.constant 0 : i32
      %add3A_68 = arith.addi %mul3A_66, %add3A_67 : i32
      %dma_wait3A_69 = arith.constant 0 : i32
      %dma_wait3A_70 = tpu.memref_slice %arg7[%add3A_68, %dma_wait3A_69] : memref<16x128xi32, #tpu.memory_space<vmem>> -> memref<1x128xi32, #tpu.memory_space<vmem>>
      %dma_wait3A_71 = tpu.memref_squeeze %dma_wait3A_70 : memref<1x128xi32, #tpu.memory_space<vmem>> -> memref<128xi32, #tpu.memory_space<vmem>>
      %dma_wait3A_72 = arith.constant 0 : i32
      %dma_wait3A_73 = arith.constant 0 : i32
      %dma_wait3A_74 = tpu.memref_slice %arg4[%dma_wait3A_72, %dma_wait3A_73] : memref<100000x128xf32, #tpu.memory_space<hbm>> -> memref<100000x128xf32, #tpu.memory_space<hbm>>
      tpu.wait_indirect_dma semaphore(%arg14 : memref<!tpu.dma_semaphore, #tpu.memory_space<semaphore_mem>>) src(%dma_wait3A_74 : memref<100000x128xf32, #tpu.memory_space<hbm>>) dst(%arg10 : memref<128x128xf32, #tpu.memory_space<vmem>>)
      %mul3A_75 = arith.constant 128 : i32
      %mul3A_76 = arith.muli %add3A_68, %mul3A_75 : i32
      %add3A_77 = arith.addi %mul3A_6, %mul3A_76 : i32
      %dma_start3A_78 = arith.constant 0 : i32
      %dma_start3A_79 = tpu.memref_slice %arg5[%add3A_77, %dma_start3A_78] : memref<65536x128xf32, #tpu.memory_space<hbm>> -> memref<128x128xf32, #tpu.memory_space<hbm>>
      %dma_start3A_80 = arith.constant 0 : i32
      %dma_start3A_81 = tpu.memref_slice %arg5[%add3A_77, %dma_start3A_80] : memref<65536x128xf32, #tpu.memory_space<hbm>> -> memref<128x128xf32, #tpu.memory_space<hbm>>
      tpu.enqueue_dma source(%arg10 : memref<128x128xf32, #tpu.memory_space<vmem>>) target(%dma_start3A_81 : memref<128x128xf32, #tpu.memory_space<hbm>>) target_semaphore(%arg18 : memref<!tpu.dma_semaphore, #tpu.memory_space<semaphore_mem>>)
      %add3A_82 = arith.constant 1 : i32
      %add3A_83 = arith.addi %mul3A_66, %add3A_82 : i32
      %dma_wait3A_84 = arith.constant 0 : i32
      %dma_wait3A_85 = tpu.memref_slice %arg7[%add3A_83, %dma_wait3A_84] : memref<16x128xi32, #tpu.memory_space<vmem>> -> memref<1x128xi32, #tpu.memory_space<vmem>>
      %dma_wait3A_86 = tpu.memref_squeeze %dma_wait3A_85 : memref<1x128xi32, #tpu.memory_space<vmem>> -> memref<128xi32, #tpu.memory_space<vmem>>
      %dma_wait3A_87 = arith.constant 0 : i32
      %dma_wait3A_88 = arith.constant 0 : i32
      %dma_wait3A_89 = tpu.memref_slice %arg4[%dma_wait3A_87, %dma_wait3A_88] : memref<100000x128xf32, #tpu.memory_space<hbm>> -> memref<100000x128xf32, #tpu.memory_space<hbm>>
      tpu.wait_indirect_dma semaphore(%arg15 : memref<!tpu.dma_semaphore, #tpu.memory_space<semaphore_mem>>) src(%dma_wait3A_89 : memref<100000x128xf32, #tpu.memory_space<hbm>>) dst(%arg11 : memref<128x128xf32, #tpu.memory_space<vmem>>)
      %mul3A_90 = arith.constant 128 : i32
      %mul3A_91 = arith.muli %add3A_83, %mul3A_90 : i32
      %add3A_92 = arith.addi %mul3A_6, %mul3A_91 : i32
      %dma_start3A_93 = arith.constant 0 : i32
      %dma_start3A_94 = tpu.memref_slice %arg5[%add3A_92, %dma_start3A_93] : memref<65536x128xf32, #tpu.memory_space<hbm>> -> memref<128x128xf32, #tpu.memory_space<hbm>>
      %dma_start3A_95 = arith.constant 0 : i32
      %dma_start3A_96 = tpu.memref_slice %arg5[%add3A_92, %dma_start3A_95] : memref<65536x128xf32, #tpu.memory_space<hbm>> -> memref<128x128xf32, #tpu.memory_space<hbm>>
      tpu.enqueue_dma source(%arg11 : memref<128x128xf32, #tpu.memory_space<vmem>>) target(%dma_start3A_96 : memref<128x128xf32, #tpu.memory_space<hbm>>) target_semaphore(%arg19 : memref<!tpu.dma_semaphore, #tpu.memory_space<semaphore_mem>>)
      %add3A_97 = arith.constant 2 : i32
      %add3A_98 = arith.addi %mul3A_66, %add3A_97 : i32
      %dma_wait3A_99 = arith.constant 0 : i32
      %dma_wait3A_100 = tpu.memref_slice %arg7[%add3A_98, %dma_wait3A_99] : memref<16x128xi32, #tpu.memory_space<vmem>> -> memref<1x128xi32, #tpu.memory_space<vmem>>
      %dma_wait3A_101 = tpu.memref_squeeze %dma_wait3A_100 : memref<1x128xi32, #tpu.memory_space<vmem>> -> memref<128xi32, #tpu.memory_space<vmem>>
      %dma_wait3A_102 = arith.constant 0 : i32
      %dma_wait3A_103 = arith.constant 0 : i32
      %dma_wait3A_104 = tpu.memref_slice %arg4[%dma_wait3A_102, %dma_wait3A_103] : memref<100000x128xf32, #tpu.memory_space<hbm>> -> memref<100000x128xf32, #tpu.memory_space<hbm>>
      tpu.wait_indirect_dma semaphore(%arg16 : memref<!tpu.dma_semaphore, #tpu.memory_space<semaphore_mem>>) src(%dma_wait3A_104 : memref<100000x128xf32, #tpu.memory_space<hbm>>) dst(%arg12 : memref<128x128xf32, #tpu.memory_space<vmem>>)
      %mul3A_105 = arith.constant 128 : i32
      %mul3A_106 = arith.muli %add3A_98, %mul3A_105 : i32
      %add3A_107 = arith.addi %mul3A_6, %mul3A_106 : i32
      %dma_start3A_108 = arith.constant 0 : i32
      %dma_start3A_109 = tpu.memref_slice %arg5[%add3A_107, %dma_start3A_108] : memref<65536x128xf32, #tpu.memory_space<hbm>> -> memref<128x128xf32, #tpu.memory_space<hbm>>
      %dma_start3A_110 = arith.constant 0 : i32
      %dma_start3A_111 = tpu.memref_slice %arg5[%add3A_107, %dma_start3A_110] : memref<65536x128xf32, #tpu.memory_space<hbm>> -> memref<128x128xf32, #tpu.memory_space<hbm>>
      tpu.enqueue_dma source(%arg12 : memref<128x128xf32, #tpu.memory_space<vmem>>) target(%dma_start3A_111 : memref<128x128xf32, #tpu.memory_space<hbm>>) target_semaphore(%arg20 : memref<!tpu.dma_semaphore, #tpu.memory_space<semaphore_mem>>)
      %add3A_112 = arith.constant 3 : i32
      %add3A_113 = arith.addi %mul3A_66, %add3A_112 : i32
      %dma_wait3A_114 = arith.constant 0 : i32
      %dma_wait3A_115 = tpu.memref_slice %arg7[%add3A_113, %dma_wait3A_114] : memref<16x128xi32, #tpu.memory_space<vmem>> -> memref<1x128xi32, #tpu.memory_space<vmem>>
      %dma_wait3A_116 = tpu.memref_squeeze %dma_wait3A_115 : memref<1x128xi32, #tpu.memory_space<vmem>> -> memref<128xi32, #tpu.memory_space<vmem>>
      %dma_wait3A_117 = arith.constant 0 : i32
      %dma_wait3A_118 = arith.constant 0 : i32
      %dma_wait3A_119 = tpu.memref_slice %arg4[%dma_wait3A_117, %dma_wait3A_118] : memref<100000x128xf32, #tpu.memory_space<hbm>> -> memref<100000x128xf32, #tpu.memory_space<hbm>>
      tpu.wait_indirect_dma semaphore(%arg17 : memref<!tpu.dma_semaphore, #tpu.memory_space<semaphore_mem>>) src(%dma_wait3A_119 : memref<100000x128xf32, #tpu.memory_space<hbm>>) dst(%arg13 : memref<128x128xf32, #tpu.memory_space<vmem>>)
      %mul3A_120 = arith.constant 128 : i32
      %mul3A_121 = arith.muli %add3A_113, %mul3A_120 : i32
      %add3A_122 = arith.addi %mul3A_6, %mul3A_121 : i32
      %dma_start3A_123 = arith.constant 0 : i32
      %dma_start3A_124 = tpu.memref_slice %arg5[%add3A_122, %dma_start3A_123] : memref<65536x128xf32, #tpu.memory_space<hbm>> -> memref<128x128xf32, #tpu.memory_space<hbm>>
      %dma_start3A_125 = arith.constant 0 : i32
      %dma_start3A_126 = tpu.memref_slice %arg5[%add3A_122, %dma_start3A_125] : memref<65536x128xf32, #tpu.memory_space<hbm>> -> memref<128x128xf32, #tpu.memory_space<hbm>>
      tpu.enqueue_dma source(%arg13 : memref<128x128xf32, #tpu.memory_space<vmem>>) target(%dma_start3A_126 : memref<128x128xf32, #tpu.memory_space<hbm>>) target_semaphore(%arg21 : memref<!tpu.dma_semaphore, #tpu.memory_space<semaphore_mem>>)
      %add3A_127 = arith.constant 4 : i32
      %add3A_128 = arith.addi %mul3A_66, %add3A_127 : i32
      %add3A_129 = arith.constant 0 : i32
      %add3A_130 = arith.addi %add3A_128, %add3A_129 : i32
      %lt3A_131 = arith.constant 16 : i32
      %lt3A_132 = arith.cmpi slt, %add3A_130, %lt3A_131 : i32
      %convert_element_type3A_133 = arith.extui %lt3A_132 : i1 to i32
      %cond3A_134 = arith.constant 0 : i32
      %cond3A_135 = arith.cmpi ne, %convert_element_type3A_133, %cond3A_134 : i32
      scf.if %cond3A_135 {
        %sub3A = arith.constant 4 : i32
        %sub3A_163 = arith.subi %add3A_130, %sub3A : i32
        %mul3A_164 = arith.constant 128 : i32
        %mul3A_165 = arith.muli %sub3A_163, %mul3A_164 : i32
        %add3A_166 = arith.addi %mul3A_6, %mul3A_165 : i32
        %dma_wait3A_167 = arith.constant 0 : i32
        %dma_wait3A_168 = tpu.memref_slice %arg5[%add3A_166, %dma_wait3A_167] : memref<65536x128xf32, #tpu.memory_space<hbm>> -> memref<128x128xf32, #tpu.memory_space<hbm>>
        %dma_wait3A_169 = arith.constant 0 : i32
        %dma_wait3A_170 = tpu.memref_slice %arg5[%add3A_166, %dma_wait3A_169] : memref<65536x128xf32, #tpu.memory_space<hbm>> -> memref<128x128xf32, #tpu.memory_space<hbm>>
        tpu.wait_dma2 semaphore(%arg18 : memref<!tpu.dma_semaphore, #tpu.memory_space<semaphore_mem>>) src(%arg10 : memref<128x128xf32, #tpu.memory_space<vmem>>) dst(%dma_wait3A_170 : memref<128x128xf32, #tpu.memory_space<hbm>>)
        %dma_start3A_171 = arith.constant 0 : i32
        %dma_start3A_172 = tpu.memref_slice %arg7[%add3A_130, %dma_start3A_171] : memref<16x128xi32, #tpu.memory_space<vmem>> -> memref<1x128xi32, #tpu.memory_space<vmem>>
        %dma_start3A_173 = tpu.memref_squeeze %dma_start3A_172 : memref<1x128xi32, #tpu.memory_space<vmem>> -> memref<128xi32, #tpu.memory_space<vmem>>
        %dma_start3A_174 = arith.constant 0 : i32
        %dma_start3A_175 = arith.constant 0 : i32
        %dma_start3A_176 = tpu.memref_slice %arg4[%dma_start3A_174, %dma_start3A_175] : memref<100000x128xf32, #tpu.memory_space<hbm>> -> memref<100000x128xf32, #tpu.memory_space<hbm>>
        tpu.enqueue_indirect_dma source(%dma_start3A_176 : memref<100000x128xf32, #tpu.memory_space<hbm>>) target(%arg10 : memref<128x128xf32, #tpu.memory_space<vmem>>) offsets(%dma_start3A_173 : memref<128xi32, #tpu.memory_space<vmem>>) semaphore(%arg14 : memref<!tpu.dma_semaphore, #tpu.memory_space<semaphore_mem>>)
      } else {
      }
      %add3A_136 = arith.constant 4 : i32
      %add3A_137 = arith.addi %mul3A_66, %add3A_136 : i32
      %add3A_138 = arith.constant 1 : i32
      %add3A_139 = arith.addi %add3A_137, %add3A_138 : i32
      %lt3A_140 = arith.constant 16 : i32
      %lt3A_141 = arith.cmpi slt, %add3A_139, %lt3A_140 : i32
      %convert_element_type3A_142 = arith.extui %lt3A_141 : i1 to i32
      %cond3A_143 = arith.constant 0 : i32
      %cond3A_144 = arith.cmpi ne, %convert_element_type3A_142, %cond3A_143 : i32
      scf.if %cond3A_144 {
        %sub3A = arith.constant 4 : i32
        %sub3A_163 = arith.subi %add3A_139, %sub3A : i32
        %mul3A_164 = arith.constant 128 : i32
        %mul3A_165 = arith.muli %sub3A_163, %mul3A_164 : i32
        %add3A_166 = arith.addi %mul3A_6, %mul3A_165 : i32
        %dma_wait3A_167 = arith.constant 0 : i32
        %dma_wait3A_168 = tpu.memref_slice %arg5[%add3A_166, %dma_wait3A_167] : memref<65536x128xf32, #tpu.memory_space<hbm>> -> memref<128x128xf32, #tpu.memory_space<hbm>>
        %dma_wait3A_169 = arith.constant 0 : i32
        %dma_wait3A_170 = tpu.memref_slice %arg5[%add3A_166, %dma_wait3A_169] : memref<65536x128xf32, #tpu.memory_space<hbm>> -> memref<128x128xf32, #tpu.memory_space<hbm>>
        tpu.wait_dma2 semaphore(%arg19 : memref<!tpu.dma_semaphore, #tpu.memory_space<semaphore_mem>>) src(%arg11 : memref<128x128xf32, #tpu.memory_space<vmem>>) dst(%dma_wait3A_170 : memref<128x128xf32, #tpu.memory_space<hbm>>)
        %dma_start3A_171 = arith.constant 0 : i32
        %dma_start3A_172 = tpu.memref_slice %arg7[%add3A_139, %dma_start3A_171] : memref<16x128xi32, #tpu.memory_space<vmem>> -> memref<1x128xi32, #tpu.memory_space<vmem>>
        %dma_start3A_173 = tpu.memref_squeeze %dma_start3A_172 : memref<1x128xi32, #tpu.memory_space<vmem>> -> memref<128xi32, #tpu.memory_space<vmem>>
        %dma_start3A_174 = arith.constant 0 : i32
        %dma_start3A_175 = arith.constant 0 : i32
        %dma_start3A_176 = tpu.memref_slice %arg4[%dma_start3A_174, %dma_start3A_175] : memref<100000x128xf32, #tpu.memory_space<hbm>> -> memref<100000x128xf32, #tpu.memory_space<hbm>>
        tpu.enqueue_indirect_dma source(%dma_start3A_176 : memref<100000x128xf32, #tpu.memory_space<hbm>>) target(%arg11 : memref<128x128xf32, #tpu.memory_space<vmem>>) offsets(%dma_start3A_173 : memref<128xi32, #tpu.memory_space<vmem>>) semaphore(%arg15 : memref<!tpu.dma_semaphore, #tpu.memory_space<semaphore_mem>>)
      } else {
      }
      %add3A_145 = arith.constant 4 : i32
      %add3A_146 = arith.addi %mul3A_66, %add3A_145 : i32
      %add3A_147 = arith.constant 2 : i32
      %add3A_148 = arith.addi %add3A_146, %add3A_147 : i32
      %lt3A_149 = arith.constant 16 : i32
      %lt3A_150 = arith.cmpi slt, %add3A_148, %lt3A_149 : i32
      %convert_element_type3A_151 = arith.extui %lt3A_150 : i1 to i32
      %cond3A_152 = arith.constant 0 : i32
      %cond3A_153 = arith.cmpi ne, %convert_element_type3A_151, %cond3A_152 : i32
      scf.if %cond3A_153 {
        %sub3A = arith.constant 4 : i32
        %sub3A_163 = arith.subi %add3A_148, %sub3A : i32
        %mul3A_164 = arith.constant 128 : i32
        %mul3A_165 = arith.muli %sub3A_163, %mul3A_164 : i32
        %add3A_166 = arith.addi %mul3A_6, %mul3A_165 : i32
        %dma_wait3A_167 = arith.constant 0 : i32
        %dma_wait3A_168 = tpu.memref_slice %arg5[%add3A_166, %dma_wait3A_167] : memref<65536x128xf32, #tpu.memory_space<hbm>> -> memref<128x128xf32, #tpu.memory_space<hbm>>
        %dma_wait3A_169 = arith.constant 0 : i32
        %dma_wait3A_170 = tpu.memref_slice %arg5[%add3A_166, %dma_wait3A_169] : memref<65536x128xf32, #tpu.memory_space<hbm>> -> memref<128x128xf32, #tpu.memory_space<hbm>>
        tpu.wait_dma2 semaphore(%arg20 : memref<!tpu.dma_semaphore, #tpu.memory_space<semaphore_mem>>) src(%arg12 : memref<128x128xf32, #tpu.memory_space<vmem>>) dst(%dma_wait3A_170 : memref<128x128xf32, #tpu.memory_space<hbm>>)
        %dma_start3A_171 = arith.constant 0 : i32
        %dma_start3A_172 = tpu.memref_slice %arg7[%add3A_148, %dma_start3A_171] : memref<16x128xi32, #tpu.memory_space<vmem>> -> memref<1x128xi32, #tpu.memory_space<vmem>>
        %dma_start3A_173 = tpu.memref_squeeze %dma_start3A_172 : memref<1x128xi32, #tpu.memory_space<vmem>> -> memref<128xi32, #tpu.memory_space<vmem>>
        %dma_start3A_174 = arith.constant 0 : i32
        %dma_start3A_175 = arith.constant 0 : i32
        %dma_start3A_176 = tpu.memref_slice %arg4[%dma_start3A_174, %dma_start3A_175] : memref<100000x128xf32, #tpu.memory_space<hbm>> -> memref<100000x128xf32, #tpu.memory_space<hbm>>
        tpu.enqueue_indirect_dma source(%dma_start3A_176 : memref<100000x128xf32, #tpu.memory_space<hbm>>) target(%arg12 : memref<128x128xf32, #tpu.memory_space<vmem>>) offsets(%dma_start3A_173 : memref<128xi32, #tpu.memory_space<vmem>>) semaphore(%arg16 : memref<!tpu.dma_semaphore, #tpu.memory_space<semaphore_mem>>)
      } else {
      }
      %add3A_154 = arith.constant 4 : i32
      %add3A_155 = arith.addi %mul3A_66, %add3A_154 : i32
      %add3A_156 = arith.constant 3 : i32
      %add3A_157 = arith.addi %add3A_155, %add3A_156 : i32
      %lt3A_158 = arith.constant 16 : i32
      %lt3A_159 = arith.cmpi slt, %add3A_157, %lt3A_158 : i32
      %convert_element_type3A_160 = arith.extui %lt3A_159 : i1 to i32
      %cond3A_161 = arith.constant 0 : i32
      %cond3A_162 = arith.cmpi ne, %convert_element_type3A_160, %cond3A_161 : i32
      scf.if %cond3A_162 {
        %sub3A = arith.constant 4 : i32
        %sub3A_163 = arith.subi %add3A_157, %sub3A : i32
        %mul3A_164 = arith.constant 128 : i32
        %mul3A_165 = arith.muli %sub3A_163, %mul3A_164 : i32
        %add3A_166 = arith.addi %mul3A_6, %mul3A_165 : i32
        %dma_wait3A_167 = arith.constant 0 : i32
        %dma_wait3A_168 = tpu.memref_slice %arg5[%add3A_166, %dma_wait3A_167] : memref<65536x128xf32, #tpu.memory_space<hbm>> -> memref<128x128xf32, #tpu.memory_space<hbm>>
        %dma_wait3A_169 = arith.constant 0 : i32
        %dma_wait3A_170 = tpu.memref_slice %arg5[%add3A_166, %dma_wait3A_169] : memref<65536x128xf32, #tpu.memory_space<hbm>> -> memref<128x128xf32, #tpu.memory_space<hbm>>
        tpu.wait_dma2 semaphore(%arg21 : memref<!tpu.dma_semaphore, #tpu.memory_space<semaphore_mem>>) src(%arg13 : memref<128x128xf32, #tpu.memory_space<vmem>>) dst(%dma_wait3A_170 : memref<128x128xf32, #tpu.memory_space<hbm>>)
        %dma_start3A_171 = arith.constant 0 : i32
        %dma_start3A_172 = tpu.memref_slice %arg7[%add3A_157, %dma_start3A_171] : memref<16x128xi32, #tpu.memory_space<vmem>> -> memref<1x128xi32, #tpu.memory_space<vmem>>
        %dma_start3A_173 = tpu.memref_squeeze %dma_start3A_172 : memref<1x128xi32, #tpu.memory_space<vmem>> -> memref<128xi32, #tpu.memory_space<vmem>>
        %dma_start3A_174 = arith.constant 0 : i32
        %dma_start3A_175 = arith.constant 0 : i32
        %dma_start3A_176 = tpu.memref_slice %arg4[%dma_start3A_174, %dma_start3A_175] : memref<100000x128xf32, #tpu.memory_space<hbm>> -> memref<100000x128xf32, #tpu.memory_space<hbm>>
        tpu.enqueue_indirect_dma source(%dma_start3A_176 : memref<100000x128xf32, #tpu.memory_space<hbm>>) target(%arg13 : memref<128x128xf32, #tpu.memory_space<vmem>>) offsets(%dma_start3A_173 : memref<128xi32, #tpu.memory_space<vmem>>) semaphore(%arg17 : memref<!tpu.dma_semaphore, #tpu.memory_space<semaphore_mem>>)
      } else {
      }
    }
    %scan3A_40 = arith.constant 4 : i32
    %add3A_41 = arith.constant 1536 : i32
    %add3A_42 = arith.addi %mul3A_6, %add3A_41 : i32
    %dma_wait3A = arith.constant 0 : i32
    %dma_wait3A_43 = tpu.memref_slice %arg5[%add3A_42, %dma_wait3A] : memref<65536x128xf32, #tpu.memory_space<hbm>> -> memref<128x128xf32, #tpu.memory_space<hbm>>
    %dma_wait3A_44 = arith.constant 0 : i32
    %dma_wait3A_45 = tpu.memref_slice %arg5[%add3A_42, %dma_wait3A_44] : memref<65536x128xf32, #tpu.memory_space<hbm>> -> memref<128x128xf32, #tpu.memory_space<hbm>>
    tpu.wait_dma2 semaphore(%arg18 : memref<!tpu.dma_semaphore, #tpu.memory_space<semaphore_mem>>) src(%arg10 : memref<128x128xf32, #tpu.memory_space<vmem>>) dst(%dma_wait3A_45 : memref<128x128xf32, #tpu.memory_space<hbm>>)
    %add3A_46 = arith.constant 1664 : i32
    %add3A_47 = arith.addi %mul3A_6, %add3A_46 : i32
    %dma_wait3A_48 = arith.constant 0 : i32
    %dma_wait3A_49 = tpu.memref_slice %arg5[%add3A_47, %dma_wait3A_48] : memref<65536x128xf32, #tpu.memory_space<hbm>> -> memref<128x128xf32, #tpu.memory_space<hbm>>
    %dma_wait3A_50 = arith.constant 0 : i32
    %dma_wait3A_51 = tpu.memref_slice %arg5[%add3A_47, %dma_wait3A_50] : memref<65536x128xf32, #tpu.memory_space<hbm>> -> memref<128x128xf32, #tpu.memory_space<hbm>>
    tpu.wait_dma2 semaphore(%arg19 : memref<!tpu.dma_semaphore, #tpu.memory_space<semaphore_mem>>) src(%arg11 : memref<128x128xf32, #tpu.memory_space<vmem>>) dst(%dma_wait3A_51 : memref<128x128xf32, #tpu.memory_space<hbm>>)
    %add3A_52 = arith.constant 1792 : i32
    %add3A_53 = arith.addi %mul3A_6, %add3A_52 : i32
    %dma_wait3A_54 = arith.constant 0 : i32
    %dma_wait3A_55 = tpu.memref_slice %arg5[%add3A_53, %dma_wait3A_54] : memref<65536x128xf32, #tpu.memory_space<hbm>> -> memref<128x128xf32, #tpu.memory_space<hbm>>
    %dma_wait3A_56 = arith.constant 0 : i32
    %dma_wait3A_57 = tpu.memref_slice %arg5[%add3A_53, %dma_wait3A_56] : memref<65536x128xf32, #tpu.memory_space<hbm>> -> memref<128x128xf32, #tpu.memory_space<hbm>>
    tpu.wait_dma2 semaphore(%arg20 : memref<!tpu.dma_semaphore, #tpu.memory_space<semaphore_mem>>) src(%arg12 : memref<128x128xf32, #tpu.memory_space<vmem>>) dst(%dma_wait3A_57 : memref<128x128xf32, #tpu.memory_space<hbm>>)
    %add3A_58 = arith.constant 1920 : i32
    %add3A_59 = arith.addi %mul3A_6, %add3A_58 : i32
    %dma_wait3A_60 = arith.constant 0 : i32
    %dma_wait3A_61 = tpu.memref_slice %arg5[%add3A_59, %dma_wait3A_60] : memref<65536x128xf32, #tpu.memory_space<hbm>> -> memref<128x128xf32, #tpu.memory_space<hbm>>
    %dma_wait3A_62 = arith.constant 0 : i32
    %dma_wait3A_63 = tpu.memref_slice %arg5[%add3A_59, %dma_wait3A_62] : memref<65536x128xf32, #tpu.memory_space<hbm>> -> memref<128x128xf32, #tpu.memory_space<hbm>>
    tpu.wait_dma2 semaphore(%arg21 : memref<!tpu.dma_semaphore, #tpu.memory_space<semaphore_mem>>) src(%arg13 : memref<128x128xf32, #tpu.memory_space<vmem>>) dst(%dma_wait3A_63 : memref<128x128xf32, #tpu.memory_space<hbm>>)
    return
  }
}

module attributes {stable_mosaic.version = 14 : i64} {
  func.func @_tc_body(%arg0: i32, %arg1: memref<256x32x128xf32, #tpu.memory_space<vmem>>, %arg2: memref<256x128xf32, #tpu.memory_space<vmem>>, %arg3: memref<256x32xi32, #tpu.memory_space<vmem>>, %arg4: memref<64x128xf32, #tpu.memory_space<vmem>>, %arg5: memref<128x128xf32, #tpu.memory_space<vmem>>, %arg6: memref<1x128xf32, #tpu.memory_space<vmem>>, %arg7: memref<128x128xf32, #tpu.memory_space<vmem>>, %arg8: memref<1x128xf32, #tpu.memory_space<vmem>>, %arg9: memref<128x128xf32, #tpu.memory_space<vmem>>, %arg10: memref<1x128xf32, #tpu.memory_space<vmem>>, %arg11: memref<256x128xf32, #tpu.memory_space<vmem>>) attributes {dimension_semantics = [#tpu.dimension_semantics<arbitrary>], iteration_bounds = array<i64: 8>, scalar_prefetch = 0 : i64, scratch_operands = 0 : i64, tpu.core_type = #tpu.core_type<tc>, window_params = [{transform_indices = @transform_0, window_bounds = array<i64: 256, 32, 128>}, {transform_indices = @transform_1, window_bounds = array<i64: 256, 128>}, {transform_indices = @transform_2, window_bounds = array<i64: 256, 32>}, {pipeline_mode = #tpu.pipeline_mode<synchronous>, transform_indices = @transform_3, window_bounds = array<i64: 64, 128>}, {pipeline_mode = #tpu.pipeline_mode<synchronous>, transform_indices = @transform_4, window_bounds = array<i64: 128, 128>}, {pipeline_mode = #tpu.pipeline_mode<synchronous>, transform_indices = @transform_5, window_bounds = array<i64: 1, 128>}, {pipeline_mode = #tpu.pipeline_mode<synchronous>, transform_indices = @transform_6, window_bounds = array<i64: 128, 128>}, {pipeline_mode = #tpu.pipeline_mode<synchronous>, transform_indices = @transform_7, window_bounds = array<i64: 1, 128>}, {pipeline_mode = #tpu.pipeline_mode<synchronous>, transform_indices = @transform_8, window_bounds = array<i64: 128, 128>}, {pipeline_mode = #tpu.pipeline_mode<synchronous>, transform_indices = @transform_9, window_bounds = array<i64: 1, 128>}, {transform_indices = @transform_10, window_bounds = array<i64: 256, 128>}]} {
    %get3A = arith.constant 0 : index
    %get3A_0 = arith.constant 0 : index
    %get3A_1 = vector.load %arg2[%get3A, %get3A_0] : memref<256x128xf32, #tpu.memory_space<vmem>>, vector<256x128xf32>
    %mul3A = arith.mulf %get3A_1, %get3A_1 : vector<256x128xf32>
    %reduce_sum3A = arith.constant dense<0.000000e+00> : vector<256xf32>
    %reduce_sum3A_2 = vector.multi_reduction <add>, %mul3A, %reduce_sum3A [1] : vector<256x128xf32> to vector<256xf32>
    %broadcast_in_dim3A = vector.shape_cast %reduce_sum3A_2 : vector<256xf32> to vector<256x1xf32>
    %sqrt3A = math.sqrt %broadcast_in_dim3A : vector<256x1xf32>
    %gt3A = arith.constant 1.000000e+00 : f32
    %gt3A_3 = vector.broadcast %gt3A : f32 to vector<256x1xf32>
    %gt3A_4 = arith.cmpf ogt, %sqrt3A, %gt3A_3 : vector<256x1xf32>
    %max3A = arith.constant 1.000000e-07 : f32
    %max3A_5 = vector.broadcast %max3A : f32 to vector<256x1xf32>
    %max3A_6 = arith.maximumf %sqrt3A, %max3A_5 : vector<256x1xf32>
    %div3A = arith.constant 1.000000e+00 : f32
    %div3A_7 = vector.broadcast %div3A : f32 to vector<256x1xf32>
    %div3A_8 = arith.divf %div3A_7, %max3A_6 : vector<256x1xf32>
    %jit3A = arith.constant 1.000000e+00 : f32
    %broadcast_in_dim3A_9 = vector.broadcast %jit3A : f32 to vector<256x1xf32>
    %select_n3A = arith.select %gt3A_4, %div3A_8, %broadcast_in_dim3A_9 : vector<256x1xi1>, vector<256x1xf32>
    %mul3A_10 = vector.broadcast %select_n3A : vector<256x1xf32> to vector<256x128xf32>
    %mul3A_11 = arith.mulf %get3A_1, %mul3A_10 : vector<256x128xf32>
    %get3A_12 = arith.constant 0 : index
    %get3A_13 = arith.constant 0 : index
    %get3A_14 = vector.load %arg4[%get3A_12, %get3A_13] : memref<64x128xf32, #tpu.memory_space<vmem>>, vector<64x128xf32>
    %mul3A_15 = arith.mulf %get3A_14, %get3A_14 : vector<64x128xf32>
    %reduce_sum3A_16 = arith.constant dense<0.000000e+00> : vector<64xf32>
    %reduce_sum3A_17 = vector.multi_reduction <add>, %mul3A_15, %reduce_sum3A_16 [1] : vector<64x128xf32> to vector<64xf32>
    %broadcast_in_dim3A_18 = vector.shape_cast %reduce_sum3A_17 : vector<64xf32> to vector<64x1xf32>
    %sqrt3A_19 = math.sqrt %broadcast_in_dim3A_18 : vector<64x1xf32>
    %gt3A_20 = arith.constant 1.000000e+00 : f32
    %gt3A_21 = vector.broadcast %gt3A_20 : f32 to vector<64x1xf32>
    %gt3A_22 = arith.cmpf ogt, %sqrt3A_19, %gt3A_21 : vector<64x1xf32>
    %max3A_23 = arith.constant 1.000000e-07 : f32
    %max3A_24 = vector.broadcast %max3A_23 : f32 to vector<64x1xf32>
    %max3A_25 = arith.maximumf %sqrt3A_19, %max3A_24 : vector<64x1xf32>
    %div3A_26 = arith.constant 1.000000e+00 : f32
    %div3A_27 = vector.broadcast %div3A_26 : f32 to vector<64x1xf32>
    %div3A_28 = arith.divf %div3A_27, %max3A_25 : vector<64x1xf32>
    %jit3A_29 = arith.constant 1.000000e+00 : f32
    %broadcast_in_dim3A_30 = vector.broadcast %jit3A_29 : f32 to vector<64x1xf32>
    %select_n3A_31 = arith.select %gt3A_22, %div3A_28, %broadcast_in_dim3A_30 : vector<64x1xi1>, vector<64x1xf32>
    %mul3A_32 = vector.broadcast %select_n3A_31 : vector<64x1xf32> to vector<64x128xf32>
    %mul3A_33 = arith.mulf %get3A_14, %mul3A_32 : vector<64x128xf32>
    %get3A_34 = arith.constant 0 : index
    %get3A_35 = arith.constant 0 : index
    %get3A_36 = vector.load %arg6[%get3A_34, %get3A_35] : memref<1x128xf32, #tpu.memory_space<vmem>>, vector<1x128xf32>
    %get3A_37 = arith.constant 0 : index
    %get3A_38 = arith.constant 0 : index
    %get3A_39 = vector.load %arg5[%get3A_37, %get3A_38] : memref<128x128xf32, #tpu.memory_space<vmem>>, vector<128x128xf32>
    %dot_general3A = arith.constant dense<0.000000e+00> : vector<256x128xf32>
    %dot_general3A_40 = tpu.matmul %mul3A_11, %get3A_39, %dot_general3A {dimension_numbers = #tpu.dot_dimension_numbers<[1], [1], [0], [0], [0, 0, 1, 0], [], []>, transpose_lhs_hint = false} : vector<256x128xf32>, vector<128x128xf32>, vector<256x128xf32> -> vector<256x128xf32>
    %add3A = vector.broadcast %get3A_36 : vector<1x128xf32> to vector<256x128xf32>
    %add3A_41 = arith.addf %dot_general3A_40, %add3A : vector<256x128xf32>
    %get3A_42 = arith.constant 0 : index
    %get3A_43 = arith.constant 0 : index
    %get3A_44 = arith.constant 0 : index
    %get3A_45 = vector.load %arg1[%get3A_42, %get3A_43, %get3A_44] : memref<256x32x128xf32, #tpu.memory_space<vmem>>, vector<256x32x128xf32>
    %reshape3A = vector.shape_cast %get3A_45 : vector<256x32x128xf32> to vector<8192x128xf32>
    %broadcast_in_dim3A_46 = arith.constant 1.000000e+00 : f32
    %broadcast_in_dim3A_47 = vector.broadcast %broadcast_in_dim3A_46 : f32 to vector<128x128xf32>
    %mul3A_48 = arith.mulf %reshape3A, %reshape3A : vector<8192x128xf32>
    %dot_general3A_49 = arith.constant dense<0.000000e+00> : vector<8192x128xf32>
    %dot_general3A_50 = tpu.matmul %mul3A_48, %broadcast_in_dim3A_47, %dot_general3A_49 {dimension_numbers = #tpu.dot_dimension_numbers<[1], [0], [0], [1], [0, 0, 1, 1], [], []>, transpose_lhs_hint = false} : vector<8192x128xf32>, vector<128x128xf32>, vector<8192x128xf32> -> vector<8192x128xf32>
    %max3A_51 = arith.constant 1.000000e+00 : f32
    %max3A_52 = vector.broadcast %max3A_51 : f32 to vector<8192x128xf32>
    %max3A_53 = arith.maximumf %dot_general3A_50, %max3A_52 : vector<8192x128xf32>
    %rsqrt3A = math.rsqrt %max3A_53 : vector<8192x128xf32>
    %mul3A_54 = arith.mulf %reshape3A, %rsqrt3A : vector<8192x128xf32>
    %reshape3A_55 = vector.shape_cast %mul3A_54 : vector<8192x128xf32> to vector<256x32x128xf32>
    %get3A_56 = arith.constant 0 : index
    %get3A_57 = arith.constant 0 : index
    %get3A_58 = vector.load %arg5[%get3A_56, %get3A_57] : memref<128x128xf32, #tpu.memory_space<vmem>>, vector<128x128xf32>
    %dot_general3A_59 = arith.constant dense<0.000000e+00> : vector<8192x128xf32>
    %dot_general3A_60 = tpu.matmul %mul3A_54, %get3A_58, %dot_general3A_59 {dimension_numbers = #tpu.dot_dimension_numbers<[1], [1], [0], [0], [0, 0, 1, 0], [], []>, transpose_lhs_hint = false} : vector<8192x128xf32>, vector<128x128xf32>, vector<8192x128xf32> -> vector<8192x128xf32>
    %add3A_61 = vector.broadcast %get3A_36 : vector<1x128xf32> to vector<8192x128xf32>
    %add3A_62 = arith.addf %dot_general3A_60, %add3A_61 : vector<8192x128xf32>
    %broadcast_in_dim3A_63 = vector.shape_cast %add3A_41 : vector<256x128xf32> to vector<256x1x128xf32>
    %broadcast_in_dim3A_64 = vector.shape_cast %broadcast_in_dim3A_63 : vector<256x1x128xf32> to vector<256x1x128xf32>
    %broadcast_in_dim3A_65 = vector.broadcast %broadcast_in_dim3A_64 : vector<256x1x128xf32> to vector<256x32x128xf32>
    %reshape3A_66 = vector.shape_cast %broadcast_in_dim3A_65 : vector<256x32x128xf32> to vector<8192x128xf32>
    %iota3A = tpu.iota {dimensions = array<i32: 2>} : vector<1x1x64xi32>
    %get3A_67 = arith.constant 0 : index
    %get3A_68 = arith.constant 0 : index
    %get3A_69 = vector.load %arg3[%get3A_67, %get3A_68] : memref<256x32xi32, #tpu.memory_space<vmem>>, vector<256x32xi32>
    %broadcast_in_dim3A_70 = vector.shape_cast %get3A_69 : vector<256x32xi32> to vector<256x32x1xi32>
    %eq3A = vector.broadcast %broadcast_in_dim3A_70 : vector<256x32x1xi32> to vector<256x32x64xi32>
    %eq3A_71 = vector.broadcast %iota3A : vector<1x1x64xi32> to vector<256x32x64xi32>
    %eq3A_72 = arith.cmpi eq, %eq3A, %eq3A_71 : vector<256x32x64xi32>
    %convert_element_type3A = arith.extui %eq3A_72 : vector<256x32x64xi1> to vector<256x32x64xi32>
    %convert_element_type3A_73 = arith.sitofp %convert_element_type3A : vector<256x32x64xi32> to vector<256x32x64xf32>
    %reshape3A_74 = vector.shape_cast %convert_element_type3A_73 : vector<256x32x64xf32> to vector<8192x64xf32>
    %dot_general3A_75 = arith.constant dense<0.000000e+00> : vector<8192x128xf32>
    %dot_general3A_76 = tpu.matmul %reshape3A_74, %mul3A_33, %dot_general3A_75 {dimension_numbers = #tpu.dot_dimension_numbers<[1], [0], [0], [1], [0, 0, 1, 1], [], []>, transpose_lhs_hint = false} : vector<8192x64xf32>, vector<64x128xf32>, vector<8192x128xf32> -> vector<8192x128xf32>
    %add3A_77 = arith.addf %reshape3A_66, %dot_general3A_76 : vector<8192x128xf32>
    %tanh3A = math.tanh %add3A_77 : vector<8192x128xf32>
    %mul3A_78 = arith.mulf %tanh3A, %add3A_62 : vector<8192x128xf32>
    %reshape3A_79 = vector.shape_cast %mul3A_78 : vector<8192x128xf32> to vector<256x32x128xf32>
    %reduce_sum3A_80 = arith.constant dense<0.000000e+00> : vector<256x32xf32>
    %reduce_sum3A_81 = vector.multi_reduction <add>, %reshape3A_79, %reduce_sum3A_80 [2] : vector<256x32x128xf32> to vector<256x32xf32>
    %transpose3A = tpu.transpose %reduce_sum3A_81, [1, 0] : vector<256x32xf32> -> vector<32x256xf32>
    %reduce_max3A = arith.constant dense<0xFF800000> : vector<256xf32>
    %reduce_max3A_82 = vector.multi_reduction <maximumf>, %transpose3A, %reduce_max3A [0] : vector<32x256xf32> to vector<256xf32>
    %broadcast_in_dim3A_83 = vector.shape_cast %reduce_max3A_82 : vector<256xf32> to vector<1x256xf32>
    %sub3A = vector.broadcast %broadcast_in_dim3A_83 : vector<1x256xf32> to vector<32x256xf32>
    %sub3A_84 = arith.subf %transpose3A, %sub3A : vector<32x256xf32>
    %exp3A = math.exp %sub3A_84 : vector<32x256xf32>
    %reduce_sum3A_85 = arith.constant dense<0.000000e+00> : vector<256xf32>
    %reduce_sum3A_86 = vector.multi_reduction <add>, %exp3A, %reduce_sum3A_85 [0] : vector<32x256xf32> to vector<256xf32>
    %broadcast_in_dim3A_87 = vector.shape_cast %reduce_sum3A_86 : vector<256xf32> to vector<1x256xf32>
    %div3A_88 = vector.broadcast %broadcast_in_dim3A_87 : vector<1x256xf32> to vector<32x256xf32>
    %div3A_89 = arith.divf %exp3A, %div3A_88 : vector<32x256xf32>
    %transpose3A_90 = tpu.transpose %div3A_89, [1, 0] : vector<32x256xf32> -> vector<256x32xf32>
    %broadcast_in_dim3A_91 = vector.shape_cast %transpose3A_90 : vector<256x32xf32> to vector<256x32x1xf32>
    %mul3A_92 = vector.broadcast %broadcast_in_dim3A_91 : vector<256x32x1xf32> to vector<256x32x128xf32>
    %mul3A_93 = arith.mulf %reshape3A_55, %mul3A_92 : vector<256x32x128xf32>
    %reduce_sum3A_94 = arith.constant dense<0.000000e+00> : vector<256x128xf32>
    %reduce_sum3A_95 = vector.multi_reduction <add>, %mul3A_93, %reduce_sum3A_94 [1] : vector<256x32x128xf32> to vector<256x128xf32>
    %add3A_96 = arith.addf %mul3A_11, %reduce_sum3A_95 : vector<256x128xf32>
    %get3A_97 = arith.constant 0 : index
    %get3A_98 = arith.constant 0 : index
    %get3A_99 = vector.load %arg7[%get3A_97, %get3A_98] : memref<128x128xf32, #tpu.memory_space<vmem>>, vector<128x128xf32>
    %dot_general3A_100 = arith.constant dense<0.000000e+00> : vector<256x128xf32>
    %dot_general3A_101 = tpu.matmul %add3A_96, %get3A_99, %dot_general3A_100 {dimension_numbers = #tpu.dot_dimension_numbers<[1], [1], [0], [0], [0, 0, 1, 0], [], []>, transpose_lhs_hint = false} : vector<256x128xf32>, vector<128x128xf32>, vector<256x128xf32> -> vector<256x128xf32>
    %get3A_102 = arith.constant 0 : index
    %get3A_103 = arith.constant 0 : index
    %get3A_104 = vector.load %arg8[%get3A_102, %get3A_103] : memref<1x128xf32, #tpu.memory_space<vmem>>, vector<1x128xf32>
    %add3A_105 = vector.broadcast %get3A_104 : vector<1x128xf32> to vector<256x128xf32>
    %add3A_106 = arith.addf %dot_general3A_101, %add3A_105 : vector<256x128xf32>
    %gt3A_107 = arith.constant 0.000000e+00 : f32
    %gt3A_108 = vector.broadcast %gt3A_107 : f32 to vector<256x128xf32>
    %gt3A_109 = arith.cmpf ogt, %add3A_106, %gt3A_108 : vector<256x128xf32>
    %mul3A_110 = arith.constant 2.000000e-01 : f32
    %mul3A_111 = vector.broadcast %mul3A_110 : f32 to vector<256x128xf32>
    %mul3A_112 = arith.mulf %mul3A_111, %add3A_106 : vector<256x128xf32>
    %select_n3A_113 = arith.select %gt3A_109, %add3A_106, %mul3A_112 : vector<256x128xi1>, vector<256x128xf32>
    %mul3A_114 = arith.mulf %mul3A_11, %reduce_sum3A_95 : vector<256x128xf32>
    %get3A_115 = arith.constant 0 : index
    %get3A_116 = arith.constant 0 : index
    %get3A_117 = vector.load %arg9[%get3A_115, %get3A_116] : memref<128x128xf32, #tpu.memory_space<vmem>>, vector<128x128xf32>
    %dot_general3A_118 = arith.constant dense<0.000000e+00> : vector<256x128xf32>
    %dot_general3A_119 = tpu.matmul %mul3A_114, %get3A_117, %dot_general3A_118 {dimension_numbers = #tpu.dot_dimension_numbers<[1], [1], [0], [0], [0, 0, 1, 0], [], []>, transpose_lhs_hint = false} : vector<256x128xf32>, vector<128x128xf32>, vector<256x128xf32> -> vector<256x128xf32>
    %get3A_120 = arith.constant 0 : index
    %get3A_121 = arith.constant 0 : index
    %get3A_122 = vector.load %arg10[%get3A_120, %get3A_121] : memref<1x128xf32, #tpu.memory_space<vmem>>, vector<1x128xf32>
    %add3A_123 = vector.broadcast %get3A_122 : vector<1x128xf32> to vector<256x128xf32>
    %add3A_124 = arith.addf %dot_general3A_119, %add3A_123 : vector<256x128xf32>
    %gt3A_125 = arith.constant 0.000000e+00 : f32
    %gt3A_126 = vector.broadcast %gt3A_125 : f32 to vector<256x128xf32>
    %gt3A_127 = arith.cmpf ogt, %add3A_124, %gt3A_126 : vector<256x128xf32>
    %mul3A_128 = arith.constant 2.000000e-01 : f32
    %mul3A_129 = vector.broadcast %mul3A_128 : f32 to vector<256x128xf32>
    %mul3A_130 = arith.mulf %mul3A_129, %add3A_124 : vector<256x128xf32>
    %select_n3A_131 = arith.select %gt3A_127, %add3A_124, %mul3A_130 : vector<256x128xi1>, vector<256x128xf32>
    %add3A_132 = arith.addf %select_n3A_113, %select_n3A_131 : vector<256x128xf32>
    %swap3A = arith.constant 0 : index
    %swap3A_133 = arith.constant 0 : index
    %swap3A_134 = vector.load %arg11[%swap3A, %swap3A_133] : memref<256x128xf32, #tpu.memory_space<vmem>>, vector<256x128xf32>
    tpu.vector_store %arg11[%swap3A, %swap3A_133], %add3A_132 {strides = array<i32>} : memref<256x128xf32, #tpu.memory_space<vmem>>, vector<256x128xf32>,
    return
  }
  func.func @transform_0(%arg0: i32) -> (i32, i32, i32) {
    %c0_i32 = arith.constant 0 : i32
    %c0_i32_0 = arith.constant 0 : i32
    %c0_i32_1 = arith.constant 0 : i32
    return %arg0, %c0_i32, %c0_i32_0 : i32, i32, i32
  }
  func.func @transform_1(%arg0: i32) -> (i32, i32) {
    %c0_i32 = arith.constant 0 : i32
    %c0_i32_0 = arith.constant 0 : i32
    return %arg0, %c0_i32 : i32, i32
  }
  func.func @transform_2(%arg0: i32) -> (i32, i32) {
    %add3A = arith.constant 0 : i32
    %add3A_0 = arith.addi %add3A, %arg0 : i32
    %c0_i32 = arith.constant 0 : i32
    %c0_i32_1 = arith.constant 0 : i32
    return %add3A_0, %c0_i32 : i32, i32
  }
  func.func @transform_3(%arg0: i32) -> (i32, i32) {
    %c0_i32 = arith.constant 0 : i32
    %c0_i32_0 = arith.constant 0 : i32
    %c0_i32_1 = arith.constant 0 : i32
    return %c0_i32, %c0_i32_0 : i32, i32
  }
  func.func @transform_4(%arg0: i32) -> (i32, i32) {
    %c0_i32 = arith.constant 0 : i32
    %c0_i32_0 = arith.constant 0 : i32
    %c0_i32_1 = arith.constant 0 : i32
    return %c0_i32, %c0_i32_0 : i32, i32
  }
  func.func @transform_5(%arg0: i32) -> (i32, i32) {
    %c0_i32 = arith.constant 0 : i32
    %c0_i32_0 = arith.constant 0 : i32
    %c0_i32_1 = arith.constant 0 : i32
    return %c0_i32, %c0_i32_0 : i32, i32
  }
  func.func @transform_6(%arg0: i32) -> (i32, i32) {
    %c0_i32 = arith.constant 0 : i32
    %c0_i32_0 = arith.constant 0 : i32
    %c0_i32_1 = arith.constant 0 : i32
    return %c0_i32, %c0_i32_0 : i32, i32
  }
  func.func @transform_7(%arg0: i32) -> (i32, i32) {
    %c0_i32 = arith.constant 0 : i32
    %c0_i32_0 = arith.constant 0 : i32
    %c0_i32_1 = arith.constant 0 : i32
    return %c0_i32, %c0_i32_0 : i32, i32
  }
  func.func @transform_8(%arg0: i32) -> (i32, i32) {
    %c0_i32 = arith.constant 0 : i32
    %c0_i32_0 = arith.constant 0 : i32
    %c0_i32_1 = arith.constant 0 : i32
    return %c0_i32, %c0_i32_0 : i32, i32
  }
  func.func @transform_9(%arg0: i32) -> (i32, i32) {
    %c0_i32 = arith.constant 0 : i32
    %c0_i32_0 = arith.constant 0 : i32
    %c0_i32_1 = arith.constant 0 : i32
    return %c0_i32, %c0_i32_0 : i32, i32
  }
  func.func @transform_10(%arg0: i32) -> (i32, i32) {
    %c0_i32 = arith.constant 0 : i32
    %c0_i32_0 = arith.constant 0 : i32
    return %arg0, %c0_i32 : i32, i32
  }
}

module attributes {stable_mosaic.version = 14 : i64} {
  func.func @_tc_body(%arg0: i32, %arg1: memref<256x32x128xf32, #tpu.memory_space<vmem>>, %arg2: memref<256x128xf32, #tpu.memory_space<vmem>>, %arg3: memref<256x32xi32, #tpu.memory_space<vmem>>, %arg4: memref<64x128xf32, #tpu.memory_space<vmem>>, %arg5: memref<128x128xf32, #tpu.memory_space<vmem>>, %arg6: memref<1x128xf32, #tpu.memory_space<vmem>>, %arg7: memref<128x128xf32, #tpu.memory_space<vmem>>, %arg8: memref<1x128xf32, #tpu.memory_space<vmem>>, %arg9: memref<128x128xf32, #tpu.memory_space<vmem>>, %arg10: memref<1x128xf32, #tpu.memory_space<vmem>>, %arg11: memref<256x128xf32, #tpu.memory_space<vmem>>) attributes {dimension_semantics = [#tpu.dimension_semantics<arbitrary>], iteration_bounds = array<i64: 8>, scalar_prefetch = 0 : i64, scratch_operands = 0 : i64, tpu.core_type = #tpu.core_type<tc>, window_params = [{transform_indices = @transform_0, window_bounds = array<i64: 256, 32, 128>}, {transform_indices = @transform_1, window_bounds = array<i64: 256, 128>}, {transform_indices = @transform_2, window_bounds = array<i64: 256, 32>}, {pipeline_mode = #tpu.pipeline_mode<synchronous>, transform_indices = @transform_3, window_bounds = array<i64: 64, 128>}, {pipeline_mode = #tpu.pipeline_mode<synchronous>, transform_indices = @transform_4, window_bounds = array<i64: 128, 128>}, {pipeline_mode = #tpu.pipeline_mode<synchronous>, transform_indices = @transform_5, window_bounds = array<i64: 1, 128>}, {pipeline_mode = #tpu.pipeline_mode<synchronous>, transform_indices = @transform_6, window_bounds = array<i64: 128, 128>}, {pipeline_mode = #tpu.pipeline_mode<synchronous>, transform_indices = @transform_7, window_bounds = array<i64: 1, 128>}, {pipeline_mode = #tpu.pipeline_mode<synchronous>, transform_indices = @transform_8, window_bounds = array<i64: 128, 128>}, {pipeline_mode = #tpu.pipeline_mode<synchronous>, transform_indices = @transform_9, window_bounds = array<i64: 1, 128>}, {transform_indices = @transform_10, window_bounds = array<i64: 256, 128>}]} {
    %get3A = arith.constant 0 : index
    %get3A_0 = arith.constant 0 : index
    %get3A_1 = vector.load %arg2[%get3A, %get3A_0] : memref<256x128xf32, #tpu.memory_space<vmem>>, vector<256x128xf32>
    %mul3A = arith.mulf %get3A_1, %get3A_1 : vector<256x128xf32>
    %reduce_sum3A = arith.constant dense<0.000000e+00> : vector<256xf32>
    %reduce_sum3A_2 = vector.multi_reduction <add>, %mul3A, %reduce_sum3A [1] : vector<256x128xf32> to vector<256xf32>
    %broadcast_in_dim3A = vector.shape_cast %reduce_sum3A_2 : vector<256xf32> to vector<256x1xf32>
    %sqrt3A = math.sqrt %broadcast_in_dim3A : vector<256x1xf32>
    %gt3A = arith.constant 1.000000e+00 : f32
    %gt3A_3 = vector.broadcast %gt3A : f32 to vector<256x1xf32>
    %gt3A_4 = arith.cmpf ogt, %sqrt3A, %gt3A_3 : vector<256x1xf32>
    %max3A = arith.constant 1.000000e-07 : f32
    %max3A_5 = vector.broadcast %max3A : f32 to vector<256x1xf32>
    %max3A_6 = arith.maximumf %sqrt3A, %max3A_5 : vector<256x1xf32>
    %div3A = arith.constant 1.000000e+00 : f32
    %div3A_7 = vector.broadcast %div3A : f32 to vector<256x1xf32>
    %div3A_8 = arith.divf %div3A_7, %max3A_6 : vector<256x1xf32>
    %jit3A = arith.constant 1.000000e+00 : f32
    %broadcast_in_dim3A_9 = vector.broadcast %jit3A : f32 to vector<256x1xf32>
    %select_n3A = arith.select %gt3A_4, %div3A_8, %broadcast_in_dim3A_9 : vector<256x1xi1>, vector<256x1xf32>
    %mul3A_10 = vector.broadcast %select_n3A : vector<256x1xf32> to vector<256x128xf32>
    %mul3A_11 = arith.mulf %get3A_1, %mul3A_10 : vector<256x128xf32>
    %get3A_12 = arith.constant 0 : index
    %get3A_13 = arith.constant 0 : index
    %get3A_14 = vector.load %arg4[%get3A_12, %get3A_13] : memref<64x128xf32, #tpu.memory_space<vmem>>, vector<64x128xf32>
    %mul3A_15 = arith.mulf %get3A_14, %get3A_14 : vector<64x128xf32>
    %reduce_sum3A_16 = arith.constant dense<0.000000e+00> : vector<64xf32>
    %reduce_sum3A_17 = vector.multi_reduction <add>, %mul3A_15, %reduce_sum3A_16 [1] : vector<64x128xf32> to vector<64xf32>
    %broadcast_in_dim3A_18 = vector.shape_cast %reduce_sum3A_17 : vector<64xf32> to vector<64x1xf32>
    %sqrt3A_19 = math.sqrt %broadcast_in_dim3A_18 : vector<64x1xf32>
    %gt3A_20 = arith.constant 1.000000e+00 : f32
    %gt3A_21 = vector.broadcast %gt3A_20 : f32 to vector<64x1xf32>
    %gt3A_22 = arith.cmpf ogt, %sqrt3A_19, %gt3A_21 : vector<64x1xf32>
    %max3A_23 = arith.constant 1.000000e-07 : f32
    %max3A_24 = vector.broadcast %max3A_23 : f32 to vector<64x1xf32>
    %max3A_25 = arith.maximumf %sqrt3A_19, %max3A_24 : vector<64x1xf32>
    %div3A_26 = arith.constant 1.000000e+00 : f32
    %div3A_27 = vector.broadcast %div3A_26 : f32 to vector<64x1xf32>
    %div3A_28 = arith.divf %div3A_27, %max3A_25 : vector<64x1xf32>
    %jit3A_29 = arith.constant 1.000000e+00 : f32
    %broadcast_in_dim3A_30 = vector.broadcast %jit3A_29 : f32 to vector<64x1xf32>
    %select_n3A_31 = arith.select %gt3A_22, %div3A_28, %broadcast_in_dim3A_30 : vector<64x1xi1>, vector<64x1xf32>
    %mul3A_32 = vector.broadcast %select_n3A_31 : vector<64x1xf32> to vector<64x128xf32>
    %mul3A_33 = arith.mulf %get3A_14, %mul3A_32 : vector<64x128xf32>
    %get3A_34 = arith.constant 0 : index
    %get3A_35 = arith.constant 0 : index
    %get3A_36 = vector.load %arg6[%get3A_34, %get3A_35] : memref<1x128xf32, #tpu.memory_space<vmem>>, vector<1x128xf32>
    %get3A_37 = arith.constant 0 : index
    %get3A_38 = arith.constant 0 : index
    %get3A_39 = vector.load %arg5[%get3A_37, %get3A_38] : memref<128x128xf32, #tpu.memory_space<vmem>>, vector<128x128xf32>
    %dot_general3A = arith.constant dense<0.000000e+00> : vector<256x128xf32>
    %dot_general3A_40 = tpu.matmul %mul3A_11, %get3A_39, %dot_general3A {dimension_numbers = #tpu.dot_dimension_numbers<[1], [1], [0], [0], [0, 0, 1, 0], [], []>, transpose_lhs_hint = false} : vector<256x128xf32>, vector<128x128xf32>, vector<256x128xf32> -> vector<256x128xf32>
    %add3A = vector.broadcast %get3A_36 : vector<1x128xf32> to vector<256x128xf32>
    %add3A_41 = arith.addf %dot_general3A_40, %add3A : vector<256x128xf32>
    %get3A_42 = arith.constant 0 : index
    %get3A_43 = arith.constant 0 : index
    %get3A_44 = arith.constant 0 : index
    %get3A_45 = vector.load %arg1[%get3A_42, %get3A_43, %get3A_44] : memref<256x32x128xf32, #tpu.memory_space<vmem>>, vector<256x32x128xf32>
    %reshape3A = vector.shape_cast %get3A_45 : vector<256x32x128xf32> to vector<8192x128xf32>
    %broadcast_in_dim3A_46 = arith.constant 1.000000e+00 : f32
    %broadcast_in_dim3A_47 = vector.broadcast %broadcast_in_dim3A_46 : f32 to vector<128x128xf32>
    %mul3A_48 = arith.mulf %reshape3A, %reshape3A : vector<8192x128xf32>
    %dot_general3A_49 = arith.constant dense<0.000000e+00> : vector<8192x128xf32>
    %dot_general3A_50 = tpu.matmul %mul3A_48, %broadcast_in_dim3A_47, %dot_general3A_49 {dimension_numbers = #tpu.dot_dimension_numbers<[1], [0], [0], [1], [0, 0, 1, 1], [], []>, transpose_lhs_hint = false} : vector<8192x128xf32>, vector<128x128xf32>, vector<8192x128xf32> -> vector<8192x128xf32>
    %max3A_51 = arith.constant 1.000000e+00 : f32
    %max3A_52 = vector.broadcast %max3A_51 : f32 to vector<8192x128xf32>
    %max3A_53 = arith.maximumf %dot_general3A_50, %max3A_52 : vector<8192x128xf32>
    %rsqrt3A = math.rsqrt %max3A_53 : vector<8192x128xf32>
    %mul3A_54 = arith.mulf %reshape3A, %rsqrt3A : vector<8192x128xf32>
    %reshape3A_55 = vector.shape_cast %mul3A_54 : vector<8192x128xf32> to vector<256x32x128xf32>
    %get3A_56 = arith.constant 0 : index
    %get3A_57 = arith.constant 0 : index
    %get3A_58 = vector.load %arg5[%get3A_56, %get3A_57] : memref<128x128xf32, #tpu.memory_space<vmem>>, vector<128x128xf32>
    %dot_general3A_59 = arith.constant dense<0.000000e+00> : vector<8192x128xf32>
    %dot_general3A_60 = tpu.matmul %mul3A_54, %get3A_58, %dot_general3A_59 {dimension_numbers = #tpu.dot_dimension_numbers<[1], [1], [0], [0], [0, 0, 1, 0], [], []>, transpose_lhs_hint = false} : vector<8192x128xf32>, vector<128x128xf32>, vector<8192x128xf32> -> vector<8192x128xf32>
    %add3A_61 = vector.broadcast %get3A_36 : vector<1x128xf32> to vector<8192x128xf32>
    %add3A_62 = arith.addf %dot_general3A_60, %add3A_61 : vector<8192x128xf32>
    %broadcast_in_dim3A_63 = vector.shape_cast %add3A_41 : vector<256x128xf32> to vector<256x1x128xf32>
    %broadcast_in_dim3A_64 = vector.shape_cast %broadcast_in_dim3A_63 : vector<256x1x128xf32> to vector<256x1x128xf32>
    %broadcast_in_dim3A_65 = vector.broadcast %broadcast_in_dim3A_64 : vector<256x1x128xf32> to vector<256x32x128xf32>
    %reshape3A_66 = vector.shape_cast %broadcast_in_dim3A_65 : vector<256x32x128xf32> to vector<8192x128xf32>
    %iota3A = tpu.iota {dimensions = array<i32: 2>} : vector<1x1x64xi32>
    %get3A_67 = arith.constant 0 : index
    %get3A_68 = arith.constant 0 : index
    %get3A_69 = vector.load %arg3[%get3A_67, %get3A_68] : memref<256x32xi32, #tpu.memory_space<vmem>>, vector<256x32xi32>
    %broadcast_in_dim3A_70 = vector.shape_cast %get3A_69 : vector<256x32xi32> to vector<256x32x1xi32>
    %eq3A = vector.broadcast %broadcast_in_dim3A_70 : vector<256x32x1xi32> to vector<256x32x64xi32>
    %eq3A_71 = vector.broadcast %iota3A : vector<1x1x64xi32> to vector<256x32x64xi32>
    %eq3A_72 = arith.cmpi eq, %eq3A, %eq3A_71 : vector<256x32x64xi32>
    %convert_element_type3A = arith.extui %eq3A_72 : vector<256x32x64xi1> to vector<256x32x64xi32>
    %convert_element_type3A_73 = arith.sitofp %convert_element_type3A : vector<256x32x64xi32> to vector<256x32x64xf32>
    %reshape3A_74 = vector.shape_cast %convert_element_type3A_73 : vector<256x32x64xf32> to vector<8192x64xf32>
    %dot_general3A_75 = arith.constant dense<0.000000e+00> : vector<8192x128xf32>
    %dot_general3A_76 = tpu.matmul %reshape3A_74, %mul3A_33, %dot_general3A_75 {dimension_numbers = #tpu.dot_dimension_numbers<[1], [0], [0], [1], [0, 0, 1, 1], [], []>, transpose_lhs_hint = false} : vector<8192x64xf32>, vector<64x128xf32>, vector<8192x128xf32> -> vector<8192x128xf32>
    %add3A_77 = arith.addf %reshape3A_66, %dot_general3A_76 : vector<8192x128xf32>
    %tanh3A = math.tanh %add3A_77 : vector<8192x128xf32>
    %mul3A_78 = arith.mulf %tanh3A, %add3A_62 : vector<8192x128xf32>
    %reshape3A_79 = vector.shape_cast %mul3A_78 : vector<8192x128xf32> to vector<256x32x128xf32>
    %reduce_sum3A_80 = arith.constant dense<0.000000e+00> : vector<256x32xf32>
    %reduce_sum3A_81 = vector.multi_reduction <add>, %reshape3A_79, %reduce_sum3A_80 [2] : vector<256x32x128xf32> to vector<256x32xf32>
    %transpose3A = tpu.transpose %reduce_sum3A_81, [1, 0] : vector<256x32xf32> -> vector<32x256xf32>
    %reduce_max3A = arith.constant dense<0xFF800000> : vector<256xf32>
    %reduce_max3A_82 = vector.multi_reduction <maximumf>, %transpose3A, %reduce_max3A [0] : vector<32x256xf32> to vector<256xf32>
    %broadcast_in_dim3A_83 = vector.shape_cast %reduce_max3A_82 : vector<256xf32> to vector<1x256xf32>
    %sub3A = vector.broadcast %broadcast_in_dim3A_83 : vector<1x256xf32> to vector<32x256xf32>
    %sub3A_84 = arith.subf %transpose3A, %sub3A : vector<32x256xf32>
    %exp3A = math.exp %sub3A_84 : vector<32x256xf32>
    %reduce_sum3A_85 = arith.constant dense<0.000000e+00> : vector<256xf32>
    %reduce_sum3A_86 = vector.multi_reduction <add>, %exp3A, %reduce_sum3A_85 [0] : vector<32x256xf32> to vector<256xf32>
    %broadcast_in_dim3A_87 = vector.shape_cast %reduce_sum3A_86 : vector<256xf32> to vector<1x256xf32>
    %div3A_88 = vector.broadcast %broadcast_in_dim3A_87 : vector<1x256xf32> to vector<32x256xf32>
    %div3A_89 = arith.divf %exp3A, %div3A_88 : vector<32x256xf32>
    %transpose3A_90 = tpu.transpose %div3A_89, [1, 0] : vector<32x256xf32> -> vector<256x32xf32>
    %broadcast_in_dim3A_91 = vector.shape_cast %transpose3A_90 : vector<256x32xf32> to vector<256x32x1xf32>
    %mul3A_92 = vector.broadcast %broadcast_in_dim3A_91 : vector<256x32x1xf32> to vector<256x32x128xf32>
    %mul3A_93 = arith.mulf %reshape3A_55, %mul3A_92 : vector<256x32x128xf32>
    %reduce_sum3A_94 = arith.constant dense<0.000000e+00> : vector<256x128xf32>
    %reduce_sum3A_95 = vector.multi_reduction <add>, %mul3A_93, %reduce_sum3A_94 [1] : vector<256x32x128xf32> to vector<256x128xf32>
    %add3A_96 = arith.addf %mul3A_11, %reduce_sum3A_95 : vector<256x128xf32>
    %get3A_97 = arith.constant 0 : index
    %get3A_98 = arith.constant 0 : index
    %get3A_99 = vector.load %arg7[%get3A_97, %get3A_98] : memref<128x128xf32, #tpu.memory_space<vmem>>, vector<128x128xf32>
    %dot_general3A_100 = arith.constant dense<0.000000e+00> : vector<256x128xf32>
    %dot_general3A_101 = tpu.matmul %add3A_96, %get3A_99, %dot_general3A_100 {dimension_numbers = #tpu.dot_dimension_numbers<[1], [1], [0], [0], [0, 0, 1, 0], [], []>, transpose_lhs_hint = false} : vector<256x128xf32>, vector<128x128xf32>, vector<256x128xf32> -> vector<256x128xf32>
    %get3A_102 = arith.constant 0 : index
    %get3A_103 = arith.constant 0 : index
    %get3A_104 = vector.load %arg8[%get3A_102, %get3A_103] : memref<1x128xf32, #tpu.memory_space<vmem>>, vector<1x128xf32>
    %add3A_105 = vector.broadcast %get3A_104 : vector<1x128xf32> to vector<256x128xf32>
    %add3A_106 = arith.addf %dot_general3A_101, %add3A_105 : vector<256x128xf32>
    %gt3A_107 = arith.constant 0.000000e+00 : f32
    %gt3A_108 = vector.broadcast %gt3A_107 : f32 to vector<256x128xf32>
    %gt3A_109 = arith.cmpf ogt, %add3A_106, %gt3A_108 : vector<256x128xf32>
    %mul3A_110 = arith.constant 2.000000e-01 : f32
    %mul3A_111 = vector.broadcast %mul3A_110 : f32 to vector<256x128xf32>
    %mul3A_112 = arith.mulf %mul3A_111, %add3A_106 : vector<256x128xf32>
    %select_n3A_113 = arith.select %gt3A_109, %add3A_106, %mul3A_112 : vector<256x128xi1>, vector<256x128xf32>
    %mul3A_114 = arith.mulf %mul3A_11, %reduce_sum3A_95 : vector<256x128xf32>
    %get3A_115 = arith.constant 0 : index
    %get3A_116 = arith.constant 0 : index
    %get3A_117 = vector.load %arg9[%get3A_115, %get3A_116] : memref<128x128xf32, #tpu.memory_space<vmem>>, vector<128x128xf32>
    %dot_general3A_118 = arith.constant dense<0.000000e+00> : vector<256x128xf32>
    %dot_general3A_119 = tpu.matmul %mul3A_114, %get3A_117, %dot_general3A_118 {dimension_numbers = #tpu.dot_dimension_numbers<[1], [1], [0], [0], [0, 0, 1, 0], [], []>, transpose_lhs_hint = false} : vector<256x128xf32>, vector<128x128xf32>, vector<256x128xf32> -> vector<256x128xf32>
    %get3A_120 = arith.constant 0 : index
    %get3A_121 = arith.constant 0 : index
    %get3A_122 = vector.load %arg10[%get3A_120, %get3A_121] : memref<1x128xf32, #tpu.memory_space<vmem>>, vector<1x128xf32>
    %add3A_123 = vector.broadcast %get3A_122 : vector<1x128xf32> to vector<256x128xf32>
    %add3A_124 = arith.addf %dot_general3A_119, %add3A_123 : vector<256x128xf32>
    %gt3A_125 = arith.constant 0.000000e+00 : f32
    %gt3A_126 = vector.broadcast %gt3A_125 : f32 to vector<256x128xf32>
    %gt3A_127 = arith.cmpf ogt, %add3A_124, %gt3A_126 : vector<256x128xf32>
    %mul3A_128 = arith.constant 2.000000e-01 : f32
    %mul3A_129 = vector.broadcast %mul3A_128 : f32 to vector<256x128xf32>
    %mul3A_130 = arith.mulf %mul3A_129, %add3A_124 : vector<256x128xf32>
    %select_n3A_131 = arith.select %gt3A_127, %add3A_124, %mul3A_130 : vector<256x128xi1>, vector<256x128xf32>
    %add3A_132 = arith.addf %select_n3A_113, %select_n3A_131 : vector<256x128xf32>
    %swap3A = arith.constant 0 : index
    %swap3A_133 = arith.constant 0 : index
    %swap3A_134 = vector.load %arg11[%swap3A, %swap3A_133] : memref<256x128xf32, #tpu.memory_space<vmem>>, vector<256x128xf32>
    tpu.vector_store %arg11[%swap3A, %swap3A_133], %add3A_132 {strides = array<i32>} : memref<256x128xf32, #tpu.memory_space<vmem>>, vector<256x128xf32>,
    return
  }
  func.func @transform_0(%arg0: i32) -> (i32, i32, i32) {
    %c0_i32 = arith.constant 0 : i32
    %c0_i32_0 = arith.constant 0 : i32
    %c0_i32_1 = arith.constant 0 : i32
    return %arg0, %c0_i32, %c0_i32_0 : i32, i32, i32
  }
  func.func @transform_1(%arg0: i32) -> (i32, i32) {
    %c0_i32 = arith.constant 0 : i32
    %c0_i32_0 = arith.constant 0 : i32
    return %arg0, %c0_i32 : i32, i32
  }
  func.func @transform_2(%arg0: i32) -> (i32, i32) {
    %add3A = arith.constant 8 : i32
    %add3A_0 = arith.addi %add3A, %arg0 : i32
    %c0_i32 = arith.constant 0 : i32
    %c0_i32_1 = arith.constant 0 : i32
    return %add3A_0, %c0_i32 : i32, i32
  }
  func.func @transform_3(%arg0: i32) -> (i32, i32) {
    %c0_i32 = arith.constant 0 : i32
    %c0_i32_0 = arith.constant 0 : i32
    %c0_i32_1 = arith.constant 0 : i32
    return %c0_i32, %c0_i32_0 : i32, i32
  }
  func.func @transform_4(%arg0: i32) -> (i32, i32) {
    %c0_i32 = arith.constant 0 : i32
    %c0_i32_0 = arith.constant 0 : i32
    %c0_i32_1 = arith.constant 0 : i32
    return %c0_i32, %c0_i32_0 : i32, i32
  }
  func.func @transform_5(%arg0: i32) -> (i32, i32) {
    %c0_i32 = arith.constant 0 : i32
    %c0_i32_0 = arith.constant 0 : i32
    %c0_i32_1 = arith.constant 0 : i32
    return %c0_i32, %c0_i32_0 : i32, i32
  }
  func.func @transform_6(%arg0: i32) -> (i32, i32) {
    %c0_i32 = arith.constant 0 : i32
    %c0_i32_0 = arith.constant 0 : i32
    %c0_i32_1 = arith.constant 0 : i32
    return %c0_i32, %c0_i32_0 : i32, i32
  }
  func.func @transform_7(%arg0: i32) -> (i32, i32) {
    %c0_i32 = arith.constant 0 : i32
    %c0_i32_0 = arith.constant 0 : i32
    %c0_i32_1 = arith.constant 0 : i32
    return %c0_i32, %c0_i32_0 : i32, i32
  }
  func.func @transform_8(%arg0: i32) -> (i32, i32) {
    %c0_i32 = arith.constant 0 : i32
    %c0_i32_0 = arith.constant 0 : i32
    %c0_i32_1 = arith.constant 0 : i32
    return %c0_i32, %c0_i32_0 : i32, i32
  }
  func.func @transform_9(%arg0: i32) -> (i32, i32) {
    %c0_i32 = arith.constant 0 : i32
    %c0_i32_0 = arith.constant 0 : i32
    %c0_i32_1 = arith.constant 0 : i32
    return %c0_i32, %c0_i32_0 : i32, i32
  }
  func.func @transform_10(%arg0: i32) -> (i32, i32) {
    %c0_i32 = arith.constant 0 : i32
    %c0_i32_0 = arith.constant 0 : i32
    return %arg0, %c0_i32 : i32, i32
  }
}

module attributes {stable_mosaic.version = 14 : i64} {
  func.func @_tc_body(%arg0: i32, %arg1: memref<256x32x128xf32, #tpu.memory_space<vmem>>, %arg2: memref<256x128xf32, #tpu.memory_space<vmem>>, %arg3: memref<256x32xi32, #tpu.memory_space<vmem>>, %arg4: memref<64x128xf32, #tpu.memory_space<vmem>>, %arg5: memref<128x128xf32, #tpu.memory_space<vmem>>, %arg6: memref<1x128xf32, #tpu.memory_space<vmem>>, %arg7: memref<128x128xf32, #tpu.memory_space<vmem>>, %arg8: memref<1x128xf32, #tpu.memory_space<vmem>>, %arg9: memref<128x128xf32, #tpu.memory_space<vmem>>, %arg10: memref<1x128xf32, #tpu.memory_space<vmem>>, %arg11: memref<256x128xf32, #tpu.memory_space<vmem>>) attributes {dimension_semantics = [#tpu.dimension_semantics<arbitrary>], iteration_bounds = array<i64: 8>, scalar_prefetch = 0 : i64, scratch_operands = 0 : i64, tpu.core_type = #tpu.core_type<tc>, window_params = [{transform_indices = @transform_0, window_bounds = array<i64: 256, 32, 128>}, {transform_indices = @transform_1, window_bounds = array<i64: 256, 128>}, {transform_indices = @transform_2, window_bounds = array<i64: 256, 32>}, {pipeline_mode = #tpu.pipeline_mode<synchronous>, transform_indices = @transform_3, window_bounds = array<i64: 64, 128>}, {pipeline_mode = #tpu.pipeline_mode<synchronous>, transform_indices = @transform_4, window_bounds = array<i64: 128, 128>}, {pipeline_mode = #tpu.pipeline_mode<synchronous>, transform_indices = @transform_5, window_bounds = array<i64: 1, 128>}, {pipeline_mode = #tpu.pipeline_mode<synchronous>, transform_indices = @transform_6, window_bounds = array<i64: 128, 128>}, {pipeline_mode = #tpu.pipeline_mode<synchronous>, transform_indices = @transform_7, window_bounds = array<i64: 1, 128>}, {pipeline_mode = #tpu.pipeline_mode<synchronous>, transform_indices = @transform_8, window_bounds = array<i64: 128, 128>}, {pipeline_mode = #tpu.pipeline_mode<synchronous>, transform_indices = @transform_9, window_bounds = array<i64: 1, 128>}, {transform_indices = @transform_10, window_bounds = array<i64: 256, 128>}]} {
    %get3A = arith.constant 0 : index
    %get3A_0 = arith.constant 0 : index
    %get3A_1 = vector.load %arg2[%get3A, %get3A_0] : memref<256x128xf32, #tpu.memory_space<vmem>>, vector<256x128xf32>
    %mul3A = arith.mulf %get3A_1, %get3A_1 : vector<256x128xf32>
    %reduce_sum3A = arith.constant dense<0.000000e+00> : vector<256xf32>
    %reduce_sum3A_2 = vector.multi_reduction <add>, %mul3A, %reduce_sum3A [1] : vector<256x128xf32> to vector<256xf32>
    %broadcast_in_dim3A = vector.shape_cast %reduce_sum3A_2 : vector<256xf32> to vector<256x1xf32>
    %sqrt3A = math.sqrt %broadcast_in_dim3A : vector<256x1xf32>
    %gt3A = arith.constant 1.000000e+00 : f32
    %gt3A_3 = vector.broadcast %gt3A : f32 to vector<256x1xf32>
    %gt3A_4 = arith.cmpf ogt, %sqrt3A, %gt3A_3 : vector<256x1xf32>
    %max3A = arith.constant 1.000000e-07 : f32
    %max3A_5 = vector.broadcast %max3A : f32 to vector<256x1xf32>
    %max3A_6 = arith.maximumf %sqrt3A, %max3A_5 : vector<256x1xf32>
    %div3A = arith.constant 1.000000e+00 : f32
    %div3A_7 = vector.broadcast %div3A : f32 to vector<256x1xf32>
    %div3A_8 = arith.divf %div3A_7, %max3A_6 : vector<256x1xf32>
    %jit3A = arith.constant 1.000000e+00 : f32
    %broadcast_in_dim3A_9 = vector.broadcast %jit3A : f32 to vector<256x1xf32>
    %select_n3A = arith.select %gt3A_4, %div3A_8, %broadcast_in_dim3A_9 : vector<256x1xi1>, vector<256x1xf32>
    %mul3A_10 = vector.broadcast %select_n3A : vector<256x1xf32> to vector<256x128xf32>
    %mul3A_11 = arith.mulf %get3A_1, %mul3A_10 : vector<256x128xf32>
    %get3A_12 = arith.constant 0 : index
    %get3A_13 = arith.constant 0 : index
    %get3A_14 = vector.load %arg4[%get3A_12, %get3A_13] : memref<64x128xf32, #tpu.memory_space<vmem>>, vector<64x128xf32>
    %mul3A_15 = arith.mulf %get3A_14, %get3A_14 : vector<64x128xf32>
    %reduce_sum3A_16 = arith.constant dense<0.000000e+00> : vector<64xf32>
    %reduce_sum3A_17 = vector.multi_reduction <add>, %mul3A_15, %reduce_sum3A_16 [1] : vector<64x128xf32> to vector<64xf32>
    %broadcast_in_dim3A_18 = vector.shape_cast %reduce_sum3A_17 : vector<64xf32> to vector<64x1xf32>
    %sqrt3A_19 = math.sqrt %broadcast_in_dim3A_18 : vector<64x1xf32>
    %gt3A_20 = arith.constant 1.000000e+00 : f32
    %gt3A_21 = vector.broadcast %gt3A_20 : f32 to vector<64x1xf32>
    %gt3A_22 = arith.cmpf ogt, %sqrt3A_19, %gt3A_21 : vector<64x1xf32>
    %max3A_23 = arith.constant 1.000000e-07 : f32
    %max3A_24 = vector.broadcast %max3A_23 : f32 to vector<64x1xf32>
    %max3A_25 = arith.maximumf %sqrt3A_19, %max3A_24 : vector<64x1xf32>
    %div3A_26 = arith.constant 1.000000e+00 : f32
    %div3A_27 = vector.broadcast %div3A_26 : f32 to vector<64x1xf32>
    %div3A_28 = arith.divf %div3A_27, %max3A_25 : vector<64x1xf32>
    %jit3A_29 = arith.constant 1.000000e+00 : f32
    %broadcast_in_dim3A_30 = vector.broadcast %jit3A_29 : f32 to vector<64x1xf32>
    %select_n3A_31 = arith.select %gt3A_22, %div3A_28, %broadcast_in_dim3A_30 : vector<64x1xi1>, vector<64x1xf32>
    %mul3A_32 = vector.broadcast %select_n3A_31 : vector<64x1xf32> to vector<64x128xf32>
    %mul3A_33 = arith.mulf %get3A_14, %mul3A_32 : vector<64x128xf32>
    %get3A_34 = arith.constant 0 : index
    %get3A_35 = arith.constant 0 : index
    %get3A_36 = vector.load %arg6[%get3A_34, %get3A_35] : memref<1x128xf32, #tpu.memory_space<vmem>>, vector<1x128xf32>
    %get3A_37 = arith.constant 0 : index
    %get3A_38 = arith.constant 0 : index
    %get3A_39 = vector.load %arg5[%get3A_37, %get3A_38] : memref<128x128xf32, #tpu.memory_space<vmem>>, vector<128x128xf32>
    %dot_general3A = arith.constant dense<0.000000e+00> : vector<256x128xf32>
    %dot_general3A_40 = tpu.matmul %mul3A_11, %get3A_39, %dot_general3A {dimension_numbers = #tpu.dot_dimension_numbers<[1], [1], [0], [0], [0, 0, 1, 0], [], []>, transpose_lhs_hint = false} : vector<256x128xf32>, vector<128x128xf32>, vector<256x128xf32> -> vector<256x128xf32>
    %add3A = vector.broadcast %get3A_36 : vector<1x128xf32> to vector<256x128xf32>
    %add3A_41 = arith.addf %dot_general3A_40, %add3A : vector<256x128xf32>
    %get3A_42 = arith.constant 0 : index
    %get3A_43 = arith.constant 0 : index
    %get3A_44 = arith.constant 0 : index
    %get3A_45 = vector.load %arg1[%get3A_42, %get3A_43, %get3A_44] : memref<256x32x128xf32, #tpu.memory_space<vmem>>, vector<256x32x128xf32>
    %reshape3A = vector.shape_cast %get3A_45 : vector<256x32x128xf32> to vector<8192x128xf32>
    %broadcast_in_dim3A_46 = arith.constant 1.000000e+00 : f32
    %broadcast_in_dim3A_47 = vector.broadcast %broadcast_in_dim3A_46 : f32 to vector<128x128xf32>
    %mul3A_48 = arith.mulf %reshape3A, %reshape3A : vector<8192x128xf32>
    %dot_general3A_49 = arith.constant dense<0.000000e+00> : vector<8192x128xf32>
    %dot_general3A_50 = tpu.matmul %mul3A_48, %broadcast_in_dim3A_47, %dot_general3A_49 {dimension_numbers = #tpu.dot_dimension_numbers<[1], [0], [0], [1], [0, 0, 1, 1], [], []>, transpose_lhs_hint = false} : vector<8192x128xf32>, vector<128x128xf32>, vector<8192x128xf32> -> vector<8192x128xf32>
    %max3A_51 = arith.constant 1.000000e+00 : f32
    %max3A_52 = vector.broadcast %max3A_51 : f32 to vector<8192x128xf32>
    %max3A_53 = arith.maximumf %dot_general3A_50, %max3A_52 : vector<8192x128xf32>
    %rsqrt3A = math.rsqrt %max3A_53 : vector<8192x128xf32>
    %mul3A_54 = arith.mulf %reshape3A, %rsqrt3A : vector<8192x128xf32>
    %reshape3A_55 = vector.shape_cast %mul3A_54 : vector<8192x128xf32> to vector<256x32x128xf32>
    %get3A_56 = arith.constant 0 : index
    %get3A_57 = arith.constant 0 : index
    %get3A_58 = vector.load %arg5[%get3A_56, %get3A_57] : memref<128x128xf32, #tpu.memory_space<vmem>>, vector<128x128xf32>
    %dot_general3A_59 = arith.constant dense<0.000000e+00> : vector<8192x128xf32>
    %dot_general3A_60 = tpu.matmul %mul3A_54, %get3A_58, %dot_general3A_59 {dimension_numbers = #tpu.dot_dimension_numbers<[1], [1], [0], [0], [0, 0, 1, 0], [], []>, transpose_lhs_hint = false} : vector<8192x128xf32>, vector<128x128xf32>, vector<8192x128xf32> -> vector<8192x128xf32>
    %add3A_61 = vector.broadcast %get3A_36 : vector<1x128xf32> to vector<8192x128xf32>
    %add3A_62 = arith.addf %dot_general3A_60, %add3A_61 : vector<8192x128xf32>
    %broadcast_in_dim3A_63 = vector.shape_cast %add3A_41 : vector<256x128xf32> to vector<256x1x128xf32>
    %broadcast_in_dim3A_64 = vector.shape_cast %broadcast_in_dim3A_63 : vector<256x1x128xf32> to vector<256x1x128xf32>
    %broadcast_in_dim3A_65 = vector.broadcast %broadcast_in_dim3A_64 : vector<256x1x128xf32> to vector<256x32x128xf32>
    %reshape3A_66 = vector.shape_cast %broadcast_in_dim3A_65 : vector<256x32x128xf32> to vector<8192x128xf32>
    %iota3A = tpu.iota {dimensions = array<i32: 2>} : vector<1x1x64xi32>
    %get3A_67 = arith.constant 0 : index
    %get3A_68 = arith.constant 0 : index
    %get3A_69 = vector.load %arg3[%get3A_67, %get3A_68] : memref<256x32xi32, #tpu.memory_space<vmem>>, vector<256x32xi32>
    %broadcast_in_dim3A_70 = vector.shape_cast %get3A_69 : vector<256x32xi32> to vector<256x32x1xi32>
    %eq3A = vector.broadcast %broadcast_in_dim3A_70 : vector<256x32x1xi32> to vector<256x32x64xi32>
    %eq3A_71 = vector.broadcast %iota3A : vector<1x1x64xi32> to vector<256x32x64xi32>
    %eq3A_72 = arith.cmpi eq, %eq3A, %eq3A_71 : vector<256x32x64xi32>
    %convert_element_type3A = arith.extui %eq3A_72 : vector<256x32x64xi1> to vector<256x32x64xi32>
    %convert_element_type3A_73 = arith.sitofp %convert_element_type3A : vector<256x32x64xi32> to vector<256x32x64xf32>
    %reshape3A_74 = vector.shape_cast %convert_element_type3A_73 : vector<256x32x64xf32> to vector<8192x64xf32>
    %dot_general3A_75 = arith.constant dense<0.000000e+00> : vector<8192x128xf32>
    %dot_general3A_76 = tpu.matmul %reshape3A_74, %mul3A_33, %dot_general3A_75 {dimension_numbers = #tpu.dot_dimension_numbers<[1], [0], [0], [1], [0, 0, 1, 1], [], []>, transpose_lhs_hint = false} : vector<8192x64xf32>, vector<64x128xf32>, vector<8192x128xf32> -> vector<8192x128xf32>
    %add3A_77 = arith.addf %reshape3A_66, %dot_general3A_76 : vector<8192x128xf32>
    %tanh3A = math.tanh %add3A_77 : vector<8192x128xf32>
    %mul3A_78 = arith.mulf %tanh3A, %add3A_62 : vector<8192x128xf32>
    %reshape3A_79 = vector.shape_cast %mul3A_78 : vector<8192x128xf32> to vector<256x32x128xf32>
    %reduce_sum3A_80 = arith.constant dense<0.000000e+00> : vector<256x32xf32>
    %reduce_sum3A_81 = vector.multi_reduction <add>, %reshape3A_79, %reduce_sum3A_80 [2] : vector<256x32x128xf32> to vector<256x32xf32>
    %transpose3A = tpu.transpose %reduce_sum3A_81, [1, 0] : vector<256x32xf32> -> vector<32x256xf32>
    %reduce_max3A = arith.constant dense<0xFF800000> : vector<256xf32>
    %reduce_max3A_82 = vector.multi_reduction <maximumf>, %transpose3A, %reduce_max3A [0] : vector<32x256xf32> to vector<256xf32>
    %broadcast_in_dim3A_83 = vector.shape_cast %reduce_max3A_82 : vector<256xf32> to vector<1x256xf32>
    %sub3A = vector.broadcast %broadcast_in_dim3A_83 : vector<1x256xf32> to vector<32x256xf32>
    %sub3A_84 = arith.subf %transpose3A, %sub3A : vector<32x256xf32>
    %exp3A = math.exp %sub3A_84 : vector<32x256xf32>
    %reduce_sum3A_85 = arith.constant dense<0.000000e+00> : vector<256xf32>
    %reduce_sum3A_86 = vector.multi_reduction <add>, %exp3A, %reduce_sum3A_85 [0] : vector<32x256xf32> to vector<256xf32>
    %broadcast_in_dim3A_87 = vector.shape_cast %reduce_sum3A_86 : vector<256xf32> to vector<1x256xf32>
    %div3A_88 = vector.broadcast %broadcast_in_dim3A_87 : vector<1x256xf32> to vector<32x256xf32>
    %div3A_89 = arith.divf %exp3A, %div3A_88 : vector<32x256xf32>
    %transpose3A_90 = tpu.transpose %div3A_89, [1, 0] : vector<32x256xf32> -> vector<256x32xf32>
    %broadcast_in_dim3A_91 = vector.shape_cast %transpose3A_90 : vector<256x32xf32> to vector<256x32x1xf32>
    %mul3A_92 = vector.broadcast %broadcast_in_dim3A_91 : vector<256x32x1xf32> to vector<256x32x128xf32>
    %mul3A_93 = arith.mulf %reshape3A_55, %mul3A_92 : vector<256x32x128xf32>
    %reduce_sum3A_94 = arith.constant dense<0.000000e+00> : vector<256x128xf32>
    %reduce_sum3A_95 = vector.multi_reduction <add>, %mul3A_93, %reduce_sum3A_94 [1] : vector<256x32x128xf32> to vector<256x128xf32>
    %add3A_96 = arith.addf %mul3A_11, %reduce_sum3A_95 : vector<256x128xf32>
    %get3A_97 = arith.constant 0 : index
    %get3A_98 = arith.constant 0 : index
    %get3A_99 = vector.load %arg7[%get3A_97, %get3A_98] : memref<128x128xf32, #tpu.memory_space<vmem>>, vector<128x128xf32>
    %dot_general3A_100 = arith.constant dense<0.000000e+00> : vector<256x128xf32>
    %dot_general3A_101 = tpu.matmul %add3A_96, %get3A_99, %dot_general3A_100 {dimension_numbers = #tpu.dot_dimension_numbers<[1], [1], [0], [0], [0, 0, 1, 0], [], []>, transpose_lhs_hint = false} : vector<256x128xf32>, vector<128x128xf32>, vector<256x128xf32> -> vector<256x128xf32>
    %get3A_102 = arith.constant 0 : index
    %get3A_103 = arith.constant 0 : index
    %get3A_104 = vector.load %arg8[%get3A_102, %get3A_103] : memref<1x128xf32, #tpu.memory_space<vmem>>, vector<1x128xf32>
    %add3A_105 = vector.broadcast %get3A_104 : vector<1x128xf32> to vector<256x128xf32>
    %add3A_106 = arith.addf %dot_general3A_101, %add3A_105 : vector<256x128xf32>
    %gt3A_107 = arith.constant 0.000000e+00 : f32
    %gt3A_108 = vector.broadcast %gt3A_107 : f32 to vector<256x128xf32>
    %gt3A_109 = arith.cmpf ogt, %add3A_106, %gt3A_108 : vector<256x128xf32>
    %mul3A_110 = arith.constant 2.000000e-01 : f32
    %mul3A_111 = vector.broadcast %mul3A_110 : f32 to vector<256x128xf32>
    %mul3A_112 = arith.mulf %mul3A_111, %add3A_106 : vector<256x128xf32>
    %select_n3A_113 = arith.select %gt3A_109, %add3A_106, %mul3A_112 : vector<256x128xi1>, vector<256x128xf32>
    %mul3A_114 = arith.mulf %mul3A_11, %reduce_sum3A_95 : vector<256x128xf32>
    %get3A_115 = arith.constant 0 : index
    %get3A_116 = arith.constant 0 : index
    %get3A_117 = vector.load %arg9[%get3A_115, %get3A_116] : memref<128x128xf32, #tpu.memory_space<vmem>>, vector<128x128xf32>
    %dot_general3A_118 = arith.constant dense<0.000000e+00> : vector<256x128xf32>
    %dot_general3A_119 = tpu.matmul %mul3A_114, %get3A_117, %dot_general3A_118 {dimension_numbers = #tpu.dot_dimension_numbers<[1], [1], [0], [0], [0, 0, 1, 0], [], []>, transpose_lhs_hint = false} : vector<256x128xf32>, vector<128x128xf32>, vector<256x128xf32> -> vector<256x128xf32>
    %get3A_120 = arith.constant 0 : index
    %get3A_121 = arith.constant 0 : index
    %get3A_122 = vector.load %arg10[%get3A_120, %get3A_121] : memref<1x128xf32, #tpu.memory_space<vmem>>, vector<1x128xf32>
    %add3A_123 = vector.broadcast %get3A_122 : vector<1x128xf32> to vector<256x128xf32>
    %add3A_124 = arith.addf %dot_general3A_119, %add3A_123 : vector<256x128xf32>
    %gt3A_125 = arith.constant 0.000000e+00 : f32
    %gt3A_126 = vector.broadcast %gt3A_125 : f32 to vector<256x128xf32>
    %gt3A_127 = arith.cmpf ogt, %add3A_124, %gt3A_126 : vector<256x128xf32>
    %mul3A_128 = arith.constant 2.000000e-01 : f32
    %mul3A_129 = vector.broadcast %mul3A_128 : f32 to vector<256x128xf32>
    %mul3A_130 = arith.mulf %mul3A_129, %add3A_124 : vector<256x128xf32>
    %select_n3A_131 = arith.select %gt3A_127, %add3A_124, %mul3A_130 : vector<256x128xi1>, vector<256x128xf32>
    %add3A_132 = arith.addf %select_n3A_113, %select_n3A_131 : vector<256x128xf32>
    %swap3A = arith.constant 0 : index
    %swap3A_133 = arith.constant 0 : index
    %swap3A_134 = vector.load %arg11[%swap3A, %swap3A_133] : memref<256x128xf32, #tpu.memory_space<vmem>>, vector<256x128xf32>
    tpu.vector_store %arg11[%swap3A, %swap3A_133], %add3A_132 {strides = array<i32>} : memref<256x128xf32, #tpu.memory_space<vmem>>, vector<256x128xf32>,
    return
  }
  func.func @transform_0(%arg0: i32) -> (i32, i32, i32) {
    %c0_i32 = arith.constant 0 : i32
    %c0_i32_0 = arith.constant 0 : i32
    %c0_i32_1 = arith.constant 0 : i32
    return %arg0, %c0_i32, %c0_i32_0 : i32, i32, i32
  }
  func.func @transform_1(%arg0: i32) -> (i32, i32) {
    %c0_i32 = arith.constant 0 : i32
    %c0_i32_0 = arith.constant 0 : i32
    return %arg0, %c0_i32 : i32, i32
  }
  func.func @transform_2(%arg0: i32) -> (i32, i32) {
    %add3A = arith.constant 16 : i32
    %add3A_0 = arith.addi %add3A, %arg0 : i32
    %c0_i32 = arith.constant 0 : i32
    %c0_i32_1 = arith.constant 0 : i32
    return %add3A_0, %c0_i32 : i32, i32
  }
  func.func @transform_3(%arg0: i32) -> (i32, i32) {
    %c0_i32 = arith.constant 0 : i32
    %c0_i32_0 = arith.constant 0 : i32
    %c0_i32_1 = arith.constant 0 : i32
    return %c0_i32, %c0_i32_0 : i32, i32
  }
  func.func @transform_4(%arg0: i32) -> (i32, i32) {
    %c0_i32 = arith.constant 0 : i32
    %c0_i32_0 = arith.constant 0 : i32
    %c0_i32_1 = arith.constant 0 : i32
    return %c0_i32, %c0_i32_0 : i32, i32
  }
  func.func @transform_5(%arg0: i32) -> (i32, i32) {
    %c0_i32 = arith.constant 0 : i32
    %c0_i32_0 = arith.constant 0 : i32
    %c0_i32_1 = arith.constant 0 : i32
    return %c0_i32, %c0_i32_0 : i32, i32
  }
  func.func @transform_6(%arg0: i32) -> (i32, i32) {
    %c0_i32 = arith.constant 0 : i32
    %c0_i32_0 = arith.constant 0 : i32
    %c0_i32_1 = arith.constant 0 : i32
    return %c0_i32, %c0_i32_0 : i32, i32
  }
  func.func @transform_7(%arg0: i32) -> (i32, i32) {
    %c0_i32 = arith.constant 0 : i32
    %c0_i32_0 = arith.constant 0 : i32
    %c0_i32_1 = arith.constant 0 : i32
    return %c0_i32, %c0_i32_0 : i32, i32
  }
  func.func @transform_8(%arg0: i32) -> (i32, i32) {
    %c0_i32 = arith.constant 0 : i32
    %c0_i32_0 = arith.constant 0 : i32
    %c0_i32_1 = arith.constant 0 : i32
    return %c0_i32, %c0_i32_0 : i32, i32
  }
  func.func @transform_9(%arg0: i32) -> (i32, i32) {
    %c0_i32 = arith.constant 0 : i32
    %c0_i32_0 = arith.constant 0 : i32
    %c0_i32_1 = arith.constant 0 : i32
    return %c0_i32, %c0_i32_0 : i32, i32
  }
  func.func @transform_10(%arg0: i32) -> (i32, i32) {
    %c0_i32 = arith.constant 0 : i32
    %c0_i32_0 = arith.constant 0 : i32
    return %arg0, %c0_i32 : i32, i32
  }
}

module attributes {stable_mosaic.version = 14 : i64} {
  func.func @_tc_body(%arg0: i32, %arg1: memref<256x32x128xf32, #tpu.memory_space<vmem>>, %arg2: memref<256x128xf32, #tpu.memory_space<vmem>>, %arg3: memref<256x32xi32, #tpu.memory_space<vmem>>, %arg4: memref<64x128xf32, #tpu.memory_space<vmem>>, %arg5: memref<128x128xf32, #tpu.memory_space<vmem>>, %arg6: memref<1x128xf32, #tpu.memory_space<vmem>>, %arg7: memref<128x128xf32, #tpu.memory_space<vmem>>, %arg8: memref<1x128xf32, #tpu.memory_space<vmem>>, %arg9: memref<128x128xf32, #tpu.memory_space<vmem>>, %arg10: memref<1x128xf32, #tpu.memory_space<vmem>>, %arg11: memref<256x128xf32, #tpu.memory_space<vmem>>) attributes {dimension_semantics = [#tpu.dimension_semantics<arbitrary>], iteration_bounds = array<i64: 8>, scalar_prefetch = 0 : i64, scratch_operands = 0 : i64, tpu.core_type = #tpu.core_type<tc>, window_params = [{transform_indices = @transform_0, window_bounds = array<i64: 256, 32, 128>}, {transform_indices = @transform_1, window_bounds = array<i64: 256, 128>}, {transform_indices = @transform_2, window_bounds = array<i64: 256, 32>}, {pipeline_mode = #tpu.pipeline_mode<synchronous>, transform_indices = @transform_3, window_bounds = array<i64: 64, 128>}, {pipeline_mode = #tpu.pipeline_mode<synchronous>, transform_indices = @transform_4, window_bounds = array<i64: 128, 128>}, {pipeline_mode = #tpu.pipeline_mode<synchronous>, transform_indices = @transform_5, window_bounds = array<i64: 1, 128>}, {pipeline_mode = #tpu.pipeline_mode<synchronous>, transform_indices = @transform_6, window_bounds = array<i64: 128, 128>}, {pipeline_mode = #tpu.pipeline_mode<synchronous>, transform_indices = @transform_7, window_bounds = array<i64: 1, 128>}, {pipeline_mode = #tpu.pipeline_mode<synchronous>, transform_indices = @transform_8, window_bounds = array<i64: 128, 128>}, {pipeline_mode = #tpu.pipeline_mode<synchronous>, transform_indices = @transform_9, window_bounds = array<i64: 1, 128>}, {transform_indices = @transform_10, window_bounds = array<i64: 256, 128>}]} {
    %get3A = arith.constant 0 : index
    %get3A_0 = arith.constant 0 : index
    %get3A_1 = vector.load %arg2[%get3A, %get3A_0] : memref<256x128xf32, #tpu.memory_space<vmem>>, vector<256x128xf32>
    %mul3A = arith.mulf %get3A_1, %get3A_1 : vector<256x128xf32>
    %reduce_sum3A = arith.constant dense<0.000000e+00> : vector<256xf32>
    %reduce_sum3A_2 = vector.multi_reduction <add>, %mul3A, %reduce_sum3A [1] : vector<256x128xf32> to vector<256xf32>
    %broadcast_in_dim3A = vector.shape_cast %reduce_sum3A_2 : vector<256xf32> to vector<256x1xf32>
    %sqrt3A = math.sqrt %broadcast_in_dim3A : vector<256x1xf32>
    %gt3A = arith.constant 1.000000e+00 : f32
    %gt3A_3 = vector.broadcast %gt3A : f32 to vector<256x1xf32>
    %gt3A_4 = arith.cmpf ogt, %sqrt3A, %gt3A_3 : vector<256x1xf32>
    %max3A = arith.constant 1.000000e-07 : f32
    %max3A_5 = vector.broadcast %max3A : f32 to vector<256x1xf32>
    %max3A_6 = arith.maximumf %sqrt3A, %max3A_5 : vector<256x1xf32>
    %div3A = arith.constant 1.000000e+00 : f32
    %div3A_7 = vector.broadcast %div3A : f32 to vector<256x1xf32>
    %div3A_8 = arith.divf %div3A_7, %max3A_6 : vector<256x1xf32>
    %jit3A = arith.constant 1.000000e+00 : f32
    %broadcast_in_dim3A_9 = vector.broadcast %jit3A : f32 to vector<256x1xf32>
    %select_n3A = arith.select %gt3A_4, %div3A_8, %broadcast_in_dim3A_9 : vector<256x1xi1>, vector<256x1xf32>
    %mul3A_10 = vector.broadcast %select_n3A : vector<256x1xf32> to vector<256x128xf32>
    %mul3A_11 = arith.mulf %get3A_1, %mul3A_10 : vector<256x128xf32>
    %get3A_12 = arith.constant 0 : index
    %get3A_13 = arith.constant 0 : index
    %get3A_14 = vector.load %arg4[%get3A_12, %get3A_13] : memref<64x128xf32, #tpu.memory_space<vmem>>, vector<64x128xf32>
    %mul3A_15 = arith.mulf %get3A_14, %get3A_14 : vector<64x128xf32>
    %reduce_sum3A_16 = arith.constant dense<0.000000e+00> : vector<64xf32>
    %reduce_sum3A_17 = vector.multi_reduction <add>, %mul3A_15, %reduce_sum3A_16 [1] : vector<64x128xf32> to vector<64xf32>
    %broadcast_in_dim3A_18 = vector.shape_cast %reduce_sum3A_17 : vector<64xf32> to vector<64x1xf32>
    %sqrt3A_19 = math.sqrt %broadcast_in_dim3A_18 : vector<64x1xf32>
    %gt3A_20 = arith.constant 1.000000e+00 : f32
    %gt3A_21 = vector.broadcast %gt3A_20 : f32 to vector<64x1xf32>
    %gt3A_22 = arith.cmpf ogt, %sqrt3A_19, %gt3A_21 : vector<64x1xf32>
    %max3A_23 = arith.constant 1.000000e-07 : f32
    %max3A_24 = vector.broadcast %max3A_23 : f32 to vector<64x1xf32>
    %max3A_25 = arith.maximumf %sqrt3A_19, %max3A_24 : vector<64x1xf32>
    %div3A_26 = arith.constant 1.000000e+00 : f32
    %div3A_27 = vector.broadcast %div3A_26 : f32 to vector<64x1xf32>
    %div3A_28 = arith.divf %div3A_27, %max3A_25 : vector<64x1xf32>
    %jit3A_29 = arith.constant 1.000000e+00 : f32
    %broadcast_in_dim3A_30 = vector.broadcast %jit3A_29 : f32 to vector<64x1xf32>
    %select_n3A_31 = arith.select %gt3A_22, %div3A_28, %broadcast_in_dim3A_30 : vector<64x1xi1>, vector<64x1xf32>
    %mul3A_32 = vector.broadcast %select_n3A_31 : vector<64x1xf32> to vector<64x128xf32>
    %mul3A_33 = arith.mulf %get3A_14, %mul3A_32 : vector<64x128xf32>
    %get3A_34 = arith.constant 0 : index
    %get3A_35 = arith.constant 0 : index
    %get3A_36 = vector.load %arg6[%get3A_34, %get3A_35] : memref<1x128xf32, #tpu.memory_space<vmem>>, vector<1x128xf32>
    %get3A_37 = arith.constant 0 : index
    %get3A_38 = arith.constant 0 : index
    %get3A_39 = vector.load %arg5[%get3A_37, %get3A_38] : memref<128x128xf32, #tpu.memory_space<vmem>>, vector<128x128xf32>
    %dot_general3A = arith.constant dense<0.000000e+00> : vector<256x128xf32>
    %dot_general3A_40 = tpu.matmul %mul3A_11, %get3A_39, %dot_general3A {dimension_numbers = #tpu.dot_dimension_numbers<[1], [1], [0], [0], [0, 0, 1, 0], [], []>, transpose_lhs_hint = false} : vector<256x128xf32>, vector<128x128xf32>, vector<256x128xf32> -> vector<256x128xf32>
    %add3A = vector.broadcast %get3A_36 : vector<1x128xf32> to vector<256x128xf32>
    %add3A_41 = arith.addf %dot_general3A_40, %add3A : vector<256x128xf32>
    %get3A_42 = arith.constant 0 : index
    %get3A_43 = arith.constant 0 : index
    %get3A_44 = arith.constant 0 : index
    %get3A_45 = vector.load %arg1[%get3A_42, %get3A_43, %get3A_44] : memref<256x32x128xf32, #tpu.memory_space<vmem>>, vector<256x32x128xf32>
    %reshape3A = vector.shape_cast %get3A_45 : vector<256x32x128xf32> to vector<8192x128xf32>
    %broadcast_in_dim3A_46 = arith.constant 1.000000e+00 : f32
    %broadcast_in_dim3A_47 = vector.broadcast %broadcast_in_dim3A_46 : f32 to vector<128x128xf32>
    %mul3A_48 = arith.mulf %reshape3A, %reshape3A : vector<8192x128xf32>
    %dot_general3A_49 = arith.constant dense<0.000000e+00> : vector<8192x128xf32>
    %dot_general3A_50 = tpu.matmul %mul3A_48, %broadcast_in_dim3A_47, %dot_general3A_49 {dimension_numbers = #tpu.dot_dimension_numbers<[1], [0], [0], [1], [0, 0, 1, 1], [], []>, transpose_lhs_hint = false} : vector<8192x128xf32>, vector<128x128xf32>, vector<8192x128xf32> -> vector<8192x128xf32>
    %max3A_51 = arith.constant 1.000000e+00 : f32
    %max3A_52 = vector.broadcast %max3A_51 : f32 to vector<8192x128xf32>
    %max3A_53 = arith.maximumf %dot_general3A_50, %max3A_52 : vector<8192x128xf32>
    %rsqrt3A = math.rsqrt %max3A_53 : vector<8192x128xf32>
    %mul3A_54 = arith.mulf %reshape3A, %rsqrt3A : vector<8192x128xf32>
    %reshape3A_55 = vector.shape_cast %mul3A_54 : vector<8192x128xf32> to vector<256x32x128xf32>
    %get3A_56 = arith.constant 0 : index
    %get3A_57 = arith.constant 0 : index
    %get3A_58 = vector.load %arg5[%get3A_56, %get3A_57] : memref<128x128xf32, #tpu.memory_space<vmem>>, vector<128x128xf32>
    %dot_general3A_59 = arith.constant dense<0.000000e+00> : vector<8192x128xf32>
    %dot_general3A_60 = tpu.matmul %mul3A_54, %get3A_58, %dot_general3A_59 {dimension_numbers = #tpu.dot_dimension_numbers<[1], [1], [0], [0], [0, 0, 1, 0], [], []>, transpose_lhs_hint = false} : vector<8192x128xf32>, vector<128x128xf32>, vector<8192x128xf32> -> vector<8192x128xf32>
    %add3A_61 = vector.broadcast %get3A_36 : vector<1x128xf32> to vector<8192x128xf32>
    %add3A_62 = arith.addf %dot_general3A_60, %add3A_61 : vector<8192x128xf32>
    %broadcast_in_dim3A_63 = vector.shape_cast %add3A_41 : vector<256x128xf32> to vector<256x1x128xf32>
    %broadcast_in_dim3A_64 = vector.shape_cast %broadcast_in_dim3A_63 : vector<256x1x128xf32> to vector<256x1x128xf32>
    %broadcast_in_dim3A_65 = vector.broadcast %broadcast_in_dim3A_64 : vector<256x1x128xf32> to vector<256x32x128xf32>
    %reshape3A_66 = vector.shape_cast %broadcast_in_dim3A_65 : vector<256x32x128xf32> to vector<8192x128xf32>
    %iota3A = tpu.iota {dimensions = array<i32: 2>} : vector<1x1x64xi32>
    %get3A_67 = arith.constant 0 : index
    %get3A_68 = arith.constant 0 : index
    %get3A_69 = vector.load %arg3[%get3A_67, %get3A_68] : memref<256x32xi32, #tpu.memory_space<vmem>>, vector<256x32xi32>
    %broadcast_in_dim3A_70 = vector.shape_cast %get3A_69 : vector<256x32xi32> to vector<256x32x1xi32>
    %eq3A = vector.broadcast %broadcast_in_dim3A_70 : vector<256x32x1xi32> to vector<256x32x64xi32>
    %eq3A_71 = vector.broadcast %iota3A : vector<1x1x64xi32> to vector<256x32x64xi32>
    %eq3A_72 = arith.cmpi eq, %eq3A, %eq3A_71 : vector<256x32x64xi32>
    %convert_element_type3A = arith.extui %eq3A_72 : vector<256x32x64xi1> to vector<256x32x64xi32>
    %convert_element_type3A_73 = arith.sitofp %convert_element_type3A : vector<256x32x64xi32> to vector<256x32x64xf32>
    %reshape3A_74 = vector.shape_cast %convert_element_type3A_73 : vector<256x32x64xf32> to vector<8192x64xf32>
    %dot_general3A_75 = arith.constant dense<0.000000e+00> : vector<8192x128xf32>
    %dot_general3A_76 = tpu.matmul %reshape3A_74, %mul3A_33, %dot_general3A_75 {dimension_numbers = #tpu.dot_dimension_numbers<[1], [0], [0], [1], [0, 0, 1, 1], [], []>, transpose_lhs_hint = false} : vector<8192x64xf32>, vector<64x128xf32>, vector<8192x128xf32> -> vector<8192x128xf32>
    %add3A_77 = arith.addf %reshape3A_66, %dot_general3A_76 : vector<8192x128xf32>
    %tanh3A = math.tanh %add3A_77 : vector<8192x128xf32>
    %mul3A_78 = arith.mulf %tanh3A, %add3A_62 : vector<8192x128xf32>
    %reshape3A_79 = vector.shape_cast %mul3A_78 : vector<8192x128xf32> to vector<256x32x128xf32>
    %reduce_sum3A_80 = arith.constant dense<0.000000e+00> : vector<256x32xf32>
    %reduce_sum3A_81 = vector.multi_reduction <add>, %reshape3A_79, %reduce_sum3A_80 [2] : vector<256x32x128xf32> to vector<256x32xf32>
    %transpose3A = tpu.transpose %reduce_sum3A_81, [1, 0] : vector<256x32xf32> -> vector<32x256xf32>
    %reduce_max3A = arith.constant dense<0xFF800000> : vector<256xf32>
    %reduce_max3A_82 = vector.multi_reduction <maximumf>, %transpose3A, %reduce_max3A [0] : vector<32x256xf32> to vector<256xf32>
    %broadcast_in_dim3A_83 = vector.shape_cast %reduce_max3A_82 : vector<256xf32> to vector<1x256xf32>
    %sub3A = vector.broadcast %broadcast_in_dim3A_83 : vector<1x256xf32> to vector<32x256xf32>
    %sub3A_84 = arith.subf %transpose3A, %sub3A : vector<32x256xf32>
    %exp3A = math.exp %sub3A_84 : vector<32x256xf32>
    %reduce_sum3A_85 = arith.constant dense<0.000000e+00> : vector<256xf32>
    %reduce_sum3A_86 = vector.multi_reduction <add>, %exp3A, %reduce_sum3A_85 [0] : vector<32x256xf32> to vector<256xf32>
    %broadcast_in_dim3A_87 = vector.shape_cast %reduce_sum3A_86 : vector<256xf32> to vector<1x256xf32>
    %div3A_88 = vector.broadcast %broadcast_in_dim3A_87 : vector<1x256xf32> to vector<32x256xf32>
    %div3A_89 = arith.divf %exp3A, %div3A_88 : vector<32x256xf32>
    %transpose3A_90 = tpu.transpose %div3A_89, [1, 0] : vector<32x256xf32> -> vector<256x32xf32>
    %broadcast_in_dim3A_91 = vector.shape_cast %transpose3A_90 : vector<256x32xf32> to vector<256x32x1xf32>
    %mul3A_92 = vector.broadcast %broadcast_in_dim3A_91 : vector<256x32x1xf32> to vector<256x32x128xf32>
    %mul3A_93 = arith.mulf %reshape3A_55, %mul3A_92 : vector<256x32x128xf32>
    %reduce_sum3A_94 = arith.constant dense<0.000000e+00> : vector<256x128xf32>
    %reduce_sum3A_95 = vector.multi_reduction <add>, %mul3A_93, %reduce_sum3A_94 [1] : vector<256x32x128xf32> to vector<256x128xf32>
    %add3A_96 = arith.addf %mul3A_11, %reduce_sum3A_95 : vector<256x128xf32>
    %get3A_97 = arith.constant 0 : index
    %get3A_98 = arith.constant 0 : index
    %get3A_99 = vector.load %arg7[%get3A_97, %get3A_98] : memref<128x128xf32, #tpu.memory_space<vmem>>, vector<128x128xf32>
    %dot_general3A_100 = arith.constant dense<0.000000e+00> : vector<256x128xf32>
    %dot_general3A_101 = tpu.matmul %add3A_96, %get3A_99, %dot_general3A_100 {dimension_numbers = #tpu.dot_dimension_numbers<[1], [1], [0], [0], [0, 0, 1, 0], [], []>, transpose_lhs_hint = false} : vector<256x128xf32>, vector<128x128xf32>, vector<256x128xf32> -> vector<256x128xf32>
    %get3A_102 = arith.constant 0 : index
    %get3A_103 = arith.constant 0 : index
    %get3A_104 = vector.load %arg8[%get3A_102, %get3A_103] : memref<1x128xf32, #tpu.memory_space<vmem>>, vector<1x128xf32>
    %add3A_105 = vector.broadcast %get3A_104 : vector<1x128xf32> to vector<256x128xf32>
    %add3A_106 = arith.addf %dot_general3A_101, %add3A_105 : vector<256x128xf32>
    %gt3A_107 = arith.constant 0.000000e+00 : f32
    %gt3A_108 = vector.broadcast %gt3A_107 : f32 to vector<256x128xf32>
    %gt3A_109 = arith.cmpf ogt, %add3A_106, %gt3A_108 : vector<256x128xf32>
    %mul3A_110 = arith.constant 2.000000e-01 : f32
    %mul3A_111 = vector.broadcast %mul3A_110 : f32 to vector<256x128xf32>
    %mul3A_112 = arith.mulf %mul3A_111, %add3A_106 : vector<256x128xf32>
    %select_n3A_113 = arith.select %gt3A_109, %add3A_106, %mul3A_112 : vector<256x128xi1>, vector<256x128xf32>
    %mul3A_114 = arith.mulf %mul3A_11, %reduce_sum3A_95 : vector<256x128xf32>
    %get3A_115 = arith.constant 0 : index
    %get3A_116 = arith.constant 0 : index
    %get3A_117 = vector.load %arg9[%get3A_115, %get3A_116] : memref<128x128xf32, #tpu.memory_space<vmem>>, vector<128x128xf32>
    %dot_general3A_118 = arith.constant dense<0.000000e+00> : vector<256x128xf32>
    %dot_general3A_119 = tpu.matmul %mul3A_114, %get3A_117, %dot_general3A_118 {dimension_numbers = #tpu.dot_dimension_numbers<[1], [1], [0], [0], [0, 0, 1, 0], [], []>, transpose_lhs_hint = false} : vector<256x128xf32>, vector<128x128xf32>, vector<256x128xf32> -> vector<256x128xf32>
    %get3A_120 = arith.constant 0 : index
    %get3A_121 = arith.constant 0 : index
    %get3A_122 = vector.load %arg10[%get3A_120, %get3A_121] : memref<1x128xf32, #tpu.memory_space<vmem>>, vector<1x128xf32>
    %add3A_123 = vector.broadcast %get3A_122 : vector<1x128xf32> to vector<256x128xf32>
    %add3A_124 = arith.addf %dot_general3A_119, %add3A_123 : vector<256x128xf32>
    %gt3A_125 = arith.constant 0.000000e+00 : f32
    %gt3A_126 = vector.broadcast %gt3A_125 : f32 to vector<256x128xf32>
    %gt3A_127 = arith.cmpf ogt, %add3A_124, %gt3A_126 : vector<256x128xf32>
    %mul3A_128 = arith.constant 2.000000e-01 : f32
    %mul3A_129 = vector.broadcast %mul3A_128 : f32 to vector<256x128xf32>
    %mul3A_130 = arith.mulf %mul3A_129, %add3A_124 : vector<256x128xf32>
    %select_n3A_131 = arith.select %gt3A_127, %add3A_124, %mul3A_130 : vector<256x128xi1>, vector<256x128xf32>
    %add3A_132 = arith.addf %select_n3A_113, %select_n3A_131 : vector<256x128xf32>
    %swap3A = arith.constant 0 : index
    %swap3A_133 = arith.constant 0 : index
    %swap3A_134 = vector.load %arg11[%swap3A, %swap3A_133] : memref<256x128xf32, #tpu.memory_space<vmem>>, vector<256x128xf32>
    tpu.vector_store %arg11[%swap3A, %swap3A_133], %add3A_132 {strides = array<i32>} : memref<256x128xf32, #tpu.memory_space<vmem>>, vector<256x128xf32>,
    return
  }
  func.func @transform_0(%arg0: i32) -> (i32, i32, i32) {
    %c0_i32 = arith.constant 0 : i32
    %c0_i32_0 = arith.constant 0 : i32
    %c0_i32_1 = arith.constant 0 : i32
    return %arg0, %c0_i32, %c0_i32_0 : i32, i32, i32
  }
  func.func @transform_1(%arg0: i32) -> (i32, i32) {
    %c0_i32 = arith.constant 0 : i32
    %c0_i32_0 = arith.constant 0 : i32
    return %arg0, %c0_i32 : i32, i32
  }
  func.func @transform_2(%arg0: i32) -> (i32, i32) {
    %add3A = arith.constant 24 : i32
    %add3A_0 = arith.addi %add3A, %arg0 : i32
    %c0_i32 = arith.constant 0 : i32
    %c0_i32_1 = arith.constant 0 : i32
    return %add3A_0, %c0_i32 : i32, i32
  }
  func.func @transform_3(%arg0: i32) -> (i32, i32) {
    %c0_i32 = arith.constant 0 : i32
    %c0_i32_0 = arith.constant 0 : i32
    %c0_i32_1 = arith.constant 0 : i32
    return %c0_i32, %c0_i32_0 : i32, i32
  }
  func.func @transform_4(%arg0: i32) -> (i32, i32) {
    %c0_i32 = arith.constant 0 : i32
    %c0_i32_0 = arith.constant 0 : i32
    %c0_i32_1 = arith.constant 0 : i32
    return %c0_i32, %c0_i32_0 : i32, i32
  }
  func.func @transform_5(%arg0: i32) -> (i32, i32) {
    %c0_i32 = arith.constant 0 : i32
    %c0_i32_0 = arith.constant 0 : i32
    %c0_i32_1 = arith.constant 0 : i32
    return %c0_i32, %c0_i32_0 : i32, i32
  }
  func.func @transform_6(%arg0: i32) -> (i32, i32) {
    %c0_i32 = arith.constant 0 : i32
    %c0_i32_0 = arith.constant 0 : i32
    %c0_i32_1 = arith.constant 0 : i32
    return %c0_i32, %c0_i32_0 : i32, i32
  }
  func.func @transform_7(%arg0: i32) -> (i32, i32) {
    %c0_i32 = arith.constant 0 : i32
    %c0_i32_0 = arith.constant 0 : i32
    %c0_i32_1 = arith.constant 0 : i32
    return %c0_i32, %c0_i32_0 : i32, i32
  }
  func.func @transform_8(%arg0: i32) -> (i32, i32) {
    %c0_i32 = arith.constant 0 : i32
    %c0_i32_0 = arith.constant 0 : i32
    %c0_i32_1 = arith.constant 0 : i32
    return %c0_i32, %c0_i32_0 : i32, i32
  }
  func.func @transform_9(%arg0: i32) -> (i32, i32) {
    %c0_i32 = arith.constant 0 : i32
    %c0_i32_0 = arith.constant 0 : i32
    %c0_i32_1 = arith.constant 0 : i32
    return %c0_i32, %c0_i32_0 : i32, i32
  }
  func.func @transform_10(%arg0: i32) -> (i32, i32) {
    %c0_i32 = arith.constant 0 : i32
    %c0_i32_0 = arith.constant 0 : i32
    return %arg0, %c0_i32 : i32, i32
  }
}

</mosaic_0001>

<sc_bundles>
// kernel: kernel.12.cloned.1.call-start
scs
__scs_entry_jumppad:
0x0: {  	(pc) =	sbr.rel $0x88, $3  }
0x1: {  	(tag) =	ssettag $0x0;
	lr =	simm.s32 $0x1  }
0x2: {  	[smem:$0x3F96] =	sst lr;
	_ =	strace $0xD0000000  }
0x3: {  	_ = 	snop  }
0x4: {  	_ = 	snop  }
0x5: {  	_ = 	snop  }
0x6: {  	_ = 	snop  }
0x7: {  	_ = 	snop  }
__scs_overlays_trampoline_lowered:
0x8: {  	[smem:$0x3FA5] =	sst s0  }
0x9: {  	[smem:$0x3FA6] =	sst s1  }
0xa: {  	[smem:$0x3FA7] =	sst s2  }
0xb: {  	[smem:$0x3FA8] =	sst s3  }
0xc: {  	[smem:$0x3FA9] =	sst s4  }
0xd: {  	[smem:$0x3FAA] =	sst s5  }
0xe: {  	[smem:$0x3FAB] =	sst s6  }
0xf: {  	[smem:$0x3FAC] =	sst s7  }
0x10: {  	[smem:$0x3FAD] =	sst s8  }
0x11: {  	[smem:$0x3FAE] =	sst s9;
	s0 =	simm.s32 @!p0 $0x0  }
0x12: {  	s1 =	sld [smem:$0x3F94];
	s0 =	simm.s32 @p0 $0x1  }
0x13: {  	[smem:$0x3FAF] =	sst s0;
	s0 =	simm.s32 @!p1 $0x0  }
0x14: {  	s2 =	sld [smem:$0x3F93];
	s0 =	simm.s32 @p1 $0x1  }
0x15: {  	[smem:$0x3FB0] =	sst s0;
	s0 =	simm.s32 @!p2 $0x0  }
0x16: {  	s3 =	sld [smem:$0x3FDB];
	s0 =	simm.s32 @p2 $0x1  }
0x17: {  	s4 =	simm.s32 $0x1BF5;
	[smem:$0x3FB2] =	sst s0  }
0x18: {  	s0 =	sld [smem:$0x3F95];
	_ =	swait.ge [sflag:s4], $0x0  }
0x19: {  	s7 =	sld [smem:$0x3F96]  }
0x1a: {  	s8 =	sadd.s32 $0xFFFFE003, lr  }
0x1b: {  	s9 =	sadd.s32 $0xFFFFFEF7, lr;
	s5 =	simm.s32 $0xFFFFFFFF;
	p2 =	slt.u32 s8, $0xFFFFF086  }
0x1c: {  	p1 =	slt.u32 s9, $0xF7A;
	s5 =	simm.s32 @!p2 $0x0  }
0x1d: {  	s5 =	simm.s32 @p1 $0x1;
	p0 =	seq.s32 s7, s2  }
0x1e: {  	s7 =	smul.u32 @!p0 $0xF7A, s2;
	p2 =	seq.s32 @!p0 s5, $0x0  }
0x1f: {  	s9 =	smul.u32 $0xF7A, s1;
	s8 =	simm.s32 @!p0 $0x1BF5;
	p2 =	por !p2, p0  }
0x20: {  	[sflag:s8] =	ssyncset.s32 @!p0 $0xFFFFF086;
	s6 =	sadd.s32 @!p0 s3, s7;
	s7 =	simm.s32 @!p0 $0x108  }
0x21: {  	s3 =	sadd.s32 s3, s9;
	s6 =	sadd.s32 @!p0 $0x88, s6;
	s7 =	simm.s32 @p2 $0x1082  }
0x22: {  	[simem:s7], [sflag:s8] =	dma.local @!p0 [hbm:s6], $0xF7A  }
0x23: {  	s9 =	sor.u32 $0xD0000000, s2;
	s6 =	simm.s32 $0x108;
	_ =	swait.ge @!p0 [sflag:s8], $0x0  }
0x24: {  	s3 =	sadd.s32 $0x88, s3;
	s6 =	simm.s32 @!p1 $0x1082;
	[sflag:s4] =	ssyncset.s32 $0xFFFFF086  }
0x25: {  	[simem:s6], [sflag:s4] =	dma.local [hbm:s3], $0xF7A  }
0x26: {  	[smem:$0x3F96] =	sst s1;
	(tag) =	ssettag s2;
	_ =	strace s9  }
0x27: {  	s1 =	sld [smem:$0x3FA6]  }
0x28: {  	s2 =	sld [smem:$0x3FA7]  }
0x29: {  	s4 =	sld [smem:$0x3FA9]  }
0x2a: {  	p0 =	seq.s32 s5, $0x0;
	s5 =	sld [smem:$0x3FAA]  }
0x2b: {  	s6 =	sld [smem:$0x3FAB]  }
0x2c: {  	s7 =	sld [smem:$0x3FAC]  }
0x2d: {  	s3 =	simm.s32 $0x108;
	s8 =	sld [smem:$0x3FAD]  }
0x2e: {  	s3 =	simm.s32 @!p0 $0x1082;
	s9 =	sld [smem:$0x3FAE]  }
0x2f: {  	lr =	sadd.s32 s0, s3;
	s0 =	sld [smem:$0x3FA5]  }
0x30: {  	s3 =	sld [smem:$0x3FA8]  }
0x31: {  	[smem:$0x3FB1] =	sst s10  }
0x32: {  	s10 =	sld [smem:$0x3FAF];
	_ =	sdelay $0x3  }
0x33: {  	p0 =	seq.s32 s10, $0x1;
	s10 =	sld [smem:$0x3FB1];
	_ =	sdelay $0x3  }
0x34: {  	[smem:$0x3FB1] =	sst s10  }
0x35: {  	s10 =	sld [smem:$0x3FB0];
	_ =	sdelay $0x3  }
0x36: {  	p1 =	seq.s32 s10, $0x1;
	s10 =	sld [smem:$0x3FB1];
	_ =	sdelay $0x3  }
0x37: {  	[smem:$0x3FB1] =	sst s10  }
0x38: {  	s10 =	sld [smem:$0x3FB2]  }
0x39: {  	_ = 	snop;
	(pc) =	sbr.ind lr, $3  }
0x3a: {  	_ = 	snop  }
0x3b: {  	_ = 	snop  }
0x3c: {  	p2 =	seq.s32 s10, $0x1;
	s10 =	sld [smem:$0x3FB1]  }
0x3d: {  	_ =	shalt  }
0x3e: {  	_ =	shalt  }
0x3f: {  	_ =	shalt  }
0x40: {  	_ =	shalt  }
0x41: {  	_ =	shalt  }
0x42: {  	_ =	shalt  }
0x43: {  	_ =	shalt  }
0x44: {  	_ =	shalt  }
0x45: {  	_ =	shalt  }
0x46: {  	_ =	shalt  }
0x47: {  	_ =	shalt  }
0x48: {  	_ =	shalt  }
0x49: {  	_ =	shalt  }
0x4a: {  	_ =	shalt  }
0x4b: {  	_ =	shalt  }
0x4c: {  	_ =	shalt  }
0x4d: {  	_ =	shalt  }
0x4e: {  	_ =	shalt  }
0x4f: {  	_ =	shalt  }
0x50: {  	_ =	shalt  }
0x51: {  	_ =	shalt  }
0x52: {  	_ =	shalt  }
0x53: {  	_ =	shalt  }
0x54: {  	_ =	shalt  }
0x55: {  	_ =	shalt  }
0x56: {  	_ =	shalt  }
0x57: {  	_ =	shalt  }
0x58: {  	_ =	shalt  }
0x59: {  	_ =	shalt  }
0x5a: {  	_ =	shalt  }
0x5b: {  	_ =	shalt  }
0x5c: {  	_ =	shalt  }
0x5d: {  	_ =	shalt  }
0x5e: {  	_ =	shalt  }
0x5f: {  	_ =	shalt  }
0x60: {  	_ =	shalt  }
0x61: {  	_ =	shalt  }
0x62: {  	_ =	shalt  }
0x63: {  	_ =	shalt  }
0x64: {  	_ =	shalt  }
0x65: {  	_ =	shalt  }
0x66: {  	_ =	shalt  }
0x67: {  	_ =	shalt  }
0x68: {  	_ =	shalt  }
0x69: {  	_ =	shalt  }
0x6a: {  	_ =	shalt  }
0x6b: {  	_ =	shalt  }
0x6c: {  	_ =	shalt  }
0x6d: {  	_ =	shalt  }
0x6e: {  	_ =	shalt  }
0x6f: {  	_ =	shalt  }
0x70: {  	_ =	shalt  }
0x71: {  	_ =	shalt  }
0x72: {  	_ =	shalt  }
0x73: {  	_ =	shalt  }
0x74: {  	_ =	shalt  }
0x75: {  	_ =	shalt  }
0x76: {  	_ =	shalt  }
0x77: {  	_ =	shalt  }
0x78: {  	_ =	shalt  }
0x79: {  	_ =	shalt  }
0x7a: {  	_ =	shalt  }
0x7b: {  	_ =	shalt  }
0x7c: {  	_ =	shalt  }
0x7d: {  	_ =	shalt  }
0x7e: {  	_ =	shalt  }
0x7f: {  	_ =	shalt  }
0x80: {  	_ =	shalt  }
0x81: {  	_ =	shalt  }
0x82: {  	_ =	shalt  }
0x83: {  	_ =	shalt  }
0x84: {  	_ =	shalt  }
0x85: {  	_ =	shalt  }
0x86: {  	_ =	shalt  }
0x87: {  	_ =	shalt  }
.Lfunc_end0:
.L_simem_size_0:
called_computation_lowered:
.L_overlay_start_0:
0x88: {  	s2 =	sld [smem:$0x3FD9]  }
0x89: {  	s3 =	sld [smem:$0x3FFE];
	_ =	sdelay $0x1  }
0x8a: {  	s1 =	srdreg.scid  }
0x8b: {  	s0 =	sand.u32 $0x1, s1  }
0x8c: {  	s16 =	sshll.u32 s0, $0xA;
	s2 =	sadd.s32 s3, s2  }
0x8d: {  	s2 =	sadd.s32 s2, s16  }
0x8e: {  	[smem:$0x3FBD] =	sst s2  }
0x8f: {  	_ = 	snop  }
0x90: {  	(tm) =	ssettm $0x1  }
0x91: {  	s17 =	sld [smem:$0x3FFB];
	_ =	sdelay $0x3  }
0x92: {  	_ =	strace s17  }
0x93: {  	s2 =	sld [smem:$0x3FFC];
	_ =	sdelay $0x3  }
0x94: {  	_ =	strace s2  }
0x95: {  	s2 =	sld [smem:$0x3FFD];
	_ =	sdelay $0x3  }
0x96: {  	_ =	strace s2  }
0x97: {  	_ =	strace $0x8FFFFFFF  }
0x98: {  	s18 =	sld [smem:$0x3FDB];
	_ =	sdelay $0x1  }
0x99: {  	s19 =	simm.s32 $_scs_section_size  }
0x9a: {  	s4 =	simm.s32 $_size__tile_overlayer_lowered;
	s5 =	simm.s32 $_tile_overlayer_lowered  }
0x9b: {  	s22 =	simm.s32 $0x1BFF;
	s21 =	sshll.u32 s5, $0x1;
	s2 =	sadd.s32 s19, s18  }
0x9c: {  	s6 =	simm.s32 $0x0;
	s20 =	sshll.u32 s4, $0x1;
	s4 =	sadd.s32 s21, s2  }
0x9d: {  	[timem:s6], [sflag:s22] =	dma.local [hbm:s4], s20  }
0x9e: {  	_ =	swait.ge [sflag:s22], s20  }
0x9f: {  	s3 =	ssub.s32 $0x0, s20;
	[sflag:s22] =	ssyncset.done $0x0  }
0xa0: {  	[sflag:s22] =	ssyncadd.s32 s3;
	_ =	sdelay $0x1  }
0xa1: {  	s23 =	simm.s32 $0x1B8B  }
0xa2: {  	_ =	swait.ge [sflag:s23], $0x1  }
0xa3: {  	[sflag:s23] =	ssyncset.done $0x0  }
0xa4: {  	s25 =	simm.s32 $0x1B8E;
	s24 =	sld [smem:$0x3FFE];
	[sflag:s23] =	ssyncadd.s32 $0xFFFFFFFF  }
0xa5: {  	s26 =	simm.s32 $execute0_lowered;
	[smem:$0x3FD2] =	sst s25  }
0xa6: {  	s4 =	sshll.u32 s26, $0x1;
	_ =	strace $0x80000046;
	[dreg:$0x1] =	wrdreg $0xFFFFFFFF  }
0xa7: {  	s28 =	simm.s32 $_size_execute0_lowered;
	s2 =	sadd.s32 s2, s4;
	[dreg:$0x0] =	wrdreg $0x0  }
0xa8: {  	s4 =	sshll.u32 s28, $0x1;
	[dreg:$0x2] =	wrdreg s2  }
0xa9: {  	[dreg:$0x3] =	wrdreg s4  }
0xaa: {  	[dreg:$0x4] =	wrdreg $0xC0  }
0xab: {  	_ =	task [dreg:s6], $0x5FFFF  }
0xac: {  	[dreg:$0x1] =	wrdreg $0xFFFFFFFF  }
0xad: {  	[dreg:$0x0] =	wrdreg $0x60  }
0xae: {  	[dreg:$0x2] =	wrdreg s24  }
0xaf: {  	[dreg:$0x3] =	wrdreg $0xA  }
0xb0: {  	_ =	task.clear_ibuf [dreg:s6], $0x4FFFF;
	_ =	strace $0x90000046  }
0xb1: {  	s29 =	simm.s32 $0xA;
	_ =	strace $0x80000048  }
0xb2: {  	_ =	swait.ge [sflag:s29], $0x1  }
0xb3: {  	[sflag:s29] =	ssyncadd.s32 $0xFFFFFFFF  }
0xb4: {  	_ =	strace $0x90000048  }
0xb5: {  	_ =	sfence  }
0xb6: {  	s30 =	sld [smem:$0x0];
	_ =	sdelay $0x2  }
0xb7: {  	s31 =	sshll.u32 s1, $0xD;
	s1 =	sshrl.u32 s1, $0x2  }
0xb8: {  	s3 =	sand.u32 $0x4000, s31;
	s1 =	sadd.s32 s1, s30  }
0xb9: {  	s0 =	sor.u32 s3, s0;
	s1 =	sshll.u32 s1, $0x11  }
0xba: {  	s0 =	sor.u32 s1, s0  }
0xbb: {  	s0 =	sadd.s32 $0x8F2B, s0  }
0xbc: {  	[sflag:s0] =	ssyncadd.remote.s32 $0x1  }
0xbd: {  	_ =	sfence.sel $0xFFFF  }
0xbe: {  	[dreg:$0x0] =	wrdreg $0xFFFFFFFF;
	(pc) =	sbr.abs _section_cstart, $3  }
0xbf: {  	[dreg:$0x1] =	wrdreg $0xFFFFFFFF  }
0xc0: {  	_ =	task.clear_ibuf [dreg:s6], $0x2FFFF;
	_ =	strace $0x9FFFFFFF  }
0xc1: {  	(tm) =	ssettm $0x7FFFFFFF  }
tec
execute0_lowered:
.L_overlay_start_1:
0x0: {  	(tag) =	ssettag $0x1  }
0x1: {  	s1 =	srdreg.scid;
	s0 =	stileid.u32  }
0x2: {  	s10 =	sand.u32 $0x1, s1;
	s30 =	sshll.u32 s0, $0x1  }
0x3: {  	s9 =	rddreg [dreg:$0x0];
	s11 =	sor.u32 s10, s30  }
0x4: {  	s2 =	simm.s32 $0x0;
	s1 =	rddreg [dreg:$0x1];
	s3 =	sshll.u32 s11, $0x5  }
0x5: {  	[smem:$0x7FF] =	sst s2;
	s3 =	sadd.s32 s3, s9  }
0x6: {  	_ =	strace $0x80000047;
	s4 =	sadd.s32 $0x5000, s3;
	s3 =	simm.s32 $0x2  }
0x7: {  	[tilespmem:s2], [sflag:$0x2] =	stream.linear.gather [hbm4b:s4+s2], $0x100, $0x38;
	[tilespmem:$0x1100] =	vst v63  }
0x8: {  	_ =	swait.ge [sflag:s3], $0x100  }
0x9: {  	s6 =	simm.s32 $0x80;
	s7 =	simm.s32 $0x100;
	[sflag:s3] =	ssyncset.done $0x0  }
0xa: {  	s8 =	simm.s32 $0x1;
	s5 =	sadd.s32 $0x18C200, s9;
	[sflag:s3] =	ssyncadd.s32 $0xFFFFFF00  }
0xb: {  	[tilespmem:s7], [sflag:$0x1] =	stream.indirect.gather [hbm4b:s5+s6], $0x20, s2, s6, $0xb8;
	[tilespmem:$0x1100] =	vst v63  }
0xc: {  	s11 =	sshll.u32 s11, $0xA;
	_ =	swait.ge [sflag:s8], $0x1000  }
0xd: {  	s11 =	sadd.s32 s11, s9;
	[sflag:s8] =	ssyncset.done $0x0  }
0xe: {  	s10 =	ssub.s32 $0x2, s10;
	s9 =	sadd.s32 $0x5800, s11;
	[sflag:s8] =	ssyncadd.s32 $0xFFFFF000  }
0xf: {  	[hbm4b:s9+s2] =	stream.linear.scatter [tilespmem:s7], [sflag:$0x2], $0x1000, $0x38;
	[tilespmem:$0x1100] =	vst v63  }
0x10: {  	s12 =	sshrl.u32 s10, $0x1;
	_ =	swait.ge [sflag:s3], $0x1000  }
0x11: {  	s12 =	ssub.s32 s10, s12;
	[sflag:s3] =	ssyncset.done $0x0  }
0x12: {  	s31 =	smax.u32 s12, $0x1;
	[sflag:s3] =	ssyncadd.s32 $0xFFFFF000  }
0x13: {  	[tilespmem:s7], [sflag:$0x1] =	stream.indirect.gather [hbm4b:s5+s6], $0x20, s6, s6, $0xb8;
	[tilespmem:$0x1100] =	vst v63  }
0x14: {  	p0 =	sne.s32 s31, $0x1;
	_ =	swait.ge [sflag:s8], $0x1000  }
.Ltmp0:
0x15: {  	[sflag:s8] =	ssyncset.done $0x0;
	(pc) =	sbr.rel @!p0 .LBB2_2-.Ltmp0, $4  }
0x16: {  	s10 =	sadd.s32 $0x5A00, s11;
	[sflag:s8] =	ssyncadd.s32 $0xFFFFF000  }
0x17: {  	[hbm4b:s10+s2] =	stream.linear.scatter [tilespmem:s7], [sflag:$0x2], $0x1000, $0x38;
	[tilespmem:$0x1100] =	vst v63  }
0x18: {  	_ =	swait.ge [sflag:s3], $0x1000  }
0x19: {  	s11 =	sadd.s32 $0xFFFFFFFF, s31;
	[sflag:s3] =	ssyncset.done $0x0  }
.LBB2_1:
0x1a: {  	p0 =	sne.s32 s11, $0x1;
	s11 =	sadd.s32 $0xFFFFFFFF, s11;
	[sflag:s3] =	ssyncadd.s32 $0xFFFFF000  }
0x1b: {  	[tilespmem:s2], [sflag:$0x2] =	stream.linear.gather [hbm4b:s4+s2], $0x100, $0x38;
	[tilespmem:$0x1100] =	vst v63  }
0x1c: {  	_ =	swait.ge [sflag:s3], $0x100  }
0x1d: {  	[sflag:s3] =	ssyncset.done $0x0  }
0x1e: {  	[sflag:s3] =	ssyncadd.s32 $0xFFFFFF00  }
0x1f: {  	[tilespmem:s7], [sflag:$0x1] =	stream.indirect.gather [hbm4b:s5+s6], $0x20, s2, s6, $0xb8;
	[tilespmem:$0x1100] =	vst v63  }
0x20: {  	_ =	swait.ge [sflag:s8], $0x1000  }
0x21: {  	[sflag:s8] =	ssyncset.done $0x0  }
0x22: {  	[sflag:s8] =	ssyncadd.s32 $0xFFFFF000  }
0x23: {  	[hbm4b:s9+s2] =	stream.linear.scatter [tilespmem:s7], [sflag:$0x2], $0x1000, $0x38;
	[tilespmem:$0x1100] =	vst v63  }
0x24: {  	_ =	swait.ge [sflag:s3], $0x1000  }
0x25: {  	[sflag:s3] =	ssyncset.done $0x0  }
0x26: {  	[sflag:s3] =	ssyncadd.s32 $0xFFFFF000  }
0x27: {  	[tilespmem:s7], [sflag:$0x1] =	stream.indirect.gather [hbm4b:s5+s6], $0x20, s6, s6, $0xb8;
	[tilespmem:$0x1100] =	vst v63  }
0x28: {  	_ =	swait.ge [sflag:s8], $0x1000  }
.Ltmp1:
0x29: {  	[sflag:s8] =	ssyncset.done $0x0;
	(pc) =	sbr.rel @p0 .LBB2_1-.Ltmp1, $4  }
0x2a: {  	[sflag:s8] =	ssyncadd.s32 $0xFFFFF000  }
0x2b: {  	[hbm4b:s10+s2] =	stream.linear.scatter [tilespmem:s7], [sflag:$0x2], $0x1000, $0x38;
	[tilespmem:$0x1100] =	vst v63  }
0x2c: {  	_ =	swait.ge [sflag:s3], $0x1000  }
0x2d: {  	[sflag:s3] =	ssyncset.done $0x0  }
.LBB2_2:
0x2e: {  	[sflag:s3] =	ssyncadd.s32 $0xFFFFF000  }
0x2f: {  	_ =	sfence.sel $0x180000  }
0x30: {  	[bflag:$0x0] =	sbarrier.arrive $0xFFFF  }
0x31: {  	p0 =	sne.s32 s0, $0x0;
	_ =	strace $0x90000047  }
0x32: {  	s0 =	sadd.s32 @!p0 $0x100000, s1;
	[bflag:$0x2] =	sbarrier.arrive $0xFFFF  }
0x33: {  	[sflag:s0] =	ssyncadd.tile.s32 @!p0 $0x1;
	_ =	shalt  }
.Lfunc_end2:
_tile_overlayer_lowered:
.L_overlay_start_2:
0x34: {  	(tag) =	ssettag $0x2  }
0x35: {  	s0 =	rddreg [dreg:$0x0];
	s2 =	stileid.u32  }
0x36: {  	s1 =	rddreg [dreg:$0x1];
	p0 =	sne.s32 s2, $0x0  }
0x37: {  	s3 =	rddreg [dreg:$0x2];
	[bflag:$0x3] =	sbarrier.arrive $0xFFFF;
	s2 =	simm.s32 @!p0 $0x1C02  }
0x38: {  	[timem:s3], [sflag:s2] =	dma.local @!p0 [hbm:s0], s1  }
0x39: {  	s0 =	simm.s32 @!p0 $0x2  }
0x3a: {  	_ =	swait.ge @!p0 [sflag:s0], s1  }
0x3b: {  	s1 =	ssub.s32 @!p0 $0x0, s1;
	[sflag:s0] =	ssyncset.done @!p0 $0x0  }
0x3c: {  	[sflag:s0] =	ssyncadd.s32 @!p0 s1  }
0x3d: {  	[bflag:$0x3] =	sbarrier.arrive $0xFFFF  }
0x3e: {  	_ =	shalt  }

// kernel: kernel.15.cloned.1.call-start
scs
__scs_entry_jumppad:
0x0: {  	(pc) =	sbr.rel $0x88, $3  }
0x1: {  	(tag) =	ssettag $0x0;
	lr =	simm.s32 $0x1  }
0x2: {  	[smem:$0x3F96] =	sst lr;
	_ =	strace $0xD0000000  }
0x3: {  	_ = 	snop  }
0x4: {  	_ = 	snop  }
0x5: {  	_ = 	snop  }
0x6: {  	_ = 	snop  }
0x7: {  	_ = 	snop  }
__scs_overlays_trampoline_lowered:
0x8: {  	[smem:$0x3FA5] =	sst s0  }
0x9: {  	[smem:$0x3FA6] =	sst s1  }
0xa: {  	[smem:$0x3FA7] =	sst s2  }
0xb: {  	[smem:$0x3FA8] =	sst s3  }
0xc: {  	[smem:$0x3FA9] =	sst s4  }
0xd: {  	[smem:$0x3FAA] =	sst s5  }
0xe: {  	[smem:$0x3FAB] =	sst s6  }
0xf: {  	[smem:$0x3FAC] =	sst s7  }
0x10: {  	[smem:$0x3FAD] =	sst s8  }
0x11: {  	[smem:$0x3FAE] =	sst s9;
	s0 =	simm.s32 @!p0 $0x0  }
0x12: {  	s1 =	sld [smem:$0x3F94];
	s0 =	simm.s32 @p0 $0x1  }
0x13: {  	[smem:$0x3FAF] =	sst s0;
	s0 =	simm.s32 @!p1 $0x0  }
0x14: {  	s2 =	sld [smem:$0x3F93];
	s0 =	simm.s32 @p1 $0x1  }
0x15: {  	[smem:$0x3FB0] =	sst s0;
	s0 =	simm.s32 @!p2 $0x0  }
0x16: {  	s3 =	sld [smem:$0x3FDB];
	s0 =	simm.s32 @p2 $0x1  }
0x17: {  	s4 =	simm.s32 $0x1BF5;
	[smem:$0x3FB2] =	sst s0  }
0x18: {  	s0 =	sld [smem:$0x3F95];
	_ =	swait.ge [sflag:s4], $0x0  }
0x19: {  	s7 =	sld [smem:$0x3F96]  }
0x1a: {  	s8 =	sadd.s32 $0xFFFFE003, lr  }
0x1b: {  	s9 =	sadd.s32 $0xFFFFFEF7, lr;
	s5 =	simm.s32 $0xFFFFFFFF;
	p2 =	slt.u32 s8, $0xFFFFF086  }
0x1c: {  	p1 =	slt.u32 s9, $0xF7A;
	s5 =	simm.s32 @!p2 $0x0  }
0x1d: {  	s5 =	simm.s32 @p1 $0x1;
	p0 =	seq.s32 s7, s2  }
0x1e: {  	s7 =	smul.u32 @!p0 $0xF7A, s2;
	p2 =	seq.s32 @!p0 s5, $0x0  }
0x1f: {  	s9 =	smul.u32 $0xF7A, s1;
	s8 =	simm.s32 @!p0 $0x1BF5;
	p2 =	por !p2, p0  }
0x20: {  	[sflag:s8] =	ssyncset.s32 @!p0 $0xFFFFF086;
	s6 =	sadd.s32 @!p0 s3, s7;
	s7 =	simm.s32 @!p0 $0x108  }
0x21: {  	s3 =	sadd.s32 s3, s9;
	s6 =	sadd.s32 @!p0 $0x88, s6;
	s7 =	simm.s32 @p2 $0x1082  }
0x22: {  	[simem:s7], [sflag:s8] =	dma.local @!p0 [hbm:s6], $0xF7A  }
0x23: {  	s9 =	sor.u32 $0xD0000000, s2;
	s6 =	simm.s32 $0x108;
	_ =	swait.ge @!p0 [sflag:s8], $0x0  }
0x24: {  	s3 =	sadd.s32 $0x88, s3;
	s6 =	simm.s32 @!p1 $0x1082;
	[sflag:s4] =	ssyncset.s32 $0xFFFFF086  }
0x25: {  	[simem:s6], [sflag:s4] =	dma.local [hbm:s3], $0xF7A  }
0x26: {  	[smem:$0x3F96] =	sst s1;
	(tag) =	ssettag s2;
	_ =	strace s9  }
0x27: {  	s1 =	sld [smem:$0x3FA6]  }
0x28: {  	s2 =	sld [smem:$0x3FA7]  }
0x29: {  	s4 =	sld [smem:$0x3FA9]  }
0x2a: {  	p0 =	seq.s32 s5, $0x0;
	s5 =	sld [smem:$0x3FAA]  }
0x2b: {  	s6 =	sld [smem:$0x3FAB]  }
0x2c: {  	s7 =	sld [smem:$0x3FAC]  }
0x2d: {  	s3 =	simm.s32 $0x108;
	s8 =	sld [smem:$0x3FAD]  }
0x2e: {  	s3 =	simm.s32 @!p0 $0x1082;
	s9 =	sld [smem:$0x3FAE]  }
0x2f: {  	lr =	sadd.s32 s0, s3;
	s0 =	sld [smem:$0x3FA5]  }
0x30: {  	s3 =	sld [smem:$0x3FA8]  }
0x31: {  	[smem:$0x3FB1] =	sst s10  }
0x32: {  	s10 =	sld [smem:$0x3FAF];
	_ =	sdelay $0x3  }
0x33: {  	p0 =	seq.s32 s10, $0x1;
	s10 =	sld [smem:$0x3FB1];
	_ =	sdelay $0x3  }
0x34: {  	[smem:$0x3FB1] =	sst s10  }
0x35: {  	s10 =	sld [smem:$0x3FB0];
	_ =	sdelay $0x3  }
0x36: {  	p1 =	seq.s32 s10, $0x1;
	s10 =	sld [smem:$0x3FB1];
	_ =	sdelay $0x3  }
0x37: {  	[smem:$0x3FB1] =	sst s10  }
0x38: {  	s10 =	sld [smem:$0x3FB2]  }
0x39: {  	_ = 	snop;
	(pc) =	sbr.ind lr, $3  }
0x3a: {  	_ = 	snop  }
0x3b: {  	_ = 	snop  }
0x3c: {  	p2 =	seq.s32 s10, $0x1;
	s10 =	sld [smem:$0x3FB1]  }
0x3d: {  	_ =	shalt  }
0x3e: {  	_ =	shalt  }
0x3f: {  	_ =	shalt  }
0x40: {  	_ =	shalt  }
0x41: {  	_ =	shalt  }
0x42: {  	_ =	shalt  }
0x43: {  	_ =	shalt  }
0x44: {  	_ =	shalt  }
0x45: {  	_ =	shalt  }
0x46: {  	_ =	shalt  }
0x47: {  	_ =	shalt  }
0x48: {  	_ =	shalt  }
0x49: {  	_ =	shalt  }
0x4a: {  	_ =	shalt  }
0x4b: {  	_ =	shalt  }
0x4c: {  	_ =	shalt  }
0x4d: {  	_ =	shalt  }
0x4e: {  	_ =	shalt  }
0x4f: {  	_ =	shalt  }
0x50: {  	_ =	shalt  }
0x51: {  	_ =	shalt  }
0x52: {  	_ =	shalt  }
0x53: {  	_ =	shalt  }
0x54: {  	_ =	shalt  }
0x55: {  	_ =	shalt  }
0x56: {  	_ =	shalt  }
0x57: {  	_ =	shalt  }
0x58: {  	_ =	shalt  }
0x59: {  	_ =	shalt  }
0x5a: {  	_ =	shalt  }
0x5b: {  	_ =	shalt  }
0x5c: {  	_ =	shalt  }
0x5d: {  	_ =	shalt  }
0x5e: {  	_ =	shalt  }
0x5f: {  	_ =	shalt  }
0x60: {  	_ =	shalt  }
0x61: {  	_ =	shalt  }
0x62: {  	_ =	shalt  }
0x63: {  	_ =	shalt  }
0x64: {  	_ =	shalt  }
0x65: {  	_ =	shalt  }
0x66: {  	_ =	shalt  }
0x67: {  	_ =	shalt  }
0x68: {  	_ =	shalt  }
0x69: {  	_ =	shalt  }
0x6a: {  	_ =	shalt  }
0x6b: {  	_ =	shalt  }
0x6c: {  	_ =	shalt  }
0x6d: {  	_ =	shalt  }
0x6e: {  	_ =	shalt  }
0x6f: {  	_ =	shalt  }
0x70: {  	_ =	shalt  }
0x71: {  	_ =	shalt  }
0x72: {  	_ =	shalt  }
0x73: {  	_ =	shalt  }
0x74: {  	_ =	shalt  }
0x75: {  	_ =	shalt  }
0x76: {  	_ =	shalt  }
0x77: {  	_ =	shalt  }
0x78: {  	_ =	shalt  }
0x79: {  	_ =	shalt  }
0x7a: {  	_ =	shalt  }
0x7b: {  	_ =	shalt  }
0x7c: {  	_ =	shalt  }
0x7d: {  	_ =	shalt  }
0x7e: {  	_ =	shalt  }
0x7f: {  	_ =	shalt  }
0x80: {  	_ =	shalt  }
0x81: {  	_ =	shalt  }
0x82: {  	_ =	shalt  }
0x83: {  	_ =	shalt  }
0x84: {  	_ =	shalt  }
0x85: {  	_ =	shalt  }
0x86: {  	_ =	shalt  }
0x87: {  	_ =	shalt  }
.Lfunc_end0:
.L_simem_size_0:
called_computation.1_lowered:
.L_overlay_start_0:
0x88: {  	s2 =	sld [smem:$0x3FD9]  }
0x89: {  	s3 =	sld [smem:$0x3FFE];
	_ =	sdelay $0x1  }
0x8a: {  	s1 =	srdreg.scid  }
0x8b: {  	s0 =	sand.u32 $0x1, s1  }
0x8c: {  	s17 =	sshll.u32 s0, $0xA;
	s2 =	sadd.s32 s3, s2  }
0x8d: {  	s2 =	sadd.s32 s2, s17  }
0x8e: {  	[smem:$0x3FBD] =	sst s2  }
0x8f: {  	_ = 	snop  }
0x90: {  	s18 =	sld [smem:$0x3FC6];
	(tm) =	ssettm $0x1  }
0x91: {  	s19 =	sld [smem:$0x3FFB];
	_ =	sdelay $0x3  }
0x92: {  	_ =	strace s19  }
0x93: {  	s2 =	sld [smem:$0x3FFC];
	_ =	sdelay $0x3  }
0x94: {  	_ =	strace s2  }
0x95: {  	s2 =	sld [smem:$0x3FFD];
	_ =	sdelay $0x3  }
0x96: {  	_ =	strace s2  }
0x97: {  	_ =	strace $0x8FFFFFFF  }
0x98: {  	s20 =	sld [smem:$0x3FDB];
	_ =	sdelay $0x1  }
0x99: {  	s4 =	simm.s32 $_scs_section_size  }
0x9a: {  	s5 =	simm.s32 $_size__tile_overlayer_lowered;
	s6 =	simm.s32 $_tile_overlayer_lowered  }
0x9b: {  	s7 =	simm.s32 $0x1BFF;
	s21 =	sshll.u32 s6, $0x1;
	s4 =	sadd.s32 s4, s20  }
0x9c: {  	s22 =	simm.s32 $0x0;
	s5 =	sshll.u32 s5, $0x1;
	s6 =	sadd.s32 s21, s4  }
0x9d: {  	[timem:s22], [sflag:s7] =	dma.local [hbm:s6], s5  }
0x9e: {  	_ =	swait.ge [sflag:s7], s5  }
0x9f: {  	s5 =	ssub.s32 $0x0, s5;
	[sflag:s7] =	ssyncset.done $0x0  }
0xa0: {  	[sflag:s7] =	ssyncadd.s32 s5;
	_ =	sdelay $0x1  }
0xa1: {  	s23 =	simm.s32 $0x1B8B  }
0xa2: {  	_ =	swait.ge [sflag:s23], $0x1  }
0xa3: {  	[sflag:s23] =	ssyncset.done $0x0  }
0xa4: {  	[sflag:s23] =	ssyncadd.s32 $0xFFFFFFFF  }
0xa5: {  	s5 =	sld [smem:$0x0]  }
0xa6: {  	s6 =	sand.u32 $0xFFFFFFFE, s1  }
0xa7: {  	p0 =	sne.s32 s1, s6  }
0xa8: {  	s6 =	sshll.u32 @p0 s6, $0xE  }
0xa9: {  	s6 =	sadd.s32 @p0 $0x11B8D, s6;
	s7 =	sshll.u32 @p0 s5, $0x11  }
0xaa: {  	s6 =	sor.u32 @p0 s7, s6  }
0xab: {  	[sflag:s6] =	ssyncadd.remote.s32 @p0 $0x1;
	_ =	sdelay $0x1  }
0xac: {  	s6 =	simm.s32 @p0 $0x1B8D  }
0xad: {  	_ =	swait.eq @p0 [sflag:s6], $0x1  }
0xae: {  	[sflag:s6] =	ssyncadd.s32 @p0 $0xFFFFFFFF  }
0xaf: {  	s7 =	sshll.u32 @!p0 s1, $0xE  }
0xb0: {  	s7 =	sor.u32 @!p0 $0x4000, s7;
	s6 =	simm.s32 @!p0 $0x1B8D  }
0xb1: {  	s5 =	sshll.u32 @!p0 s5, $0x11;
	s7 =	sadd.s32 @!p0 $0x11B8D, s7;
	_ =	swait.eq @!p0 [sflag:s6], $0x1  }
0xb2: {  	s5 =	sor.u32 @!p0 s5, s7;
	[sflag:s6] =	ssyncadd.s32 @!p0 $0xFFFFFFFF  }
0xb3: {  	s25 =	simm.s32 $0x1B8E;
	s24 =	sld [smem:$0x3FFE];
	[sflag:s5] =	ssyncadd.remote.s32 @!p0 $0x1  }
0xb4: {  	s26 =	simm.s32 $execute0_lowered;
	[smem:$0x3FD2] =	sst s25  }
0xb5: {  	s6 =	sshll.u32 s26, $0x1;
	_ =	strace $0x8000004C;
	[dreg:$0x1] =	wrdreg $0xFFFFFFFF  }
0xb6: {  	s28 =	simm.s32 $_size_execute0_lowered;
	s4 =	sadd.s32 s4, s6;
	[dreg:$0x0] =	wrdreg $0x0  }
0xb7: {  	s6 =	sshll.u32 s28, $0x1;
	[dreg:$0x2] =	wrdreg s4  }
0xb8: {  	[dreg:$0x3] =	wrdreg s6  }
0xb9: {  	[dreg:$0x4] =	wrdreg $0xC0  }
0xba: {  	_ =	task [dreg:s22], $0x5FFFF  }
0xbb: {  	[dreg:$0x1] =	wrdreg $0xFFFFFFFF  }
0xbc: {  	[dreg:$0x0] =	wrdreg $0x60  }
0xbd: {  	[dreg:$0x2] =	wrdreg s24  }
0xbe: {  	[dreg:$0x3] =	wrdreg s18  }
0xbf: {  	[dreg:$0x4] =	wrdreg $0xA  }
0xc0: {  	_ =	task.clear_ibuf [dreg:s22], $0x5FFFF;
	_ =	strace $0x9000004C  }
0xc1: {  	s29 =	simm.s32 $0xA;
	_ =	strace $0x8000004E  }
0xc2: {  	_ =	swait.ge [sflag:s29], $0x1  }
0xc3: {  	[sflag:s29] =	ssyncadd.s32 $0xFFFFFFFF  }
0xc4: {  	_ =	strace $0x9000004E  }
0xc5: {  	_ =	sfence  }
0xc6: {  	s30 =	sld [smem:$0x0];
	_ =	sdelay $0x2  }
0xc7: {  	s31 =	sshll.u32 s1, $0xD;
	s1 =	sshrl.u32 s1, $0x2  }
0xc8: {  	s4 =	sand.u32 $0x4000, s31;
	s1 =	sadd.s32 s1, s30  }
0xc9: {  	s0 =	sor.u32 s4, s0;
	s1 =	sshll.u32 s1, $0x11  }
0xca: {  	s0 =	sor.u32 s1, s0  }
0xcb: {  	s0 =	sadd.s32 $0x8F2B, s0  }
0xcc: {  	[sflag:s0] =	ssyncadd.remote.s32 $0x1  }
0xcd: {  	_ =	sfence.sel $0xFFFF  }
0xce: {  	[dreg:$0x0] =	wrdreg $0xFFFFFFFF;
	(pc) =	sbr.abs _section_cstart, $3  }
0xcf: {  	[dreg:$0x1] =	wrdreg $0xFFFFFFFF  }
0xd0: {  	_ =	task.clear_ibuf [dreg:s22], $0x2FFFF;
	_ =	strace $0x9FFFFFFF  }
0xd1: {  	(tm) =	ssettm $0x7FFFFFFF  }
tec
execute0_lowered:
.L_overlay_start_1:
0x0: {  	(tag) =	ssettag $0x1  }
0x1: {  	s0 =	rddreg [dreg:$0x0]  }
0x2: {  	s3 =	rddreg [dreg:$0x1]  }
0x3: {  	s1 =	srdreg.scid;
	s28 =	rddreg [dreg:$0x2];
	s2 =	simm.s32 $0x0  }
0x4: {  	s26 =	stileid.u32;
	s21 =	simm.s32 $0x100;
	[smem:$0x7FF] =	sst s2  }
0x5: {  	s22 =	simm.s32 $0x180;
	_ =	strace $0x8000004D;
	[dreg:$0x16] =	wrdreg s21  }
0x6: {  	s23 =	simm.s32 $0x200;
	s24 =	simm.s32 $0x280;
	[dreg:$0x17] =	wrdreg s22  }
0x7: {  	s1 =	sand.u32 $0x1, s1;
	s4 =	sshll.u32 s26, $0x1;
	[dreg:$0x18] =	wrdreg s23  }
0x8: {  	s29 =	simm.s32 $0x300;
	s4 =	sor.u32 s1, s4;
	[dreg:$0x19] =	wrdreg s24  }
0x9: {  	[dreg:$0x1a] =	wrdreg s29;
	s5 =	sshll.u32 s4, $0x8  }
0xa: {  	s6 =	sshll.u32 s4, $0x4;
	s7 =	sshll.u32 s4, $0xF;
	s5 =	sadd.s32 s5, s0  }
0xb: {  	s4 =	sshll.u32 s4, $0xB;
	s6 =	sadd.s32 s6, s0;
	s5 =	sadd.s32 $0x5800, s5  }
0xc: {  	s4 =	sadd.s32 s4, s0;
	s31 =	sadd.s32 $0x5400, s6;
	[dreg:$0x3] =	wrdreg s5  }
0xd: {  	s0 =	sadd.s32 s7, s0;
	s4 =	sadd.s32 $0x77400, s4;
	[dreg:$0x4] =	wrdreg s31  }
0xe: {  	s25 =	simm.s32 $0xA;
	s6 =	sadd.s32 $0x85400, s0;
	[dreg:$0x5] =	wrdreg s4  }
0xf: {  	s30 =	simm.s32 $0x400;
	s7 =	sadd.s32 $0x85C00, s0;
	[dreg:$0x7] =	wrdreg s6  }
0x10: {  	p1 =	por $0x0, $0x0;
	s8 =	sadd.s32 $0x86400, s0;
	[dreg:$0x8] =	wrdreg s7  }
0x11: {  	p0 =	sgt.u32 s26, $0x7;
	s9 =	sadd.s32 $0x86C00, s0;
	[dreg:$0x9] =	wrdreg s8  }
0x12: {  	s1 =	ssub.s32 $0x2, s1;
	s10 =	sadd.s32 $0x7FC00, s0;
	[dreg:$0xa] =	wrdreg s9  }
0x13: {  	s24 =	simm.s32 $0x480;
	s11 =	sadd.s32 $0x80400, s0;
	[dreg:$0xb] =	wrdreg s10  }
0x14: {  	s23 =	simm.s32 $0x500;
	s12 =	sadd.s32 $0x80C00, s0;
	[dreg:$0xc] =	wrdreg s11  }
0x15: {  	s22 =	simm.s32 $0x580;
	s13 =	sadd.s32 $0x81400, s0;
	[dreg:$0xd] =	wrdreg s12  }
0x16: {  	s21 =	simm.s32 $0x600;
	s14 =	sadd.s32 $0x81C00, s0;
	[dreg:$0xe] =	wrdreg s13  }
0x17: {  	s19 =	sshrl.u32 s1, $0x1;
	s15 =	sadd.s32 $0x82400, s0;
	[dreg:$0xf] =	wrdreg s14  }
0x18: {  	s1 =	ssub.s32 s1, s19;
	s16 =	sadd.s32 $0x82C00, s0;
	[dreg:$0x10] =	wrdreg s15  }
0x19: {  	s19 =	simm.s32 $0x700;
	s17 =	sadd.s32 $0x83400, s0;
	[dreg:$0x11] =	wrdreg s16  }
0x1a: {  	s18 =	sadd.s32 $0x83C00, s0;
	s20 =	sadd.s32 $0x84400, s0;
	[dreg:$0x12] =	wrdreg s17  }
0x1b: {  	s1 =	smax.u32 s1, $0x1;
	s5 =	sadd.s32 $0x7F400, s0;
	[dreg:$0x13] =	wrdreg s18  }
0x1c: {  	[dreg:$0x14] =	wrdreg s20;
	s0 =	sadd.s32 $0x84C00, s0;
	s14 =	simm.s32 $0x80  }
0x1d: {  	s12 =	simm.s32 $0x4880;
	s7 =	simm.s32 $0x8880;
	s18 =	sadd.s32 $0xFFFFFFFF, s1  }
0x1e: {  	s4 =	simm.s32 $0x10880;
	s16 =	simm.s32 $0x1;
	p2 =	sne.s32 s18, $0x0  }
.Ltmp0:
0x1f: {  	s15 =	simm.s32 $0x2;
	s13 =	simm.s32 $0x3;
	(pc) =	sbr.rel @!p2 .LBB2_1-.Ltmp0, $4  }
0x20: {  	s11 =	simm.s32 $0x4;
	s8 =	simm.s32 $0x5;
	[dreg:$0x6] =	wrdreg s5  }
0x21: {  	s9 =	simm.s32 $0x6;
	s31 =	simm.s32 $0x380;
	[dreg:$0x15] =	wrdreg s0  }
0x22: {  	s10 =	simm.s32 $0x7;
	s6 =	simm.s32 $0x8;
	[dreg:$0x1b] =	wrdreg s31  }
0x23: {  	s20 =	simm.s32 $0x680;
	s5 =	simm.s32 $0xC880;
	s17 =	rddreg [dreg:$0x3]  }
0x24: {  	[tilespmem:s2], [sflag:$0xA] =	stream.linear.gather [hbm4b:s17+s2], $0x800, $0x38;
	[tilespmem:$0x14880] =	vst v63  }
0x25: {  	_ =	swait.ge [sflag:s25], $0x800  }
0x26: {  	s26 =	simm.s32 @!p0 $0xA;
	s28 =	simm.s32 @!p0 $0x0;
	[sflag:s25] =	ssyncset.done $0x0  }
0x27: {  	s29 =	simm.s32 @!p0 $0x800;
	s1 =	rddreg [dreg:$0x4];
	[sflag:s25] =	ssyncadd.s32 $0xFFFFF800  }
0x28: {  	[tilespmem:s29], [sflag:$0xA] =	stream.linear.gather @!p0 [hbm4b:s1+s28], $0x80, $0x38;
	[tilespmem:$0x14880] =	vst v63  }
0x29: {  	_ =	swait.ge @!p0 [sflag:s26], $0x80  }
0x2a: {  	s30 =	simm.s32 @!p0 $0x9;
	[sflag:s26] =	ssyncset.done @!p0 $0x0  }
0x2b: {  	s0 =	simm.s32 @!p0 $0x80;
	s1 =	simm.s32 @!p0 $0x880;
	[sflag:s26] =	ssyncadd.s32 @!p0 $0xFFFFFF80  }
0x2c: {  	[tilespmem:s1], [sflag:$0x9] =	stream.indirect.gather @!p0 [hbm4b:s3+s0], $0x80, s29, s0, $0xb8;
	[tilespmem:$0x14880] =	vst v63  }
0x2d: {  	_ =	swait.ge @!p0 [sflag:s30], $0x4000  }
0x2e: {  	[sflag:s30] =	ssyncset.done @!p0 $0x0  }
0x2f: {  	s17 =	rddreg [dreg:$0x5];
	[sflag:s30] =	ssyncadd.s32 @!p0 $0xFFFFC000  }
0x30: {  	[hbm4b:s17+s28] =	stream.linear.scatter @!p0 [tilespmem:s1], [sflag:$0xA], $0x4000, $0x38;
	[tilespmem:$0x14880] =	vst v63  }
0x31: {  	_ =	swait.ge @!p0 [sflag:s26], $0x4000  }
0x32: {  	[sflag:s26] =	ssyncset.done @!p0 $0x0  }
0x33: {  	[sflag:s26] =	ssyncadd.s32 @!p0 $0xFFFFC000  }
0x34: {  	[tilespmem:s12], [sflag:$0x1] =	stream.indirect.gather [hbm4b:s3+s14], $0x80, s2, s14, $0xb8;
	[tilespmem:$0x14880] =	vst v63  }
0x35: {  	_ = 	snop  }
0x36: {  	[tilespmem:s7], [sflag:$0x2] =	stream.indirect.gather [hbm4b:s3+s14], $0x80, s14, s14, $0xb8;
	[tilespmem:$0x14880] =	vst v63  }
0x37: {  	s0 =	rddreg [dreg:$0x16]  }
0x38: {  	[tilespmem:s5], [sflag:$0x3] =	stream.indirect.gather [hbm4b:s3+s14], $0x80, s0, s14, $0xb8;
	[tilespmem:$0x14880] =	vst v63  }
0x39: {  	s22 =	rddreg [dreg:$0x17]  }
0x3a: {  	[tilespmem:s4], [sflag:$0x4] =	stream.indirect.gather [hbm4b:s3+s14], $0x80, s22, s14, $0xb8;
	[tilespmem:$0x14880] =	vst v63  }
0x3b: {  	_ =	swait.ge [sflag:s16], $0x4000  }
0x3c: {  	[sflag:s16] =	ssyncset.done $0x0  }
0x3d: {  	s17 =	rddreg [dreg:$0x6];
	[sflag:s16] =	ssyncadd.s32 $0xFFFFC000  }
0x3e: {  	[hbm4b:s17+s2] =	stream.linear.scatter [tilespmem:s12], [sflag:$0x5], $0x4000, $0x38;
	[tilespmem:$0x14880] =	vst v63  }
0x3f: {  	_ =	swait.ge [sflag:s15], $0x4000  }
0x40: {  	[sflag:s15] =	ssyncset.done $0x0  }
0x41: {  	s22 =	rddreg [dreg:$0xb];
	[sflag:s15] =	ssyncadd.s32 $0xFFFFC000  }
0x42: {  	[hbm4b:s22+s2] =	stream.linear.scatter [tilespmem:s7], [sflag:$0x6], $0x4000, $0x38;
	[tilespmem:$0x14880] =	vst v63  }
0x43: {  	_ =	swait.ge [sflag:s13], $0x4000  }
0x44: {  	[sflag:s13] =	ssyncset.done $0x0  }
0x45: {  	s17 =	rddreg [dreg:$0xc];
	[sflag:s13] =	ssyncadd.s32 $0xFFFFC000  }
0x46: {  	[hbm4b:s17+s2] =	stream.linear.scatter [tilespmem:s5], [sflag:$0x7], $0x4000, $0x38;
	[tilespmem:$0x14880] =	vst v63  }
0x47: {  	_ =	swait.ge [sflag:s11], $0x4000  }
0x48: {  	[sflag:s11] =	ssyncset.done $0x0  }
0x49: {  	s22 =	rddreg [dreg:$0xd];
	[sflag:s11] =	ssyncadd.s32 $0xFFFFC000  }
0x4a: {  	[hbm4b:s22+s2] =	stream.linear.scatter [tilespmem:s4], [sflag:$0x8], $0x4000, $0x38;
	[tilespmem:$0x14880] =	vst v63  }
0x4b: {  	_ =	swait.ge [sflag:s8], $0x4000  }
0x4c: {  	[sflag:s8] =	ssyncset.done $0x0  }
0x4d: {  	s17 =	rddreg [dreg:$0x18];
	[sflag:s8] =	ssyncadd.s32 $0xFFFFC000  }
0x4e: {  	[tilespmem:s12], [sflag:$0x1] =	stream.indirect.gather [hbm4b:s3+s14], $0x80, s17, s14, $0xb8;
	[tilespmem:$0x14880] =	vst v63  }
0x4f: {  	_ =	swait.ge [sflag:s9], $0x4000  }
0x50: {  	[sflag:s9] =	ssyncset.done $0x0  }
0x51: {  	s22 =	rddreg [dreg:$0x19];
	[sflag:s9] =	ssyncadd.s32 $0xFFFFC000  }
0x52: {  	[tilespmem:s7], [sflag:$0x2] =	stream.indirect.gather [hbm4b:s3+s14], $0x80, s22, s14, $0xb8;
	[tilespmem:$0x14880] =	vst v63  }
0x53: {  	_ =	swait.ge [sflag:s10], $0x4000  }
0x54: {  	[sflag:s10] =	ssyncset.done $0x0  }
0x55: {  	s17 =	rddreg [dreg:$0x1a];
	[sflag:s10] =	ssyncadd.s32 $0xFFFFC000  }
0x56: {  	[tilespmem:s5], [sflag:$0x3] =	stream.indirect.gather [hbm4b:s3+s14], $0x80, s17, s14, $0xb8;
	[tilespmem:$0x14880] =	vst v63  }
0x57: {  	_ =	swait.ge [sflag:s6], $0x4000  }
0x58: {  	[sflag:s6] =	ssyncset.done $0x0  }
0x59: {  	s22 =	rddreg [dreg:$0x1b];
	[sflag:s6] =	ssyncadd.s32 $0xFFFFC000  }
0x5a: {  	[tilespmem:s4], [sflag:$0x4] =	stream.indirect.gather [hbm4b:s3+s14], $0x80, s22, s14, $0xb8;
	[tilespmem:$0x14880] =	vst v63  }
0x5b: {  	_ =	swait.ge [sflag:s16], $0x4000  }
0x5c: {  	[sflag:s16] =	ssyncset.done $0x0  }
0x5d: {  	s17 =	rddreg [dreg:$0xe];
	[sflag:s16] =	ssyncadd.s32 $0xFFFFC000  }
0x5e: {  	[hbm4b:s17+s2] =	stream.linear.scatter [tilespmem:s12], [sflag:$0x5], $0x4000, $0x38;
	[tilespmem:$0x14880] =	vst v63  }
0x5f: {  	_ =	swait.ge [sflag:s15], $0x4000  }
0x60: {  	[sflag:s15] =	ssyncset.done $0x0  }
0x61: {  	s22 =	rddreg [dreg:$0xf];
	[sflag:s15] =	ssyncadd.s32 $0xFFFFC000  }
0x62: {  	[hbm4b:s22+s2] =	stream.linear.scatter [tilespmem:s7], [sflag:$0x6], $0x4000, $0x38;
	[tilespmem:$0x14880] =	vst v63  }
0x63: {  	_ =	swait.ge [sflag:s13], $0x4000  }
0x64: {  	[sflag:s13] =	ssyncset.done $0x0  }
0x65: {  	s17 =	rddreg [dreg:$0x10];
	[sflag:s13] =	ssyncadd.s32 $0xFFFFC000  }
0x66: {  	[hbm4b:s17+s2] =	stream.linear.scatter [tilespmem:s5], [sflag:$0x7], $0x4000, $0x38;
	[tilespmem:$0x14880] =	vst v63  }
0x67: {  	_ =	swait.ge [sflag:s11], $0x4000  }
0x68: {  	[sflag:s11] =	ssyncset.done $0x0  }
0x69: {  	s22 =	rddreg [dreg:$0x11];
	[sflag:s11] =	ssyncadd.s32 $0xFFFFC000  }
0x6a: {  	[hbm4b:s22+s2] =	stream.linear.scatter [tilespmem:s4], [sflag:$0x8], $0x4000, $0x38;
	[tilespmem:$0x14880] =	vst v63  }
0x6b: {  	_ =	swait.ge [sflag:s8], $0x4000  }
0x6c: {  	[sflag:s8] =	ssyncset.done $0x0  }
0x6d: {  	s19 =	simm.s32 $0x400;
	[sflag:s8] =	ssyncadd.s32 $0xFFFFC000  }
0x6e: {  	[tilespmem:s12], [sflag:$0x1] =	stream.indirect.gather [hbm4b:s3+s14], $0x80, s19, s14, $0xb8;
	[tilespmem:$0x14880] =	vst v63  }
0x6f: {  	_ =	swait.ge [sflag:s9], $0x4000  }
0x70: {  	[sflag:s9] =	ssyncset.done $0x0  }
0x71: {  	s24 =	simm.s32 $0x480;
	[sflag:s9] =	ssyncadd.s32 $0xFFFFC000  }
0x72: {  	[tilespmem:s7], [sflag:$0x2] =	stream.indirect.gather [hbm4b:s3+s14], $0x80, s24, s14, $0xb8;
	[tilespmem:$0x14880] =	vst v63  }
0x73: {  	_ =	swait.ge [sflag:s10], $0x4000  }
0x74: {  	[sflag:s10] =	ssyncset.done $0x0  }
0x75: {  	s23 =	simm.s32 $0x500;
	[sflag:s10] =	ssyncadd.s32 $0xFFFFC000  }
0x76: {  	[tilespmem:s5], [sflag:$0x3] =	stream.indirect.gather [hbm4b:s3+s14], $0x80, s23, s14, $0xb8;
	[tilespmem:$0x14880] =	vst v63  }
0x77: {  	_ =	swait.ge [sflag:s6], $0x4000  }
0x78: {  	[sflag:s6] =	ssyncset.done $0x0  }
0x79: {  	s31 =	simm.s32 $0x580;
	[sflag:s6] =	ssyncadd.s32 $0xFFFFC000  }
0x7a: {  	[tilespmem:s4], [sflag:$0x4] =	stream.indirect.gather [hbm4b:s3+s14], $0x80, s31, s14, $0xb8;
	[tilespmem:$0x14880] =	vst v63  }
0x7b: {  	_ =	swait.ge [sflag:s16], $0x4000  }
0x7c: {  	[sflag:s16] =	ssyncset.done $0x0  }
0x7d: {  	s17 =	rddreg [dreg:$0x12];
	[sflag:s16] =	ssyncadd.s32 $0xFFFFC000  }
0x7e: {  	[hbm4b:s17+s2] =	stream.linear.scatter [tilespmem:s12], [sflag:$0x5], $0x4000, $0x38;
	[tilespmem:$0x14880] =	vst v63  }
0x7f: {  	_ =	swait.ge [sflag:s15], $0x4000  }
0x80: {  	[sflag:s15] =	ssyncset.done $0x0  }
0x81: {  	s17 =	rddreg [dreg:$0x13];
	[sflag:s15] =	ssyncadd.s32 $0xFFFFC000  }
0x82: {  	[hbm4b:s17+s2] =	stream.linear.scatter [tilespmem:s7], [sflag:$0x6], $0x4000, $0x38;
	[tilespmem:$0x14880] =	vst v63  }
0x83: {  	_ =	swait.ge [sflag:s13], $0x4000  }
0x84: {  	[sflag:s13] =	ssyncset.done $0x0  }
0x85: {  	s17 =	rddreg [dreg:$0x14];
	[sflag:s13] =	ssyncadd.s32 $0xFFFFC000  }
0x86: {  	[hbm4b:s17+s2] =	stream.linear.scatter [tilespmem:s5], [sflag:$0x7], $0x4000, $0x38;
	[tilespmem:$0x14880] =	vst v63  }
0x87: {  	_ =	swait.ge [sflag:s11], $0x4000  }
0x88: {  	[sflag:s11] =	ssyncset.done $0x0  }
0x89: {  	s17 =	rddreg [dreg:$0x15];
	[sflag:s11] =	ssyncadd.s32 $0xFFFFC000  }
0x8a: {  	[hbm4b:s17+s2] =	stream.linear.scatter [tilespmem:s4], [sflag:$0x8], $0x4000, $0x38;
	[tilespmem:$0x14880] =	vst v63  }
0x8b: {  	_ =	swait.ge [sflag:s8], $0x4000  }
0x8c: {  	[sflag:s8] =	ssyncset.done $0x0  }
0x8d: {  	s21 =	simm.s32 $0x600;
	[sflag:s8] =	ssyncadd.s32 $0xFFFFC000  }
0x8e: {  	[tilespmem:s12], [sflag:$0x1] =	stream.indirect.gather [hbm4b:s3+s14], $0x80, s21, s14, $0xb8;
	[tilespmem:$0x14880] =	vst v63  }
0x8f: {  	_ =	swait.ge [sflag:s9], $0x4000  }
0x90: {  	[sflag:s9] =	ssyncset.done $0x0  }
0x91: {  	s20 =	simm.s32 $0x680;
	[sflag:s9] =	ssyncadd.s32 $0xFFFFC000  }
0x92: {  	[tilespmem:s7], [sflag:$0x2] =	stream.indirect.gather [hbm4b:s3+s14], $0x80, s20, s14, $0xb8;
	[tilespmem:$0x14880] =	vst v63  }
0x93: {  	_ =	swait.ge [sflag:s10], $0x4000  }
0x94: {  	[sflag:s10] =	ssyncset.done $0x0  }
0x95: {  	s17 =	simm.s32 $0x700;
	[sflag:s10] =	ssyncadd.s32 $0xFFFFC000  }
0x96: {  	[tilespmem:s5], [sflag:$0x3] =	stream.indirect.gather [hbm4b:s3+s14], $0x80, s17, s14, $0xb8;
	[tilespmem:$0x14880] =	vst v63  }
0x97: {  	_ =	swait.ge [sflag:s6], $0x4000  }
0x98: {  	[sflag:s6] =	ssyncset.done $0x0  }
0x99: {  	s17 =	simm.s32 $0x780;
	[sflag:s6] =	ssyncadd.s32 $0xFFFFC000  }
0x9a: {  	[tilespmem:s4], [sflag:$0x4] =	stream.indirect.gather [hbm4b:s3+s14], $0x80, s17, s14, $0xb8;
	[tilespmem:$0x14880] =	vst v63  }
0x9b: {  	_ =	swait.ge [sflag:s16], $0x4000  }
0x9c: {  	[sflag:s16] =	ssyncset.done $0x0  }
0x9d: {  	s17 =	rddreg [dreg:$0x7];
	[sflag:s16] =	ssyncadd.s32 $0xFFFFC000  }
0x9e: {  	[hbm4b:s17+s2] =	stream.linear.scatter [tilespmem:s12], [sflag:$0x5], $0x4000, $0x38;
	[tilespmem:$0x14880] =	vst v63  }
0x9f: {  	_ =	swait.ge [sflag:s15], $0x4000  }
0xa0: {  	[sflag:s15] =	ssyncset.done $0x0  }
0xa1: {  	s17 =	rddreg [dreg:$0x8];
	[sflag:s15] =	ssyncadd.s32 $0xFFFFC000  }
0xa2: {  	[hbm4b:s17+s2] =	stream.linear.scatter [tilespmem:s7], [sflag:$0x6], $0x4000, $0x38;
	[tilespmem:$0x14880] =	vst v63  }
0xa3: {  	_ =	swait.ge [sflag:s13], $0x4000  }
0xa4: {  	[sflag:s13] =	ssyncset.done $0x0  }
0xa5: {  	s17 =	rddreg [dreg:$0x9];
	[sflag:s13] =	ssyncadd.s32 $0xFFFFC000  }
0xa6: {  	[hbm4b:s17+s2] =	stream.linear.scatter [tilespmem:s5], [sflag:$0x7], $0x4000, $0x38;
	[tilespmem:$0x14880] =	vst v63  }
0xa7: {  	_ =	swait.ge [sflag:s11], $0x4000  }
0xa8: {  	[sflag:s11] =	ssyncset.done $0x0  }
0xa9: {  	s17 =	rddreg [dreg:$0xa];
	[sflag:s11] =	ssyncadd.s32 $0xFFFFC000  }
0xaa: {  	[hbm4b:s17+s2] =	stream.linear.scatter [tilespmem:s4], [sflag:$0x8], $0x4000, $0x38;
	[tilespmem:$0x14880] =	vst v63  }
0xab: {  	_ =	swait.ge [sflag:s8], $0x4000  }
0xac: {  	[sflag:s8] =	ssyncset.done $0x0  }
0xad: {  	[sflag:s8] =	ssyncadd.s32 $0xFFFFC000  }
0xae: {  	_ =	swait.ge [sflag:s9], $0x4000  }
0xaf: {  	s0 =	sadd.s32 $0xFFFFFFFF, s18;
	[sflag:s9] =	ssyncset.done $0x0  }
0xb0: {  	p2 =	sne.s32 s0, $0x0;
	[sflag:s9] =	ssyncadd.s32 $0xFFFFC000  }
.Ltmp1:
0xb1: {  	p1 =	por $0x1, $0x1;
	_ =	swait.ge [sflag:s10], $0x4000;
	(pc) =	sbr.rel @!p2 .LBB2_3-.Ltmp1, $4  }
0xb2: {  	s22 =	simm.s32 $0x400;
	s19 =	simm.s32 $0x480;
	[sflag:s10] =	ssyncset.done $0x0  }
0xb3: {  	s24 =	simm.s32 $0x500;
	s23 =	simm.s32 $0x580;
	[sflag:s10] =	ssyncadd.s32 $0xFFFFC000  }
0xb4: {  	s31 =	simm.s32 $0x600;
	s21 =	simm.s32 $0x680;
	_ =	swait.ge [sflag:s6], $0x4000  }
0xb5: {  	s20 =	simm.s32 $0x700;
	s17 =	rddreg [dreg:$0x3];
	[sflag:s6] =	ssyncset.done $0x0  }
.LBB2_4:
0xb6: {  	[sflag:s6] =	ssyncadd.s32 $0xFFFFC000  }
0xb7: {  	[tilespmem:s2], [sflag:$0xA] =	stream.linear.gather [hbm4b:s17+s2], $0x800, $0x38;
	[tilespmem:$0x14880] =	vst v63  }
0xb8: {  	_ =	swait.ge [sflag:s25], $0x800  }
0xb9: {  	[sflag:s25] =	ssyncset.done $0x0  }
0xba: {  	s17 =	rddreg [dreg:$0x4];
	[sflag:s25] =	ssyncadd.s32 $0xFFFFF800  }
0xbb: {  	[tilespmem:s29], [sflag:$0xA] =	stream.linear.gather @!p0 [hbm4b:s17+s28], $0x80, $0x38;
	[tilespmem:$0x14880] =	vst v63  }
0xbc: {  	_ =	swait.ge @!p0 [sflag:s26], $0x80  }
0xbd: {  	[sflag:s26] =	ssyncset.done @!p0 $0x0  }
0xbe: {  	s17 =	simm.s32 @!p0 $0x80;
	[sflag:s26] =	ssyncadd.s32 @!p0 $0xFFFFFF80  }
0xbf: {  	[tilespmem:s1], [sflag:$0x9] =	stream.indirect.gather @!p0 [hbm4b:s3+s17], $0x80, s29, s17, $0xb8;
	[tilespmem:$0x14880] =	vst v63  }
0xc0: {  	_ =	swait.ge @!p0 [sflag:s30], $0x4000  }
0xc1: {  	[sflag:s30] =	ssyncset.done @!p0 $0x0  }
0xc2: {  	s17 =	rddreg [dreg:$0x5];
	[sflag:s30] =	ssyncadd.s32 @!p0 $0xFFFFC000  }
0xc3: {  	[hbm4b:s17+s28] =	stream.linear.scatter @!p0 [tilespmem:s1], [sflag:$0xA], $0x4000, $0x38;
	[tilespmem:$0x14880] =	vst v63  }
0xc4: {  	_ =	swait.ge @!p0 [sflag:s26], $0x4000  }
0xc5: {  	[sflag:s26] =	ssyncset.done @!p0 $0x0  }
0xc6: {  	[sflag:s26] =	ssyncadd.s32 @!p0 $0xFFFFC000  }
0xc7: {  	[tilespmem:s12], [sflag:$0x1] =	stream.indirect.gather [hbm4b:s3+s14], $0x80, s2, s14, $0xb8;
	[tilespmem:$0x14880] =	vst v63  }
0xc8: {  	_ = 	snop  }
0xc9: {  	[tilespmem:s7], [sflag:$0x2] =	stream.indirect.gather [hbm4b:s3+s14], $0x80, s14, s14, $0xb8;
	[tilespmem:$0x14880] =	vst v63  }
0xca: {  	s17 =	rddreg [dreg:$0x16]  }
0xcb: {  	[tilespmem:s5], [sflag:$0x3] =	stream.indirect.gather [hbm4b:s3+s14], $0x80, s17, s14, $0xb8;
	[tilespmem:$0x14880] =	vst v63  }
0xcc: {  	s18 =	rddreg [dreg:$0x17]  }
0xcd: {  	[tilespmem:s4], [sflag:$0x4] =	stream.indirect.gather [hbm4b:s3+s14], $0x80, s18, s14, $0xb8;
	[tilespmem:$0x14880] =	vst v63  }
0xce: {  	_ =	swait.ge [sflag:s16], $0x4000  }
0xcf: {  	[sflag:s16] =	ssyncset.done $0x0  }
0xd0: {  	s17 =	rddreg [dreg:$0x6];
	[sflag:s16] =	ssyncadd.s32 $0xFFFFC000  }
0xd1: {  	[hbm4b:s17+s2] =	stream.linear.scatter [tilespmem:s12], [sflag:$0x5], $0x4000, $0x38;
	[tilespmem:$0x14880] =	vst v63  }
0xd2: {  	_ =	swait.ge [sflag:s15], $0x4000  }
0xd3: {  	[sflag:s15] =	ssyncset.done $0x0  }
0xd4: {  	s17 =	rddreg [dreg:$0xb];
	[sflag:s15] =	ssyncadd.s32 $0xFFFFC000  }
0xd5: {  	[hbm4b:s17+s2] =	stream.linear.scatter [tilespmem:s7], [sflag:$0x6], $0x4000, $0x38;
	[tilespmem:$0x14880] =	vst v63  }
0xd6: {  	_ =	swait.ge [sflag:s13], $0x4000  }
0xd7: {  	[sflag:s13] =	ssyncset.done $0x0  }
0xd8: {  	s17 =	rddreg [dreg:$0xc];
	[sflag:s13] =	ssyncadd.s32 $0xFFFFC000  }
0xd9: {  	[hbm4b:s17+s2] =	stream.linear.scatter [tilespmem:s5], [sflag:$0x7], $0x4000, $0x38;
	[tilespmem:$0x14880] =	vst v63  }
0xda: {  	_ =	swait.ge [sflag:s11], $0x4000  }
0xdb: {  	[sflag:s11] =	ssyncset.done $0x0  }
0xdc: {  	s17 =	rddreg [dreg:$0xd];
	[sflag:s11] =	ssyncadd.s32 $0xFFFFC000  }
0xdd: {  	[hbm4b:s17+s2] =	stream.linear.scatter [tilespmem:s4], [sflag:$0x8], $0x4000, $0x38;
	[tilespmem:$0x14880] =	vst v63  }
0xde: {  	_ =	swait.ge [sflag:s8], $0x4000  }
0xdf: {  	[sflag:s8] =	ssyncset.done $0x0  }
0xe0: {  	s17 =	rddreg [dreg:$0x18];
	[sflag:s8] =	ssyncadd.s32 $0xFFFFC000  }
0xe1: {  	[tilespmem:s12], [sflag:$0x1] =	stream.indirect.gather [hbm4b:s3+s14], $0x80, s17, s14, $0xb8;
	[tilespmem:$0x14880] =	vst v63  }
0xe2: {  	_ =	swait.ge [sflag:s9], $0x4000  }
0xe3: {  	[sflag:s9] =	ssyncset.done $0x0  }
0xe4: {  	s17 =	rddreg [dreg:$0x19];
	[sflag:s9] =	ssyncadd.s32 $0xFFFFC000  }
0xe5: {  	[tilespmem:s7], [sflag:$0x2] =	stream.indirect.gather [hbm4b:s3+s14], $0x80, s17, s14, $0xb8;
	[tilespmem:$0x14880] =	vst v63  }
0xe6: {  	_ =	swait.ge [sflag:s10], $0x4000  }
0xe7: {  	[sflag:s10] =	ssyncset.done $0x0  }
0xe8: {  	s17 =	rddreg [dreg:$0x1a];
	[sflag:s10] =	ssyncadd.s32 $0xFFFFC000  }
0xe9: {  	[tilespmem:s5], [sflag:$0x3] =	stream.indirect.gather [hbm4b:s3+s14], $0x80, s17, s14, $0xb8;
	[tilespmem:$0x14880] =	vst v63  }
0xea: {  	_ =	swait.ge [sflag:s6], $0x4000  }
0xeb: {  	[sflag:s6] =	ssyncset.done $0x0  }
0xec: {  	s17 =	rddreg [dreg:$0x1b];
	[sflag:s6] =	ssyncadd.s32 $0xFFFFC000  }
0xed: {  	[tilespmem:s4], [sflag:$0x4] =	stream.indirect.gather [hbm4b:s3+s14], $0x80, s17, s14, $0xb8;
	[tilespmem:$0x14880] =	vst v63  }
0xee: {  	_ =	swait.ge [sflag:s16], $0x4000  }
0xef: {  	[sflag:s16] =	ssyncset.done $0x0  }
0xf0: {  	s17 =	rddreg [dreg:$0xe];
	[sflag:s16] =	ssyncadd.s32 $0xFFFFC000  }
0xf1: {  	[hbm4b:s17+s2] =	stream.linear.scatter [tilespmem:s12], [sflag:$0x5], $0x4000, $0x38;
	[tilespmem:$0x14880] =	vst v63  }
0xf2: {  	_ =	swait.ge [sflag:s15], $0x4000  }
0xf3: {  	[sflag:s15] =	ssyncset.done $0x0  }
0xf4: {  	s17 =	rddreg [dreg:$0xf];
	[sflag:s15] =	ssyncadd.s32 $0xFFFFC000  }
0xf5: {  	[hbm4b:s17+s2] =	stream.linear.scatter [tilespmem:s7], [sflag:$0x6], $0x4000, $0x38;
	[tilespmem:$0x14880] =	vst v63  }
0xf6: {  	_ =	swait.ge [sflag:s13], $0x4000  }
0xf7: {  	[sflag:s13] =	ssyncset.done $0x0  }
0xf8: {  	s17 =	rddreg [dreg:$0x10];
	[sflag:s13] =	ssyncadd.s32 $0xFFFFC000  }
0xf9: {  	[hbm4b:s17+s2] =	stream.linear.scatter [tilespmem:s5], [sflag:$0x7], $0x4000, $0x38;
	[tilespmem:$0x14880] =	vst v63  }
0xfa: {  	_ =	swait.ge [sflag:s11], $0x4000  }
0xfb: {  	[sflag:s11] =	ssyncset.done $0x0  }
0xfc: {  	s17 =	rddreg [dreg:$0x11];
	[sflag:s11] =	ssyncadd.s32 $0xFFFFC000  }
0xfd: {  	[hbm4b:s17+s2] =	stream.linear.scatter [tilespmem:s4], [sflag:$0x8], $0x4000, $0x38;
	[tilespmem:$0x14880] =	vst v63  }
0xfe: {  	_ =	swait.ge [sflag:s8], $0x4000  }
0xff: {  	[sflag:s8] =	ssyncset.done $0x0  }
0x100: {  	[sflag:s8] =	ssyncadd.s32 $0xFFFFC000  }
0x101: {  	[tilespmem:s12], [sflag:$0x1] =	stream.indirect.gather [hbm4b:s3+s14], $0x80, s22, s14, $0xb8;
	[tilespmem:$0x14880] =	vst v63  }
0x102: {  	_ =	swait.ge [sflag:s9], $0x4000  }
0x103: {  	[sflag:s9] =	ssyncset.done $0x0  }
0x104: {  	[sflag:s9] =	ssyncadd.s32 $0xFFFFC000  }
0x105: {  	[tilespmem:s7], [sflag:$0x2] =	stream.indirect.gather [hbm4b:s3+s14], $0x80, s19, s14, $0xb8;
	[tilespmem:$0x14880] =	vst v63  }
0x106: {  	_ =	swait.ge [sflag:s10], $0x4000  }
0x107: {  	[sflag:s10] =	ssyncset.done $0x0  }
0x108: {  	[sflag:s10] =	ssyncadd.s32 $0xFFFFC000  }
0x109: {  	[tilespmem:s5], [sflag:$0x3] =	stream.indirect.gather [hbm4b:s3+s14], $0x80, s24, s14, $0xb8;
	[tilespmem:$0x14880] =	vst v63  }
0x10a: {  	_ =	swait.ge [sflag:s6], $0x4000  }
0x10b: {  	[sflag:s6] =	ssyncset.done $0x0  }
0x10c: {  	[sflag:s6] =	ssyncadd.s32 $0xFFFFC000  }
0x10d: {  	[tilespmem:s4], [sflag:$0x4] =	stream.indirect.gather [hbm4b:s3+s14], $0x80, s23, s14, $0xb8;
	[tilespmem:$0x14880] =	vst v63  }
0x10e: {  	_ =	swait.ge [sflag:s16], $0x4000  }
0x10f: {  	[sflag:s16] =	ssyncset.done $0x0  }
0x110: {  	s17 =	rddreg [dreg:$0x12];
	[sflag:s16] =	ssyncadd.s32 $0xFFFFC000  }
0x111: {  	[hbm4b:s17+s2] =	stream.linear.scatter [tilespmem:s12], [sflag:$0x5], $0x4000, $0x38;
	[tilespmem:$0x14880] =	vst v63  }
0x112: {  	_ =	swait.ge [sflag:s15], $0x4000  }
0x113: {  	[sflag:s15] =	ssyncset.done $0x0  }
0x114: {  	s17 =	rddreg [dreg:$0x13];
	[sflag:s15] =	ssyncadd.s32 $0xFFFFC000  }
0x115: {  	[hbm4b:s17+s2] =	stream.linear.scatter [tilespmem:s7], [sflag:$0x6], $0x4000, $0x38;
	[tilespmem:$0x14880] =	vst v63  }
0x116: {  	_ =	swait.ge [sflag:s13], $0x4000  }
0x117: {  	[sflag:s13] =	ssyncset.done $0x0  }
0x118: {  	s17 =	rddreg [dreg:$0x14];
	[sflag:s13] =	ssyncadd.s32 $0xFFFFC000  }
0x119: {  	[hbm4b:s17+s2] =	stream.linear.scatter [tilespmem:s5], [sflag:$0x7], $0x4000, $0x38;
	[tilespmem:$0x14880] =	vst v63  }
0x11a: {  	_ =	swait.ge [sflag:s11], $0x4000  }
0x11b: {  	[sflag:s11] =	ssyncset.done $0x0  }
0x11c: {  	s17 =	rddreg [dreg:$0x15];
	[sflag:s11] =	ssyncadd.s32 $0xFFFFC000  }
0x11d: {  	[hbm4b:s17+s2] =	stream.linear.scatter [tilespmem:s4], [sflag:$0x8], $0x4000, $0x38;
	[tilespmem:$0x14880] =	vst v63  }
0x11e: {  	_ =	swait.ge [sflag:s8], $0x4000  }
0x11f: {  	[sflag:s8] =	ssyncset.done $0x0  }
0x120: {  	[sflag:s8] =	ssyncadd.s32 $0xFFFFC000  }
0x121: {  	[tilespmem:s12], [sflag:$0x1] =	stream.indirect.gather [hbm4b:s3+s14], $0x80, s31, s14, $0xb8;
	[tilespmem:$0x14880] =	vst v63  }
0x122: {  	_ =	swait.ge [sflag:s9], $0x4000  }
0x123: {  	[sflag:s9] =	ssyncset.done $0x0  }
0x124: {  	[sflag:s9] =	ssyncadd.s32 $0xFFFFC000  }
0x125: {  	[tilespmem:s7], [sflag:$0x2] =	stream.indirect.gather [hbm4b:s3+s14], $0x80, s21, s14, $0xb8;
	[tilespmem:$0x14880] =	vst v63  }
0x126: {  	_ =	swait.ge [sflag:s10], $0x4000  }
0x127: {  	[sflag:s10] =	ssyncset.done $0x0  }
0x128: {  	[sflag:s10] =	ssyncadd.s32 $0xFFFFC000  }
0x129: {  	[tilespmem:s5], [sflag:$0x3] =	stream.indirect.gather [hbm4b:s3+s14], $0x80, s20, s14, $0xb8;
	[tilespmem:$0x14880] =	vst v63  }
0x12a: {  	_ =	swait.ge [sflag:s6], $0x4000  }
0x12b: {  	[sflag:s6] =	ssyncset.done $0x0  }
0x12c: {  	s18 =	simm.s32 $0x780;
	[sflag:s6] =	ssyncadd.s32 $0xFFFFC000  }
0x12d: {  	[tilespmem:s4], [sflag:$0x4] =	stream.indirect.gather [hbm4b:s3+s14], $0x80, s18, s14, $0xb8;
	[tilespmem:$0x14880] =	vst v63  }
0x12e: {  	_ =	swait.ge [sflag:s16], $0x4000  }
0x12f: {  	[sflag:s16] =	ssyncset.done $0x0  }
0x130: {  	s18 =	rddreg [dreg:$0x7];
	[sflag:s16] =	ssyncadd.s32 $0xFFFFC000  }
0x131: {  	[hbm4b:s18+s2] =	stream.linear.scatter [tilespmem:s12], [sflag:$0x5], $0x4000, $0x38;
	[tilespmem:$0x14880] =	vst v63  }
0x132: {  	_ =	swait.ge [sflag:s15], $0x4000  }
0x133: {  	[sflag:s15] =	ssyncset.done $0x0  }
0x134: {  	s18 =	rddreg [dreg:$0x8];
	[sflag:s15] =	ssyncadd.s32 $0xFFFFC000  }
0x135: {  	[hbm4b:s18+s2] =	stream.linear.scatter [tilespmem:s7], [sflag:$0x6], $0x4000, $0x38;
	[tilespmem:$0x14880] =	vst v63  }
0x136: {  	_ =	swait.ge [sflag:s13], $0x4000  }
0x137: {  	[sflag:s13] =	ssyncset.done $0x0  }
0x138: {  	s18 =	rddreg [dreg:$0x9];
	[sflag:s13] =	ssyncadd.s32 $0xFFFFC000  }
0x139: {  	[hbm4b:s18+s2] =	stream.linear.scatter [tilespmem:s5], [sflag:$0x7], $0x4000, $0x38;
	[tilespmem:$0x14880] =	vst v63  }
0x13a: {  	_ =	swait.ge [sflag:s11], $0x4000  }
0x13b: {  	[sflag:s11] =	ssyncset.done $0x0  }
0x13c: {  	s18 =	rddreg [dreg:$0xa];
	[sflag:s11] =	ssyncadd.s32 $0xFFFFC000  }
0x13d: {  	[hbm4b:s18+s2] =	stream.linear.scatter [tilespmem:s4], [sflag:$0x8], $0x4000, $0x38;
	[tilespmem:$0x14880] =	vst v63  }
0x13e: {  	_ =	swait.ge [sflag:s8], $0x4000  }
0x13f: {  	[sflag:s8] =	ssyncset.done $0x0  }
0x140: {  	[sflag:s8] =	ssyncadd.s32 $0xFFFFC000  }
0x141: {  	_ =	swait.ge [sflag:s9], $0x4000  }
0x142: {  	s0 =	sadd.s32 $0xFFFFFFFF, s0;
	[sflag:s9] =	ssyncset.done $0x0  }
0x143: {  	p2 =	sne.s32 s0, $0x0;
	[sflag:s9] =	ssyncadd.s32 $0xFFFFC000  }
.Ltmp2:
0x144: {  	_ =	swait.ge [sflag:s10], $0x4000;
	(pc) =	sbr.rel @p2 .LBB2_4-.Ltmp2, $4  }
0x145: {  	[sflag:s10] =	ssyncset.done $0x0  }
0x146: {  	[sflag:s10] =	ssyncadd.s32 $0xFFFFC000  }
0x147: {  	_ =	swait.ge [sflag:s6], $0x4000  }
0x148: {  	s17 =	rddreg [dreg:$0x3];
	[sflag:s6] =	ssyncset.done $0x0  }
0x149: {  	s29 =	simm.s32 $0x780  }
0x14a: {  	s26 =	stileid.u32;
	s28 =	rddreg [dreg:$0x2];
	s19 =	simm.s32 $0x700  }
0x14b: {  	s20 =	simm.s32 $0x680;
	s21 =	simm.s32 $0x600;
	s22 =	simm.s32 $0x580  }
0x14c: {  	s23 =	simm.s32 $0x500;
	s24 =	simm.s32 $0x480;
	s30 =	simm.s32 $0x400  }
.LBB2_6:
0x14d: {  	[sflag:s6] =	ssyncadd.s32 @p1 $0xFFFFC000  }
0x14e: {  	[tilespmem:s2], [sflag:$0xA] =	stream.linear.gather [hbm4b:s17+s2], $0x800, $0x38;
	[tilespmem:$0x14880] =	vst v63  }
0x14f: {  	_ =	swait.ge [sflag:s25], $0x800  }
0x150: {  	s1 =	simm.s32 @!p0 $0x0;
	[sflag:s25] =	ssyncset.done $0x0  }
0x151: {  	s17 =	simm.s32 @!p0 $0x800;
	s0 =	rddreg [dreg:$0x4];
	[sflag:s25] =	ssyncadd.s32 $0xFFFFF800  }
0x152: {  	[tilespmem:s17], [sflag:$0xA] =	stream.linear.gather @!p0 [hbm4b:s0+s1], $0x80, $0x38;
	[tilespmem:$0x14880] =	vst v63  }
0x153: {  	s0 =	simm.s32 @!p0 $0xA  }
0x154: {  	_ =	swait.ge @!p0 [sflag:s0], $0x80  }
0x155: {  	[sflag:s0] =	ssyncset.done @!p0 $0x0  }
0x156: {  	s18 =	simm.s32 @!p0 $0x80;
	s25 =	simm.s32 @!p0 $0x880;
	[sflag:s0] =	ssyncadd.s32 @!p0 $0xFFFFFF80  }
0x157: {  	[tilespmem:s25], [sflag:$0x9] =	stream.indirect.gather @!p0 [hbm4b:s3+s18], $0x80, s17, s18, $0xb8;
	[tilespmem:$0x14880] =	vst v63  }
0x158: {  	s17 =	simm.s32 @!p0 $0x9  }
0x159: {  	_ =	swait.ge @!p0 [sflag:s17], $0x4000  }
0x15a: {  	[sflag:s17] =	ssyncset.done @!p0 $0x0  }
0x15b: {  	s18 =	rddreg [dreg:$0x5];
	[sflag:s17] =	ssyncadd.s32 @!p0 $0xFFFFC000  }
0x15c: {  	[hbm4b:s18+s1] =	stream.linear.scatter @!p0 [tilespmem:s25], [sflag:$0xA], $0x4000, $0x38;
	[tilespmem:$0x14880] =	vst v63  }
0x15d: {  	_ =	swait.ge @!p0 [sflag:s0], $0x4000  }
0x15e: {  	[sflag:s0] =	ssyncset.done @!p0 $0x0  }
0x15f: {  	[sflag:s0] =	ssyncadd.s32 @!p0 $0xFFFFC000  }
0x160: {  	[tilespmem:s12], [sflag:$0x1] =	stream.indirect.gather [hbm4b:s3+s14], $0x80, s2, s14, $0xb8;
	[tilespmem:$0x14880] =	vst v63  }
0x161: {  	_ = 	snop  }
0x162: {  	[tilespmem:s7], [sflag:$0x2] =	stream.indirect.gather [hbm4b:s3+s14], $0x80, s14, s14, $0xb8;
	[tilespmem:$0x14880] =	vst v63  }
0x163: {  	s25 =	rddreg [dreg:$0x16]  }
0x164: {  	[tilespmem:s5], [sflag:$0x3] =	stream.indirect.gather [hbm4b:s3+s14], $0x80, s25, s14, $0xb8;
	[tilespmem:$0x14880] =	vst v63  }
0x165: {  	s31 =	rddreg [dreg:$0x17]  }
0x166: {  	[tilespmem:s4], [sflag:$0x4] =	stream.indirect.gather [hbm4b:s3+s14], $0x80, s31, s14, $0xb8;
	[tilespmem:$0x14880] =	vst v63  }
0x167: {  	_ =	swait.ge [sflag:s16], $0x4000  }
0x168: {  	[sflag:s16] =	ssyncset.done $0x0  }
0x169: {  	s1 =	rddreg [dreg:$0x6];
	[sflag:s16] =	ssyncadd.s32 $0xFFFFC000  }
0x16a: {  	[hbm4b:s1+s2] =	stream.linear.scatter [tilespmem:s12], [sflag:$0x5], $0x4000, $0x38;
	[tilespmem:$0x14880] =	vst v63  }
0x16b: {  	_ =	swait.ge [sflag:s15], $0x4000  }
0x16c: {  	[sflag:s15] =	ssyncset.done $0x0  }
0x16d: {  	s17 =	rddreg [dreg:$0xb];
	[sflag:s15] =	ssyncadd.s32 $0xFFFFC000  }
0x16e: {  	[hbm4b:s17+s2] =	stream.linear.scatter [tilespmem:s7], [sflag:$0x6], $0x4000, $0x38;
	[tilespmem:$0x14880] =	vst v63  }
0x16f: {  	_ =	swait.ge [sflag:s13], $0x4000  }
0x170: {  	[sflag:s13] =	ssyncset.done $0x0  }
0x171: {  	s18 =	rddreg [dreg:$0xc];
	[sflag:s13] =	ssyncadd.s32 $0xFFFFC000  }
0x172: {  	[hbm4b:s18+s2] =	stream.linear.scatter [tilespmem:s5], [sflag:$0x7], $0x4000, $0x38;
	[tilespmem:$0x14880] =	vst v63  }
0x173: {  	_ =	swait.ge [sflag:s11], $0x4000  }
0x174: {  	[sflag:s11] =	ssyncset.done $0x0  }
0x175: {  	s25 =	rddreg [dreg:$0xd];
	[sflag:s11] =	ssyncadd.s32 $0xFFFFC000  }
0x176: {  	[hbm4b:s25+s2] =	stream.linear.scatter [tilespmem:s4], [sflag:$0x8], $0x4000, $0x38;
	[tilespmem:$0x14880] =	vst v63  }
0x177: {  	_ =	swait.ge [sflag:s8], $0x4000  }
0x178: {  	[sflag:s8] =	ssyncset.done $0x0  }
0x179: {  	s31 =	rddreg [dreg:$0x18];
	[sflag:s8] =	ssyncadd.s32 $0xFFFFC000  }
0x17a: {  	[tilespmem:s12], [sflag:$0x1] =	stream.indirect.gather [hbm4b:s3+s14], $0x80, s31, s14, $0xb8;
	[tilespmem:$0x14880] =	vst v63  }
0x17b: {  	_ =	swait.ge [sflag:s9], $0x4000  }
0x17c: {  	[sflag:s9] =	ssyncset.done $0x0  }
0x17d: {  	s1 =	rddreg [dreg:$0x19];
	[sflag:s9] =	ssyncadd.s32 $0xFFFFC000  }
0x17e: {  	[tilespmem:s7], [sflag:$0x2] =	stream.indirect.gather [hbm4b:s3+s14], $0x80, s1, s14, $0xb8;
	[tilespmem:$0x14880] =	vst v63  }
0x17f: {  	_ =	swait.ge [sflag:s10], $0x4000  }
0x180: {  	[sflag:s10] =	ssyncset.done $0x0  }
0x181: {  	s17 =	rddreg [dreg:$0x1a];
	[sflag:s10] =	ssyncadd.s32 $0xFFFFC000  }
0x182: {  	[tilespmem:s5], [sflag:$0x3] =	stream.indirect.gather [hbm4b:s3+s14], $0x80, s17, s14, $0xb8;
	[tilespmem:$0x14880] =	vst v63  }
0x183: {  	_ =	swait.ge [sflag:s6], $0x4000  }
0x184: {  	[sflag:s6] =	ssyncset.done $0x0  }
0x185: {  	s18 =	rddreg [dreg:$0x1b];
	[sflag:s6] =	ssyncadd.s32 $0xFFFFC000  }
0x186: {  	[tilespmem:s4], [sflag:$0x4] =	stream.indirect.gather [hbm4b:s3+s14], $0x80, s18, s14, $0xb8;
	[tilespmem:$0x14880] =	vst v63  }
0x187: {  	_ =	swait.ge [sflag:s16], $0x4000  }
0x188: {  	[sflag:s16] =	ssyncset.done $0x0  }
0x189: {  	s25 =	rddreg [dreg:$0xe];
	[sflag:s16] =	ssyncadd.s32 $0xFFFFC000  }
0x18a: {  	[hbm4b:s25+s2] =	stream.linear.scatter [tilespmem:s12], [sflag:$0x5], $0x4000, $0x38;
	[tilespmem:$0x14880] =	vst v63  }
0x18b: {  	_ =	swait.ge [sflag:s15], $0x4000  }
0x18c: {  	[sflag:s15] =	ssyncset.done $0x0  }
0x18d: {  	s31 =	rddreg [dreg:$0xf];
	[sflag:s15] =	ssyncadd.s32 $0xFFFFC000  }
0x18e: {  	[hbm4b:s31+s2] =	stream.linear.scatter [tilespmem:s7], [sflag:$0x6], $0x4000, $0x38;
	[tilespmem:$0x14880] =	vst v63  }
0x18f: {  	_ =	swait.ge [sflag:s13], $0x4000  }
0x190: {  	[sflag:s13] =	ssyncset.done $0x0  }
0x191: {  	s1 =	rddreg [dreg:$0x10];
	[sflag:s13] =	ssyncadd.s32 $0xFFFFC000  }
0x192: {  	[hbm4b:s1+s2] =	stream.linear.scatter [tilespmem:s5], [sflag:$0x7], $0x4000, $0x38;
	[tilespmem:$0x14880] =	vst v63  }
0x193: {  	_ =	swait.ge [sflag:s11], $0x4000  }
0x194: {  	[sflag:s11] =	ssyncset.done $0x0  }
0x195: {  	s17 =	rddreg [dreg:$0x11];
	[sflag:s11] =	ssyncadd.s32 $0xFFFFC000  }
0x196: {  	[hbm4b:s17+s2] =	stream.linear.scatter [tilespmem:s4], [sflag:$0x8], $0x4000, $0x38;
	[tilespmem:$0x14880] =	vst v63  }
0x197: {  	_ =	swait.ge [sflag:s8], $0x4000  }
0x198: {  	[sflag:s8] =	ssyncset.done $0x0  }
0x199: {  	[sflag:s8] =	ssyncadd.s32 $0xFFFFC000  }
0x19a: {  	[tilespmem:s12], [sflag:$0x1] =	stream.indirect.gather [hbm4b:s3+s14], $0x80, s30, s14, $0xb8;
	[tilespmem:$0x14880] =	vst v63  }
0x19b: {  	_ =	swait.ge [sflag:s9], $0x4000  }
0x19c: {  	[sflag:s9] =	ssyncset.done $0x0  }
0x19d: {  	[sflag:s9] =	ssyncadd.s32 $0xFFFFC000  }
0x19e: {  	[tilespmem:s7], [sflag:$0x2] =	stream.indirect.gather [hbm4b:s3+s14], $0x80, s24, s14, $0xb8;
	[tilespmem:$0x14880] =	vst v63  }
0x19f: {  	_ =	swait.ge [sflag:s10], $0x4000  }
0x1a0: {  	[sflag:s10] =	ssyncset.done $0x0  }
0x1a1: {  	[sflag:s10] =	ssyncadd.s32 $0xFFFFC000  }
0x1a2: {  	[tilespmem:s5], [sflag:$0x3] =	stream.indirect.gather [hbm4b:s3+s14], $0x80, s23, s14, $0xb8;
	[tilespmem:$0x14880] =	vst v63  }
0x1a3: {  	_ =	swait.ge [sflag:s6], $0x4000  }
0x1a4: {  	[sflag:s6] =	ssyncset.done $0x0  }
0x1a5: {  	[sflag:s6] =	ssyncadd.s32 $0xFFFFC000  }
0x1a6: {  	[tilespmem:s4], [sflag:$0x4] =	stream.indirect.gather [hbm4b:s3+s14], $0x80, s22, s14, $0xb8;
	[tilespmem:$0x14880] =	vst v63  }
0x1a7: {  	_ =	swait.ge [sflag:s16], $0x4000  }
0x1a8: {  	[sflag:s16] =	ssyncset.done $0x0  }
0x1a9: {  	s18 =	rddreg [dreg:$0x12];
	[sflag:s16] =	ssyncadd.s32 $0xFFFFC000  }
0x1aa: {  	[hbm4b:s18+s2] =	stream.linear.scatter [tilespmem:s12], [sflag:$0x5], $0x4000, $0x38;
	[tilespmem:$0x14880] =	vst v63  }
0x1ab: {  	_ =	swait.ge [sflag:s15], $0x4000  }
0x1ac: {  	[sflag:s15] =	ssyncset.done $0x0  }
0x1ad: {  	s22 =	rddreg [dreg:$0x13];
	[sflag:s15] =	ssyncadd.s32 $0xFFFFC000  }
0x1ae: {  	[hbm4b:s22+s2] =	stream.linear.scatter [tilespmem:s7], [sflag:$0x6], $0x4000, $0x38;
	[tilespmem:$0x14880] =	vst v63  }
0x1af: {  	_ =	swait.ge [sflag:s13], $0x4000  }
0x1b0: {  	[sflag:s13] =	ssyncset.done $0x0  }
0x1b1: {  	s23 =	rddreg [dreg:$0x14];
	[sflag:s13] =	ssyncadd.s32 $0xFFFFC000  }
0x1b2: {  	[hbm4b:s23+s2] =	stream.linear.scatter [tilespmem:s5], [sflag:$0x7], $0x4000, $0x38;
	[tilespmem:$0x14880] =	vst v63  }
0x1b3: {  	_ =	swait.ge [sflag:s11], $0x4000  }
0x1b4: {  	[sflag:s11] =	ssyncset.done $0x0  }
0x1b5: {  	s24 =	rddreg [dreg:$0x15];
	[sflag:s11] =	ssyncadd.s32 $0xFFFFC000  }
0x1b6: {  	[hbm4b:s24+s2] =	stream.linear.scatter [tilespmem:s4], [sflag:$0x8], $0x4000, $0x38;
	[tilespmem:$0x14880] =	vst v63  }
0x1b7: {  	_ =	swait.ge [sflag:s8], $0x4000  }
0x1b8: {  	[sflag:s8] =	ssyncset.done $0x0  }
0x1b9: {  	[sflag:s8] =	ssyncadd.s32 $0xFFFFC000  }
0x1ba: {  	[tilespmem:s12], [sflag:$0x1] =	stream.indirect.gather [hbm4b:s3+s14], $0x80, s21, s14, $0xb8;
	[tilespmem:$0x14880] =	vst v63  }
0x1bb: {  	_ =	swait.ge [sflag:s9], $0x4000  }
0x1bc: {  	[sflag:s9] =	ssyncset.done $0x0  }
0x1bd: {  	[sflag:s9] =	ssyncadd.s32 $0xFFFFC000  }
0x1be: {  	[tilespmem:s7], [sflag:$0x2] =	stream.indirect.gather [hbm4b:s3+s14], $0x80, s20, s14, $0xb8;
	[tilespmem:$0x14880] =	vst v63  }
0x1bf: {  	_ =	swait.ge [sflag:s10], $0x4000  }
0x1c0: {  	[sflag:s10] =	ssyncset.done $0x0  }
0x1c1: {  	[sflag:s10] =	ssyncadd.s32 $0xFFFFC000  }
0x1c2: {  	[tilespmem:s5], [sflag:$0x3] =	stream.indirect.gather [hbm4b:s3+s14], $0x80, s19, s14, $0xb8;
	[tilespmem:$0x14880] =	vst v63  }
0x1c3: {  	_ =	swait.ge [sflag:s6], $0x4000  }
0x1c4: {  	[sflag:s6] =	ssyncset.done $0x0  }
0x1c5: {  	[sflag:s6] =	ssyncadd.s32 $0xFFFFC000  }
0x1c6: {  	[tilespmem:s4], [sflag:$0x4] =	stream.indirect.gather [hbm4b:s3+s14], $0x80, s29, s14, $0xb8;
	[tilespmem:$0x14880] =	vst v63  }
0x1c7: {  	_ =	swait.ge [sflag:s16], $0x4000  }
0x1c8: {  	[sflag:s16] =	ssyncset.done $0x0  }
0x1c9: {  	s25 =	rddreg [dreg:$0x7];
	[sflag:s16] =	ssyncadd.s32 $0xFFFFC000  }
0x1ca: {  	[hbm4b:s25+s2] =	stream.linear.scatter [tilespmem:s12], [sflag:$0x5], $0x4000, $0x38;
	[tilespmem:$0x14880] =	vst v63  }
0x1cb: {  	_ =	swait.ge [sflag:s15], $0x4000  }
0x1cc: {  	[sflag:s15] =	ssyncset.done $0x0  }
0x1cd: {  	s29 =	rddreg [dreg:$0x8];
	[sflag:s15] =	ssyncadd.s32 $0xFFFFC000  }
0x1ce: {  	[hbm4b:s29+s2] =	stream.linear.scatter [tilespmem:s7], [sflag:$0x6], $0x4000, $0x38;
	[tilespmem:$0x14880] =	vst v63  }
0x1cf: {  	_ =	swait.ge [sflag:s13], $0x4000  }
0x1d0: {  	[sflag:s13] =	ssyncset.done $0x0  }
0x1d1: {  	s30 =	rddreg [dreg:$0x9];
	[sflag:s13] =	ssyncadd.s32 $0xFFFFC000  }
0x1d2: {  	[hbm4b:s30+s2] =	stream.linear.scatter [tilespmem:s5], [sflag:$0x7], $0x4000, $0x38;
	[tilespmem:$0x14880] =	vst v63  }
0x1d3: {  	_ =	swait.ge [sflag:s11], $0x4000  }
0x1d4: {  	[sflag:s11] =	ssyncset.done $0x0  }
0x1d5: {  	s31 =	rddreg [dreg:$0xa];
	[sflag:s11] =	ssyncadd.s32 $0xFFFFC000  }
0x1d6: {  	[hbm4b:s31+s2] =	stream.linear.scatter [tilespmem:s4], [sflag:$0x8], $0x4000, $0x38;
	[tilespmem:$0x14880] =	vst v63  }
0x1d7: {  	_ =	swait.ge [sflag:s8], $0x4000  }
0x1d8: {  	[sflag:s8] =	ssyncset.done $0x0  }
0x1d9: {  	[sflag:s8] =	ssyncadd.s32 $0xFFFFC000  }
0x1da: {  	_ =	swait.ge [sflag:s9], $0x4000  }
0x1db: {  	[sflag:s9] =	ssyncset.done $0x0  }
0x1dc: {  	[sflag:s9] =	ssyncadd.s32 $0xFFFFC000  }
0x1dd: {  	_ =	swait.ge [sflag:s10], $0x4000  }
0x1de: {  	[sflag:s10] =	ssyncset.done $0x0  }
0x1df: {  	[sflag:s10] =	ssyncadd.s32 $0xFFFFC000  }
0x1e0: {  	_ =	swait.ge [sflag:s6], $0x4000  }
0x1e1: {  	[sflag:s6] =	ssyncset.done $0x0  }
0x1e2: {  	[sflag:s6] =	ssyncadd.s32 $0xFFFFC000  }
0x1e3: {  	_ =	sfence.sel $0x180000  }
0x1e4: {  	[bflag:$0x0] =	sbarrier.arrive $0xFFFF  }
0x1e5: {  	p0 =	sne.s32 s26, $0x0;
	_ =	strace $0x9000004D  }
0x1e6: {  	s0 =	sadd.s32 @!p0 $0x100000, s28;
	[bflag:$0x2] =	sbarrier.arrive $0xFFFF  }
0x1e7: {  	[sflag:s0] =	ssyncadd.tile.s32 @!p0 $0x1;
	_ =	shalt  }
.LBB2_1:
.Ltmp3:
0x1e8: {  	(pc) =	sbr.rel .LBB2_6-.Ltmp3, $2  }
0x1e9: {  	_ =	sdelay $0x2  }
0x1ea: {  	s29 =	simm.s32 $0x780  }
.LBB2_3:
.Ltmp4:
0x1eb: {  	(pc) =	sbr.rel .LBB2_6-.Ltmp4, $4  }
0x1ec: {  	s29 =	simm.s32 $0x780  }
0x1ed: {  	s26 =	stileid.u32;
	s28 =	rddreg [dreg:$0x2];
	s19 =	simm.s32 $0x700  }
0x1ee: {  	s20 =	simm.s32 $0x680;
	s21 =	simm.s32 $0x600;
	s22 =	simm.s32 $0x580  }
0x1ef: {  	s23 =	simm.s32 $0x500;
	s24 =	simm.s32 $0x480;
	s30 =	simm.s32 $0x400  }
.Lfunc_end2:
_tile_overlayer_lowered:
.L_overlay_start_2:
0x1f0: {  	(tag) =	ssettag $0x2  }
0x1f1: {  	s0 =	rddreg [dreg:$0x0];
	s2 =	stileid.u32  }
0x1f2: {  	s1 =	rddreg [dreg:$0x1];
	p0 =	sne.s32 s2, $0x0  }
0x1f3: {  	s3 =	rddreg [dreg:$0x2];
	[bflag:$0x3] =	sbarrier.arrive $0xFFFF;
	s2 =	simm.s32 @!p0 $0x1C0A  }
0x1f4: {  	[timem:s3], [sflag:s2] =	dma.local @!p0 [hbm:s0], s1  }
0x1f5: {  	s0 =	simm.s32 @!p0 $0xA  }
0x1f6: {  	_ =	swait.ge @!p0 [sflag:s0], s1  }
0x1f7: {  	s1 =	ssub.s32 @!p0 $0x0, s1;
	[sflag:s0] =	ssyncset.done @!p0 $0x0  }
0x1f8: {  	[sflag:s0] =	ssyncadd.s32 @!p0 s1  }
0x1f9: {  	[bflag:$0x3] =	sbarrier.arrive $0xFFFF  }
0x1fa: {  	_ =	shalt  }

// kernel: kernel.18.cloned.1.call-start
scs
__scs_entry_jumppad:
0x0: {  	(pc) =	sbr.rel $0x88, $3  }
0x1: {  	(tag) =	ssettag $0x0;
	lr =	simm.s32 $0x1  }
0x2: {  	[smem:$0x3F96] =	sst lr;
	_ =	strace $0xD0000000  }
0x3: {  	_ = 	snop  }
0x4: {  	_ = 	snop  }
0x5: {  	_ = 	snop  }
0x6: {  	_ = 	snop  }
0x7: {  	_ = 	snop  }
__scs_overlays_trampoline_lowered:
0x8: {  	[smem:$0x3FA5] =	sst s0  }
0x9: {  	[smem:$0x3FA6] =	sst s1  }
0xa: {  	[smem:$0x3FA7] =	sst s2  }
0xb: {  	[smem:$0x3FA8] =	sst s3  }
0xc: {  	[smem:$0x3FA9] =	sst s4  }
0xd: {  	[smem:$0x3FAA] =	sst s5  }
0xe: {  	[smem:$0x3FAB] =	sst s6  }
0xf: {  	[smem:$0x3FAC] =	sst s7  }
0x10: {  	[smem:$0x3FAD] =	sst s8  }
0x11: {  	[smem:$0x3FAE] =	sst s9;
	s0 =	simm.s32 @!p0 $0x0  }
0x12: {  	s1 =	sld [smem:$0x3F94];
	s0 =	simm.s32 @p0 $0x1  }
0x13: {  	[smem:$0x3FAF] =	sst s0;
	s0 =	simm.s32 @!p1 $0x0  }
0x14: {  	s2 =	sld [smem:$0x3F93];
	s0 =	simm.s32 @p1 $0x1  }
0x15: {  	[smem:$0x3FB0] =	sst s0;
	s0 =	simm.s32 @!p2 $0x0  }
0x16: {  	s3 =	sld [smem:$0x3FDB];
	s0 =	simm.s32 @p2 $0x1  }
0x17: {  	s4 =	simm.s32 $0x1BF5;
	[smem:$0x3FB2] =	sst s0  }
0x18: {  	s0 =	sld [smem:$0x3F95];
	_ =	swait.ge [sflag:s4], $0x0  }
0x19: {  	s7 =	sld [smem:$0x3F96]  }
0x1a: {  	s8 =	sadd.s32 $0xFFFFE003, lr  }
0x1b: {  	s9 =	sadd.s32 $0xFFFFFEF7, lr;
	s5 =	simm.s32 $0xFFFFFFFF;
	p2 =	slt.u32 s8, $0xFFFFF086  }
0x1c: {  	p1 =	slt.u32 s9, $0xF7A;
	s5 =	simm.s32 @!p2 $0x0  }
0x1d: {  	s5 =	simm.s32 @p1 $0x1;
	p0 =	seq.s32 s7, s2  }
0x1e: {  	s7 =	smul.u32 @!p0 $0xF7A, s2;
	p2 =	seq.s32 @!p0 s5, $0x0  }
0x1f: {  	s9 =	smul.u32 $0xF7A, s1;
	s8 =	simm.s32 @!p0 $0x1BF5;
	p2 =	por !p2, p0  }
0x20: {  	[sflag:s8] =	ssyncset.s32 @!p0 $0xFFFFF086;
	s6 =	sadd.s32 @!p0 s3, s7;
	s7 =	simm.s32 @!p0 $0x108  }
0x21: {  	s3 =	sadd.s32 s3, s9;
	s6 =	sadd.s32 @!p0 $0x88, s6;
	s7 =	simm.s32 @p2 $0x1082  }
0x22: {  	[simem:s7], [sflag:s8] =	dma.local @!p0 [hbm:s6], $0xF7A  }
0x23: {  	s9 =	sor.u32 $0xD0000000, s2;
	s6 =	simm.s32 $0x108;
	_ =	swait.ge @!p0 [sflag:s8], $0x0  }
0x24: {  	s3 =	sadd.s32 $0x88, s3;
	s6 =	simm.s32 @!p1 $0x1082;
	[sflag:s4] =	ssyncset.s32 $0xFFFFF086  }
0x25: {  	[simem:s6], [sflag:s4] =	dma.local [hbm:s3], $0xF7A  }
0x26: {  	[smem:$0x3F96] =	sst s1;
	(tag) =	ssettag s2;
	_ =	strace s9  }
0x27: {  	s1 =	sld [smem:$0x3FA6]  }
0x28: {  	s2 =	sld [smem:$0x3FA7]  }
0x29: {  	s4 =	sld [smem:$0x3FA9]  }
0x2a: {  	p0 =	seq.s32 s5, $0x0;
	s5 =	sld [smem:$0x3FAA]  }
0x2b: {  	s6 =	sld [smem:$0x3FAB]  }
0x2c: {  	s7 =	sld [smem:$0x3FAC]  }
0x2d: {  	s3 =	simm.s32 $0x108;
	s8 =	sld [smem:$0x3FAD]  }
0x2e: {  	s3 =	simm.s32 @!p0 $0x1082;
	s9 =	sld [smem:$0x3FAE]  }
0x2f: {  	lr =	sadd.s32 s0, s3;
	s0 =	sld [smem:$0x3FA5]  }
0x30: {  	s3 =	sld [smem:$0x3FA8]  }
0x31: {  	[smem:$0x3FB1] =	sst s10  }
0x32: {  	s10 =	sld [smem:$0x3FAF];
	_ =	sdelay $0x3  }
0x33: {  	p0 =	seq.s32 s10, $0x1;
	s10 =	sld [smem:$0x3FB1];
	_ =	sdelay $0x3  }
0x34: {  	[smem:$0x3FB1] =	sst s10  }
0x35: {  	s10 =	sld [smem:$0x3FB0];
	_ =	sdelay $0x3  }
0x36: {  	p1 =	seq.s32 s10, $0x1;
	s10 =	sld [smem:$0x3FB1];
	_ =	sdelay $0x3  }
0x37: {  	[smem:$0x3FB1] =	sst s10  }
0x38: {  	s10 =	sld [smem:$0x3FB2]  }
0x39: {  	_ = 	snop;
	(pc) =	sbr.ind lr, $3  }
0x3a: {  	_ = 	snop  }
0x3b: {  	_ = 	snop  }
0x3c: {  	p2 =	seq.s32 s10, $0x1;
	s10 =	sld [smem:$0x3FB1]  }
0x3d: {  	_ =	shalt  }
0x3e: {  	_ =	shalt  }
0x3f: {  	_ =	shalt  }
0x40: {  	_ =	shalt  }
0x41: {  	_ =	shalt  }
0x42: {  	_ =	shalt  }
0x43: {  	_ =	shalt  }
0x44: {  	_ =	shalt  }
0x45: {  	_ =	shalt  }
0x46: {  	_ =	shalt  }
0x47: {  	_ =	shalt  }
0x48: {  	_ =	shalt  }
0x49: {  	_ =	shalt  }
0x4a: {  	_ =	shalt  }
0x4b: {  	_ =	shalt  }
0x4c: {  	_ =	shalt  }
0x4d: {  	_ =	shalt  }
0x4e: {  	_ =	shalt  }
0x4f: {  	_ =	shalt  }
0x50: {  	_ =	shalt  }
0x51: {  	_ =	shalt  }
0x52: {  	_ =	shalt  }
0x53: {  	_ =	shalt  }
0x54: {  	_ =	shalt  }
0x55: {  	_ =	shalt  }
0x56: {  	_ =	shalt  }
0x57: {  	_ =	shalt  }
0x58: {  	_ =	shalt  }
0x59: {  	_ =	shalt  }
0x5a: {  	_ =	shalt  }
0x5b: {  	_ =	shalt  }
0x5c: {  	_ =	shalt  }
0x5d: {  	_ =	shalt  }
0x5e: {  	_ =	shalt  }
0x5f: {  	_ =	shalt  }
0x60: {  	_ =	shalt  }
0x61: {  	_ =	shalt  }
0x62: {  	_ =	shalt  }
0x63: {  	_ =	shalt  }
0x64: {  	_ =	shalt  }
0x65: {  	_ =	shalt  }
0x66: {  	_ =	shalt  }
0x67: {  	_ =	shalt  }
0x68: {  	_ =	shalt  }
0x69: {  	_ =	shalt  }
0x6a: {  	_ =	shalt  }
0x6b: {  	_ =	shalt  }
0x6c: {  	_ =	shalt  }
0x6d: {  	_ =	shalt  }
0x6e: {  	_ =	shalt  }
0x6f: {  	_ =	shalt  }
0x70: {  	_ =	shalt  }
0x71: {  	_ =	shalt  }
0x72: {  	_ =	shalt  }
0x73: {  	_ =	shalt  }
0x74: {  	_ =	shalt  }
0x75: {  	_ =	shalt  }
0x76: {  	_ =	shalt  }
0x77: {  	_ =	shalt  }
0x78: {  	_ =	shalt  }
0x79: {  	_ =	shalt  }
0x7a: {  	_ =	shalt  }
0x7b: {  	_ =	shalt  }
0x7c: {  	_ =	shalt  }
0x7d: {  	_ =	shalt  }
0x7e: {  	_ =	shalt  }
0x7f: {  	_ =	shalt  }
0x80: {  	_ =	shalt  }
0x81: {  	_ =	shalt  }
0x82: {  	_ =	shalt  }
0x83: {  	_ =	shalt  }
0x84: {  	_ =	shalt  }
0x85: {  	_ =	shalt  }
0x86: {  	_ =	shalt  }
0x87: {  	_ =	shalt  }
.Lfunc_end0:
.L_simem_size_0:
called_computation.2_lowered:
.L_overlay_start_0:
0x88: {  	s2 =	sld [smem:$0x3FD9]  }
0x89: {  	s3 =	sld [smem:$0x3FFE];
	_ =	sdelay $0x1  }
0x8a: {  	s1 =	srdreg.scid  }
0x8b: {  	s0 =	sand.u32 $0x1, s1  }
0x8c: {  	s17 =	sshll.u32 s0, $0xA;
	s2 =	sadd.s32 s3, s2  }
0x8d: {  	s2 =	sadd.s32 s2, s17  }
0x8e: {  	[smem:$0x3FBD] =	sst s2  }
0x8f: {  	_ = 	snop  }
0x90: {  	(tm) =	ssettm $0x1  }
0x91: {  	s18 =	sld [smem:$0x3FFB];
	_ =	sdelay $0x3  }
0x92: {  	_ =	strace s18  }
0x93: {  	s2 =	sld [smem:$0x3FFC];
	_ =	sdelay $0x3  }
0x94: {  	_ =	strace s2  }
0x95: {  	s2 =	sld [smem:$0x3FFD];
	_ =	sdelay $0x3  }
0x96: {  	_ =	strace s2  }
0x97: {  	_ =	strace $0x8FFFFFFF  }
0x98: {  	s19 =	sld [smem:$0x3FDB];
	_ =	sdelay $0x1  }
0x99: {  	s20 =	simm.s32 $_scs_section_size  }
0x9a: {  	s4 =	simm.s32 $_size__tile_overlayer_lowered;
	s5 =	simm.s32 $_tile_overlayer_lowered  }
0x9b: {  	s6 =	simm.s32 $0x1BFF;
	s21 =	sshll.u32 s5, $0x1;
	s3 =	sadd.s32 s20, s19  }
0x9c: {  	s22 =	simm.s32 $0x0;
	s4 =	sshll.u32 s4, $0x1;
	s5 =	sadd.s32 s21, s3  }
0x9d: {  	[timem:s22], [sflag:s6] =	dma.local [hbm:s5], s4  }
0x9e: {  	_ =	swait.ge [sflag:s6], s4  }
0x9f: {  	s4 =	ssub.s32 $0x0, s4;
	[sflag:s6] =	ssyncset.done $0x0  }
0xa0: {  	[sflag:s6] =	ssyncadd.s32 s4;
	_ =	sdelay $0x1  }
0xa1: {  	s23 =	simm.s32 $0x1B8B  }
0xa2: {  	_ =	swait.ge [sflag:s23], $0x1  }
0xa3: {  	[sflag:s23] =	ssyncset.done $0x0  }
0xa4: {  	[sflag:s23] =	ssyncadd.s32 $0xFFFFFFFF  }
0xa5: {  	s4 =	sld [smem:$0x0]  }
0xa6: {  	s5 =	sand.u32 $0xFFFFFFFE, s1  }
0xa7: {  	p0 =	sne.s32 s1, s5  }
0xa8: {  	s5 =	sshll.u32 @p0 s5, $0xE  }
0xa9: {  	s5 =	sadd.s32 @p0 $0x11B8D, s5;
	s6 =	sshll.u32 @p0 s4, $0x11  }
0xaa: {  	s5 =	sor.u32 @p0 s6, s5  }
0xab: {  	[sflag:s5] =	ssyncadd.remote.s32 @p0 $0x1;
	_ =	sdelay $0x1  }
0xac: {  	s5 =	simm.s32 @p0 $0x1B8D  }
0xad: {  	_ =	swait.eq @p0 [sflag:s5], $0x1  }
0xae: {  	[sflag:s5] =	ssyncadd.s32 @p0 $0xFFFFFFFF  }
0xaf: {  	s6 =	sshll.u32 @!p0 s1, $0xE  }
0xb0: {  	s6 =	sor.u32 @!p0 $0x4000, s6;
	s5 =	simm.s32 @!p0 $0x1B8D  }
0xb1: {  	s4 =	sshll.u32 @!p0 s4, $0x11;
	s6 =	sadd.s32 @!p0 $0x11B8D, s6;
	_ =	swait.eq @!p0 [sflag:s5], $0x1  }
0xb2: {  	s4 =	sor.u32 @!p0 s4, s6;
	[sflag:s5] =	ssyncadd.s32 @!p0 $0xFFFFFFFF  }
0xb3: {  	s25 =	simm.s32 $0x1B8E;
	s24 =	sld [smem:$0x3FFE];
	[sflag:s4] =	ssyncadd.remote.s32 @!p0 $0x1  }
0xb4: {  	s26 =	simm.s32 $execute0_lowered;
	[smem:$0x3FD2] =	sst s25  }
0xb5: {  	s5 =	sshll.u32 s26, $0x1;
	_ =	strace $0x80000049;
	[dreg:$0x1] =	wrdreg $0xFFFFFFFF  }
0xb6: {  	s28 =	simm.s32 $_size_execute0_lowered;
	s3 =	sadd.s32 s3, s5;
	[dreg:$0x0] =	wrdreg $0x0  }
0xb7: {  	s5 =	sshll.u32 s28, $0x1;
	[dreg:$0x2] =	wrdreg s3  }
0xb8: {  	[dreg:$0x3] =	wrdreg s5  }
0xb9: {  	[dreg:$0x4] =	wrdreg $0xC0  }
0xba: {  	_ =	task [dreg:s22], $0x5FFFF  }
0xbb: {  	[dreg:$0x1] =	wrdreg $0xFFFFFFFF  }
0xbc: {  	[dreg:$0x0] =	wrdreg $0x60  }
0xbd: {  	[dreg:$0x2] =	wrdreg s24  }
0xbe: {  	[dreg:$0x3] =	wrdreg $0x9  }
0xbf: {  	_ =	task.clear_ibuf [dreg:s22], $0x4FFFF;
	_ =	strace $0x90000049  }
0xc0: {  	s29 =	simm.s32 $0x9;
	_ =	strace $0x8000004B  }
0xc1: {  	_ =	swait.ge [sflag:s29], $0x1  }
0xc2: {  	[sflag:s29] =	ssyncadd.s32 $0xFFFFFFFF  }
0xc3: {  	_ =	strace $0x9000004B  }
0xc4: {  	_ =	sfence  }
0xc5: {  	s30 =	sld [smem:$0x0];
	_ =	sdelay $0x2  }
0xc6: {  	s31 =	sshll.u32 s1, $0xD;
	s1 =	sshrl.u32 s1, $0x2  }
0xc7: {  	s4 =	sand.u32 $0x4000, s31;
	s1 =	sadd.s32 s1, s30  }
0xc8: {  	s0 =	sor.u32 s4, s0;
	s1 =	sshll.u32 s1, $0x11  }
0xc9: {  	s0 =	sor.u32 s1, s0  }
0xca: {  	s0 =	sadd.s32 $0x8F2B, s0  }
0xcb: {  	[sflag:s0] =	ssyncadd.remote.s32 $0x1  }
0xcc: {  	_ =	sfence.sel $0xFFFF  }
0xcd: {  	[dreg:$0x0] =	wrdreg $0xFFFFFFFF;
	(pc) =	sbr.abs _section_cstart, $3  }
0xce: {  	[dreg:$0x1] =	wrdreg $0xFFFFFFFF  }
0xcf: {  	_ =	task.clear_ibuf [dreg:s22], $0x2FFFF;
	_ =	strace $0x9FFFFFFF  }
0xd0: {  	(tm) =	ssettm $0x7FFFFFFF  }
0xd1: {  	_ =	shalt  }
tec
execute0_lowered:
.L_overlay_start_1:
0x0: {  	(tag) =	ssettag $0x1  }
0x1: {  	s1 =	srdreg.scid;
	s0 =	stileid.u32  }
0x2: {  	s10 =	sand.u32 $0x1, s1;
	s30 =	sshll.u32 s0, $0x1  }
0x3: {  	s9 =	rddreg [dreg:$0x0];
	s11 =	sor.u32 s10, s30  }
0x4: {  	s2 =	simm.s32 $0x0;
	s1 =	rddreg [dreg:$0x1];
	s3 =	sshll.u32 s11, $0x5  }
0x5: {  	[smem:$0x7FF] =	sst s2;
	s3 =	sadd.s32 s3, s9  }
0x6: {  	_ =	strace $0x8000004A;
	s4 =	sadd.s32 $0x5000, s3;
	s3 =	simm.s32 $0x2  }
0x7: {  	[tilespmem:s2], [sflag:$0x2] =	stream.linear.gather [hbm4b:s4+s2], $0x100, $0x38;
	[tilespmem:$0x1100] =	vst v63  }
0x8: {  	_ =	swait.ge [sflag:s3], $0x100  }
0x9: {  	s6 =	simm.s32 $0x80;
	s7 =	simm.s32 $0x100;
	[sflag:s3] =	ssyncset.done $0x0  }
0xa: {  	s8 =	simm.s32 $0x1;
	s5 =	sadd.s32 $0xD800, s9;
	[sflag:s3] =	ssyncadd.s32 $0xFFFFFF00  }
0xb: {  	[tilespmem:s7], [sflag:$0x1] =	stream.indirect.gather [hbm4b:s5+s6], $0x20, s2, s6, $0xb8;
	[tilespmem:$0x1100] =	vst v63  }
0xc: {  	s11 =	sshll.u32 s11, $0xA;
	_ =	swait.ge [sflag:s8], $0x1000  }
0xd: {  	s11 =	sadd.s32 s11, s9;
	[sflag:s8] =	ssyncset.done $0x0  }
0xe: {  	s10 =	ssub.s32 $0x2, s10;
	s9 =	sadd.s32 $0x6F400, s11;
	[sflag:s8] =	ssyncadd.s32 $0xFFFFF000  }
0xf: {  	[hbm4b:s9+s2] =	stream.linear.scatter [tilespmem:s7], [sflag:$0x2], $0x1000, $0x38;
	[tilespmem:$0x1100] =	vst v63  }
0x10: {  	s12 =	sshrl.u32 s10, $0x1;
	_ =	swait.ge [sflag:s3], $0x1000  }
0x11: {  	s12 =	ssub.s32 s10, s12;
	[sflag:s3] =	ssyncset.done $0x0  }
0x12: {  	s31 =	smax.u32 s12, $0x1;
	[sflag:s3] =	ssyncadd.s32 $0xFFFFF000  }
0x13: {  	[tilespmem:s7], [sflag:$0x1] =	stream.indirect.gather [hbm4b:s5+s6], $0x20, s6, s6, $0xb8;
	[tilespmem:$0x1100] =	vst v63  }
0x14: {  	p0 =	sne.s32 s31, $0x1;
	_ =	swait.ge [sflag:s8], $0x1000  }
.Ltmp0:
0x15: {  	[sflag:s8] =	ssyncset.done $0x0;
	(pc) =	sbr.rel @!p0 .LBB2_2-.Ltmp0, $4  }
0x16: {  	s10 =	sadd.s32 $0x6F600, s11;
	[sflag:s8] =	ssyncadd.s32 $0xFFFFF000  }
0x17: {  	[hbm4b:s10+s2] =	stream.linear.scatter [tilespmem:s7], [sflag:$0x2], $0x1000, $0x38;
	[tilespmem:$0x1100] =	vst v63  }
0x18: {  	_ =	swait.ge [sflag:s3], $0x1000  }
0x19: {  	s11 =	sadd.s32 $0xFFFFFFFF, s31;
	[sflag:s3] =	ssyncset.done $0x0  }
.LBB2_1:
0x1a: {  	p0 =	sne.s32 s11, $0x1;
	s11 =	sadd.s32 $0xFFFFFFFF, s11;
	[sflag:s3] =	ssyncadd.s32 $0xFFFFF000  }
0x1b: {  	[tilespmem:s2], [sflag:$0x2] =	stream.linear.gather [hbm4b:s4+s2], $0x100, $0x38;
	[tilespmem:$0x1100] =	vst v63  }
0x1c: {  	_ =	swait.ge [sflag:s3], $0x100  }
0x1d: {  	[sflag:s3] =	ssyncset.done $0x0  }
0x1e: {  	[sflag:s3] =	ssyncadd.s32 $0xFFFFFF00  }
0x1f: {  	[tilespmem:s7], [sflag:$0x1] =	stream.indirect.gather [hbm4b:s5+s6], $0x20, s2, s6, $0xb8;
	[tilespmem:$0x1100] =	vst v63  }
0x20: {  	_ =	swait.ge [sflag:s8], $0x1000  }
0x21: {  	[sflag:s8] =	ssyncset.done $0x0  }
0x22: {  	[sflag:s8] =	ssyncadd.s32 $0xFFFFF000  }
0x23: {  	[hbm4b:s9+s2] =	stream.linear.scatter [tilespmem:s7], [sflag:$0x2], $0x1000, $0x38;
	[tilespmem:$0x1100] =	vst v63  }
0x24: {  	_ =	swait.ge [sflag:s3], $0x1000  }
0x25: {  	[sflag:s3] =	ssyncset.done $0x0  }
0x26: {  	[sflag:s3] =	ssyncadd.s32 $0xFFFFF000  }
0x27: {  	[tilespmem:s7], [sflag:$0x1] =	stream.indirect.gather [hbm4b:s5+s6], $0x20, s6, s6, $0xb8;
	[tilespmem:$0x1100] =	vst v63  }
0x28: {  	_ =	swait.ge [sflag:s8], $0x1000  }
.Ltmp1:
0x29: {  	[sflag:s8] =	ssyncset.done $0x0;
	(pc) =	sbr.rel @p0 .LBB2_1-.Ltmp1, $4  }
0x2a: {  	[sflag:s8] =	ssyncadd.s32 $0xFFFFF000  }
0x2b: {  	[hbm4b:s10+s2] =	stream.linear.scatter [tilespmem:s7], [sflag:$0x2], $0x1000, $0x38;
	[tilespmem:$0x1100] =	vst v63  }
0x2c: {  	_ =	swait.ge [sflag:s3], $0x1000  }
0x2d: {  	[sflag:s3] =	ssyncset.done $0x0  }
.LBB2_2:
0x2e: {  	[sflag:s3] =	ssyncadd.s32 $0xFFFFF000  }
0x2f: {  	_ =	sfence.sel $0x180000  }
0x30: {  	[bflag:$0x0] =	sbarrier.arrive $0xFFFF  }
0x31: {  	p0 =	sne.s32 s0, $0x0;
	_ =	strace $0x9000004A  }
0x32: {  	s0 =	sadd.s32 @!p0 $0x100000, s1;
	[bflag:$0x2] =	sbarrier.arrive $0xFFFF  }
0x33: {  	[sflag:s0] =	ssyncadd.tile.s32 @!p0 $0x1;
	_ =	shalt  }
.Lfunc_end2:
_tile_overlayer_lowered:
.L_overlay_start_2:
0x34: {  	(tag) =	ssettag $0x2  }
0x35: {  	s0 =	rddreg [dreg:$0x0];
	s2 =	stileid.u32  }
0x36: {  	s1 =	rddreg [dreg:$0x1];
	p0 =	sne.s32 s2, $0x0  }
0x37: {  	s3 =	rddreg [dreg:$0x2];
	[bflag:$0x3] =	sbarrier.arrive $0xFFFF;
	s2 =	simm.s32 @!p0 $0x1C02  }
0x38: {  	[timem:s3], [sflag:s2] =	dma.local @!p0 [hbm:s0], s1  }
0x39: {  	s0 =	simm.s32 @!p0 $0x2  }
0x3a: {  	_ =	swait.ge @!p0 [sflag:s0], s1  }
0x3b: {  	s1 =	ssub.s32 @!p0 $0x0, s1;
	[sflag:s0] =	ssyncset.done @!p0 $0x0  }
0x3c: {  	[sflag:s0] =	ssyncadd.s32 @!p0 s1  }
0x3d: {  	[bflag:$0x3] =	sbarrier.arrive $0xFFFF  }
0x3e: {  	_ =	shalt  }

// kernel: kernel.21.cloned.1.call-start
scs
__scs_entry_jumppad:
0x0: {  	(pc) =	sbr.rel $0x88, $3  }
0x1: {  	(tag) =	ssettag $0x0;
	lr =	simm.s32 $0x1  }
0x2: {  	[smem:$0x3F96] =	sst lr;
	_ =	strace $0xD0000000  }
0x3: {  	_ = 	snop  }
0x4: {  	_ = 	snop  }
0x5: {  	_ = 	snop  }
0x6: {  	_ = 	snop  }
0x7: {  	_ = 	snop  }
__scs_overlays_trampoline_lowered:
0x8: {  	[smem:$0x3FA5] =	sst s0  }
0x9: {  	[smem:$0x3FA6] =	sst s1  }
0xa: {  	[smem:$0x3FA7] =	sst s2  }
0xb: {  	[smem:$0x3FA8] =	sst s3  }
0xc: {  	[smem:$0x3FA9] =	sst s4  }
0xd: {  	[smem:$0x3FAA] =	sst s5  }
0xe: {  	[smem:$0x3FAB] =	sst s6  }
0xf: {  	[smem:$0x3FAC] =	sst s7  }
0x10: {  	[smem:$0x3FAD] =	sst s8  }
0x11: {  	[smem:$0x3FAE] =	sst s9;
	s0 =	simm.s32 @!p0 $0x0  }
0x12: {  	s1 =	sld [smem:$0x3F94];
	s0 =	simm.s32 @p0 $0x1  }
0x13: {  	[smem:$0x3FAF] =	sst s0;
	s0 =	simm.s32 @!p1 $0x0  }
0x14: {  	s2 =	sld [smem:$0x3F93];
	s0 =	simm.s32 @p1 $0x1  }
0x15: {  	[smem:$0x3FB0] =	sst s0;
	s0 =	simm.s32 @!p2 $0x0  }
0x16: {  	s3 =	sld [smem:$0x3FDB];
	s0 =	simm.s32 @p2 $0x1  }
0x17: {  	s4 =	simm.s32 $0x1BF5;
	[smem:$0x3FB2] =	sst s0  }
0x18: {  	s0 =	sld [smem:$0x3F95];
	_ =	swait.ge [sflag:s4], $0x0  }
0x19: {  	s7 =	sld [smem:$0x3F96]  }
0x1a: {  	s8 =	sadd.s32 $0xFFFFE003, lr  }
0x1b: {  	s9 =	sadd.s32 $0xFFFFFEF7, lr;
	s5 =	simm.s32 $0xFFFFFFFF;
	p2 =	slt.u32 s8, $0xFFFFF086  }
0x1c: {  	p1 =	slt.u32 s9, $0xF7A;
	s5 =	simm.s32 @!p2 $0x0  }
0x1d: {  	s5 =	simm.s32 @p1 $0x1;
	p0 =	seq.s32 s7, s2  }
0x1e: {  	s7 =	smul.u32 @!p0 $0xF7A, s2;
	p2 =	seq.s32 @!p0 s5, $0x0  }
0x1f: {  	s9 =	smul.u32 $0xF7A, s1;
	s8 =	simm.s32 @!p0 $0x1BF5;
	p2 =	por !p2, p0  }
0x20: {  	[sflag:s8] =	ssyncset.s32 @!p0 $0xFFFFF086;
	s6 =	sadd.s32 @!p0 s3, s7;
	s7 =	simm.s32 @!p0 $0x108  }
0x21: {  	s3 =	sadd.s32 s3, s9;
	s6 =	sadd.s32 @!p0 $0x88, s6;
	s7 =	simm.s32 @p2 $0x1082  }
0x22: {  	[simem:s7], [sflag:s8] =	dma.local @!p0 [hbm:s6], $0xF7A  }
0x23: {  	s9 =	sor.u32 $0xD0000000, s2;
	s6 =	simm.s32 $0x108;
	_ =	swait.ge @!p0 [sflag:s8], $0x0  }
0x24: {  	s3 =	sadd.s32 $0x88, s3;
	s6 =	simm.s32 @!p1 $0x1082;
	[sflag:s4] =	ssyncset.s32 $0xFFFFF086  }
0x25: {  	[simem:s6], [sflag:s4] =	dma.local [hbm:s3], $0xF7A  }
0x26: {  	[smem:$0x3F96] =	sst s1;
	(tag) =	ssettag s2;
	_ =	strace s9  }
0x27: {  	s1 =	sld [smem:$0x3FA6]  }
0x28: {  	s2 =	sld [smem:$0x3FA7]  }
0x29: {  	s4 =	sld [smem:$0x3FA9]  }
0x2a: {  	p0 =	seq.s32 s5, $0x0;
	s5 =	sld [smem:$0x3FAA]  }
0x2b: {  	s6 =	sld [smem:$0x3FAB]  }
0x2c: {  	s7 =	sld [smem:$0x3FAC]  }
0x2d: {  	s3 =	simm.s32 $0x108;
	s8 =	sld [smem:$0x3FAD]  }
0x2e: {  	s3 =	simm.s32 @!p0 $0x1082;
	s9 =	sld [smem:$0x3FAE]  }
0x2f: {  	lr =	sadd.s32 s0, s3;
	s0 =	sld [smem:$0x3FA5]  }
0x30: {  	s3 =	sld [smem:$0x3FA8]  }
0x31: {  	[smem:$0x3FB1] =	sst s10  }
0x32: {  	s10 =	sld [smem:$0x3FAF];
	_ =	sdelay $0x3  }
0x33: {  	p0 =	seq.s32 s10, $0x1;
	s10 =	sld [smem:$0x3FB1];
	_ =	sdelay $0x3  }
0x34: {  	[smem:$0x3FB1] =	sst s10  }
0x35: {  	s10 =	sld [smem:$0x3FB0];
	_ =	sdelay $0x3  }
0x36: {  	p1 =	seq.s32 s10, $0x1;
	s10 =	sld [smem:$0x3FB1];
	_ =	sdelay $0x3  }
0x37: {  	[smem:$0x3FB1] =	sst s10  }
0x38: {  	s10 =	sld [smem:$0x3FB2]  }
0x39: {  	_ = 	snop;
	(pc) =	sbr.ind lr, $3  }
0x3a: {  	_ = 	snop  }
0x3b: {  	_ = 	snop  }
0x3c: {  	p2 =	seq.s32 s10, $0x1;
	s10 =	sld [smem:$0x3FB1]  }
0x3d: {  	_ =	shalt  }
0x3e: {  	_ =	shalt  }
0x3f: {  	_ =	shalt  }
0x40: {  	_ =	shalt  }
0x41: {  	_ =	shalt  }
0x42: {  	_ =	shalt  }
0x43: {  	_ =	shalt  }
0x44: {  	_ =	shalt  }
0x45: {  	_ =	shalt  }
0x46: {  	_ =	shalt  }
0x47: {  	_ =	shalt  }
0x48: {  	_ =	shalt  }
0x49: {  	_ =	shalt  }
0x4a: {  	_ =	shalt  }
0x4b: {  	_ =	shalt  }
0x4c: {  	_ =	shalt  }
0x4d: {  	_ =	shalt  }
0x4e: {  	_ =	shalt  }
0x4f: {  	_ =	shalt  }
0x50: {  	_ =	shalt  }
0x51: {  	_ =	shalt  }
0x52: {  	_ =	shalt  }
0x53: {  	_ =	shalt  }
0x54: {  	_ =	shalt  }
0x55: {  	_ =	shalt  }
0x56: {  	_ =	shalt  }
0x57: {  	_ =	shalt  }
0x58: {  	_ =	shalt  }
0x59: {  	_ =	shalt  }
0x5a: {  	_ =	shalt  }
0x5b: {  	_ =	shalt  }
0x5c: {  	_ =	shalt  }
0x5d: {  	_ =	shalt  }
0x5e: {  	_ =	shalt  }
0x5f: {  	_ =	shalt  }
0x60: {  	_ =	shalt  }
0x61: {  	_ =	shalt  }
0x62: {  	_ =	shalt  }
0x63: {  	_ =	shalt  }
0x64: {  	_ =	shalt  }
0x65: {  	_ =	shalt  }
0x66: {  	_ =	shalt  }
0x67: {  	_ =	shalt  }
0x68: {  	_ =	shalt  }
0x69: {  	_ =	shalt  }
0x6a: {  	_ =	shalt  }
0x6b: {  	_ =	shalt  }
0x6c: {  	_ =	shalt  }
0x6d: {  	_ =	shalt  }
0x6e: {  	_ =	shalt  }
0x6f: {  	_ =	shalt  }
0x70: {  	_ =	shalt  }
0x71: {  	_ =	shalt  }
0x72: {  	_ =	shalt  }
0x73: {  	_ =	shalt  }
0x74: {  	_ =	shalt  }
0x75: {  	_ =	shalt  }
0x76: {  	_ =	shalt  }
0x77: {  	_ =	shalt  }
0x78: {  	_ =	shalt  }
0x79: {  	_ =	shalt  }
0x7a: {  	_ =	shalt  }
0x7b: {  	_ =	shalt  }
0x7c: {  	_ =	shalt  }
0x7d: {  	_ =	shalt  }
0x7e: {  	_ =	shalt  }
0x7f: {  	_ =	shalt  }
0x80: {  	_ =	shalt  }
0x81: {  	_ =	shalt  }
0x82: {  	_ =	shalt  }
0x83: {  	_ =	shalt  }
0x84: {  	_ =	shalt  }
0x85: {  	_ =	shalt  }
0x86: {  	_ =	shalt  }
0x87: {  	_ =	shalt  }
.Lfunc_end0:
.L_simem_size_0:
called_computation.3_lowered:
.L_overlay_start_0:
0x88: {  	s2 =	sld [smem:$0x3FD9]  }
0x89: {  	s3 =	sld [smem:$0x3FFE];
	_ =	sdelay $0x1  }
0x8a: {  	s1 =	srdreg.scid  }
0x8b: {  	s0 =	sand.u32 $0x1, s1  }
0x8c: {  	s17 =	sshll.u32 s0, $0xA;
	s2 =	sadd.s32 s3, s2  }
0x8d: {  	s2 =	sadd.s32 s2, s17  }
0x8e: {  	[smem:$0x3FBD] =	sst s2  }
0x8f: {  	_ = 	snop  }
0x90: {  	s18 =	sld [smem:$0x3FC6];
	(tm) =	ssettm $0x1  }
0x91: {  	s19 =	sld [smem:$0x3FFB];
	_ =	sdelay $0x3  }
0x92: {  	_ =	strace s19  }
0x93: {  	s2 =	sld [smem:$0x3FFC];
	_ =	sdelay $0x3  }
0x94: {  	_ =	strace s2  }
0x95: {  	s2 =	sld [smem:$0x3FFD];
	_ =	sdelay $0x3  }
0x96: {  	_ =	strace s2  }
0x97: {  	_ =	strace $0x8FFFFFFF  }
0x98: {  	s20 =	sld [smem:$0x3FDB];
	_ =	sdelay $0x1  }
0x99: {  	s4 =	simm.s32 $_scs_section_size  }
0x9a: {  	s5 =	simm.s32 $_size__tile_overlayer_lowered;
	s6 =	simm.s32 $_tile_overlayer_lowered  }
0x9b: {  	s7 =	simm.s32 $0x1BFF;
	s21 =	sshll.u32 s6, $0x1;
	s4 =	sadd.s32 s4, s20  }
0x9c: {  	s22 =	simm.s32 $0x0;
	s5 =	sshll.u32 s5, $0x1;
	s6 =	sadd.s32 s21, s4  }
0x9d: {  	[timem:s22], [sflag:s7] =	dma.local [hbm:s6], s5  }
0x9e: {  	_ =	swait.ge [sflag:s7], s5  }
0x9f: {  	s5 =	ssub.s32 $0x0, s5;
	[sflag:s7] =	ssyncset.done $0x0  }
0xa0: {  	[sflag:s7] =	ssyncadd.s32 s5;
	_ =	sdelay $0x1  }
0xa1: {  	s23 =	simm.s32 $0x1B8B  }
0xa2: {  	_ =	swait.ge [sflag:s23], $0x1  }
0xa3: {  	[sflag:s23] =	ssyncset.done $0x0  }
0xa4: {  	[sflag:s23] =	ssyncadd.s32 $0xFFFFFFFF  }
0xa5: {  	s5 =	sld [smem:$0x0]  }
0xa6: {  	s6 =	sand.u32 $0xFFFFFFFE, s1  }
0xa7: {  	p0 =	sne.s32 s1, s6  }
0xa8: {  	s6 =	sshll.u32 @p0 s6, $0xE  }
0xa9: {  	s6 =	sadd.s32 @p0 $0x11B8D, s6;
	s7 =	sshll.u32 @p0 s5, $0x11  }
0xaa: {  	s6 =	sor.u32 @p0 s7, s6  }
0xab: {  	[sflag:s6] =	ssyncadd.remote.s32 @p0 $0x1;
	_ =	sdelay $0x1  }
0xac: {  	s6 =	simm.s32 @p0 $0x1B8D  }
0xad: {  	_ =	swait.eq @p0 [sflag:s6], $0x1  }
0xae: {  	[sflag:s6] =	ssyncadd.s32 @p0 $0xFFFFFFFF  }
0xaf: {  	s7 =	sshll.u32 @!p0 s1, $0xE  }
0xb0: {  	s7 =	sor.u32 @!p0 $0x4000, s7;
	s6 =	simm.s32 @!p0 $0x1B8D  }
0xb1: {  	s5 =	sshll.u32 @!p0 s5, $0x11;
	s7 =	sadd.s32 @!p0 $0x11B8D, s7;
	_ =	swait.eq @!p0 [sflag:s6], $0x1  }
0xb2: {  	s5 =	sor.u32 @!p0 s5, s7;
	[sflag:s6] =	ssyncadd.s32 @!p0 $0xFFFFFFFF  }
0xb3: {  	s25 =	simm.s32 $0x1B8E;
	s24 =	sld [smem:$0x3FFE];
	[sflag:s5] =	ssyncadd.remote.s32 @!p0 $0x1  }
0xb4: {  	s26 =	simm.s32 $execute0_lowered;
	[smem:$0x3FD2] =	sst s25  }
0xb5: {  	s6 =	sshll.u32 s26, $0x1;
	_ =	strace $0x8000004F;
	[dreg:$0x1] =	wrdreg $0xFFFFFFFF  }
0xb6: {  	s28 =	simm.s32 $_size_execute0_lowered;
	s4 =	sadd.s32 s4, s6;
	[dreg:$0x0] =	wrdreg $0x0  }
0xb7: {  	s6 =	sshll.u32 s28, $0x1;
	[dreg:$0x2] =	wrdreg s4  }
0xb8: {  	[dreg:$0x3] =	wrdreg s6  }
0xb9: {  	[dreg:$0x4] =	wrdreg $0xC0  }
0xba: {  	_ =	task [dreg:s22], $0x5FFFF  }
0xbb: {  	[dreg:$0x1] =	wrdreg $0xFFFFFFFF  }
0xbc: {  	[dreg:$0x0] =	wrdreg $0x60  }
0xbd: {  	[dreg:$0x2] =	wrdreg s24  }
0xbe: {  	[dreg:$0x3] =	wrdreg s18  }
0xbf: {  	[dreg:$0x4] =	wrdreg $0xB  }
0xc0: {  	_ =	task.clear_ibuf [dreg:s22], $0x5FFFF;
	_ =	strace $0x9000004F  }
0xc1: {  	s29 =	simm.s32 $0xB;
	_ =	strace $0x80000051  }
0xc2: {  	_ =	swait.ge [sflag:s29], $0x1  }
0xc3: {  	[sflag:s29] =	ssyncadd.s32 $0xFFFFFFFF  }
0xc4: {  	_ =	strace $0x90000051  }
0xc5: {  	_ =	sfence  }
0xc6: {  	s30 =	sld [smem:$0x0];
	_ =	sdelay $0x2  }
0xc7: {  	s31 =	sshll.u32 s1, $0xD;
	s1 =	sshrl.u32 s1, $0x2  }
0xc8: {  	s4 =	sand.u32 $0x4000, s31;
	s1 =	sadd.s32 s1, s30  }
0xc9: {  	s0 =	sor.u32 s4, s0;
	s1 =	sshll.u32 s1, $0x11  }
0xca: {  	s0 =	sor.u32 s1, s0  }
0xcb: {  	s0 =	sadd.s32 $0x8F2B, s0  }
0xcc: {  	[sflag:s0] =	ssyncadd.remote.s32 $0x1  }
0xcd: {  	_ =	sfence.sel $0xFFFF  }
0xce: {  	[dreg:$0x0] =	wrdreg $0xFFFFFFFF;
	(pc) =	sbr.abs _section_cstart, $3  }
0xcf: {  	[dreg:$0x1] =	wrdreg $0xFFFFFFFF  }
0xd0: {  	_ =	task.clear_ibuf [dreg:s22], $0x2FFFF;
	_ =	strace $0x9FFFFFFF  }
0xd1: {  	(tm) =	ssettm $0x7FFFFFFF  }
tec
execute0_lowered:
.L_overlay_start_1:
0x0: {  	(tag) =	ssettag $0x1  }
0x1: {  	s0 =	rddreg [dreg:$0x0]  }
0x2: {  	s3 =	rddreg [dreg:$0x1]  }
0x3: {  	s1 =	srdreg.scid;
	s28 =	rddreg [dreg:$0x2];
	s2 =	simm.s32 $0x0  }
0x4: {  	s26 =	stileid.u32;
	s21 =	simm.s32 $0x100;
	[smem:$0x7FF] =	sst s2  }
0x5: {  	s22 =	simm.s32 $0x180;
	_ =	strace $0x80000050;
	[dreg:$0x16] =	wrdreg s21  }
0x6: {  	s23 =	simm.s32 $0x200;
	s24 =	simm.s32 $0x280;
	[dreg:$0x17] =	wrdreg s22  }
0x7: {  	s1 =	sand.u32 $0x1, s1;
	s4 =	sshll.u32 s26, $0x1;
	[dreg:$0x18] =	wrdreg s23  }
0x8: {  	s29 =	simm.s32 $0x300;
	s4 =	sor.u32 s1, s4;
	[dreg:$0x19] =	wrdreg s24  }
0x9: {  	[dreg:$0x1a] =	wrdreg s29;
	s5 =	sshll.u32 s4, $0x8  }
0xa: {  	s6 =	sshll.u32 s4, $0x4;
	s7 =	sshll.u32 s4, $0xF;
	s5 =	sadd.s32 s5, s0  }
0xb: {  	s4 =	sshll.u32 s4, $0xB;
	s6 =	sadd.s32 s6, s0;
	s5 =	sadd.s32 $0x7800, s5  }
0xc: {  	s4 =	sadd.s32 s4, s0;
	s31 =	sadd.s32 $0x5500, s6;
	[dreg:$0x3] =	wrdreg s5  }
0xd: {  	s0 =	sadd.s32 s7, s0;
	s4 =	sadd.s32 $0x17F400, s4;
	[dreg:$0x4] =	wrdreg s31  }
0xe: {  	s25 =	simm.s32 $0xA;
	s6 =	sadd.s32 $0x18D400, s0;
	[dreg:$0x5] =	wrdreg s4  }
0xf: {  	s30 =	simm.s32 $0x400;
	s7 =	sadd.s32 $0x18DC00, s0;
	[dreg:$0x7] =	wrdreg s6  }
0x10: {  	p1 =	por $0x0, $0x0;
	s8 =	sadd.s32 $0x18E400, s0;
	[dreg:$0x8] =	wrdreg s7  }
0x11: {  	p0 =	sgt.u32 s26, $0x7;
	s9 =	sadd.s32 $0x18EC00, s0;
	[dreg:$0x9] =	wrdreg s8  }
0x12: {  	s1 =	ssub.s32 $0x2, s1;
	s10 =	sadd.s32 $0x187C00, s0;
	[dreg:$0xa] =	wrdreg s9  }
0x13: {  	s24 =	simm.s32 $0x480;
	s11 =	sadd.s32 $0x188400, s0;
	[dreg:$0xb] =	wrdreg s10  }
0x14: {  	s23 =	simm.s32 $0x500;
	s12 =	sadd.s32 $0x188C00, s0;
	[dreg:$0xc] =	wrdreg s11  }
0x15: {  	s22 =	simm.s32 $0x580;
	s13 =	sadd.s32 $0x189400, s0;
	[dreg:$0xd] =	wrdreg s12  }
0x16: {  	s21 =	simm.s32 $0x600;
	s14 =	sadd.s32 $0x189C00, s0;
	[dreg:$0xe] =	wrdreg s13  }
0x17: {  	s19 =	sshrl.u32 s1, $0x1;
	s15 =	sadd.s32 $0x18A400, s0;
	[dreg:$0xf] =	wrdreg s14  }
0x18: {  	s1 =	ssub.s32 s1, s19;
	s16 =	sadd.s32 $0x18AC00, s0;
	[dreg:$0x10] =	wrdreg s15  }
0x19: {  	s19 =	simm.s32 $0x700;
	s17 =	sadd.s32 $0x18B400, s0;
	[dreg:$0x11] =	wrdreg s16  }
0x1a: {  	s18 =	sadd.s32 $0x18BC00, s0;
	s20 =	sadd.s32 $0x18C400, s0;
	[dreg:$0x12] =	wrdreg s17  }
0x1b: {  	s1 =	smax.u32 s1, $0x1;
	s5 =	sadd.s32 $0x187400, s0;
	[dreg:$0x13] =	wrdreg s18  }
0x1c: {  	[dreg:$0x14] =	wrdreg s20;
	s0 =	sadd.s32 $0x18CC00, s0;
	s14 =	simm.s32 $0x80  }
0x1d: {  	s12 =	simm.s32 $0x4880;
	s7 =	simm.s32 $0x8880;
	s18 =	sadd.s32 $0xFFFFFFFF, s1  }
0x1e: {  	s4 =	simm.s32 $0x10880;
	s16 =	simm.s32 $0x1;
	p2 =	sne.s32 s18, $0x0  }
.Ltmp0:
0x1f: {  	s15 =	simm.s32 $0x2;
	s13 =	simm.s32 $0x3;
	(pc) =	sbr.rel @!p2 .LBB2_1-.Ltmp0, $4  }
0x20: {  	s11 =	simm.s32 $0x4;
	s8 =	simm.s32 $0x5;
	[dreg:$0x6] =	wrdreg s5  }
0x21: {  	s9 =	simm.s32 $0x6;
	s31 =	simm.s32 $0x380;
	[dreg:$0x15] =	wrdreg s0  }
0x22: {  	s10 =	simm.s32 $0x7;
	s6 =	simm.s32 $0x8;
	[dreg:$0x1b] =	wrdreg s31  }
0x23: {  	s20 =	simm.s32 $0x680;
	s5 =	simm.s32 $0xC880;
	s17 =	rddreg [dreg:$0x3]  }
0x24: {  	[tilespmem:s2], [sflag:$0xA] =	stream.linear.gather [hbm4b:s17+s2], $0x800, $0x38;
	[tilespmem:$0x14880] =	vst v63  }
0x25: {  	_ =	swait.ge [sflag:s25], $0x800  }
0x26: {  	s26 =	simm.s32 @!p0 $0xA;
	s28 =	simm.s32 @!p0 $0x0;
	[sflag:s25] =	ssyncset.done $0x0  }
0x27: {  	s29 =	simm.s32 @!p0 $0x800;
	s1 =	rddreg [dreg:$0x4];
	[sflag:s25] =	ssyncadd.s32 $0xFFFFF800  }
0x28: {  	[tilespmem:s29], [sflag:$0xA] =	stream.linear.gather @!p0 [hbm4b:s1+s28], $0x80, $0x38;
	[tilespmem:$0x14880] =	vst v63  }
0x29: {  	_ =	swait.ge @!p0 [sflag:s26], $0x80  }
0x2a: {  	s30 =	simm.s32 @!p0 $0x9;
	[sflag:s26] =	ssyncset.done @!p0 $0x0  }
0x2b: {  	s0 =	simm.s32 @!p0 $0x80;
	s1 =	simm.s32 @!p0 $0x880;
	[sflag:s26] =	ssyncadd.s32 @!p0 $0xFFFFFF80  }
0x2c: {  	[tilespmem:s1], [sflag:$0x9] =	stream.indirect.gather @!p0 [hbm4b:s3+s0], $0x80, s29, s0, $0xb8;
	[tilespmem:$0x14880] =	vst v63  }
0x2d: {  	_ =	swait.ge @!p0 [sflag:s30], $0x4000  }
0x2e: {  	[sflag:s30] =	ssyncset.done @!p0 $0x0  }
0x2f: {  	s17 =	rddreg [dreg:$0x5];
	[sflag:s30] =	ssyncadd.s32 @!p0 $0xFFFFC000  }
0x30: {  	[hbm4b:s17+s28] =	stream.linear.scatter @!p0 [tilespmem:s1], [sflag:$0xA], $0x4000, $0x38;
	[tilespmem:$0x14880] =	vst v63  }
0x31: {  	_ =	swait.ge @!p0 [sflag:s26], $0x4000  }
0x32: {  	[sflag:s26] =	ssyncset.done @!p0 $0x0  }
0x33: {  	[sflag:s26] =	ssyncadd.s32 @!p0 $0xFFFFC000  }
0x34: {  	[tilespmem:s12], [sflag:$0x1] =	stream.indirect.gather [hbm4b:s3+s14], $0x80, s2, s14, $0xb8;
	[tilespmem:$0x14880] =	vst v63  }
0x35: {  	_ = 	snop  }
0x36: {  	[tilespmem:s7], [sflag:$0x2] =	stream.indirect.gather [hbm4b:s3+s14], $0x80, s14, s14, $0xb8;
	[tilespmem:$0x14880] =	vst v63  }
0x37: {  	s0 =	rddreg [dreg:$0x16]  }
0x38: {  	[tilespmem:s5], [sflag:$0x3] =	stream.indirect.gather [hbm4b:s3+s14], $0x80, s0, s14, $0xb8;
	[tilespmem:$0x14880] =	vst v63  }
0x39: {  	s22 =	rddreg [dreg:$0x17]  }
0x3a: {  	[tilespmem:s4], [sflag:$0x4] =	stream.indirect.gather [hbm4b:s3+s14], $0x80, s22, s14, $0xb8;
	[tilespmem:$0x14880] =	vst v63  }
0x3b: {  	_ =	swait.ge [sflag:s16], $0x4000  }
0x3c: {  	[sflag:s16] =	ssyncset.done $0x0  }
0x3d: {  	s17 =	rddreg [dreg:$0x6];
	[sflag:s16] =	ssyncadd.s32 $0xFFFFC000  }
0x3e: {  	[hbm4b:s17+s2] =	stream.linear.scatter [tilespmem:s12], [sflag:$0x5], $0x4000, $0x38;
	[tilespmem:$0x14880] =	vst v63  }
0x3f: {  	_ =	swait.ge [sflag:s15], $0x4000  }
0x40: {  	[sflag:s15] =	ssyncset.done $0x0  }
0x41: {  	s22 =	rddreg [dreg:$0xb];
	[sflag:s15] =	ssyncadd.s32 $0xFFFFC000  }
0x42: {  	[hbm4b:s22+s2] =	stream.linear.scatter [tilespmem:s7], [sflag:$0x6], $0x4000, $0x38;
	[tilespmem:$0x14880] =	vst v63  }
0x43: {  	_ =	swait.ge [sflag:s13], $0x4000  }
0x44: {  	[sflag:s13] =	ssyncset.done $0x0  }
0x45: {  	s17 =	rddreg [dreg:$0xc];
	[sflag:s13] =	ssyncadd.s32 $0xFFFFC000  }
0x46: {  	[hbm4b:s17+s2] =	stream.linear.scatter [tilespmem:s5], [sflag:$0x7], $0x4000, $0x38;
	[tilespmem:$0x14880] =	vst v63  }
0x47: {  	_ =	swait.ge [sflag:s11], $0x4000  }
0x48: {  	[sflag:s11] =	ssyncset.done $0x0  }
0x49: {  	s22 =	rddreg [dreg:$0xd];
	[sflag:s11] =	ssyncadd.s32 $0xFFFFC000  }
0x4a: {  	[hbm4b:s22+s2] =	stream.linear.scatter [tilespmem:s4], [sflag:$0x8], $0x4000, $0x38;
	[tilespmem:$0x14880] =	vst v63  }
0x4b: {  	_ =	swait.ge [sflag:s8], $0x4000  }
0x4c: {  	[sflag:s8] =	ssyncset.done $0x0  }
0x4d: {  	s17 =	rddreg [dreg:$0x18];
	[sflag:s8] =	ssyncadd.s32 $0xFFFFC000  }
0x4e: {  	[tilespmem:s12], [sflag:$0x1] =	stream.indirect.gather [hbm4b:s3+s14], $0x80, s17, s14, $0xb8;
	[tilespmem:$0x14880] =	vst v63  }
0x4f: {  	_ =	swait.ge [sflag:s9], $0x4000  }
0x50: {  	[sflag:s9] =	ssyncset.done $0x0  }
0x51: {  	s22 =	rddreg [dreg:$0x19];
	[sflag:s9] =	ssyncadd.s32 $0xFFFFC000  }
0x52: {  	[tilespmem:s7], [sflag:$0x2] =	stream.indirect.gather [hbm4b:s3+s14], $0x80, s22, s14, $0xb8;
	[tilespmem:$0x14880] =	vst v63  }
0x53: {  	_ =	swait.ge [sflag:s10], $0x4000  }
0x54: {  	[sflag:s10] =	ssyncset.done $0x0  }
0x55: {  	s17 =	rddreg [dreg:$0x1a];
	[sflag:s10] =	ssyncadd.s32 $0xFFFFC000  }
0x56: {  	[tilespmem:s5], [sflag:$0x3] =	stream.indirect.gather [hbm4b:s3+s14], $0x80, s17, s14, $0xb8;
	[tilespmem:$0x14880] =	vst v63  }
0x57: {  	_ =	swait.ge [sflag:s6], $0x4000  }
0x58: {  	[sflag:s6] =	ssyncset.done $0x0  }
0x59: {  	s22 =	rddreg [dreg:$0x1b];
	[sflag:s6] =	ssyncadd.s32 $0xFFFFC000  }
0x5a: {  	[tilespmem:s4], [sflag:$0x4] =	stream.indirect.gather [hbm4b:s3+s14], $0x80, s22, s14, $0xb8;
	[tilespmem:$0x14880] =	vst v63  }
0x5b: {  	_ =	swait.ge [sflag:s16], $0x4000  }
0x5c: {  	[sflag:s16] =	ssyncset.done $0x0  }
0x5d: {  	s17 =	rddreg [dreg:$0xe];
	[sflag:s16] =	ssyncadd.s32 $0xFFFFC000  }
0x5e: {  	[hbm4b:s17+s2] =	stream.linear.scatter [tilespmem:s12], [sflag:$0x5], $0x4000, $0x38;
	[tilespmem:$0x14880] =	vst v63  }
0x5f: {  	_ =	swait.ge [sflag:s15], $0x4000  }
0x60: {  	[sflag:s15] =	ssyncset.done $0x0  }
0x61: {  	s22 =	rddreg [dreg:$0xf];
	[sflag:s15] =	ssyncadd.s32 $0xFFFFC000  }
0x62: {  	[hbm4b:s22+s2] =	stream.linear.scatter [tilespmem:s7], [sflag:$0x6], $0x4000, $0x38;
	[tilespmem:$0x14880] =	vst v63  }
0x63: {  	_ =	swait.ge [sflag:s13], $0x4000  }
0x64: {  	[sflag:s13] =	ssyncset.done $0x0  }
0x65: {  	s17 =	rddreg [dreg:$0x10];
	[sflag:s13] =	ssyncadd.s32 $0xFFFFC000  }
0x66: {  	[hbm4b:s17+s2] =	stream.linear.scatter [tilespmem:s5], [sflag:$0x7], $0x4000, $0x38;
	[tilespmem:$0x14880] =	vst v63  }
0x67: {  	_ =	swait.ge [sflag:s11], $0x4000  }
0x68: {  	[sflag:s11] =	ssyncset.done $0x0  }
0x69: {  	s22 =	rddreg [dreg:$0x11];
	[sflag:s11] =	ssyncadd.s32 $0xFFFFC000  }
0x6a: {  	[hbm4b:s22+s2] =	stream.linear.scatter [tilespmem:s4], [sflag:$0x8], $0x4000, $0x38;
	[tilespmem:$0x14880] =	vst v63  }
0x6b: {  	_ =	swait.ge [sflag:s8], $0x4000  }
0x6c: {  	[sflag:s8] =	ssyncset.done $0x0  }
0x6d: {  	s19 =	simm.s32 $0x400;
	[sflag:s8] =	ssyncadd.s32 $0xFFFFC000  }
0x6e: {  	[tilespmem:s12], [sflag:$0x1] =	stream.indirect.gather [hbm4b:s3+s14], $0x80, s19, s14, $0xb8;
	[tilespmem:$0x14880] =	vst v63  }
0x6f: {  	_ =	swait.ge [sflag:s9], $0x4000  }
0x70: {  	[sflag:s9] =	ssyncset.done $0x0  }
0x71: {  	s24 =	simm.s32 $0x480;
	[sflag:s9] =	ssyncadd.s32 $0xFFFFC000  }
0x72: {  	[tilespmem:s7], [sflag:$0x2] =	stream.indirect.gather [hbm4b:s3+s14], $0x80, s24, s14, $0xb8;
	[tilespmem:$0x14880] =	vst v63  }
0x73: {  	_ =	swait.ge [sflag:s10], $0x4000  }
0x74: {  	[sflag:s10] =	ssyncset.done $0x0  }
0x75: {  	s23 =	simm.s32 $0x500;
	[sflag:s10] =	ssyncadd.s32 $0xFFFFC000  }
0x76: {  	[tilespmem:s5], [sflag:$0x3] =	stream.indirect.gather [hbm4b:s3+s14], $0x80, s23, s14, $0xb8;
	[tilespmem:$0x14880] =	vst v63  }
0x77: {  	_ =	swait.ge [sflag:s6], $0x4000  }
0x78: {  	[sflag:s6] =	ssyncset.done $0x0  }
0x79: {  	s31 =	simm.s32 $0x580;
	[sflag:s6] =	ssyncadd.s32 $0xFFFFC000  }
0x7a: {  	[tilespmem:s4], [sflag:$0x4] =	stream.indirect.gather [hbm4b:s3+s14], $0x80, s31, s14, $0xb8;
	[tilespmem:$0x14880] =	vst v63  }
0x7b: {  	_ =	swait.ge [sflag:s16], $0x4000  }
0x7c: {  	[sflag:s16] =	ssyncset.done $0x0  }
0x7d: {  	s17 =	rddreg [dreg:$0x12];
	[sflag:s16] =	ssyncadd.s32 $0xFFFFC000  }
0x7e: {  	[hbm4b:s17+s2] =	stream.linear.scatter [tilespmem:s12], [sflag:$0x5], $0x4000, $0x38;
	[tilespmem:$0x14880] =	vst v63  }
0x7f: {  	_ =	swait.ge [sflag:s15], $0x4000  }
0x80: {  	[sflag:s15] =	ssyncset.done $0x0  }
0x81: {  	s17 =	rddreg [dreg:$0x13];
	[sflag:s15] =	ssyncadd.s32 $0xFFFFC000  }
0x82: {  	[hbm4b:s17+s2] =	stream.linear.scatter [tilespmem:s7], [sflag:$0x6], $0x4000, $0x38;
	[tilespmem:$0x14880] =	vst v63  }
0x83: {  	_ =	swait.ge [sflag:s13], $0x4000  }
0x84: {  	[sflag:s13] =	ssyncset.done $0x0  }
0x85: {  	s17 =	rddreg [dreg:$0x14];
	[sflag:s13] =	ssyncadd.s32 $0xFFFFC000  }
0x86: {  	[hbm4b:s17+s2] =	stream.linear.scatter [tilespmem:s5], [sflag:$0x7], $0x4000, $0x38;
	[tilespmem:$0x14880] =	vst v63  }
0x87: {  	_ =	swait.ge [sflag:s11], $0x4000  }
0x88: {  	[sflag:s11] =	ssyncset.done $0x0  }
0x89: {  	s17 =	rddreg [dreg:$0x15];
	[sflag:s11] =	ssyncadd.s32 $0xFFFFC000  }
0x8a: {  	[hbm4b:s17+s2] =	stream.linear.scatter [tilespmem:s4], [sflag:$0x8], $0x4000, $0x38;
	[tilespmem:$0x14880] =	vst v63  }
0x8b: {  	_ =	swait.ge [sflag:s8], $0x4000  }
0x8c: {  	[sflag:s8] =	ssyncset.done $0x0  }
0x8d: {  	s21 =	simm.s32 $0x600;
	[sflag:s8] =	ssyncadd.s32 $0xFFFFC000  }
0x8e: {  	[tilespmem:s12], [sflag:$0x1] =	stream.indirect.gather [hbm4b:s3+s14], $0x80, s21, s14, $0xb8;
	[tilespmem:$0x14880] =	vst v63  }
0x8f: {  	_ =	swait.ge [sflag:s9], $0x4000  }
0x90: {  	[sflag:s9] =	ssyncset.done $0x0  }
0x91: {  	s20 =	simm.s32 $0x680;
	[sflag:s9] =	ssyncadd.s32 $0xFFFFC000  }
0x92: {  	[tilespmem:s7], [sflag:$0x2] =	stream.indirect.gather [hbm4b:s3+s14], $0x80, s20, s14, $0xb8;
	[tilespmem:$0x14880] =	vst v63  }
0x93: {  	_ =	swait.ge [sflag:s10], $0x4000  }
0x94: {  	[sflag:s10] =	ssyncset.done $0x0  }
0x95: {  	s17 =	simm.s32 $0x700;
	[sflag:s10] =	ssyncadd.s32 $0xFFFFC000  }
0x96: {  	[tilespmem:s5], [sflag:$0x3] =	stream.indirect.gather [hbm4b:s3+s14], $0x80, s17, s14, $0xb8;
	[tilespmem:$0x14880] =	vst v63  }
0x97: {  	_ =	swait.ge [sflag:s6], $0x4000  }
0x98: {  	[sflag:s6] =	ssyncset.done $0x0  }
0x99: {  	s17 =	simm.s32 $0x780;
	[sflag:s6] =	ssyncadd.s32 $0xFFFFC000  }
0x9a: {  	[tilespmem:s4], [sflag:$0x4] =	stream.indirect.gather [hbm4b:s3+s14], $0x80, s17, s14, $0xb8;
	[tilespmem:$0x14880] =	vst v63  }
0x9b: {  	_ =	swait.ge [sflag:s16], $0x4000  }
0x9c: {  	[sflag:s16] =	ssyncset.done $0x0  }
0x9d: {  	s17 =	rddreg [dreg:$0x7];
	[sflag:s16] =	ssyncadd.s32 $0xFFFFC000  }
0x9e: {  	[hbm4b:s17+s2] =	stream.linear.scatter [tilespmem:s12], [sflag:$0x5], $0x4000, $0x38;
	[tilespmem:$0x14880] =	vst v63  }
0x9f: {  	_ =	swait.ge [sflag:s15], $0x4000  }
0xa0: {  	[sflag:s15] =	ssyncset.done $0x0  }
0xa1: {  	s17 =	rddreg [dreg:$0x8];
	[sflag:s15] =	ssyncadd.s32 $0xFFFFC000  }
0xa2: {  	[hbm4b:s17+s2] =	stream.linear.scatter [tilespmem:s7], [sflag:$0x6], $0x4000, $0x38;
	[tilespmem:$0x14880] =	vst v63  }
0xa3: {  	_ =	swait.ge [sflag:s13], $0x4000  }
0xa4: {  	[sflag:s13] =	ssyncset.done $0x0  }
0xa5: {  	s17 =	rddreg [dreg:$0x9];
	[sflag:s13] =	ssyncadd.s32 $0xFFFFC000  }
0xa6: {  	[hbm4b:s17+s2] =	stream.linear.scatter [tilespmem:s5], [sflag:$0x7], $0x4000, $0x38;
	[tilespmem:$0x14880] =	vst v63  }
0xa7: {  	_ =	swait.ge [sflag:s11], $0x4000  }
0xa8: {  	[sflag:s11] =	ssyncset.done $0x0  }
0xa9: {  	s17 =	rddreg [dreg:$0xa];
	[sflag:s11] =	ssyncadd.s32 $0xFFFFC000  }
0xaa: {  	[hbm4b:s17+s2] =	stream.linear.scatter [tilespmem:s4], [sflag:$0x8], $0x4000, $0x38;
	[tilespmem:$0x14880] =	vst v63  }
0xab: {  	_ =	swait.ge [sflag:s8], $0x4000  }
0xac: {  	[sflag:s8] =	ssyncset.done $0x0  }
0xad: {  	[sflag:s8] =	ssyncadd.s32 $0xFFFFC000  }
0xae: {  	_ =	swait.ge [sflag:s9], $0x4000  }
0xaf: {  	s0 =	sadd.s32 $0xFFFFFFFF, s18;
	[sflag:s9] =	ssyncset.done $0x0  }
0xb0: {  	p2 =	sne.s32 s0, $0x0;
	[sflag:s9] =	ssyncadd.s32 $0xFFFFC000  }
.Ltmp1:
0xb1: {  	p1 =	por $0x1, $0x1;
	_ =	swait.ge [sflag:s10], $0x4000;
	(pc) =	sbr.rel @!p2 .LBB2_3-.Ltmp1, $4  }
0xb2: {  	s22 =	simm.s32 $0x400;
	s19 =	simm.s32 $0x480;
	[sflag:s10] =	ssyncset.done $0x0  }
0xb3: {  	s24 =	simm.s32 $0x500;
	s23 =	simm.s32 $0x580;
	[sflag:s10] =	ssyncadd.s32 $0xFFFFC000  }
0xb4: {  	s31 =	simm.s32 $0x600;
	s21 =	simm.s32 $0x680;
	_ =	swait.ge [sflag:s6], $0x4000  }
0xb5: {  	s20 =	simm.s32 $0x700;
	s17 =	rddreg [dreg:$0x3];
	[sflag:s6] =	ssyncset.done $0x0  }
.LBB2_4:
0xb6: {  	[sflag:s6] =	ssyncadd.s32 $0xFFFFC000  }
0xb7: {  	[tilespmem:s2], [sflag:$0xA] =	stream.linear.gather [hbm4b:s17+s2], $0x800, $0x38;
	[tilespmem:$0x14880] =	vst v63  }
0xb8: {  	_ =	swait.ge [sflag:s25], $0x800  }
0xb9: {  	[sflag:s25] =	ssyncset.done $0x0  }
0xba: {  	s17 =	rddreg [dreg:$0x4];
	[sflag:s25] =	ssyncadd.s32 $0xFFFFF800  }
0xbb: {  	[tilespmem:s29], [sflag:$0xA] =	stream.linear.gather @!p0 [hbm4b:s17+s28], $0x80, $0x38;
	[tilespmem:$0x14880] =	vst v63  }
0xbc: {  	_ =	swait.ge @!p0 [sflag:s26], $0x80  }
0xbd: {  	[sflag:s26] =	ssyncset.done @!p0 $0x0  }
0xbe: {  	s17 =	simm.s32 @!p0 $0x80;
	[sflag:s26] =	ssyncadd.s32 @!p0 $0xFFFFFF80  }
0xbf: {  	[tilespmem:s1], [sflag:$0x9] =	stream.indirect.gather @!p0 [hbm4b:s3+s17], $0x80, s29, s17, $0xb8;
	[tilespmem:$0x14880] =	vst v63  }
0xc0: {  	_ =	swait.ge @!p0 [sflag:s30], $0x4000  }
0xc1: {  	[sflag:s30] =	ssyncset.done @!p0 $0x0  }
0xc2: {  	s17 =	rddreg [dreg:$0x5];
	[sflag:s30] =	ssyncadd.s32 @!p0 $0xFFFFC000  }
0xc3: {  	[hbm4b:s17+s28] =	stream.linear.scatter @!p0 [tilespmem:s1], [sflag:$0xA], $0x4000, $0x38;
	[tilespmem:$0x14880] =	vst v63  }
0xc4: {  	_ =	swait.ge @!p0 [sflag:s26], $0x4000  }
0xc5: {  	[sflag:s26] =	ssyncset.done @!p0 $0x0  }
0xc6: {  	[sflag:s26] =	ssyncadd.s32 @!p0 $0xFFFFC000  }
0xc7: {  	[tilespmem:s12], [sflag:$0x1] =	stream.indirect.gather [hbm4b:s3+s14], $0x80, s2, s14, $0xb8;
	[tilespmem:$0x14880] =	vst v63  }
0xc8: {  	_ = 	snop  }
0xc9: {  	[tilespmem:s7], [sflag:$0x2] =	stream.indirect.gather [hbm4b:s3+s14], $0x80, s14, s14, $0xb8;
	[tilespmem:$0x14880] =	vst v63  }
0xca: {  	s17 =	rddreg [dreg:$0x16]  }
0xcb: {  	[tilespmem:s5], [sflag:$0x3] =	stream.indirect.gather [hbm4b:s3+s14], $0x80, s17, s14, $0xb8;
	[tilespmem:$0x14880] =	vst v63  }
0xcc: {  	s18 =	rddreg [dreg:$0x17]  }
0xcd: {  	[tilespmem:s4], [sflag:$0x4] =	stream.indirect.gather [hbm4b:s3+s14], $0x80, s18, s14, $0xb8;
	[tilespmem:$0x14880] =	vst v63  }
0xce: {  	_ =	swait.ge [sflag:s16], $0x4000  }
0xcf: {  	[sflag:s16] =	ssyncset.done $0x0  }
0xd0: {  	s17 =	rddreg [dreg:$0x6];
	[sflag:s16] =	ssyncadd.s32 $0xFFFFC000  }
0xd1: {  	[hbm4b:s17+s2] =	stream.linear.scatter [tilespmem:s12], [sflag:$0x5], $0x4000, $0x38;
	[tilespmem:$0x14880] =	vst v63  }
0xd2: {  	_ =	swait.ge [sflag:s15], $0x4000  }
0xd3: {  	[sflag:s15] =	ssyncset.done $0x0  }
0xd4: {  	s17 =	rddreg [dreg:$0xb];
	[sflag:s15] =	ssyncadd.s32 $0xFFFFC000  }
0xd5: {  	[hbm4b:s17+s2] =	stream.linear.scatter [tilespmem:s7], [sflag:$0x6], $0x4000, $0x38;
	[tilespmem:$0x14880] =	vst v63  }
0xd6: {  	_ =	swait.ge [sflag:s13], $0x4000  }
0xd7: {  	[sflag:s13] =	ssyncset.done $0x0  }
0xd8: {  	s17 =	rddreg [dreg:$0xc];
	[sflag:s13] =	ssyncadd.s32 $0xFFFFC000  }
0xd9: {  	[hbm4b:s17+s2] =	stream.linear.scatter [tilespmem:s5], [sflag:$0x7], $0x4000, $0x38;
	[tilespmem:$0x14880] =	vst v63  }
0xda: {  	_ =	swait.ge [sflag:s11], $0x4000  }
0xdb: {  	[sflag:s11] =	ssyncset.done $0x0  }
0xdc: {  	s17 =	rddreg [dreg:$0xd];
	[sflag:s11] =	ssyncadd.s32 $0xFFFFC000  }
0xdd: {  	[hbm4b:s17+s2] =	stream.linear.scatter [tilespmem:s4], [sflag:$0x8], $0x4000, $0x38;
	[tilespmem:$0x14880] =	vst v63  }
0xde: {  	_ =	swait.ge [sflag:s8], $0x4000  }
0xdf: {  	[sflag:s8] =	ssyncset.done $0x0  }
0xe0: {  	s17 =	rddreg [dreg:$0x18];
	[sflag:s8] =	ssyncadd.s32 $0xFFFFC000  }
0xe1: {  	[tilespmem:s12], [sflag:$0x1] =	stream.indirect.gather [hbm4b:s3+s14], $0x80, s17, s14, $0xb8;
	[tilespmem:$0x14880] =	vst v63  }
0xe2: {  	_ =	swait.ge [sflag:s9], $0x4000  }
0xe3: {  	[sflag:s9] =	ssyncset.done $0x0  }
0xe4: {  	s17 =	rddreg [dreg:$0x19];
	[sflag:s9] =	ssyncadd.s32 $0xFFFFC000  }
0xe5: {  	[tilespmem:s7], [sflag:$0x2] =	stream.indirect.gather [hbm4b:s3+s14], $0x80, s17, s14, $0xb8;
	[tilespmem:$0x14880] =	vst v63  }
0xe6: {  	_ =	swait.ge [sflag:s10], $0x4000  }
0xe7: {  	[sflag:s10] =	ssyncset.done $0x0  }
0xe8: {  	s17 =	rddreg [dreg:$0x1a];
	[sflag:s10] =	ssyncadd.s32 $0xFFFFC000  }
0xe9: {  	[tilespmem:s5], [sflag:$0x3] =	stream.indirect.gather [hbm4b:s3+s14], $0x80, s17, s14, $0xb8;
	[tilespmem:$0x14880] =	vst v63  }
0xea: {  	_ =	swait.ge [sflag:s6], $0x4000  }
0xeb: {  	[sflag:s6] =	ssyncset.done $0x0  }
0xec: {  	s17 =	rddreg [dreg:$0x1b];
	[sflag:s6] =	ssyncadd.s32 $0xFFFFC000  }
0xed: {  	[tilespmem:s4], [sflag:$0x4] =	stream.indirect.gather [hbm4b:s3+s14], $0x80, s17, s14, $0xb8;
	[tilespmem:$0x14880] =	vst v63  }
0xee: {  	_ =	swait.ge [sflag:s16], $0x4000  }
0xef: {  	[sflag:s16] =	ssyncset.done $0x0  }
0xf0: {  	s17 =	rddreg [dreg:$0xe];
	[sflag:s16] =	ssyncadd.s32 $0xFFFFC000  }
0xf1: {  	[hbm4b:s17+s2] =	stream.linear.scatter [tilespmem:s12], [sflag:$0x5], $0x4000, $0x38;
	[tilespmem:$0x14880] =	vst v63  }
0xf2: {  	_ =	swait.ge [sflag:s15], $0x4000  }
0xf3: {  	[sflag:s15] =	ssyncset.done $0x0  }
0xf4: {  	s17 =	rddreg [dreg:$0xf];
	[sflag:s15] =	ssyncadd.s32 $0xFFFFC000  }
0xf5: {  	[hbm4b:s17+s2] =	stream.linear.scatter [tilespmem:s7], [sflag:$0x6], $0x4000, $0x38;
	[tilespmem:$0x14880] =	vst v63  }
0xf6: {  	_ =	swait.ge [sflag:s13], $0x4000  }
0xf7: {  	[sflag:s13] =	ssyncset.done $0x0  }
0xf8: {  	s17 =	rddreg [dreg:$0x10];
	[sflag:s13] =	ssyncadd.s32 $0xFFFFC000  }
0xf9: {  	[hbm4b:s17+s2] =	stream.linear.scatter [tilespmem:s5], [sflag:$0x7], $0x4000, $0x38;
	[tilespmem:$0x14880] =	vst v63  }
0xfa: {  	_ =	swait.ge [sflag:s11], $0x4000  }
0xfb: {  	[sflag:s11] =	ssyncset.done $0x0  }
0xfc: {  	s17 =	rddreg [dreg:$0x11];
	[sflag:s11] =	ssyncadd.s32 $0xFFFFC000  }
0xfd: {  	[hbm4b:s17+s2] =	stream.linear.scatter [tilespmem:s4], [sflag:$0x8], $0x4000, $0x38;
	[tilespmem:$0x14880] =	vst v63  }
0xfe: {  	_ =	swait.ge [sflag:s8], $0x4000  }
0xff: {  	[sflag:s8] =	ssyncset.done $0x0  }
0x100: {  	[sflag:s8] =	ssyncadd.s32 $0xFFFFC000  }
0x101: {  	[tilespmem:s12], [sflag:$0x1] =	stream.indirect.gather [hbm4b:s3+s14], $0x80, s22, s14, $0xb8;
	[tilespmem:$0x14880] =	vst v63  }
0x102: {  	_ =	swait.ge [sflag:s9], $0x4000  }
0x103: {  	[sflag:s9] =	ssyncset.done $0x0  }
0x104: {  	[sflag:s9] =	ssyncadd.s32 $0xFFFFC000  }
0x105: {  	[tilespmem:s7], [sflag:$0x2] =	stream.indirect.gather [hbm4b:s3+s14], $0x80, s19, s14, $0xb8;
	[tilespmem:$0x14880] =	vst v63  }
0x106: {  	_ =	swait.ge [sflag:s10], $0x4000  }
0x107: {  	[sflag:s10] =	ssyncset.done $0x0  }
0x108: {  	[sflag:s10] =	ssyncadd.s32 $0xFFFFC000  }
0x109: {  	[tilespmem:s5], [sflag:$0x3] =	stream.indirect.gather [hbm4b:s3+s14], $0x80, s24, s14, $0xb8;
	[tilespmem:$0x14880] =	vst v63  }
0x10a: {  	_ =	swait.ge [sflag:s6], $0x4000  }
0x10b: {  	[sflag:s6] =	ssyncset.done $0x0  }
0x10c: {  	[sflag:s6] =	ssyncadd.s32 $0xFFFFC000  }
0x10d: {  	[tilespmem:s4], [sflag:$0x4] =	stream.indirect.gather [hbm4b:s3+s14], $0x80, s23, s14, $0xb8;
	[tilespmem:$0x14880] =	vst v63  }
0x10e: {  	_ =	swait.ge [sflag:s16], $0x4000  }
0x10f: {  	[sflag:s16] =	ssyncset.done $0x0  }
0x110: {  	s17 =	rddreg [dreg:$0x12];
	[sflag:s16] =	ssyncadd.s32 $0xFFFFC000  }
0x111: {  	[hbm4b:s17+s2] =	stream.linear.scatter [tilespmem:s12], [sflag:$0x5], $0x4000, $0x38;
	[tilespmem:$0x14880] =	vst v63  }
0x112: {  	_ =	swait.ge [sflag:s15], $0x4000  }
0x113: {  	[sflag:s15] =	ssyncset.done $0x0  }
0x114: {  	s17 =	rddreg [dreg:$0x13];
	[sflag:s15] =	ssyncadd.s32 $0xFFFFC000  }
0x115: {  	[hbm4b:s17+s2] =	stream.linear.scatter [tilespmem:s7], [sflag:$0x6], $0x4000, $0x38;
	[tilespmem:$0x14880] =	vst v63  }
0x116: {  	_ =	swait.ge [sflag:s13], $0x4000  }
0x117: {  	[sflag:s13] =	ssyncset.done $0x0  }
0x118: {  	s17 =	rddreg [dreg:$0x14];
	[sflag:s13] =	ssyncadd.s32 $0xFFFFC000  }
0x119: {  	[hbm4b:s17+s2] =	stream.linear.scatter [tilespmem:s5], [sflag:$0x7], $0x4000, $0x38;
	[tilespmem:$0x14880] =	vst v63  }
0x11a: {  	_ =	swait.ge [sflag:s11], $0x4000  }
0x11b: {  	[sflag:s11] =	ssyncset.done $0x0  }
0x11c: {  	s17 =	rddreg [dreg:$0x15];
	[sflag:s11] =	ssyncadd.s32 $0xFFFFC000  }
0x11d: {  	[hbm4b:s17+s2] =	stream.linear.scatter [tilespmem:s4], [sflag:$0x8], $0x4000, $0x38;
	[tilespmem:$0x14880] =	vst v63  }
0x11e: {  	_ =	swait.ge [sflag:s8], $0x4000  }
0x11f: {  	[sflag:s8] =	ssyncset.done $0x0  }
0x120: {  	[sflag:s8] =	ssyncadd.s32 $0xFFFFC000  }
0x121: {  	[tilespmem:s12], [sflag:$0x1] =	stream.indirect.gather [hbm4b:s3+s14], $0x80, s31, s14, $0xb8;
	[tilespmem:$0x14880] =	vst v63  }
0x122: {  	_ =	swait.ge [sflag:s9], $0x4000  }
0x123: {  	[sflag:s9] =	ssyncset.done $0x0  }
0x124: {  	[sflag:s9] =	ssyncadd.s32 $0xFFFFC000  }
0x125: {  	[tilespmem:s7], [sflag:$0x2] =	stream.indirect.gather [hbm4b:s3+s14], $0x80, s21, s14, $0xb8;
	[tilespmem:$0x14880] =	vst v63  }
0x126: {  	_ =	swait.ge [sflag:s10], $0x4000  }
0x127: {  	[sflag:s10] =	ssyncset.done $0x0  }
0x128: {  	[sflag:s10] =	ssyncadd.s32 $0xFFFFC000  }
0x129: {  	[tilespmem:s5], [sflag:$0x3] =	stream.indirect.gather [hbm4b:s3+s14], $0x80, s20, s14, $0xb8;
	[tilespmem:$0x14880] =	vst v63  }
0x12a: {  	_ =	swait.ge [sflag:s6], $0x4000  }
0x12b: {  	[sflag:s6] =	ssyncset.done $0x0  }
0x12c: {  	s18 =	simm.s32 $0x780;
	[sflag:s6] =	ssyncadd.s32 $0xFFFFC000  }
0x12d: {  	[tilespmem:s4], [sflag:$0x4] =	stream.indirect.gather [hbm4b:s3+s14], $0x80, s18, s14, $0xb8;
	[tilespmem:$0x14880] =	vst v63  }
0x12e: {  	_ =	swait.ge [sflag:s16], $0x4000  }
0x12f: {  	[sflag:s16] =	ssyncset.done $0x0  }
0x130: {  	s18 =	rddreg [dreg:$0x7];
	[sflag:s16] =	ssyncadd.s32 $0xFFFFC000  }
0x131: {  	[hbm4b:s18+s2] =	stream.linear.scatter [tilespmem:s12], [sflag:$0x5], $0x4000, $0x38;
	[tilespmem:$0x14880] =	vst v63  }
0x132: {  	_ =	swait.ge [sflag:s15], $0x4000  }
0x133: {  	[sflag:s15] =	ssyncset.done $0x0  }
0x134: {  	s18 =	rddreg [dreg:$0x8];
	[sflag:s15] =	ssyncadd.s32 $0xFFFFC000  }
0x135: {  	[hbm4b:s18+s2] =	stream.linear.scatter [tilespmem:s7], [sflag:$0x6], $0x4000, $0x38;
	[tilespmem:$0x14880] =	vst v63  }
0x136: {  	_ =	swait.ge [sflag:s13], $0x4000  }
0x137: {  	[sflag:s13] =	ssyncset.done $0x0  }
0x138: {  	s18 =	rddreg [dreg:$0x9];
	[sflag:s13] =	ssyncadd.s32 $0xFFFFC000  }
0x139: {  	[hbm4b:s18+s2] =	stream.linear.scatter [tilespmem:s5], [sflag:$0x7], $0x4000, $0x38;
	[tilespmem:$0x14880] =	vst v63  }
0x13a: {  	_ =	swait.ge [sflag:s11], $0x4000  }
0x13b: {  	[sflag:s11] =	ssyncset.done $0x0  }
0x13c: {  	s18 =	rddreg [dreg:$0xa];
	[sflag:s11] =	ssyncadd.s32 $0xFFFFC000  }
0x13d: {  	[hbm4b:s18+s2] =	stream.linear.scatter [tilespmem:s4], [sflag:$0x8], $0x4000, $0x38;
	[tilespmem:$0x14880] =	vst v63  }
0x13e: {  	_ =	swait.ge [sflag:s8], $0x4000  }
0x13f: {  	[sflag:s8] =	ssyncset.done $0x0  }
0x140: {  	[sflag:s8] =	ssyncadd.s32 $0xFFFFC000  }
0x141: {  	_ =	swait.ge [sflag:s9], $0x4000  }
0x142: {  	s0 =	sadd.s32 $0xFFFFFFFF, s0;
	[sflag:s9] =	ssyncset.done $0x0  }
0x143: {  	p2 =	sne.s32 s0, $0x0;
	[sflag:s9] =	ssyncadd.s32 $0xFFFFC000  }
.Ltmp2:
0x144: {  	_ =	swait.ge [sflag:s10], $0x4000;
	(pc) =	sbr.rel @p2 .LBB2_4-.Ltmp2, $4  }
0x145: {  	[sflag:s10] =	ssyncset.done $0x0  }
0x146: {  	[sflag:s10] =	ssyncadd.s32 $0xFFFFC000  }
0x147: {  	_ =	swait.ge [sflag:s6], $0x4000  }
0x148: {  	s17 =	rddreg [dreg:$0x3];
	[sflag:s6] =	ssyncset.done $0x0  }
0x149: {  	s29 =	simm.s32 $0x780  }
0x14a: {  	s26 =	stileid.u32;
	s28 =	rddreg [dreg:$0x2];
	s19 =	simm.s32 $0x700  }
0x14b: {  	s20 =	simm.s32 $0x680;
	s21 =	simm.s32 $0x600;
	s22 =	simm.s32 $0x580  }
0x14c: {  	s23 =	simm.s32 $0x500;
	s24 =	simm.s32 $0x480;
	s30 =	simm.s32 $0x400  }
.LBB2_6:
0x14d: {  	[sflag:s6] =	ssyncadd.s32 @p1 $0xFFFFC000  }
0x14e: {  	[tilespmem:s2], [sflag:$0xA] =	stream.linear.gather [hbm4b:s17+s2], $0x800, $0x38;
	[tilespmem:$0x14880] =	vst v63  }
0x14f: {  	_ =	swait.ge [sflag:s25], $0x800  }
0x150: {  	s1 =	simm.s32 @!p0 $0x0;
	[sflag:s25] =	ssyncset.done $0x0  }
0x151: {  	s17 =	simm.s32 @!p0 $0x800;
	s0 =	rddreg [dreg:$0x4];
	[sflag:s25] =	ssyncadd.s32 $0xFFFFF800  }
0x152: {  	[tilespmem:s17], [sflag:$0xA] =	stream.linear.gather @!p0 [hbm4b:s0+s1], $0x80, $0x38;
	[tilespmem:$0x14880] =	vst v63  }
0x153: {  	s0 =	simm.s32 @!p0 $0xA  }
0x154: {  	_ =	swait.ge @!p0 [sflag:s0], $0x80  }
0x155: {  	[sflag:s0] =	ssyncset.done @!p0 $0x0  }
0x156: {  	s18 =	simm.s32 @!p0 $0x80;
	s25 =	simm.s32 @!p0 $0x880;
	[sflag:s0] =	ssyncadd.s32 @!p0 $0xFFFFFF80  }
0x157: {  	[tilespmem:s25], [sflag:$0x9] =	stream.indirect.gather @!p0 [hbm4b:s3+s18], $0x80, s17, s18, $0xb8;
	[tilespmem:$0x14880] =	vst v63  }
0x158: {  	s17 =	simm.s32 @!p0 $0x9  }
0x159: {  	_ =	swait.ge @!p0 [sflag:s17], $0x4000  }
0x15a: {  	[sflag:s17] =	ssyncset.done @!p0 $0x0  }
0x15b: {  	s18 =	rddreg [dreg:$0x5];
	[sflag:s17] =	ssyncadd.s32 @!p0 $0xFFFFC000  }
0x15c: {  	[hbm4b:s18+s1] =	stream.linear.scatter @!p0 [tilespmem:s25], [sflag:$0xA], $0x4000, $0x38;
	[tilespmem:$0x14880] =	vst v63  }
0x15d: {  	_ =	swait.ge @!p0 [sflag:s0], $0x4000  }
0x15e: {  	[sflag:s0] =	ssyncset.done @!p0 $0x0  }
0x15f: {  	[sflag:s0] =	ssyncadd.s32 @!p0 $0xFFFFC000  }
0x160: {  	[tilespmem:s12], [sflag:$0x1] =	stream.indirect.gather [hbm4b:s3+s14], $0x80, s2, s14, $0xb8;
	[tilespmem:$0x14880] =	vst v63  }
0x161: {  	_ = 	snop  }
0x162: {  	[tilespmem:s7], [sflag:$0x2] =	stream.indirect.gather [hbm4b:s3+s14], $0x80, s14, s14, $0xb8;
	[tilespmem:$0x14880] =	vst v63  }
0x163: {  	s25 =	rddreg [dreg:$0x16]  }
0x164: {  	[tilespmem:s5], [sflag:$0x3] =	stream.indirect.gather [hbm4b:s3+s14], $0x80, s25, s14, $0xb8;
	[tilespmem:$0x14880] =	vst v63  }
0x165: {  	s31 =	rddreg [dreg:$0x17]  }
0x166: {  	[tilespmem:s4], [sflag:$0x4] =	stream.indirect.gather [hbm4b:s3+s14], $0x80, s31, s14, $0xb8;
	[tilespmem:$0x14880] =	vst v63  }
0x167: {  	_ =	swait.ge [sflag:s16], $0x4000  }
0x168: {  	[sflag:s16] =	ssyncset.done $0x0  }
0x169: {  	s1 =	rddreg [dreg:$0x6];
	[sflag:s16] =	ssyncadd.s32 $0xFFFFC000  }
0x16a: {  	[hbm4b:s1+s2] =	stream.linear.scatter [tilespmem:s12], [sflag:$0x5], $0x4000, $0x38;
	[tilespmem:$0x14880] =	vst v63  }
0x16b: {  	_ =	swait.ge [sflag:s15], $0x4000  }
0x16c: {  	[sflag:s15] =	ssyncset.done $0x0  }
0x16d: {  	s17 =	rddreg [dreg:$0xb];
	[sflag:s15] =	ssyncadd.s32 $0xFFFFC000  }
0x16e: {  	[hbm4b:s17+s2] =	stream.linear.scatter [tilespmem:s7], [sflag:$0x6], $0x4000, $0x38;
	[tilespmem:$0x14880] =	vst v63  }
0x16f: {  	_ =	swait.ge [sflag:s13], $0x4000  }
0x170: {  	[sflag:s13] =	ssyncset.done $0x0  }
0x171: {  	s18 =	rddreg [dreg:$0xc];
	[sflag:s13] =	ssyncadd.s32 $0xFFFFC000  }
0x172: {  	[hbm4b:s18+s2] =	stream.linear.scatter [tilespmem:s5], [sflag:$0x7], $0x4000, $0x38;
	[tilespmem:$0x14880] =	vst v63  }
0x173: {  	_ =	swait.ge [sflag:s11], $0x4000  }
0x174: {  	[sflag:s11] =	ssyncset.done $0x0  }
0x175: {  	s25 =	rddreg [dreg:$0xd];
	[sflag:s11] =	ssyncadd.s32 $0xFFFFC000  }
0x176: {  	[hbm4b:s25+s2] =	stream.linear.scatter [tilespmem:s4], [sflag:$0x8], $0x4000, $0x38;
	[tilespmem:$0x14880] =	vst v63  }
0x177: {  	_ =	swait.ge [sflag:s8], $0x4000  }
0x178: {  	[sflag:s8] =	ssyncset.done $0x0  }
0x179: {  	s31 =	rddreg [dreg:$0x18];
	[sflag:s8] =	ssyncadd.s32 $0xFFFFC000  }
0x17a: {  	[tilespmem:s12], [sflag:$0x1] =	stream.indirect.gather [hbm4b:s3+s14], $0x80, s31, s14, $0xb8;
	[tilespmem:$0x14880] =	vst v63  }
0x17b: {  	_ =	swait.ge [sflag:s9], $0x4000  }
0x17c: {  	[sflag:s9] =	ssyncset.done $0x0  }
0x17d: {  	s1 =	rddreg [dreg:$0x19];
	[sflag:s9] =	ssyncadd.s32 $0xFFFFC000  }
0x17e: {  	[tilespmem:s7], [sflag:$0x2] =	stream.indirect.gather [hbm4b:s3+s14], $0x80, s1, s14, $0xb8;
	[tilespmem:$0x14880] =	vst v63  }
0x17f: {  	_ =	swait.ge [sflag:s10], $0x4000  }
0x180: {  	[sflag:s10] =	ssyncset.done $0x0  }
0x181: {  	s17 =	rddreg [dreg:$0x1a];
	[sflag:s10] =	ssyncadd.s32 $0xFFFFC000  }
0x182: {  	[tilespmem:s5], [sflag:$0x3] =	stream.indirect.gather [hbm4b:s3+s14], $0x80, s17, s14, $0xb8;
	[tilespmem:$0x14880] =	vst v63  }
0x183: {  	_ =	swait.ge [sflag:s6], $0x4000  }
0x184: {  	[sflag:s6] =	ssyncset.done $0x0  }
0x185: {  	s18 =	rddreg [dreg:$0x1b];
	[sflag:s6] =	ssyncadd.s32 $0xFFFFC000  }
0x186: {  	[tilespmem:s4], [sflag:$0x4] =	stream.indirect.gather [hbm4b:s3+s14], $0x80, s18, s14, $0xb8;
	[tilespmem:$0x14880] =	vst v63  }
0x187: {  	_ =	swait.ge [sflag:s16], $0x4000  }
0x188: {  	[sflag:s16] =	ssyncset.done $0x0  }
0x189: {  	s25 =	rddreg [dreg:$0xe];
	[sflag:s16] =	ssyncadd.s32 $0xFFFFC000  }
0x18a: {  	[hbm4b:s25+s2] =	stream.linear.scatter [tilespmem:s12], [sflag:$0x5], $0x4000, $0x38;
	[tilespmem:$0x14880] =	vst v63  }
0x18b: {  	_ =	swait.ge [sflag:s15], $0x4000  }
0x18c: {  	[sflag:s15] =	ssyncset.done $0x0  }
0x18d: {  	s31 =	rddreg [dreg:$0xf];
	[sflag:s15] =	ssyncadd.s32 $0xFFFFC000  }
0x18e: {  	[hbm4b:s31+s2] =	stream.linear.scatter [tilespmem:s7], [sflag:$0x6], $0x4000, $0x38;
	[tilespmem:$0x14880] =	vst v63  }
0x18f: {  	_ =	swait.ge [sflag:s13], $0x4000  }
0x190: {  	[sflag:s13] =	ssyncset.done $0x0  }
0x191: {  	s1 =	rddreg [dreg:$0x10];
	[sflag:s13] =	ssyncadd.s32 $0xFFFFC000  }
0x192: {  	[hbm4b:s1+s2] =	stream.linear.scatter [tilespmem:s5], [sflag:$0x7], $0x4000, $0x38;
	[tilespmem:$0x14880] =	vst v63  }
0x193: {  	_ =	swait.ge [sflag:s11], $0x4000  }
0x194: {  	[sflag:s11] =	ssyncset.done $0x0  }
0x195: {  	s17 =	rddreg [dreg:$0x11];
	[sflag:s11] =	ssyncadd.s32 $0xFFFFC000  }
0x196: {  	[hbm4b:s17+s2] =	stream.linear.scatter [tilespmem:s4], [sflag:$0x8], $0x4000, $0x38;
	[tilespmem:$0x14880] =	vst v63  }
0x197: {  	_ =	swait.ge [sflag:s8], $0x4000  }
0x198: {  	[sflag:s8] =	ssyncset.done $0x0  }
0x199: {  	[sflag:s8] =	ssyncadd.s32 $0xFFFFC000  }
0x19a: {  	[tilespmem:s12], [sflag:$0x1] =	stream.indirect.gather [hbm4b:s3+s14], $0x80, s30, s14, $0xb8;
	[tilespmem:$0x14880] =	vst v63  }
0x19b: {  	_ =	swait.ge [sflag:s9], $0x4000  }
0x19c: {  	[sflag:s9] =	ssyncset.done $0x0  }
0x19d: {  	[sflag:s9] =	ssyncadd.s32 $0xFFFFC000  }
0x19e: {  	[tilespmem:s7], [sflag:$0x2] =	stream.indirect.gather [hbm4b:s3+s14], $0x80, s24, s14, $0xb8;
	[tilespmem:$0x14880] =	vst v63  }
0x19f: {  	_ =	swait.ge [sflag:s10], $0x4000  }
0x1a0: {  	[sflag:s10] =	ssyncset.done $0x0  }
0x1a1: {  	[sflag:s10] =	ssyncadd.s32 $0xFFFFC000  }
0x1a2: {  	[tilespmem:s5], [sflag:$0x3] =	stream.indirect.gather [hbm4b:s3+s14], $0x80, s23, s14, $0xb8;
	[tilespmem:$0x14880] =	vst v63  }
0x1a3: {  	_ =	swait.ge [sflag:s6], $0x4000  }
0x1a4: {  	[sflag:s6] =	ssyncset.done $0x0  }
0x1a5: {  	[sflag:s6] =	ssyncadd.s32 $0xFFFFC000  }
0x1a6: {  	[tilespmem:s4], [sflag:$0x4] =	stream.indirect.gather [hbm4b:s3+s14], $0x80, s22, s14, $0xb8;
	[tilespmem:$0x14880] =	vst v63  }
0x1a7: {  	_ =	swait.ge [sflag:s16], $0x4000  }
0x1a8: {  	[sflag:s16] =	ssyncset.done $0x0  }
0x1a9: {  	s18 =	rddreg [dreg:$0x12];
	[sflag:s16] =	ssyncadd.s32 $0xFFFFC000  }
0x1aa: {  	[hbm4b:s18+s2] =	stream.linear.scatter [tilespmem:s12], [sflag:$0x5], $0x4000, $0x38;
	[tilespmem:$0x14880] =	vst v63  }
0x1ab: {  	_ =	swait.ge [sflag:s15], $0x4000  }
0x1ac: {  	[sflag:s15] =	ssyncset.done $0x0  }
0x1ad: {  	s22 =	rddreg [dreg:$0x13];
	[sflag:s15] =	ssyncadd.s32 $0xFFFFC000  }
0x1ae: {  	[hbm4b:s22+s2] =	stream.linear.scatter [tilespmem:s7], [sflag:$0x6], $0x4000, $0x38;
	[tilespmem:$0x14880] =	vst v63  }
0x1af: {  	_ =	swait.ge [sflag:s13], $0x4000  }
0x1b0: {  	[sflag:s13] =	ssyncset.done $0x0  }
0x1b1: {  	s23 =	rddreg [dreg:$0x14];
	[sflag:s13] =	ssyncadd.s32 $0xFFFFC000  }
0x1b2: {  	[hbm4b:s23+s2] =	stream.linear.scatter [tilespmem:s5], [sflag:$0x7], $0x4000, $0x38;
	[tilespmem:$0x14880] =	vst v63  }
0x1b3: {  	_ =	swait.ge [sflag:s11], $0x4000  }
0x1b4: {  	[sflag:s11] =	ssyncset.done $0x0  }
0x1b5: {  	s24 =	rddreg [dreg:$0x15];
	[sflag:s11] =	ssyncadd.s32 $0xFFFFC000  }
0x1b6: {  	[hbm4b:s24+s2] =	stream.linear.scatter [tilespmem:s4], [sflag:$0x8], $0x4000, $0x38;
	[tilespmem:$0x14880] =	vst v63  }
0x1b7: {  	_ =	swait.ge [sflag:s8], $0x4000  }
0x1b8: {  	[sflag:s8] =	ssyncset.done $0x0  }
0x1b9: {  	[sflag:s8] =	ssyncadd.s32 $0xFFFFC000  }
0x1ba: {  	[tilespmem:s12], [sflag:$0x1] =	stream.indirect.gather [hbm4b:s3+s14], $0x80, s21, s14, $0xb8;
	[tilespmem:$0x14880] =	vst v63  }
0x1bb: {  	_ =	swait.ge [sflag:s9], $0x4000  }
0x1bc: {  	[sflag:s9] =	ssyncset.done $0x0  }
0x1bd: {  	[sflag:s9] =	ssyncadd.s32 $0xFFFFC000  }
0x1be: {  	[tilespmem:s7], [sflag:$0x2] =	stream.indirect.gather [hbm4b:s3+s14], $0x80, s20, s14, $0xb8;
	[tilespmem:$0x14880] =	vst v63  }
0x1bf: {  	_ =	swait.ge [sflag:s10], $0x4000  }
0x1c0: {  	[sflag:s10] =	ssyncset.done $0x0  }
0x1c1: {  	[sflag:s10] =	ssyncadd.s32 $0xFFFFC000  }
0x1c2: {  	[tilespmem:s5], [sflag:$0x3] =	stream.indirect.gather [hbm4b:s3+s14], $0x80, s19, s14, $0xb8;
	[tilespmem:$0x14880] =	vst v63  }
0x1c3: {  	_ =	swait.ge [sflag:s6], $0x4000  }
0x1c4: {  	[sflag:s6] =	ssyncset.done $0x0  }
0x1c5: {  	[sflag:s6] =	ssyncadd.s32 $0xFFFFC000  }
0x1c6: {  	[tilespmem:s4], [sflag:$0x4] =	stream.indirect.gather [hbm4b:s3+s14], $0x80, s29, s14, $0xb8;
	[tilespmem:$0x14880] =	vst v63  }
0x1c7: {  	_ =	swait.ge [sflag:s16], $0x4000  }
0x1c8: {  	[sflag:s16] =	ssyncset.done $0x0  }
0x1c9: {  	s25 =	rddreg [dreg:$0x7];
	[sflag:s16] =	ssyncadd.s32 $0xFFFFC000  }
0x1ca: {  	[hbm4b:s25+s2] =	stream.linear.scatter [tilespmem:s12], [sflag:$0x5], $0x4000, $0x38;
	[tilespmem:$0x14880] =	vst v63  }
0x1cb: {  	_ =	swait.ge [sflag:s15], $0x4000  }
0x1cc: {  	[sflag:s15] =	ssyncset.done $0x0  }
0x1cd: {  	s29 =	rddreg [dreg:$0x8];
	[sflag:s15] =	ssyncadd.s32 $0xFFFFC000  }
0x1ce: {  	[hbm4b:s29+s2] =	stream.linear.scatter [tilespmem:s7], [sflag:$0x6], $0x4000, $0x38;
	[tilespmem:$0x14880] =	vst v63  }
0x1cf: {  	_ =	swait.ge [sflag:s13], $0x4000  }
0x1d0: {  	[sflag:s13] =	ssyncset.done $0x0  }
0x1d1: {  	s30 =	rddreg [dreg:$0x9];
	[sflag:s13] =	ssyncadd.s32 $0xFFFFC000  }
0x1d2: {  	[hbm4b:s30+s2] =	stream.linear.scatter [tilespmem:s5], [sflag:$0x7], $0x4000, $0x38;
	[tilespmem:$0x14880] =	vst v63  }
0x1d3: {  	_ =	swait.ge [sflag:s11], $0x4000  }
0x1d4: {  	[sflag:s11] =	ssyncset.done $0x0  }
0x1d5: {  	s31 =	rddreg [dreg:$0xa];
	[sflag:s11] =	ssyncadd.s32 $0xFFFFC000  }
0x1d6: {  	[hbm4b:s31+s2] =	stream.linear.scatter [tilespmem:s4], [sflag:$0x8], $0x4000, $0x38;
	[tilespmem:$0x14880] =	vst v63  }
0x1d7: {  	_ =	swait.ge [sflag:s8], $0x4000  }
0x1d8: {  	[sflag:s8] =	ssyncset.done $0x0  }
0x1d9: {  	[sflag:s8] =	ssyncadd.s32 $0xFFFFC000  }
0x1da: {  	_ =	swait.ge [sflag:s9], $0x4000  }
0x1db: {  	[sflag:s9] =	ssyncset.done $0x0  }
0x1dc: {  	[sflag:s9] =	ssyncadd.s32 $0xFFFFC000  }
0x1dd: {  	_ =	swait.ge [sflag:s10], $0x4000  }
0x1de: {  	[sflag:s10] =	ssyncset.done $0x0  }
0x1df: {  	[sflag:s10] =	ssyncadd.s32 $0xFFFFC000  }
0x1e0: {  	_ =	swait.ge [sflag:s6], $0x4000  }
0x1e1: {  	[sflag:s6] =	ssyncset.done $0x0  }
0x1e2: {  	[sflag:s6] =	ssyncadd.s32 $0xFFFFC000  }
0x1e3: {  	_ =	sfence.sel $0x180000  }
0x1e4: {  	[bflag:$0x0] =	sbarrier.arrive $0xFFFF  }
0x1e5: {  	p0 =	sne.s32 s26, $0x0;
	_ =	strace $0x90000050  }
0x1e6: {  	s0 =	sadd.s32 @!p0 $0x100000, s28;
	[bflag:$0x2] =	sbarrier.arrive $0xFFFF  }
0x1e7: {  	[sflag:s0] =	ssyncadd.tile.s32 @!p0 $0x1;
	_ =	shalt  }
.LBB2_1:
.Ltmp3:
0x1e8: {  	(pc) =	sbr.rel .LBB2_6-.Ltmp3, $2  }
0x1e9: {  	_ =	sdelay $0x2  }
0x1ea: {  	s29 =	simm.s32 $0x780  }
.LBB2_3:
.Ltmp4:
0x1eb: {  	(pc) =	sbr.rel .LBB2_6-.Ltmp4, $4  }
0x1ec: {  	s29 =	simm.s32 $0x780  }
0x1ed: {  	s26 =	stileid.u32;
	s28 =	rddreg [dreg:$0x2];
	s19 =	simm.s32 $0x700  }
0x1ee: {  	s20 =	simm.s32 $0x680;
	s21 =	simm.s32 $0x600;
	s22 =	simm.s32 $0x580  }
0x1ef: {  	s23 =	simm.s32 $0x500;
	s24 =	simm.s32 $0x480;
	s30 =	simm.s32 $0x400  }
.Lfunc_end2:
_tile_overlayer_lowered:
.L_overlay_start_2:
0x1f0: {  	(tag) =	ssettag $0x2  }
0x1f1: {  	s0 =	rddreg [dreg:$0x0];
	s2 =	stileid.u32  }
0x1f2: {  	s1 =	rddreg [dreg:$0x1];
	p0 =	sne.s32 s2, $0x0  }
0x1f3: {  	s3 =	rddreg [dreg:$0x2];
	[bflag:$0x3] =	sbarrier.arrive $0xFFFF;
	s2 =	simm.s32 @!p0 $0x1C0A  }
0x1f4: {  	[timem:s3], [sflag:s2] =	dma.local @!p0 [hbm:s0], s1  }
0x1f5: {  	s0 =	simm.s32 @!p0 $0xA  }
0x1f6: {  	_ =	swait.ge @!p0 [sflag:s0], s1  }
0x1f7: {  	s1 =	ssub.s32 @!p0 $0x0, s1;
	[sflag:s0] =	ssyncset.done @!p0 $0x0  }
0x1f8: {  	[sflag:s0] =	ssyncadd.s32 @!p0 s1  }
0x1f9: {  	[bflag:$0x3] =	sbarrier.arrive $0xFFFF  }
0x1fa: {  	_ =	shalt  }

// kernel: kernel.24.cloned.1.call-start
scs
__scs_entry_jumppad:
0x0: {  	(pc) =	sbr.rel $0x88, $3  }
0x1: {  	(tag) =	ssettag $0x0;
	lr =	simm.s32 $0x1  }
0x2: {  	[smem:$0x3F96] =	sst lr;
	_ =	strace $0xD0000000  }
0x3: {  	_ = 	snop  }
0x4: {  	_ = 	snop  }
0x5: {  	_ = 	snop  }
0x6: {  	_ = 	snop  }
0x7: {  	_ = 	snop  }
__scs_overlays_trampoline_lowered:
0x8: {  	[smem:$0x3FA5] =	sst s0  }
0x9: {  	[smem:$0x3FA6] =	sst s1  }
0xa: {  	[smem:$0x3FA7] =	sst s2  }
0xb: {  	[smem:$0x3FA8] =	sst s3  }
0xc: {  	[smem:$0x3FA9] =	sst s4  }
0xd: {  	[smem:$0x3FAA] =	sst s5  }
0xe: {  	[smem:$0x3FAB] =	sst s6  }
0xf: {  	[smem:$0x3FAC] =	sst s7  }
0x10: {  	[smem:$0x3FAD] =	sst s8  }
0x11: {  	[smem:$0x3FAE] =	sst s9;
	s0 =	simm.s32 @!p0 $0x0  }
0x12: {  	s1 =	sld [smem:$0x3F94];
	s0 =	simm.s32 @p0 $0x1  }
0x13: {  	[smem:$0x3FAF] =	sst s0;
	s0 =	simm.s32 @!p1 $0x0  }
0x14: {  	s2 =	sld [smem:$0x3F93];
	s0 =	simm.s32 @p1 $0x1  }
0x15: {  	[smem:$0x3FB0] =	sst s0;
	s0 =	simm.s32 @!p2 $0x0  }
0x16: {  	s3 =	sld [smem:$0x3FDB];
	s0 =	simm.s32 @p2 $0x1  }
0x17: {  	s4 =	simm.s32 $0x1BF5;
	[smem:$0x3FB2] =	sst s0  }
0x18: {  	s0 =	sld [smem:$0x3F95];
	_ =	swait.ge [sflag:s4], $0x0  }
0x19: {  	s7 =	sld [smem:$0x3F96]  }
0x1a: {  	s8 =	sadd.s32 $0xFFFFE003, lr  }
0x1b: {  	s9 =	sadd.s32 $0xFFFFFEF7, lr;
	s5 =	simm.s32 $0xFFFFFFFF;
	p2 =	slt.u32 s8, $0xFFFFF086  }
0x1c: {  	p1 =	slt.u32 s9, $0xF7A;
	s5 =	simm.s32 @!p2 $0x0  }
0x1d: {  	s5 =	simm.s32 @p1 $0x1;
	p0 =	seq.s32 s7, s2  }
0x1e: {  	s7 =	smul.u32 @!p0 $0xF7A, s2;
	p2 =	seq.s32 @!p0 s5, $0x0  }
0x1f: {  	s9 =	smul.u32 $0xF7A, s1;
	s8 =	simm.s32 @!p0 $0x1BF5;
	p2 =	por !p2, p0  }
0x20: {  	[sflag:s8] =	ssyncset.s32 @!p0 $0xFFFFF086;
	s6 =	sadd.s32 @!p0 s3, s7;
	s7 =	simm.s32 @!p0 $0x108  }
0x21: {  	s3 =	sadd.s32 s3, s9;
	s6 =	sadd.s32 @!p0 $0x88, s6;
	s7 =	simm.s32 @p2 $0x1082  }
0x22: {  	[simem:s7], [sflag:s8] =	dma.local @!p0 [hbm:s6], $0xF7A  }
0x23: {  	s9 =	sor.u32 $0xD0000000, s2;
	s6 =	simm.s32 $0x108;
	_ =	swait.ge @!p0 [sflag:s8], $0x0  }
0x24: {  	s3 =	sadd.s32 $0x88, s3;
	s6 =	simm.s32 @!p1 $0x1082;
	[sflag:s4] =	ssyncset.s32 $0xFFFFF086  }
0x25: {  	[simem:s6], [sflag:s4] =	dma.local [hbm:s3], $0xF7A  }
0x26: {  	[smem:$0x3F96] =	sst s1;
	(tag) =	ssettag s2;
	_ =	strace s9  }
0x27: {  	s1 =	sld [smem:$0x3FA6]  }
0x28: {  	s2 =	sld [smem:$0x3FA7]  }
0x29: {  	s4 =	sld [smem:$0x3FA9]  }
0x2a: {  	p0 =	seq.s32 s5, $0x0;
	s5 =	sld [smem:$0x3FAA]  }
0x2b: {  	s6 =	sld [smem:$0x3FAB]  }
0x2c: {  	s7 =	sld [smem:$0x3FAC]  }
0x2d: {  	s3 =	simm.s32 $0x108;
	s8 =	sld [smem:$0x3FAD]  }
0x2e: {  	s3 =	simm.s32 @!p0 $0x1082;
	s9 =	sld [smem:$0x3FAE]  }
0x2f: {  	lr =	sadd.s32 s0, s3;
	s0 =	sld [smem:$0x3FA5]  }
0x30: {  	s3 =	sld [smem:$0x3FA8]  }
0x31: {  	[smem:$0x3FB1] =	sst s10  }
0x32: {  	s10 =	sld [smem:$0x3FAF];
	_ =	sdelay $0x3  }
0x33: {  	p0 =	seq.s32 s10, $0x1;
	s10 =	sld [smem:$0x3FB1];
	_ =	sdelay $0x3  }
0x34: {  	[smem:$0x3FB1] =	sst s10  }
0x35: {  	s10 =	sld [smem:$0x3FB0];
	_ =	sdelay $0x3  }
0x36: {  	p1 =	seq.s32 s10, $0x1;
	s10 =	sld [smem:$0x3FB1];
	_ =	sdelay $0x3  }
0x37: {  	[smem:$0x3FB1] =	sst s10  }
0x38: {  	s10 =	sld [smem:$0x3FB2]  }
0x39: {  	_ = 	snop;
	(pc) =	sbr.ind lr, $3  }
0x3a: {  	_ = 	snop  }
0x3b: {  	_ = 	snop  }
0x3c: {  	p2 =	seq.s32 s10, $0x1;
	s10 =	sld [smem:$0x3FB1]  }
0x3d: {  	_ =	shalt  }
0x3e: {  	_ =	shalt  }
0x3f: {  	_ =	shalt  }
0x40: {  	_ =	shalt  }
0x41: {  	_ =	shalt  }
0x42: {  	_ =	shalt  }
0x43: {  	_ =	shalt  }
0x44: {  	_ =	shalt  }
0x45: {  	_ =	shalt  }
0x46: {  	_ =	shalt  }
0x47: {  	_ =	shalt  }
0x48: {  	_ =	shalt  }
0x49: {  	_ =	shalt  }
0x4a: {  	_ =	shalt  }
0x4b: {  	_ =	shalt  }
0x4c: {  	_ =	shalt  }
0x4d: {  	_ =	shalt  }
0x4e: {  	_ =	shalt  }
0x4f: {  	_ =	shalt  }
0x50: {  	_ =	shalt  }
0x51: {  	_ =	shalt  }
0x52: {  	_ =	shalt  }
0x53: {  	_ =	shalt  }
0x54: {  	_ =	shalt  }
0x55: {  	_ =	shalt  }
0x56: {  	_ =	shalt  }
0x57: {  	_ =	shalt  }
0x58: {  	_ =	shalt  }
0x59: {  	_ =	shalt  }
0x5a: {  	_ =	shalt  }
0x5b: {  	_ =	shalt  }
0x5c: {  	_ =	shalt  }
0x5d: {  	_ =	shalt  }
0x5e: {  	_ =	shalt  }
0x5f: {  	_ =	shalt  }
0x60: {  	_ =	shalt  }
0x61: {  	_ =	shalt  }
0x62: {  	_ =	shalt  }
0x63: {  	_ =	shalt  }
0x64: {  	_ =	shalt  }
0x65: {  	_ =	shalt  }
0x66: {  	_ =	shalt  }
0x67: {  	_ =	shalt  }
0x68: {  	_ =	shalt  }
0x69: {  	_ =	shalt  }
0x6a: {  	_ =	shalt  }
0x6b: {  	_ =	shalt  }
0x6c: {  	_ =	shalt  }
0x6d: {  	_ =	shalt  }
0x6e: {  	_ =	shalt  }
0x6f: {  	_ =	shalt  }
0x70: {  	_ =	shalt  }
0x71: {  	_ =	shalt  }
0x72: {  	_ =	shalt  }
0x73: {  	_ =	shalt  }
0x74: {  	_ =	shalt  }
0x75: {  	_ =	shalt  }
0x76: {  	_ =	shalt  }
0x77: {  	_ =	shalt  }
0x78: {  	_ =	shalt  }
0x79: {  	_ =	shalt  }
0x7a: {  	_ =	shalt  }
0x7b: {  	_ =	shalt  }
0x7c: {  	_ =	shalt  }
0x7d: {  	_ =	shalt  }
0x7e: {  	_ =	shalt  }
0x7f: {  	_ =	shalt  }
0x80: {  	_ =	shalt  }
0x81: {  	_ =	shalt  }
0x82: {  	_ =	shalt  }
0x83: {  	_ =	shalt  }
0x84: {  	_ =	shalt  }
0x85: {  	_ =	shalt  }
0x86: {  	_ =	shalt  }
0x87: {  	_ =	shalt  }
.Lfunc_end0:
.L_simem_size_0:
called_computation.4_lowered:
.L_overlay_start_0:
0x88: {  	s2 =	sld [smem:$0x3FD9]  }
0x89: {  	s3 =	sld [smem:$0x3FFE];
	_ =	sdelay $0x1  }
0x8a: {  	s1 =	srdreg.scid  }
0x8b: {  	s0 =	sand.u32 $0x1, s1  }
0x8c: {  	s17 =	sshll.u32 s0, $0xA;
	s2 =	sadd.s32 s3, s2  }
0x8d: {  	s2 =	sadd.s32 s2, s17  }
0x8e: {  	[smem:$0x3FBD] =	sst s2  }
0x8f: {  	_ = 	snop  }
0x90: {  	s18 =	sld [smem:$0x3FC6];
	(tm) =	ssettm $0x1  }
0x91: {  	s19 =	sld [smem:$0x3FFB];
	_ =	sdelay $0x3  }
0x92: {  	_ =	strace s19  }
0x93: {  	s2 =	sld [smem:$0x3FFC];
	_ =	sdelay $0x3  }
0x94: {  	_ =	strace s2  }
0x95: {  	s2 =	sld [smem:$0x3FFD];
	_ =	sdelay $0x3  }
0x96: {  	_ =	strace s2  }
0x97: {  	_ =	strace $0x8FFFFFFF  }
0x98: {  	s20 =	sld [smem:$0x3FDB];
	_ =	sdelay $0x1  }
0x99: {  	s4 =	simm.s32 $_scs_section_size  }
0x9a: {  	s5 =	simm.s32 $_size__tile_overlayer_lowered;
	s6 =	simm.s32 $_tile_overlayer_lowered  }
0x9b: {  	s7 =	simm.s32 $0x1BFF;
	s21 =	sshll.u32 s6, $0x1;
	s4 =	sadd.s32 s4, s20  }
0x9c: {  	s22 =	simm.s32 $0x0;
	s5 =	sshll.u32 s5, $0x1;
	s6 =	sadd.s32 s21, s4  }
0x9d: {  	[timem:s22], [sflag:s7] =	dma.local [hbm:s6], s5  }
0x9e: {  	_ =	swait.ge [sflag:s7], s5  }
0x9f: {  	s5 =	ssub.s32 $0x0, s5;
	[sflag:s7] =	ssyncset.done $0x0  }
0xa0: {  	[sflag:s7] =	ssyncadd.s32 s5;
	_ =	sdelay $0x1  }
0xa1: {  	s23 =	simm.s32 $0x1B8B  }
0xa2: {  	_ =	swait.ge [sflag:s23], $0x1  }
0xa3: {  	[sflag:s23] =	ssyncset.done $0x0  }
0xa4: {  	[sflag:s23] =	ssyncadd.s32 $0xFFFFFFFF  }
0xa5: {  	s5 =	sld [smem:$0x0]  }
0xa6: {  	s6 =	sand.u32 $0xFFFFFFFE, s1  }
0xa7: {  	p0 =	sne.s32 s1, s6  }
0xa8: {  	s6 =	sshll.u32 @p0 s6, $0xE  }
0xa9: {  	s6 =	sadd.s32 @p0 $0x11B8D, s6;
	s7 =	sshll.u32 @p0 s5, $0x11  }
0xaa: {  	s6 =	sor.u32 @p0 s7, s6  }
0xab: {  	[sflag:s6] =	ssyncadd.remote.s32 @p0 $0x1;
	_ =	sdelay $0x1  }
0xac: {  	s6 =	simm.s32 @p0 $0x1B8D  }
0xad: {  	_ =	swait.eq @p0 [sflag:s6], $0x1  }
0xae: {  	[sflag:s6] =	ssyncadd.s32 @p0 $0xFFFFFFFF  }
0xaf: {  	s7 =	sshll.u32 @!p0 s1, $0xE  }
0xb0: {  	s7 =	sor.u32 @!p0 $0x4000, s7;
	s6 =	simm.s32 @!p0 $0x1B8D  }
0xb1: {  	s5 =	sshll.u32 @!p0 s5, $0x11;
	s7 =	sadd.s32 @!p0 $0x11B8D, s7;
	_ =	swait.eq @!p0 [sflag:s6], $0x1  }
0xb2: {  	s5 =	sor.u32 @!p0 s5, s7;
	[sflag:s6] =	ssyncadd.s32 @!p0 $0xFFFFFFFF  }
0xb3: {  	s25 =	simm.s32 $0x1B8E;
	s24 =	sld [smem:$0x3FFE];
	[sflag:s5] =	ssyncadd.remote.s32 @!p0 $0x1  }
0xb4: {  	s26 =	simm.s32 $execute0_lowered;
	[smem:$0x3FD2] =	sst s25  }
0xb5: {  	s6 =	sshll.u32 s26, $0x1;
	_ =	strace $0x80000052;
	[dreg:$0x1] =	wrdreg $0xFFFFFFFF  }
0xb6: {  	s28 =	simm.s32 $_size_execute0_lowered;
	s4 =	sadd.s32 s4, s6;
	[dreg:$0x0] =	wrdreg $0x0  }
0xb7: {  	s6 =	sshll.u32 s28, $0x1;
	[dreg:$0x2] =	wrdreg s4  }
0xb8: {  	[dreg:$0x3] =	wrdreg s6  }
0xb9: {  	[dreg:$0x4] =	wrdreg $0xC0  }
0xba: {  	_ =	task [dreg:s22], $0x5FFFF  }
0xbb: {  	[dreg:$0x1] =	wrdreg $0xFFFFFFFF  }
0xbc: {  	[dreg:$0x0] =	wrdreg $0x60  }
0xbd: {  	[dreg:$0x2] =	wrdreg s24  }
0xbe: {  	[dreg:$0x3] =	wrdreg s18  }
0xbf: {  	[dreg:$0x4] =	wrdreg $0xC  }
0xc0: {  	_ =	task.clear_ibuf [dreg:s22], $0x5FFFF;
	_ =	strace $0x90000052  }
0xc1: {  	s29 =	simm.s32 $0xC;
	_ =	strace $0x80000054  }
0xc2: {  	_ =	swait.ge [sflag:s29], $0x1  }
0xc3: {  	[sflag:s29] =	ssyncadd.s32 $0xFFFFFFFF  }
0xc4: {  	_ =	strace $0x90000054  }
0xc5: {  	_ =	sfence  }
0xc6: {  	s30 =	sld [smem:$0x0];
	_ =	sdelay $0x2  }
0xc7: {  	s31 =	sshll.u32 s1, $0xD;
	s1 =	sshrl.u32 s1, $0x2  }
0xc8: {  	s4 =	sand.u32 $0x4000, s31;
	s1 =	sadd.s32 s1, s30  }
0xc9: {  	s0 =	sor.u32 s4, s0;
	s1 =	sshll.u32 s1, $0x11  }
0xca: {  	s0 =	sor.u32 s1, s0  }
0xcb: {  	s0 =	sadd.s32 $0x8F2B, s0  }
0xcc: {  	[sflag:s0] =	ssyncadd.remote.s32 $0x1  }
0xcd: {  	_ =	sfence.sel $0xFFFF  }
0xce: {  	[dreg:$0x0] =	wrdreg $0xFFFFFFFF;
	(pc) =	sbr.abs _section_cstart, $3  }
0xcf: {  	[dreg:$0x1] =	wrdreg $0xFFFFFFFF  }
0xd0: {  	_ =	task.clear_ibuf [dreg:s22], $0x2FFFF;
	_ =	strace $0x9FFFFFFF  }
0xd1: {  	(tm) =	ssettm $0x7FFFFFFF  }
tec
execute0_lowered:
.L_overlay_start_1:
0x0: {  	(tag) =	ssettag $0x1  }
0x1: {  	s0 =	rddreg [dreg:$0x0]  }
0x2: {  	s3 =	rddreg [dreg:$0x1]  }
0x3: {  	s1 =	srdreg.scid;
	s28 =	rddreg [dreg:$0x2];
	s2 =	simm.s32 $0x0  }
0x4: {  	s26 =	stileid.u32;
	s21 =	simm.s32 $0x100;
	[smem:$0x7FF] =	sst s2  }
0x5: {  	s22 =	simm.s32 $0x180;
	_ =	strace $0x80000053;
	[dreg:$0x16] =	wrdreg s21  }
0x6: {  	s23 =	simm.s32 $0x200;
	s24 =	simm.s32 $0x280;
	[dreg:$0x17] =	wrdreg s22  }
0x7: {  	s1 =	sand.u32 $0x1, s1;
	s4 =	sshll.u32 s26, $0x1;
	[dreg:$0x18] =	wrdreg s23  }
0x8: {  	s29 =	simm.s32 $0x300;
	s4 =	sor.u32 s1, s4;
	[dreg:$0x19] =	wrdreg s24  }
0x9: {  	[dreg:$0x1a] =	wrdreg s29;
	s5 =	sshll.u32 s4, $0x8  }
0xa: {  	s6 =	sshll.u32 s4, $0x4;
	s7 =	sshll.u32 s4, $0xF;
	s5 =	sadd.s32 s5, s0  }
0xb: {  	s4 =	sshll.u32 s4, $0xB;
	s6 =	sadd.s32 s6, s0;
	s5 =	sadd.s32 $0x9800, s5  }
0xc: {  	s4 =	sadd.s32 s4, s0;
	s31 =	sadd.s32 $0x5600, s6;
	[dreg:$0x3] =	wrdreg s5  }
0xd: {  	s0 =	sadd.s32 s7, s0;
	s4 =	sadd.s32 $0x287400, s4;
	[dreg:$0x4] =	wrdreg s31  }
0xe: {  	s25 =	simm.s32 $0xA;
	s6 =	sadd.s32 $0x295400, s0;
	[dreg:$0x5] =	wrdreg s4  }
0xf: {  	s30 =	simm.s32 $0x400;
	s7 =	sadd.s32 $0x295C00, s0;
	[dreg:$0x7] =	wrdreg s6  }
0x10: {  	p1 =	por $0x0, $0x0;
	s8 =	sadd.s32 $0x296400, s0;
	[dreg:$0x8] =	wrdreg s7  }
0x11: {  	p0 =	sgt.u32 s26, $0x7;
	s9 =	sadd.s32 $0x296C00, s0;
	[dreg:$0x9] =	wrdreg s8  }
0x12: {  	s1 =	ssub.s32 $0x2, s1;
	s10 =	sadd.s32 $0x28FC00, s0;
	[dreg:$0xa] =	wrdreg s9  }
0x13: {  	s24 =	simm.s32 $0x480;
	s11 =	sadd.s32 $0x290400, s0;
	[dreg:$0xb] =	wrdreg s10  }
0x14: {  	s23 =	simm.s32 $0x500;
	s12 =	sadd.s32 $0x290C00, s0;
	[dreg:$0xc] =	wrdreg s11  }
0x15: {  	s22 =	simm.s32 $0x580;
	s13 =	sadd.s32 $0x291400, s0;
	[dreg:$0xd] =	wrdreg s12  }
0x16: {  	s21 =	simm.s32 $0x600;
	s14 =	sadd.s32 $0x291C00, s0;
	[dreg:$0xe] =	wrdreg s13  }
0x17: {  	s19 =	sshrl.u32 s1, $0x1;
	s15 =	sadd.s32 $0x292400, s0;
	[dreg:$0xf] =	wrdreg s14  }
0x18: {  	s1 =	ssub.s32 s1, s19;
	s16 =	sadd.s32 $0x292C00, s0;
	[dreg:$0x10] =	wrdreg s15  }
0x19: {  	s19 =	simm.s32 $0x700;
	s17 =	sadd.s32 $0x293400, s0;
	[dreg:$0x11] =	wrdreg s16  }
0x1a: {  	s18 =	sadd.s32 $0x293C00, s0;
	s20 =	sadd.s32 $0x294400, s0;
	[dreg:$0x12] =	wrdreg s17  }
0x1b: {  	s1 =	smax.u32 s1, $0x1;
	s5 =	sadd.s32 $0x28F400, s0;
	[dreg:$0x13] =	wrdreg s18  }
0x1c: {  	[dreg:$0x14] =	wrdreg s20;
	s0 =	sadd.s32 $0x294C00, s0;
	s14 =	simm.s32 $0x80  }
0x1d: {  	s12 =	simm.s32 $0x4880;
	s7 =	simm.s32 $0x8880;
	s18 =	sadd.s32 $0xFFFFFFFF, s1  }
0x1e: {  	s4 =	simm.s32 $0x10880;
	s16 =	simm.s32 $0x1;
	p2 =	sne.s32 s18, $0x0  }
.Ltmp0:
0x1f: {  	s15 =	simm.s32 $0x2;
	s13 =	simm.s32 $0x3;
	(pc) =	sbr.rel @!p2 .LBB2_1-.Ltmp0, $4  }
0x20: {  	s11 =	simm.s32 $0x4;
	s8 =	simm.s32 $0x5;
	[dreg:$0x6] =	wrdreg s5  }
0x21: {  	s9 =	simm.s32 $0x6;
	s31 =	simm.s32 $0x380;
	[dreg:$0x15] =	wrdreg s0  }
0x22: {  	s10 =	simm.s32 $0x7;
	s6 =	simm.s32 $0x8;
	[dreg:$0x1b] =	wrdreg s31  }
0x23: {  	s20 =	simm.s32 $0x680;
	s5 =	simm.s32 $0xC880;
	s17 =	rddreg [dreg:$0x3]  }
0x24: {  	[tilespmem:s2], [sflag:$0xA] =	stream.linear.gather [hbm4b:s17+s2], $0x800, $0x38;
	[tilespmem:$0x14880] =	vst v63  }
0x25: {  	_ =	swait.ge [sflag:s25], $0x800  }
0x26: {  	s26 =	simm.s32 @!p0 $0xA;
	s28 =	simm.s32 @!p0 $0x0;
	[sflag:s25] =	ssyncset.done $0x0  }
0x27: {  	s29 =	simm.s32 @!p0 $0x800;
	s1 =	rddreg [dreg:$0x4];
	[sflag:s25] =	ssyncadd.s32 $0xFFFFF800  }
0x28: {  	[tilespmem:s29], [sflag:$0xA] =	stream.linear.gather @!p0 [hbm4b:s1+s28], $0x80, $0x38;
	[tilespmem:$0x14880] =	vst v63  }
0x29: {  	_ =	swait.ge @!p0 [sflag:s26], $0x80  }
0x2a: {  	s30 =	simm.s32 @!p0 $0x9;
	[sflag:s26] =	ssyncset.done @!p0 $0x0  }
0x2b: {  	s0 =	simm.s32 @!p0 $0x80;
	s1 =	simm.s32 @!p0 $0x880;
	[sflag:s26] =	ssyncadd.s32 @!p0 $0xFFFFFF80  }
0x2c: {  	[tilespmem:s1], [sflag:$0x9] =	stream.indirect.gather @!p0 [hbm4b:s3+s0], $0x80, s29, s0, $0xb8;
	[tilespmem:$0x14880] =	vst v63  }
0x2d: {  	_ =	swait.ge @!p0 [sflag:s30], $0x4000  }
0x2e: {  	[sflag:s30] =	ssyncset.done @!p0 $0x0  }
0x2f: {  	s17 =	rddreg [dreg:$0x5];
	[sflag:s30] =	ssyncadd.s32 @!p0 $0xFFFFC000  }
0x30: {  	[hbm4b:s17+s28] =	stream.linear.scatter @!p0 [tilespmem:s1], [sflag:$0xA], $0x4000, $0x38;
	[tilespmem:$0x14880] =	vst v63  }
0x31: {  	_ =	swait.ge @!p0 [sflag:s26], $0x4000  }
0x32: {  	[sflag:s26] =	ssyncset.done @!p0 $0x0  }
0x33: {  	[sflag:s26] =	ssyncadd.s32 @!p0 $0xFFFFC000  }
0x34: {  	[tilespmem:s12], [sflag:$0x1] =	stream.indirect.gather [hbm4b:s3+s14], $0x80, s2, s14, $0xb8;
	[tilespmem:$0x14880] =	vst v63  }
0x35: {  	_ = 	snop  }
0x36: {  	[tilespmem:s7], [sflag:$0x2] =	stream.indirect.gather [hbm4b:s3+s14], $0x80, s14, s14, $0xb8;
	[tilespmem:$0x14880] =	vst v63  }
0x37: {  	s0 =	rddreg [dreg:$0x16]  }
0x38: {  	[tilespmem:s5], [sflag:$0x3] =	stream.indirect.gather [hbm4b:s3+s14], $0x80, s0, s14, $0xb8;
	[tilespmem:$0x14880] =	vst v63  }
0x39: {  	s22 =	rddreg [dreg:$0x17]  }
0x3a: {  	[tilespmem:s4], [sflag:$0x4] =	stream.indirect.gather [hbm4b:s3+s14], $0x80, s22, s14, $0xb8;
	[tilespmem:$0x14880] =	vst v63  }
0x3b: {  	_ =	swait.ge [sflag:s16], $0x4000  }
0x3c: {  	[sflag:s16] =	ssyncset.done $0x0  }
0x3d: {  	s17 =	rddreg [dreg:$0x6];
	[sflag:s16] =	ssyncadd.s32 $0xFFFFC000  }
0x3e: {  	[hbm4b:s17+s2] =	stream.linear.scatter [tilespmem:s12], [sflag:$0x5], $0x4000, $0x38;
	[tilespmem:$0x14880] =	vst v63  }
0x3f: {  	_ =	swait.ge [sflag:s15], $0x4000  }
0x40: {  	[sflag:s15] =	ssyncset.done $0x0  }
0x41: {  	s22 =	rddreg [dreg:$0xb];
	[sflag:s15] =	ssyncadd.s32 $0xFFFFC000  }
0x42: {  	[hbm4b:s22+s2] =	stream.linear.scatter [tilespmem:s7], [sflag:$0x6], $0x4000, $0x38;
	[tilespmem:$0x14880] =	vst v63  }
0x43: {  	_ =	swait.ge [sflag:s13], $0x4000  }
0x44: {  	[sflag:s13] =	ssyncset.done $0x0  }
0x45: {  	s17 =	rddreg [dreg:$0xc];
	[sflag:s13] =	ssyncadd.s32 $0xFFFFC000  }
0x46: {  	[hbm4b:s17+s2] =	stream.linear.scatter [tilespmem:s5], [sflag:$0x7], $0x4000, $0x38;
	[tilespmem:$0x14880] =	vst v63  }
0x47: {  	_ =	swait.ge [sflag:s11], $0x4000  }
0x48: {  	[sflag:s11] =	ssyncset.done $0x0  }
0x49: {  	s22 =	rddreg [dreg:$0xd];
	[sflag:s11] =	ssyncadd.s32 $0xFFFFC000  }
0x4a: {  	[hbm4b:s22+s2] =	stream.linear.scatter [tilespmem:s4], [sflag:$0x8], $0x4000, $0x38;
	[tilespmem:$0x14880] =	vst v63  }
0x4b: {  	_ =	swait.ge [sflag:s8], $0x4000  }
0x4c: {  	[sflag:s8] =	ssyncset.done $0x0  }
0x4d: {  	s17 =	rddreg [dreg:$0x18];
	[sflag:s8] =	ssyncadd.s32 $0xFFFFC000  }
0x4e: {  	[tilespmem:s12], [sflag:$0x1] =	stream.indirect.gather [hbm4b:s3+s14], $0x80, s17, s14, $0xb8;
	[tilespmem:$0x14880] =	vst v63  }
0x4f: {  	_ =	swait.ge [sflag:s9], $0x4000  }
0x50: {  	[sflag:s9] =	ssyncset.done $0x0  }
0x51: {  	s22 =	rddreg [dreg:$0x19];
	[sflag:s9] =	ssyncadd.s32 $0xFFFFC000  }
0x52: {  	[tilespmem:s7], [sflag:$0x2] =	stream.indirect.gather [hbm4b:s3+s14], $0x80, s22, s14, $0xb8;
	[tilespmem:$0x14880] =	vst v63  }
0x53: {  	_ =	swait.ge [sflag:s10], $0x4000  }
0x54: {  	[sflag:s10] =	ssyncset.done $0x0  }
0x55: {  	s17 =	rddreg [dreg:$0x1a];
	[sflag:s10] =	ssyncadd.s32 $0xFFFFC000  }
0x56: {  	[tilespmem:s5], [sflag:$0x3] =	stream.indirect.gather [hbm4b:s3+s14], $0x80, s17, s14, $0xb8;
	[tilespmem:$0x14880] =	vst v63  }
0x57: {  	_ =	swait.ge [sflag:s6], $0x4000  }
0x58: {  	[sflag:s6] =	ssyncset.done $0x0  }
0x59: {  	s22 =	rddreg [dreg:$0x1b];
	[sflag:s6] =	ssyncadd.s32 $0xFFFFC000  }
0x5a: {  	[tilespmem:s4], [sflag:$0x4] =	stream.indirect.gather [hbm4b:s3+s14], $0x80, s22, s14, $0xb8;
	[tilespmem:$0x14880] =	vst v63  }
0x5b: {  	_ =	swait.ge [sflag:s16], $0x4000  }
0x5c: {  	[sflag:s16] =	ssyncset.done $0x0  }
0x5d: {  	s17 =	rddreg [dreg:$0xe];
	[sflag:s16] =	ssyncadd.s32 $0xFFFFC000  }
0x5e: {  	[hbm4b:s17+s2] =	stream.linear.scatter [tilespmem:s12], [sflag:$0x5], $0x4000, $0x38;
	[tilespmem:$0x14880] =	vst v63  }
0x5f: {  	_ =	swait.ge [sflag:s15], $0x4000  }
0x60: {  	[sflag:s15] =	ssyncset.done $0x0  }
0x61: {  	s22 =	rddreg [dreg:$0xf];
	[sflag:s15] =	ssyncadd.s32 $0xFFFFC000  }
0x62: {  	[hbm4b:s22+s2] =	stream.linear.scatter [tilespmem:s7], [sflag:$0x6], $0x4000, $0x38;
	[tilespmem:$0x14880] =	vst v63  }
0x63: {  	_ =	swait.ge [sflag:s13], $0x4000  }
0x64: {  	[sflag:s13] =	ssyncset.done $0x0  }
0x65: {  	s17 =	rddreg [dreg:$0x10];
	[sflag:s13] =	ssyncadd.s32 $0xFFFFC000  }
0x66: {  	[hbm4b:s17+s2] =	stream.linear.scatter [tilespmem:s5], [sflag:$0x7], $0x4000, $0x38;
	[tilespmem:$0x14880] =	vst v63  }
0x67: {  	_ =	swait.ge [sflag:s11], $0x4000  }
0x68: {  	[sflag:s11] =	ssyncset.done $0x0  }
0x69: {  	s22 =	rddreg [dreg:$0x11];
	[sflag:s11] =	ssyncadd.s32 $0xFFFFC000  }
0x6a: {  	[hbm4b:s22+s2] =	stream.linear.scatter [tilespmem:s4], [sflag:$0x8], $0x4000, $0x38;
	[tilespmem:$0x14880] =	vst v63  }
0x6b: {  	_ =	swait.ge [sflag:s8], $0x4000  }
0x6c: {  	[sflag:s8] =	ssyncset.done $0x0  }
0x6d: {  	s19 =	simm.s32 $0x400;
	[sflag:s8] =	ssyncadd.s32 $0xFFFFC000  }
0x6e: {  	[tilespmem:s12], [sflag:$0x1] =	stream.indirect.gather [hbm4b:s3+s14], $0x80, s19, s14, $0xb8;
	[tilespmem:$0x14880] =	vst v63  }
0x6f: {  	_ =	swait.ge [sflag:s9], $0x4000  }
0x70: {  	[sflag:s9] =	ssyncset.done $0x0  }
0x71: {  	s24 =	simm.s32 $0x480;
	[sflag:s9] =	ssyncadd.s32 $0xFFFFC000  }
0x72: {  	[tilespmem:s7], [sflag:$0x2] =	stream.indirect.gather [hbm4b:s3+s14], $0x80, s24, s14, $0xb8;
	[tilespmem:$0x14880] =	vst v63  }
0x73: {  	_ =	swait.ge [sflag:s10], $0x4000  }
0x74: {  	[sflag:s10] =	ssyncset.done $0x0  }
0x75: {  	s23 =	simm.s32 $0x500;
	[sflag:s10] =	ssyncadd.s32 $0xFFFFC000  }
0x76: {  	[tilespmem:s5], [sflag:$0x3] =	stream.indirect.gather [hbm4b:s3+s14], $0x80, s23, s14, $0xb8;
	[tilespmem:$0x14880] =	vst v63  }
0x77: {  	_ =	swait.ge [sflag:s6], $0x4000  }
0x78: {  	[sflag:s6] =	ssyncset.done $0x0  }
0x79: {  	s31 =	simm.s32 $0x580;
	[sflag:s6] =	ssyncadd.s32 $0xFFFFC000  }
0x7a: {  	[tilespmem:s4], [sflag:$0x4] =	stream.indirect.gather [hbm4b:s3+s14], $0x80, s31, s14, $0xb8;
	[tilespmem:$0x14880] =	vst v63  }
0x7b: {  	_ =	swait.ge [sflag:s16], $0x4000  }
0x7c: {  	[sflag:s16] =	ssyncset.done $0x0  }
0x7d: {  	s17 =	rddreg [dreg:$0x12];
	[sflag:s16] =	ssyncadd.s32 $0xFFFFC000  }
0x7e: {  	[hbm4b:s17+s2] =	stream.linear.scatter [tilespmem:s12], [sflag:$0x5], $0x4000, $0x38;
	[tilespmem:$0x14880] =	vst v63  }
0x7f: {  	_ =	swait.ge [sflag:s15], $0x4000  }
0x80: {  	[sflag:s15] =	ssyncset.done $0x0  }
0x81: {  	s17 =	rddreg [dreg:$0x13];
	[sflag:s15] =	ssyncadd.s32 $0xFFFFC000  }
0x82: {  	[hbm4b:s17+s2] =	stream.linear.scatter [tilespmem:s7], [sflag:$0x6], $0x4000, $0x38;
	[tilespmem:$0x14880] =	vst v63  }
0x83: {  	_ =	swait.ge [sflag:s13], $0x4000  }
0x84: {  	[sflag:s13] =	ssyncset.done $0x0  }
0x85: {  	s17 =	rddreg [dreg:$0x14];
	[sflag:s13] =	ssyncadd.s32 $0xFFFFC000  }
0x86: {  	[hbm4b:s17+s2] =	stream.linear.scatter [tilespmem:s5], [sflag:$0x7], $0x4000, $0x38;
	[tilespmem:$0x14880] =	vst v63  }
0x87: {  	_ =	swait.ge [sflag:s11], $0x4000  }
0x88: {  	[sflag:s11] =	ssyncset.done $0x0  }
0x89: {  	s17 =	rddreg [dreg:$0x15];
	[sflag:s11] =	ssyncadd.s32 $0xFFFFC000  }
0x8a: {  	[hbm4b:s17+s2] =	stream.linear.scatter [tilespmem:s4], [sflag:$0x8], $0x4000, $0x38;
	[tilespmem:$0x14880] =	vst v63  }
0x8b: {  	_ =	swait.ge [sflag:s8], $0x4000  }
0x8c: {  	[sflag:s8] =	ssyncset.done $0x0  }
0x8d: {  	s21 =	simm.s32 $0x600;
	[sflag:s8] =	ssyncadd.s32 $0xFFFFC000  }
0x8e: {  	[tilespmem:s12], [sflag:$0x1] =	stream.indirect.gather [hbm4b:s3+s14], $0x80, s21, s14, $0xb8;
	[tilespmem:$0x14880] =	vst v63  }
0x8f: {  	_ =	swait.ge [sflag:s9], $0x4000  }
0x90: {  	[sflag:s9] =	ssyncset.done $0x0  }
0x91: {  	s20 =	simm.s32 $0x680;
	[sflag:s9] =	ssyncadd.s32 $0xFFFFC000  }
0x92: {  	[tilespmem:s7], [sflag:$0x2] =	stream.indirect.gather [hbm4b:s3+s14], $0x80, s20, s14, $0xb8;
	[tilespmem:$0x14880] =	vst v63  }
0x93: {  	_ =	swait.ge [sflag:s10], $0x4000  }
0x94: {  	[sflag:s10] =	ssyncset.done $0x0  }
0x95: {  	s17 =	simm.s32 $0x700;
	[sflag:s10] =	ssyncadd.s32 $0xFFFFC000  }
0x96: {  	[tilespmem:s5], [sflag:$0x3] =	stream.indirect.gather [hbm4b:s3+s14], $0x80, s17, s14, $0xb8;
	[tilespmem:$0x14880] =	vst v63  }
0x97: {  	_ =	swait.ge [sflag:s6], $0x4000  }
0x98: {  	[sflag:s6] =	ssyncset.done $0x0  }
0x99: {  	s17 =	simm.s32 $0x780;
	[sflag:s6] =	ssyncadd.s32 $0xFFFFC000  }
0x9a: {  	[tilespmem:s4], [sflag:$0x4] =	stream.indirect.gather [hbm4b:s3+s14], $0x80, s17, s14, $0xb8;
	[tilespmem:$0x14880] =	vst v63  }
0x9b: {  	_ =	swait.ge [sflag:s16], $0x4000  }
0x9c: {  	[sflag:s16] =	ssyncset.done $0x0  }
0x9d: {  	s17 =	rddreg [dreg:$0x7];
	[sflag:s16] =	ssyncadd.s32 $0xFFFFC000  }
0x9e: {  	[hbm4b:s17+s2] =	stream.linear.scatter [tilespmem:s12], [sflag:$0x5], $0x4000, $0x38;
	[tilespmem:$0x14880] =	vst v63  }
0x9f: {  	_ =	swait.ge [sflag:s15], $0x4000  }
0xa0: {  	[sflag:s15] =	ssyncset.done $0x0  }
0xa1: {  	s17 =	rddreg [dreg:$0x8];
	[sflag:s15] =	ssyncadd.s32 $0xFFFFC000  }
0xa2: {  	[hbm4b:s17+s2] =	stream.linear.scatter [tilespmem:s7], [sflag:$0x6], $0x4000, $0x38;
	[tilespmem:$0x14880] =	vst v63  }
0xa3: {  	_ =	swait.ge [sflag:s13], $0x4000  }
0xa4: {  	[sflag:s13] =	ssyncset.done $0x0  }
0xa5: {  	s17 =	rddreg [dreg:$0x9];
	[sflag:s13] =	ssyncadd.s32 $0xFFFFC000  }
0xa6: {  	[hbm4b:s17+s2] =	stream.linear.scatter [tilespmem:s5], [sflag:$0x7], $0x4000, $0x38;
	[tilespmem:$0x14880] =	vst v63  }
0xa7: {  	_ =	swait.ge [sflag:s11], $0x4000  }
0xa8: {  	[sflag:s11] =	ssyncset.done $0x0  }
0xa9: {  	s17 =	rddreg [dreg:$0xa];
	[sflag:s11] =	ssyncadd.s32 $0xFFFFC000  }
0xaa: {  	[hbm4b:s17+s2] =	stream.linear.scatter [tilespmem:s4], [sflag:$0x8], $0x4000, $0x38;
	[tilespmem:$0x14880] =	vst v63  }
0xab: {  	_ =	swait.ge [sflag:s8], $0x4000  }
0xac: {  	[sflag:s8] =	ssyncset.done $0x0  }
0xad: {  	[sflag:s8] =	ssyncadd.s32 $0xFFFFC000  }
0xae: {  	_ =	swait.ge [sflag:s9], $0x4000  }
0xaf: {  	s0 =	sadd.s32 $0xFFFFFFFF, s18;
	[sflag:s9] =	ssyncset.done $0x0  }
0xb0: {  	p2 =	sne.s32 s0, $0x0;
	[sflag:s9] =	ssyncadd.s32 $0xFFFFC000  }
.Ltmp1:
0xb1: {  	p1 =	por $0x1, $0x1;
	_ =	swait.ge [sflag:s10], $0x4000;
	(pc) =	sbr.rel @!p2 .LBB2_3-.Ltmp1, $4  }
0xb2: {  	s22 =	simm.s32 $0x400;
	s19 =	simm.s32 $0x480;
	[sflag:s10] =	ssyncset.done $0x0  }
0xb3: {  	s24 =	simm.s32 $0x500;
	s23 =	simm.s32 $0x580;
	[sflag:s10] =	ssyncadd.s32 $0xFFFFC000  }
0xb4: {  	s31 =	simm.s32 $0x600;
	s21 =	simm.s32 $0x680;
	_ =	swait.ge [sflag:s6], $0x4000  }
0xb5: {  	s20 =	simm.s32 $0x700;
	s17 =	rddreg [dreg:$0x3];
	[sflag:s6] =	ssyncset.done $0x0  }
.LBB2_4:
0xb6: {  	[sflag:s6] =	ssyncadd.s32 $0xFFFFC000  }
0xb7: {  	[tilespmem:s2], [sflag:$0xA] =	stream.linear.gather [hbm4b:s17+s2], $0x800, $0x38;
	[tilespmem:$0x14880] =	vst v63  }
0xb8: {  	_ =	swait.ge [sflag:s25], $0x800  }
0xb9: {  	[sflag:s25] =	ssyncset.done $0x0  }
0xba: {  	s17 =	rddreg [dreg:$0x4];
	[sflag:s25] =	ssyncadd.s32 $0xFFFFF800  }
0xbb: {  	[tilespmem:s29], [sflag:$0xA] =	stream.linear.gather @!p0 [hbm4b:s17+s28], $0x80, $0x38;
	[tilespmem:$0x14880] =	vst v63  }
0xbc: {  	_ =	swait.ge @!p0 [sflag:s26], $0x80  }
0xbd: {  	[sflag:s26] =	ssyncset.done @!p0 $0x0  }
0xbe: {  	s17 =	simm.s32 @!p0 $0x80;
	[sflag:s26] =	ssyncadd.s32 @!p0 $0xFFFFFF80  }
0xbf: {  	[tilespmem:s1], [sflag:$0x9] =	stream.indirect.gather @!p0 [hbm4b:s3+s17], $0x80, s29, s17, $0xb8;
	[tilespmem:$0x14880] =	vst v63  }
0xc0: {  	_ =	swait.ge @!p0 [sflag:s30], $0x4000  }
0xc1: {  	[sflag:s30] =	ssyncset.done @!p0 $0x0  }
0xc2: {  	s17 =	rddreg [dreg:$0x5];
	[sflag:s30] =	ssyncadd.s32 @!p0 $0xFFFFC000  }
0xc3: {  	[hbm4b:s17+s28] =	stream.linear.scatter @!p0 [tilespmem:s1], [sflag:$0xA], $0x4000, $0x38;
	[tilespmem:$0x14880] =	vst v63  }
0xc4: {  	_ =	swait.ge @!p0 [sflag:s26], $0x4000  }
0xc5: {  	[sflag:s26] =	ssyncset.done @!p0 $0x0  }
0xc6: {  	[sflag:s26] =	ssyncadd.s32 @!p0 $0xFFFFC000  }
0xc7: {  	[tilespmem:s12], [sflag:$0x1] =	stream.indirect.gather [hbm4b:s3+s14], $0x80, s2, s14, $0xb8;
	[tilespmem:$0x14880] =	vst v63  }
0xc8: {  	_ = 	snop  }
0xc9: {  	[tilespmem:s7], [sflag:$0x2] =	stream.indirect.gather [hbm4b:s3+s14], $0x80, s14, s14, $0xb8;
	[tilespmem:$0x14880] =	vst v63  }
0xca: {  	s17 =	rddreg [dreg:$0x16]  }
0xcb: {  	[tilespmem:s5], [sflag:$0x3] =	stream.indirect.gather [hbm4b:s3+s14], $0x80, s17, s14, $0xb8;
	[tilespmem:$0x14880] =	vst v63  }
0xcc: {  	s18 =	rddreg [dreg:$0x17]  }
0xcd: {  	[tilespmem:s4], [sflag:$0x4] =	stream.indirect.gather [hbm4b:s3+s14], $0x80, s18, s14, $0xb8;
	[tilespmem:$0x14880] =	vst v63  }
0xce: {  	_ =	swait.ge [sflag:s16], $0x4000  }
0xcf: {  	[sflag:s16] =	ssyncset.done $0x0  }
0xd0: {  	s17 =	rddreg [dreg:$0x6];
	[sflag:s16] =	ssyncadd.s32 $0xFFFFC000  }
0xd1: {  	[hbm4b:s17+s2] =	stream.linear.scatter [tilespmem:s12], [sflag:$0x5], $0x4000, $0x38;
	[tilespmem:$0x14880] =	vst v63  }
0xd2: {  	_ =	swait.ge [sflag:s15], $0x4000  }
0xd3: {  	[sflag:s15] =	ssyncset.done $0x0  }
0xd4: {  	s17 =	rddreg [dreg:$0xb];
	[sflag:s15] =	ssyncadd.s32 $0xFFFFC000  }
0xd5: {  	[hbm4b:s17+s2] =	stream.linear.scatter [tilespmem:s7], [sflag:$0x6], $0x4000, $0x38;
	[tilespmem:$0x14880] =	vst v63  }
0xd6: {  	_ =	swait.ge [sflag:s13], $0x4000  }
0xd7: {  	[sflag:s13] =	ssyncset.done $0x0  }
0xd8: {  	s17 =	rddreg [dreg:$0xc];
	[sflag:s13] =	ssyncadd.s32 $0xFFFFC000  }
0xd9: {  	[hbm4b:s17+s2] =	stream.linear.scatter [tilespmem:s5], [sflag:$0x7], $0x4000, $0x38;
	[tilespmem:$0x14880] =	vst v63  }
0xda: {  	_ =	swait.ge [sflag:s11], $0x4000  }
0xdb: {  	[sflag:s11] =	ssyncset.done $0x0  }
0xdc: {  	s17 =	rddreg [dreg:$0xd];
	[sflag:s11] =	ssyncadd.s32 $0xFFFFC000  }
0xdd: {  	[hbm4b:s17+s2] =	stream.linear.scatter [tilespmem:s4], [sflag:$0x8], $0x4000, $0x38;
	[tilespmem:$0x14880] =	vst v63  }
0xde: {  	_ =	swait.ge [sflag:s8], $0x4000  }
0xdf: {  	[sflag:s8] =	ssyncset.done $0x0  }
0xe0: {  	s17 =	rddreg [dreg:$0x18];
	[sflag:s8] =	ssyncadd.s32 $0xFFFFC000  }
0xe1: {  	[tilespmem:s12], [sflag:$0x1] =	stream.indirect.gather [hbm4b:s3+s14], $0x80, s17, s14, $0xb8;
	[tilespmem:$0x14880] =	vst v63  }
0xe2: {  	_ =	swait.ge [sflag:s9], $0x4000  }
0xe3: {  	[sflag:s9] =	ssyncset.done $0x0  }
0xe4: {  	s17 =	rddreg [dreg:$0x19];
	[sflag:s9] =	ssyncadd.s32 $0xFFFFC000  }
0xe5: {  	[tilespmem:s7], [sflag:$0x2] =	stream.indirect.gather [hbm4b:s3+s14], $0x80, s17, s14, $0xb8;
	[tilespmem:$0x14880] =	vst v63  }
0xe6: {  	_ =	swait.ge [sflag:s10], $0x4000  }
0xe7: {  	[sflag:s10] =	ssyncset.done $0x0  }
0xe8: {  	s17 =	rddreg [dreg:$0x1a];
	[sflag:s10] =	ssyncadd.s32 $0xFFFFC000  }
0xe9: {  	[tilespmem:s5], [sflag:$0x3] =	stream.indirect.gather [hbm4b:s3+s14], $0x80, s17, s14, $0xb8;
	[tilespmem:$0x14880] =	vst v63  }
0xea: {  	_ =	swait.ge [sflag:s6], $0x4000  }
0xeb: {  	[sflag:s6] =	ssyncset.done $0x0  }
0xec: {  	s17 =	rddreg [dreg:$0x1b];
	[sflag:s6] =	ssyncadd.s32 $0xFFFFC000  }
0xed: {  	[tilespmem:s4], [sflag:$0x4] =	stream.indirect.gather [hbm4b:s3+s14], $0x80, s17, s14, $0xb8;
	[tilespmem:$0x14880] =	vst v63  }
0xee: {  	_ =	swait.ge [sflag:s16], $0x4000  }
0xef: {  	[sflag:s16] =	ssyncset.done $0x0  }
0xf0: {  	s17 =	rddreg [dreg:$0xe];
	[sflag:s16] =	ssyncadd.s32 $0xFFFFC000  }
0xf1: {  	[hbm4b:s17+s2] =	stream.linear.scatter [tilespmem:s12], [sflag:$0x5], $0x4000, $0x38;
	[tilespmem:$0x14880] =	vst v63  }
0xf2: {  	_ =	swait.ge [sflag:s15], $0x4000  }
0xf3: {  	[sflag:s15] =	ssyncset.done $0x0  }
0xf4: {  	s17 =	rddreg [dreg:$0xf];
	[sflag:s15] =	ssyncadd.s32 $0xFFFFC000  }
0xf5: {  	[hbm4b:s17+s2] =	stream.linear.scatter [tilespmem:s7], [sflag:$0x6], $0x4000, $0x38;
	[tilespmem:$0x14880] =	vst v63  }
0xf6: {  	_ =	swait.ge [sflag:s13], $0x4000  }
0xf7: {  	[sflag:s13] =	ssyncset.done $0x0  }
0xf8: {  	s17 =	rddreg [dreg:$0x10];
	[sflag:s13] =	ssyncadd.s32 $0xFFFFC000  }
0xf9: {  	[hbm4b:s17+s2] =	stream.linear.scatter [tilespmem:s5], [sflag:$0x7], $0x4000, $0x38;
	[tilespmem:$0x14880] =	vst v63  }
0xfa: {  	_ =	swait.ge [sflag:s11], $0x4000  }
0xfb: {  	[sflag:s11] =	ssyncset.done $0x0  }
0xfc: {  	s17 =	rddreg [dreg:$0x11];
	[sflag:s11] =	ssyncadd.s32 $0xFFFFC000  }
0xfd: {  	[hbm4b:s17+s2] =	stream.linear.scatter [tilespmem:s4], [sflag:$0x8], $0x4000, $0x38;
	[tilespmem:$0x14880] =	vst v63  }
0xfe: {  	_ =	swait.ge [sflag:s8], $0x4000  }
0xff: {  	[sflag:s8] =	ssyncset.done $0x0  }
0x100: {  	[sflag:s8] =	ssyncadd.s32 $0xFFFFC000  }
0x101: {  	[tilespmem:s12], [sflag:$0x1] =	stream.indirect.gather [hbm4b:s3+s14], $0x80, s22, s14, $0xb8;
	[tilespmem:$0x14880] =	vst v63  }
0x102: {  	_ =	swait.ge [sflag:s9], $0x4000  }
0x103: {  	[sflag:s9] =	ssyncset.done $0x0  }
0x104: {  	[sflag:s9] =	ssyncadd.s32 $0xFFFFC000  }
0x105: {  	[tilespmem:s7], [sflag:$0x2] =	stream.indirect.gather [hbm4b:s3+s14], $0x80, s19, s14, $0xb8;
	[tilespmem:$0x14880] =	vst v63  }
0x106: {  	_ =	swait.ge [sflag:s10], $0x4000  }
0x107: {  	[sflag:s10] =	ssyncset.done $0x0  }
0x108: {  	[sflag:s10] =	ssyncadd.s32 $0xFFFFC000  }
0x109: {  	[tilespmem:s5], [sflag:$0x3] =	stream.indirect.gather [hbm4b:s3+s14], $0x80, s24, s14, $0xb8;
	[tilespmem:$0x14880] =	vst v63  }
0x10a: {  	_ =	swait.ge [sflag:s6], $0x4000  }
0x10b: {  	[sflag:s6] =	ssyncset.done $0x0  }
0x10c: {  	[sflag:s6] =	ssyncadd.s32 $0xFFFFC000  }
0x10d: {  	[tilespmem:s4], [sflag:$0x4] =	stream.indirect.gather [hbm4b:s3+s14], $0x80, s23, s14, $0xb8;
	[tilespmem:$0x14880] =	vst v63  }
0x10e: {  	_ =	swait.ge [sflag:s16], $0x4000  }
0x10f: {  	[sflag:s16] =	ssyncset.done $0x0  }
0x110: {  	s17 =	rddreg [dreg:$0x12];
	[sflag:s16] =	ssyncadd.s32 $0xFFFFC000  }
0x111: {  	[hbm4b:s17+s2] =	stream.linear.scatter [tilespmem:s12], [sflag:$0x5], $0x4000, $0x38;
	[tilespmem:$0x14880] =	vst v63  }
0x112: {  	_ =	swait.ge [sflag:s15], $0x4000  }
0x113: {  	[sflag:s15] =	ssyncset.done $0x0  }
0x114: {  	s17 =	rddreg [dreg:$0x13];
	[sflag:s15] =	ssyncadd.s32 $0xFFFFC000  }
0x115: {  	[hbm4b:s17+s2] =	stream.linear.scatter [tilespmem:s7], [sflag:$0x6], $0x4000, $0x38;
	[tilespmem:$0x14880] =	vst v63  }
0x116: {  	_ =	swait.ge [sflag:s13], $0x4000  }
0x117: {  	[sflag:s13] =	ssyncset.done $0x0  }
0x118: {  	s17 =	rddreg [dreg:$0x14];
	[sflag:s13] =	ssyncadd.s32 $0xFFFFC000  }
0x119: {  	[hbm4b:s17+s2] =	stream.linear.scatter [tilespmem:s5], [sflag:$0x7], $0x4000, $0x38;
	[tilespmem:$0x14880] =	vst v63  }
0x11a: {  	_ =	swait.ge [sflag:s11], $0x4000  }
0x11b: {  	[sflag:s11] =	ssyncset.done $0x0  }
0x11c: {  	s17 =	rddreg [dreg:$0x15];
	[sflag:s11] =	ssyncadd.s32 $0xFFFFC000  }
0x11d: {  	[hbm4b:s17+s2] =	stream.linear.scatter [tilespmem:s4], [sflag:$0x8], $0x4000, $0x38;
	[tilespmem:$0x14880] =	vst v63  }
0x11e: {  	_ =	swait.ge [sflag:s8], $0x4000  }
0x11f: {  	[sflag:s8] =	ssyncset.done $0x0  }
0x120: {  	[sflag:s8] =	ssyncadd.s32 $0xFFFFC000  }
0x121: {  	[tilespmem:s12], [sflag:$0x1] =	stream.indirect.gather [hbm4b:s3+s14], $0x80, s31, s14, $0xb8;
	[tilespmem:$0x14880] =	vst v63  }
0x122: {  	_ =	swait.ge [sflag:s9], $0x4000  }
0x123: {  	[sflag:s9] =	ssyncset.done $0x0  }
0x124: {  	[sflag:s9] =	ssyncadd.s32 $0xFFFFC000  }
0x125: {  	[tilespmem:s7], [sflag:$0x2] =	stream.indirect.gather [hbm4b:s3+s14], $0x80, s21, s14, $0xb8;
	[tilespmem:$0x14880] =	vst v63  }
0x126: {  	_ =	swait.ge [sflag:s10], $0x4000  }
0x127: {  	[sflag:s10] =	ssyncset.done $0x0  }
0x128: {  	[sflag:s10] =	ssyncadd.s32 $0xFFFFC000  }
0x129: {  	[tilespmem:s5], [sflag:$0x3] =	stream.indirect.gather [hbm4b:s3+s14], $0x80, s20, s14, $0xb8;
	[tilespmem:$0x14880] =	vst v63  }
0x12a: {  	_ =	swait.ge [sflag:s6], $0x4000  }
0x12b: {  	[sflag:s6] =	ssyncset.done $0x0  }
0x12c: {  	s18 =	simm.s32 $0x780;
	[sflag:s6] =	ssyncadd.s32 $0xFFFFC000  }
0x12d: {  	[tilespmem:s4], [sflag:$0x4] =	stream.indirect.gather [hbm4b:s3+s14], $0x80, s18, s14, $0xb8;
	[tilespmem:$0x14880] =	vst v63  }
0x12e: {  	_ =	swait.ge [sflag:s16], $0x4000  }
0x12f: {  	[sflag:s16] =	ssyncset.done $0x0  }
0x130: {  	s18 =	rddreg [dreg:$0x7];
	[sflag:s16] =	ssyncadd.s32 $0xFFFFC000  }
0x131: {  	[hbm4b:s18+s2] =	stream.linear.scatter [tilespmem:s12], [sflag:$0x5], $0x4000, $0x38;
	[tilespmem:$0x14880] =	vst v63  }
0x132: {  	_ =	swait.ge [sflag:s15], $0x4000  }
0x133: {  	[sflag:s15] =	ssyncset.done $0x0  }
0x134: {  	s18 =	rddreg [dreg:$0x8];
	[sflag:s15] =	ssyncadd.s32 $0xFFFFC000  }
0x135: {  	[hbm4b:s18+s2] =	stream.linear.scatter [tilespmem:s7], [sflag:$0x6], $0x4000, $0x38;
	[tilespmem:$0x14880] =	vst v63  }
0x136: {  	_ =	swait.ge [sflag:s13], $0x4000  }
0x137: {  	[sflag:s13] =	ssyncset.done $0x0  }
0x138: {  	s18 =	rddreg [dreg:$0x9];
	[sflag:s13] =	ssyncadd.s32 $0xFFFFC000  }
0x139: {  	[hbm4b:s18+s2] =	stream.linear.scatter [tilespmem:s5], [sflag:$0x7], $0x4000, $0x38;
	[tilespmem:$0x14880] =	vst v63  }
0x13a: {  	_ =	swait.ge [sflag:s11], $0x4000  }
0x13b: {  	[sflag:s11] =	ssyncset.done $0x0  }
0x13c: {  	s18 =	rddreg [dreg:$0xa];
	[sflag:s11] =	ssyncadd.s32 $0xFFFFC000  }
0x13d: {  	[hbm4b:s18+s2] =	stream.linear.scatter [tilespmem:s4], [sflag:$0x8], $0x4000, $0x38;
	[tilespmem:$0x14880] =	vst v63  }
0x13e: {  	_ =	swait.ge [sflag:s8], $0x4000  }
0x13f: {  	[sflag:s8] =	ssyncset.done $0x0  }
0x140: {  	[sflag:s8] =	ssyncadd.s32 $0xFFFFC000  }
0x141: {  	_ =	swait.ge [sflag:s9], $0x4000  }
0x142: {  	s0 =	sadd.s32 $0xFFFFFFFF, s0;
	[sflag:s9] =	ssyncset.done $0x0  }
0x143: {  	p2 =	sne.s32 s0, $0x0;
	[sflag:s9] =	ssyncadd.s32 $0xFFFFC000  }
.Ltmp2:
0x144: {  	_ =	swait.ge [sflag:s10], $0x4000;
	(pc) =	sbr.rel @p2 .LBB2_4-.Ltmp2, $4  }
0x145: {  	[sflag:s10] =	ssyncset.done $0x0  }
0x146: {  	[sflag:s10] =	ssyncadd.s32 $0xFFFFC000  }
0x147: {  	_ =	swait.ge [sflag:s6], $0x4000  }
0x148: {  	s17 =	rddreg [dreg:$0x3];
	[sflag:s6] =	ssyncset.done $0x0  }
0x149: {  	s29 =	simm.s32 $0x780  }
0x14a: {  	s26 =	stileid.u32;
	s28 =	rddreg [dreg:$0x2];
	s19 =	simm.s32 $0x700  }
0x14b: {  	s20 =	simm.s32 $0x680;
	s21 =	simm.s32 $0x600;
	s22 =	simm.s32 $0x580  }
0x14c: {  	s23 =	simm.s32 $0x500;
	s24 =	simm.s32 $0x480;
	s30 =	simm.s32 $0x400  }
.LBB2_6:
0x14d: {  	[sflag:s6] =	ssyncadd.s32 @p1 $0xFFFFC000  }
0x14e: {  	[tilespmem:s2], [sflag:$0xA] =	stream.linear.gather [hbm4b:s17+s2], $0x800, $0x38;
	[tilespmem:$0x14880] =	vst v63  }
0x14f: {  	_ =	swait.ge [sflag:s25], $0x800  }
0x150: {  	s1 =	simm.s32 @!p0 $0x0;
	[sflag:s25] =	ssyncset.done $0x0  }
0x151: {  	s17 =	simm.s32 @!p0 $0x800;
	s0 =	rddreg [dreg:$0x4];
	[sflag:s25] =	ssyncadd.s32 $0xFFFFF800  }
0x152: {  	[tilespmem:s17], [sflag:$0xA] =	stream.linear.gather @!p0 [hbm4b:s0+s1], $0x80, $0x38;
	[tilespmem:$0x14880] =	vst v63  }
0x153: {  	s0 =	simm.s32 @!p0 $0xA  }
0x154: {  	_ =	swait.ge @!p0 [sflag:s0], $0x80  }
0x155: {  	[sflag:s0] =	ssyncset.done @!p0 $0x0  }
0x156: {  	s18 =	simm.s32 @!p0 $0x80;
	s25 =	simm.s32 @!p0 $0x880;
	[sflag:s0] =	ssyncadd.s32 @!p0 $0xFFFFFF80  }
0x157: {  	[tilespmem:s25], [sflag:$0x9] =	stream.indirect.gather @!p0 [hbm4b:s3+s18], $0x80, s17, s18, $0xb8;
	[tilespmem:$0x14880] =	vst v63  }
0x158: {  	s17 =	simm.s32 @!p0 $0x9  }
0x159: {  	_ =	swait.ge @!p0 [sflag:s17], $0x4000  }
0x15a: {  	[sflag:s17] =	ssyncset.done @!p0 $0x0  }
0x15b: {  	s18 =	rddreg [dreg:$0x5];
	[sflag:s17] =	ssyncadd.s32 @!p0 $0xFFFFC000  }
0x15c: {  	[hbm4b:s18+s1] =	stream.linear.scatter @!p0 [tilespmem:s25], [sflag:$0xA], $0x4000, $0x38;
	[tilespmem:$0x14880] =	vst v63  }
0x15d: {  	_ =	swait.ge @!p0 [sflag:s0], $0x4000  }
0x15e: {  	[sflag:s0] =	ssyncset.done @!p0 $0x0  }
0x15f: {  	[sflag:s0] =	ssyncadd.s32 @!p0 $0xFFFFC000  }
0x160: {  	[tilespmem:s12], [sflag:$0x1] =	stream.indirect.gather [hbm4b:s3+s14], $0x80, s2, s14, $0xb8;
	[tilespmem:$0x14880] =	vst v63  }
0x161: {  	_ = 	snop  }
0x162: {  	[tilespmem:s7], [sflag:$0x2] =	stream.indirect.gather [hbm4b:s3+s14], $0x80, s14, s14, $0xb8;
	[tilespmem:$0x14880] =	vst v63  }
0x163: {  	s25 =	rddreg [dreg:$0x16]  }
0x164: {  	[tilespmem:s5], [sflag:$0x3] =	stream.indirect.gather [hbm4b:s3+s14], $0x80, s25, s14, $0xb8;
	[tilespmem:$0x14880] =	vst v63  }
0x165: {  	s31 =	rddreg [dreg:$0x17]  }
0x166: {  	[tilespmem:s4], [sflag:$0x4] =	stream.indirect.gather [hbm4b:s3+s14], $0x80, s31, s14, $0xb8;
	[tilespmem:$0x14880] =	vst v63  }
0x167: {  	_ =	swait.ge [sflag:s16], $0x4000  }
0x168: {  	[sflag:s16] =	ssyncset.done $0x0  }
0x169: {  	s1 =	rddreg [dreg:$0x6];
	[sflag:s16] =	ssyncadd.s32 $0xFFFFC000  }
0x16a: {  	[hbm4b:s1+s2] =	stream.linear.scatter [tilespmem:s12], [sflag:$0x5], $0x4000, $0x38;
	[tilespmem:$0x14880] =	vst v63  }
0x16b: {  	_ =	swait.ge [sflag:s15], $0x4000  }
0x16c: {  	[sflag:s15] =	ssyncset.done $0x0  }
0x16d: {  	s17 =	rddreg [dreg:$0xb];
	[sflag:s15] =	ssyncadd.s32 $0xFFFFC000  }
0x16e: {  	[hbm4b:s17+s2] =	stream.linear.scatter [tilespmem:s7], [sflag:$0x6], $0x4000, $0x38;
	[tilespmem:$0x14880] =	vst v63  }
0x16f: {  	_ =	swait.ge [sflag:s13], $0x4000  }
0x170: {  	[sflag:s13] =	ssyncset.done $0x0  }
0x171: {  	s18 =	rddreg [dreg:$0xc];
	[sflag:s13] =	ssyncadd.s32 $0xFFFFC000  }
0x172: {  	[hbm4b:s18+s2] =	stream.linear.scatter [tilespmem:s5], [sflag:$0x7], $0x4000, $0x38;
	[tilespmem:$0x14880] =	vst v63  }
0x173: {  	_ =	swait.ge [sflag:s11], $0x4000  }
0x174: {  	[sflag:s11] =	ssyncset.done $0x0  }
0x175: {  	s25 =	rddreg [dreg:$0xd];
	[sflag:s11] =	ssyncadd.s32 $0xFFFFC000  }
0x176: {  	[hbm4b:s25+s2] =	stream.linear.scatter [tilespmem:s4], [sflag:$0x8], $0x4000, $0x38;
	[tilespmem:$0x14880] =	vst v63  }
0x177: {  	_ =	swait.ge [sflag:s8], $0x4000  }
0x178: {  	[sflag:s8] =	ssyncset.done $0x0  }
0x179: {  	s31 =	rddreg [dreg:$0x18];
	[sflag:s8] =	ssyncadd.s32 $0xFFFFC000  }
0x17a: {  	[tilespmem:s12], [sflag:$0x1] =	stream.indirect.gather [hbm4b:s3+s14], $0x80, s31, s14, $0xb8;
	[tilespmem:$0x14880] =	vst v63  }
0x17b: {  	_ =	swait.ge [sflag:s9], $0x4000  }
0x17c: {  	[sflag:s9] =	ssyncset.done $0x0  }
0x17d: {  	s1 =	rddreg [dreg:$0x19];
	[sflag:s9] =	ssyncadd.s32 $0xFFFFC000  }
0x17e: {  	[tilespmem:s7], [sflag:$0x2] =	stream.indirect.gather [hbm4b:s3+s14], $0x80, s1, s14, $0xb8;
	[tilespmem:$0x14880] =	vst v63  }
0x17f: {  	_ =	swait.ge [sflag:s10], $0x4000  }
0x180: {  	[sflag:s10] =	ssyncset.done $0x0  }
0x181: {  	s17 =	rddreg [dreg:$0x1a];
	[sflag:s10] =	ssyncadd.s32 $0xFFFFC000  }
0x182: {  	[tilespmem:s5], [sflag:$0x3] =	stream.indirect.gather [hbm4b:s3+s14], $0x80, s17, s14, $0xb8;
	[tilespmem:$0x14880] =	vst v63  }
0x183: {  	_ =	swait.ge [sflag:s6], $0x4000  }
0x184: {  	[sflag:s6] =	ssyncset.done $0x0  }
0x185: {  	s18 =	rddreg [dreg:$0x1b];
	[sflag:s6] =	ssyncadd.s32 $0xFFFFC000  }
0x186: {  	[tilespmem:s4], [sflag:$0x4] =	stream.indirect.gather [hbm4b:s3+s14], $0x80, s18, s14, $0xb8;
	[tilespmem:$0x14880] =	vst v63  }
0x187: {  	_ =	swait.ge [sflag:s16], $0x4000  }
0x188: {  	[sflag:s16] =	ssyncset.done $0x0  }
0x189: {  	s25 =	rddreg [dreg:$0xe];
	[sflag:s16] =	ssyncadd.s32 $0xFFFFC000  }
0x18a: {  	[hbm4b:s25+s2] =	stream.linear.scatter [tilespmem:s12], [sflag:$0x5], $0x4000, $0x38;
	[tilespmem:$0x14880] =	vst v63  }
0x18b: {  	_ =	swait.ge [sflag:s15], $0x4000  }
0x18c: {  	[sflag:s15] =	ssyncset.done $0x0  }
0x18d: {  	s31 =	rddreg [dreg:$0xf];
	[sflag:s15] =	ssyncadd.s32 $0xFFFFC000  }
0x18e: {  	[hbm4b:s31+s2] =	stream.linear.scatter [tilespmem:s7], [sflag:$0x6], $0x4000, $0x38;
	[tilespmem:$0x14880] =	vst v63  }
0x18f: {  	_ =	swait.ge [sflag:s13], $0x4000  }
0x190: {  	[sflag:s13] =	ssyncset.done $0x0  }
0x191: {  	s1 =	rddreg [dreg:$0x10];
	[sflag:s13] =	ssyncadd.s32 $0xFFFFC000  }
0x192: {  	[hbm4b:s1+s2] =	stream.linear.scatter [tilespmem:s5], [sflag:$0x7], $0x4000, $0x38;
	[tilespmem:$0x14880] =	vst v63  }
0x193: {  	_ =	swait.ge [sflag:s11], $0x4000  }
0x194: {  	[sflag:s11] =	ssyncset.done $0x0  }
0x195: {  	s17 =	rddreg [dreg:$0x11];
	[sflag:s11] =	ssyncadd.s32 $0xFFFFC000  }
0x196: {  	[hbm4b:s17+s2] =	stream.linear.scatter [tilespmem:s4], [sflag:$0x8], $0x4000, $0x38;
	[tilespmem:$0x14880] =	vst v63  }
0x197: {  	_ =	swait.ge [sflag:s8], $0x4000  }
0x198: {  	[sflag:s8] =	ssyncset.done $0x0  }
0x199: {  	[sflag:s8] =	ssyncadd.s32 $0xFFFFC000  }
0x19a: {  	[tilespmem:s12], [sflag:$0x1] =	stream.indirect.gather [hbm4b:s3+s14], $0x80, s30, s14, $0xb8;
	[tilespmem:$0x14880] =	vst v63  }
0x19b: {  	_ =	swait.ge [sflag:s9], $0x4000  }
0x19c: {  	[sflag:s9] =	ssyncset.done $0x0  }
0x19d: {  	[sflag:s9] =	ssyncadd.s32 $0xFFFFC000  }
0x19e: {  	[tilespmem:s7], [sflag:$0x2] =	stream.indirect.gather [hbm4b:s3+s14], $0x80, s24, s14, $0xb8;
	[tilespmem:$0x14880] =	vst v63  }
0x19f: {  	_ =	swait.ge [sflag:s10], $0x4000  }
0x1a0: {  	[sflag:s10] =	ssyncset.done $0x0  }
0x1a1: {  	[sflag:s10] =	ssyncadd.s32 $0xFFFFC000  }
0x1a2: {  	[tilespmem:s5], [sflag:$0x3] =	stream.indirect.gather [hbm4b:s3+s14], $0x80, s23, s14, $0xb8;
	[tilespmem:$0x14880] =	vst v63  }
0x1a3: {  	_ =	swait.ge [sflag:s6], $0x4000  }
0x1a4: {  	[sflag:s6] =	ssyncset.done $0x0  }
0x1a5: {  	[sflag:s6] =	ssyncadd.s32 $0xFFFFC000  }
0x1a6: {  	[tilespmem:s4], [sflag:$0x4] =	stream.indirect.gather [hbm4b:s3+s14], $0x80, s22, s14, $0xb8;
	[tilespmem:$0x14880] =	vst v63  }
0x1a7: {  	_ =	swait.ge [sflag:s16], $0x4000  }
0x1a8: {  	[sflag:s16] =	ssyncset.done $0x0  }
0x1a9: {  	s18 =	rddreg [dreg:$0x12];
	[sflag:s16] =	ssyncadd.s32 $0xFFFFC000  }
0x1aa: {  	[hbm4b:s18+s2] =	stream.linear.scatter [tilespmem:s12], [sflag:$0x5], $0x4000, $0x38;
	[tilespmem:$0x14880] =	vst v63  }
0x1ab: {  	_ =	swait.ge [sflag:s15], $0x4000  }
0x1ac: {  	[sflag:s15] =	ssyncset.done $0x0  }
0x1ad: {  	s22 =	rddreg [dreg:$0x13];
	[sflag:s15] =	ssyncadd.s32 $0xFFFFC000  }
0x1ae: {  	[hbm4b:s22+s2] =	stream.linear.scatter [tilespmem:s7], [sflag:$0x6], $0x4000, $0x38;
	[tilespmem:$0x14880] =	vst v63  }
0x1af: {  	_ =	swait.ge [sflag:s13], $0x4000  }
0x1b0: {  	[sflag:s13] =	ssyncset.done $0x0  }
0x1b1: {  	s23 =	rddreg [dreg:$0x14];
	[sflag:s13] =	ssyncadd.s32 $0xFFFFC000  }
0x1b2: {  	[hbm4b:s23+s2] =	stream.linear.scatter [tilespmem:s5], [sflag:$0x7], $0x4000, $0x38;
	[tilespmem:$0x14880] =	vst v63  }
0x1b3: {  	_ =	swait.ge [sflag:s11], $0x4000  }
0x1b4: {  	[sflag:s11] =	ssyncset.done $0x0  }
0x1b5: {  	s24 =	rddreg [dreg:$0x15];
	[sflag:s11] =	ssyncadd.s32 $0xFFFFC000  }
0x1b6: {  	[hbm4b:s24+s2] =	stream.linear.scatter [tilespmem:s4], [sflag:$0x8], $0x4000, $0x38;
	[tilespmem:$0x14880] =	vst v63  }
0x1b7: {  	_ =	swait.ge [sflag:s8], $0x4000  }
0x1b8: {  	[sflag:s8] =	ssyncset.done $0x0  }
0x1b9: {  	[sflag:s8] =	ssyncadd.s32 $0xFFFFC000  }
0x1ba: {  	[tilespmem:s12], [sflag:$0x1] =	stream.indirect.gather [hbm4b:s3+s14], $0x80, s21, s14, $0xb8;
	[tilespmem:$0x14880] =	vst v63  }
0x1bb: {  	_ =	swait.ge [sflag:s9], $0x4000  }
0x1bc: {  	[sflag:s9] =	ssyncset.done $0x0  }
0x1bd: {  	[sflag:s9] =	ssyncadd.s32 $0xFFFFC000  }
0x1be: {  	[tilespmem:s7], [sflag:$0x2] =	stream.indirect.gather [hbm4b:s3+s14], $0x80, s20, s14, $0xb8;
	[tilespmem:$0x14880] =	vst v63  }
0x1bf: {  	_ =	swait.ge [sflag:s10], $0x4000  }
0x1c0: {  	[sflag:s10] =	ssyncset.done $0x0  }
0x1c1: {  	[sflag:s10] =	ssyncadd.s32 $0xFFFFC000  }
0x1c2: {  	[tilespmem:s5], [sflag:$0x3] =	stream.indirect.gather [hbm4b:s3+s14], $0x80, s19, s14, $0xb8;
	[tilespmem:$0x14880] =	vst v63  }
0x1c3: {  	_ =	swait.ge [sflag:s6], $0x4000  }
0x1c4: {  	[sflag:s6] =	ssyncset.done $0x0  }
0x1c5: {  	[sflag:s6] =	ssyncadd.s32 $0xFFFFC000  }
0x1c6: {  	[tilespmem:s4], [sflag:$0x4] =	stream.indirect.gather [hbm4b:s3+s14], $0x80, s29, s14, $0xb8;
	[tilespmem:$0x14880] =	vst v63  }
0x1c7: {  	_ =	swait.ge [sflag:s16], $0x4000  }
0x1c8: {  	[sflag:s16] =	ssyncset.done $0x0  }
0x1c9: {  	s25 =	rddreg [dreg:$0x7];
	[sflag:s16] =	ssyncadd.s32 $0xFFFFC000  }
0x1ca: {  	[hbm4b:s25+s2] =	stream.linear.scatter [tilespmem:s12], [sflag:$0x5], $0x4000, $0x38;
	[tilespmem:$0x14880] =	vst v63  }
0x1cb: {  	_ =	swait.ge [sflag:s15], $0x4000  }
0x1cc: {  	[sflag:s15] =	ssyncset.done $0x0  }
0x1cd: {  	s29 =	rddreg [dreg:$0x8];
	[sflag:s15] =	ssyncadd.s32 $0xFFFFC000  }
0x1ce: {  	[hbm4b:s29+s2] =	stream.linear.scatter [tilespmem:s7], [sflag:$0x6], $0x4000, $0x38;
	[tilespmem:$0x14880] =	vst v63  }
0x1cf: {  	_ =	swait.ge [sflag:s13], $0x4000  }
0x1d0: {  	[sflag:s13] =	ssyncset.done $0x0  }
0x1d1: {  	s30 =	rddreg [dreg:$0x9];
	[sflag:s13] =	ssyncadd.s32 $0xFFFFC000  }
0x1d2: {  	[hbm4b:s30+s2] =	stream.linear.scatter [tilespmem:s5], [sflag:$0x7], $0x4000, $0x38;
	[tilespmem:$0x14880] =	vst v63  }
0x1d3: {  	_ =	swait.ge [sflag:s11], $0x4000  }
0x1d4: {  	[sflag:s11] =	ssyncset.done $0x0  }
0x1d5: {  	s31 =	rddreg [dreg:$0xa];
	[sflag:s11] =	ssyncadd.s32 $0xFFFFC000  }
0x1d6: {  	[hbm4b:s31+s2] =	stream.linear.scatter [tilespmem:s4], [sflag:$0x8], $0x4000, $0x38;
	[tilespmem:$0x14880] =	vst v63  }
0x1d7: {  	_ =	swait.ge [sflag:s8], $0x4000  }
0x1d8: {  	[sflag:s8] =	ssyncset.done $0x0  }
0x1d9: {  	[sflag:s8] =	ssyncadd.s32 $0xFFFFC000  }
0x1da: {  	_ =	swait.ge [sflag:s9], $0x4000  }
0x1db: {  	[sflag:s9] =	ssyncset.done $0x0  }
0x1dc: {  	[sflag:s9] =	ssyncadd.s32 $0xFFFFC000  }
0x1dd: {  	_ =	swait.ge [sflag:s10], $0x4000  }
0x1de: {  	[sflag:s10] =	ssyncset.done $0x0  }
0x1df: {  	[sflag:s10] =	ssyncadd.s32 $0xFFFFC000  }
0x1e0: {  	_ =	swait.ge [sflag:s6], $0x4000  }
0x1e1: {  	[sflag:s6] =	ssyncset.done $0x0  }
0x1e2: {  	[sflag:s6] =	ssyncadd.s32 $0xFFFFC000  }
0x1e3: {  	_ =	sfence.sel $0x180000  }
0x1e4: {  	[bflag:$0x0] =	sbarrier.arrive $0xFFFF  }
0x1e5: {  	p0 =	sne.s32 s26, $0x0;
	_ =	strace $0x90000053  }
0x1e6: {  	s0 =	sadd.s32 @!p0 $0x100000, s28;
	[bflag:$0x2] =	sbarrier.arrive $0xFFFF  }
0x1e7: {  	[sflag:s0] =	ssyncadd.tile.s32 @!p0 $0x1;
	_ =	shalt  }
.LBB2_1:
.Ltmp3:
0x1e8: {  	(pc) =	sbr.rel .LBB2_6-.Ltmp3, $2  }
0x1e9: {  	_ =	sdelay $0x2  }
0x1ea: {  	s29 =	simm.s32 $0x780  }
.LBB2_3:
.Ltmp4:
0x1eb: {  	(pc) =	sbr.rel .LBB2_6-.Ltmp4, $4  }
0x1ec: {  	s29 =	simm.s32 $0x780  }
0x1ed: {  	s26 =	stileid.u32;
	s28 =	rddreg [dreg:$0x2];
	s19 =	simm.s32 $0x700  }
0x1ee: {  	s20 =	simm.s32 $0x680;
	s21 =	simm.s32 $0x600;
	s22 =	simm.s32 $0x580  }
0x1ef: {  	s23 =	simm.s32 $0x500;
	s24 =	simm.s32 $0x480;
	s30 =	simm.s32 $0x400  }
.Lfunc_end2:
_tile_overlayer_lowered:
.L_overlay_start_2:
0x1f0: {  	(tag) =	ssettag $0x2  }
0x1f1: {  	s0 =	rddreg [dreg:$0x0];
	s2 =	stileid.u32  }
0x1f2: {  	s1 =	rddreg [dreg:$0x1];
	p0 =	sne.s32 s2, $0x0  }
0x1f3: {  	s3 =	rddreg [dreg:$0x2];
	[bflag:$0x3] =	sbarrier.arrive $0xFFFF;
	s2 =	simm.s32 @!p0 $0x1C0A  }
0x1f4: {  	[timem:s3], [sflag:s2] =	dma.local @!p0 [hbm:s0], s1  }
0x1f5: {  	s0 =	simm.s32 @!p0 $0xA  }
0x1f6: {  	_ =	swait.ge @!p0 [sflag:s0], s1  }
0x1f7: {  	s1 =	ssub.s32 @!p0 $0x0, s1;
	[sflag:s0] =	ssyncset.done @!p0 $0x0  }
0x1f8: {  	[sflag:s0] =	ssyncadd.s32 @!p0 s1  }
0x1f9: {  	[bflag:$0x3] =	sbarrier.arrive $0xFFFF  }
0x1fa: {  	_ =	shalt  }

// kernel: kernel.27.cloned.1.call-start
scs
__scs_entry_jumppad:
0x0: {  	(pc) =	sbr.rel $0x88, $3  }
0x1: {  	(tag) =	ssettag $0x0;
	lr =	simm.s32 $0x1  }
0x2: {  	[smem:$0x3F96] =	sst lr;
	_ =	strace $0xD0000000  }
0x3: {  	_ = 	snop  }
0x4: {  	_ = 	snop  }
0x5: {  	_ = 	snop  }
0x6: {  	_ = 	snop  }
0x7: {  	_ = 	snop  }
__scs_overlays_trampoline_lowered:
0x8: {  	[smem:$0x3FA5] =	sst s0  }
0x9: {  	[smem:$0x3FA6] =	sst s1  }
0xa: {  	[smem:$0x3FA7] =	sst s2  }
0xb: {  	[smem:$0x3FA8] =	sst s3  }
0xc: {  	[smem:$0x3FA9] =	sst s4  }
0xd: {  	[smem:$0x3FAA] =	sst s5  }
0xe: {  	[smem:$0x3FAB] =	sst s6  }
0xf: {  	[smem:$0x3FAC] =	sst s7  }
0x10: {  	[smem:$0x3FAD] =	sst s8  }
0x11: {  	[smem:$0x3FAE] =	sst s9;
	s0 =	simm.s32 @!p0 $0x0  }
0x12: {  	s1 =	sld [smem:$0x3F94];
	s0 =	simm.s32 @p0 $0x1  }
0x13: {  	[smem:$0x3FAF] =	sst s0;
	s0 =	simm.s32 @!p1 $0x0  }
0x14: {  	s2 =	sld [smem:$0x3F93];
	s0 =	simm.s32 @p1 $0x1  }
0x15: {  	[smem:$0x3FB0] =	sst s0;
	s0 =	simm.s32 @!p2 $0x0  }
0x16: {  	s3 =	sld [smem:$0x3FDB];
	s0 =	simm.s32 @p2 $0x1  }
0x17: {  	s4 =	simm.s32 $0x1BF5;
	[smem:$0x3FB2] =	sst s0  }
0x18: {  	s0 =	sld [smem:$0x3F95];
	_ =	swait.ge [sflag:s4], $0x0  }
0x19: {  	s7 =	sld [smem:$0x3F96]  }
0x1a: {  	s8 =	sadd.s32 $0xFFFFE003, lr  }
0x1b: {  	s9 =	sadd.s32 $0xFFFFFEF7, lr;
	s5 =	simm.s32 $0xFFFFFFFF;
	p2 =	slt.u32 s8, $0xFFFFF086  }
0x1c: {  	p1 =	slt.u32 s9, $0xF7A;
	s5 =	simm.s32 @!p2 $0x0  }
0x1d: {  	s5 =	simm.s32 @p1 $0x1;
	p0 =	seq.s32 s7, s2  }
0x1e: {  	s7 =	smul.u32 @!p0 $0xF7A, s2;
	p2 =	seq.s32 @!p0 s5, $0x0  }
0x1f: {  	s9 =	smul.u32 $0xF7A, s1;
	s8 =	simm.s32 @!p0 $0x1BF5;
	p2 =	por !p2, p0  }
0x20: {  	[sflag:s8] =	ssyncset.s32 @!p0 $0xFFFFF086;
	s6 =	sadd.s32 @!p0 s3, s7;
	s7 =	simm.s32 @!p0 $0x108  }
0x21: {  	s3 =	sadd.s32 s3, s9;
	s6 =	sadd.s32 @!p0 $0x88, s6;
	s7 =	simm.s32 @p2 $0x1082  }
0x22: {  	[simem:s7], [sflag:s8] =	dma.local @!p0 [hbm:s6], $0xF7A  }
0x23: {  	s9 =	sor.u32 $0xD0000000, s2;
	s6 =	simm.s32 $0x108;
	_ =	swait.ge @!p0 [sflag:s8], $0x0  }
0x24: {  	s3 =	sadd.s32 $0x88, s3;
	s6 =	simm.s32 @!p1 $0x1082;
	[sflag:s4] =	ssyncset.s32 $0xFFFFF086  }
0x25: {  	[simem:s6], [sflag:s4] =	dma.local [hbm:s3], $0xF7A  }
0x26: {  	[smem:$0x3F96] =	sst s1;
	(tag) =	ssettag s2;
	_ =	strace s9  }
0x27: {  	s1 =	sld [smem:$0x3FA6]  }
0x28: {  	s2 =	sld [smem:$0x3FA7]  }
0x29: {  	s4 =	sld [smem:$0x3FA9]  }
0x2a: {  	p0 =	seq.s32 s5, $0x0;
	s5 =	sld [smem:$0x3FAA]  }
0x2b: {  	s6 =	sld [smem:$0x3FAB]  }
0x2c: {  	s7 =	sld [smem:$0x3FAC]  }
0x2d: {  	s3 =	simm.s32 $0x108;
	s8 =	sld [smem:$0x3FAD]  }
0x2e: {  	s3 =	simm.s32 @!p0 $0x1082;
	s9 =	sld [smem:$0x3FAE]  }
0x2f: {  	lr =	sadd.s32 s0, s3;
	s0 =	sld [smem:$0x3FA5]  }
0x30: {  	s3 =	sld [smem:$0x3FA8]  }
0x31: {  	[smem:$0x3FB1] =	sst s10  }
0x32: {  	s10 =	sld [smem:$0x3FAF];
	_ =	sdelay $0x3  }
0x33: {  	p0 =	seq.s32 s10, $0x1;
	s10 =	sld [smem:$0x3FB1];
	_ =	sdelay $0x3  }
0x34: {  	[smem:$0x3FB1] =	sst s10  }
0x35: {  	s10 =	sld [smem:$0x3FB0];
	_ =	sdelay $0x3  }
0x36: {  	p1 =	seq.s32 s10, $0x1;
	s10 =	sld [smem:$0x3FB1];
	_ =	sdelay $0x3  }
0x37: {  	[smem:$0x3FB1] =	sst s10  }
0x38: {  	s10 =	sld [smem:$0x3FB2]  }
0x39: {  	_ = 	snop;
	(pc) =	sbr.ind lr, $3  }
0x3a: {  	_ = 	snop  }
0x3b: {  	_ = 	snop  }
0x3c: {  	p2 =	seq.s32 s10, $0x1;
	s10 =	sld [smem:$0x3FB1]  }
0x3d: {  	_ =	shalt  }
0x3e: {  	_ =	shalt  }
0x3f: {  	_ =	shalt  }
0x40: {  	_ =	shalt  }
0x41: {  	_ =	shalt  }
0x42: {  	_ =	shalt  }
0x43: {  	_ =	shalt  }
0x44: {  	_ =	shalt  }
0x45: {  	_ =	shalt  }
0x46: {  	_ =	shalt  }
0x47: {  	_ =	shalt  }
0x48: {  	_ =	shalt  }
0x49: {  	_ =	shalt  }
0x4a: {  	_ =	shalt  }
0x4b: {  	_ =	shalt  }
0x4c: {  	_ =	shalt  }
0x4d: {  	_ =	shalt  }
0x4e: {  	_ =	shalt  }
0x4f: {  	_ =	shalt  }
0x50: {  	_ =	shalt  }
0x51: {  	_ =	shalt  }
0x52: {  	_ =	shalt  }
0x53: {  	_ =	shalt  }
0x54: {  	_ =	shalt  }
0x55: {  	_ =	shalt  }
0x56: {  	_ =	shalt  }
0x57: {  	_ =	shalt  }
0x58: {  	_ =	shalt  }
0x59: {  	_ =	shalt  }
0x5a: {  	_ =	shalt  }
0x5b: {  	_ =	shalt  }
0x5c: {  	_ =	shalt  }
0x5d: {  	_ =	shalt  }
0x5e: {  	_ =	shalt  }
0x5f: {  	_ =	shalt  }
0x60: {  	_ =	shalt  }
0x61: {  	_ =	shalt  }
0x62: {  	_ =	shalt  }
0x63: {  	_ =	shalt  }
0x64: {  	_ =	shalt  }
0x65: {  	_ =	shalt  }
0x66: {  	_ =	shalt  }
0x67: {  	_ =	shalt  }
0x68: {  	_ =	shalt  }
0x69: {  	_ =	shalt  }
0x6a: {  	_ =	shalt  }
0x6b: {  	_ =	shalt  }
0x6c: {  	_ =	shalt  }
0x6d: {  	_ =	shalt  }
0x6e: {  	_ =	shalt  }
0x6f: {  	_ =	shalt  }
0x70: {  	_ =	shalt  }
0x71: {  	_ =	shalt  }
0x72: {  	_ =	shalt  }
0x73: {  	_ =	shalt  }
0x74: {  	_ =	shalt  }
0x75: {  	_ =	shalt  }
0x76: {  	_ =	shalt  }
0x77: {  	_ =	shalt  }
0x78: {  	_ =	shalt  }
0x79: {  	_ =	shalt  }
0x7a: {  	_ =	shalt  }
0x7b: {  	_ =	shalt  }
0x7c: {  	_ =	shalt  }
0x7d: {  	_ =	shalt  }
0x7e: {  	_ =	shalt  }
0x7f: {  	_ =	shalt  }
0x80: {  	_ =	shalt  }
0x81: {  	_ =	shalt  }
0x82: {  	_ =	shalt  }
0x83: {  	_ =	shalt  }
0x84: {  	_ =	shalt  }
0x85: {  	_ =	shalt  }
0x86: {  	_ =	shalt  }
0x87: {  	_ =	shalt  }
.Lfunc_end0:
.L_simem_size_0:
called_computation.5_lowered:
.L_overlay_start_0:
0x88: {  	s2 =	sld [smem:$0x3FD9]  }
0x89: {  	s3 =	sld [smem:$0x3FFE];
	_ =	sdelay $0x1  }
0x8a: {  	s1 =	srdreg.scid  }
0x8b: {  	s0 =	sand.u32 $0x1, s1  }
0x8c: {  	s17 =	sshll.u32 s0, $0xA;
	s2 =	sadd.s32 s3, s2  }
0x8d: {  	s2 =	sadd.s32 s2, s17  }
0x8e: {  	[smem:$0x3FBD] =	sst s2  }
0x8f: {  	_ = 	snop  }
0x90: {  	s18 =	sld [smem:$0x3FC6]  }
0x91: {  	s4 =	sld [smem:$0x3FD0];
	(tm) =	ssettm $0x1  }
0x92: {  	s19 =	sld [smem:$0x3FFB];
	_ =	sdelay $0x3  }
0x93: {  	_ =	strace s19  }
0x94: {  	s2 =	sld [smem:$0x3FFC];
	_ =	sdelay $0x3  }
0x95: {  	_ =	strace s2  }
0x96: {  	s2 =	sld [smem:$0x3FFD];
	_ =	sdelay $0x3  }
0x97: {  	_ =	strace s2  }
0x98: {  	_ =	strace $0x8FFFFFFF  }
0x99: {  	s20 =	sld [smem:$0x3FDB];
	_ =	sdelay $0x1  }
0x9a: {  	s5 =	simm.s32 $_scs_section_size  }
0x9b: {  	s6 =	simm.s32 $_size__tile_overlayer_lowered;
	s7 =	simm.s32 $_tile_overlayer_lowered  }
0x9c: {  	s8 =	simm.s32 $0x1BFF;
	s21 =	sshll.u32 s7, $0x1;
	s5 =	sadd.s32 s5, s20  }
0x9d: {  	s22 =	simm.s32 $0x0;
	s6 =	sshll.u32 s6, $0x1;
	s7 =	sadd.s32 s21, s5  }
0x9e: {  	[timem:s22], [sflag:s8] =	dma.local [hbm:s7], s6  }
0x9f: {  	_ =	swait.ge [sflag:s8], s6  }
0xa0: {  	s6 =	ssub.s32 $0x0, s6;
	[sflag:s8] =	ssyncset.done $0x0  }
0xa1: {  	[sflag:s8] =	ssyncadd.s32 s6;
	_ =	sdelay $0x1  }
0xa2: {  	s23 =	simm.s32 $0x1B8B  }
0xa3: {  	_ =	swait.ge [sflag:s23], $0x1  }
0xa4: {  	[sflag:s23] =	ssyncset.done $0x0  }
0xa5: {  	[sflag:s23] =	ssyncadd.s32 $0xFFFFFFFF  }
0xa6: {  	s6 =	sld [smem:$0x0]  }
0xa7: {  	s7 =	sand.u32 $0xFFFFFFFE, s1  }
0xa8: {  	p0 =	sne.s32 s1, s7  }
0xa9: {  	s7 =	sshll.u32 @p0 s7, $0xE  }
0xaa: {  	s7 =	sadd.s32 @p0 $0x11B8D, s7;
	s8 =	sshll.u32 @p0 s6, $0x11  }
0xab: {  	s7 =	sor.u32 @p0 s8, s7  }
0xac: {  	[sflag:s7] =	ssyncadd.remote.s32 @p0 $0x1;
	_ =	sdelay $0x1  }
0xad: {  	s7 =	simm.s32 @p0 $0x1B8D  }
0xae: {  	_ =	swait.eq @p0 [sflag:s7], $0x1  }
0xaf: {  	[sflag:s7] =	ssyncadd.s32 @p0 $0xFFFFFFFF  }
0xb0: {  	s8 =	sshll.u32 @!p0 s1, $0xE  }
0xb1: {  	s8 =	sor.u32 @!p0 $0x4000, s8;
	s7 =	simm.s32 @!p0 $0x1B8D  }
0xb2: {  	s6 =	sshll.u32 @!p0 s6, $0x11;
	s8 =	sadd.s32 @!p0 $0x11B8D, s8;
	_ =	swait.eq @!p0 [sflag:s7], $0x1  }
0xb3: {  	s6 =	sor.u32 @!p0 s6, s8;
	[sflag:s7] =	ssyncadd.s32 @!p0 $0xFFFFFFFF  }
0xb4: {  	s25 =	simm.s32 $0x1B8E;
	s24 =	sld [smem:$0x3FFE];
	[sflag:s6] =	ssyncadd.remote.s32 @!p0 $0x1  }
0xb5: {  	s26 =	simm.s32 $execute0_lowered;
	[smem:$0x3FD2] =	sst s25  }
0xb6: {  	s7 =	sshll.u32 s26, $0x1;
	_ =	strace $0x80000055;
	[dreg:$0x1] =	wrdreg $0xFFFFFFFF  }
0xb7: {  	s28 =	simm.s32 $_size_execute0_lowered;
	s5 =	sadd.s32 s5, s7;
	[dreg:$0x0] =	wrdreg $0x0  }
0xb8: {  	s7 =	sshll.u32 s28, $0x1;
	[dreg:$0x2] =	wrdreg s5  }
0xb9: {  	[dreg:$0x3] =	wrdreg s7  }
0xba: {  	[dreg:$0x4] =	wrdreg $0xC0  }
0xbb: {  	_ =	task [dreg:s22], $0x5FFFF  }
0xbc: {  	[dreg:$0x1] =	wrdreg $0xFFFFFFFF  }
0xbd: {  	[dreg:$0x0] =	wrdreg $0x60  }
0xbe: {  	[dreg:$0x2] =	wrdreg s24  }
0xbf: {  	[dreg:$0x3] =	wrdreg s18  }
0xc0: {  	[dreg:$0x4] =	wrdreg s4  }
0xc1: {  	[dreg:$0x5] =	wrdreg $0xD  }
0xc2: {  	_ =	task.clear_ibuf [dreg:s22], $0x6FFFF;
	_ =	strace $0x90000055  }
0xc3: {  	s29 =	simm.s32 $0xD;
	_ =	strace $0x80000057  }
0xc4: {  	_ =	swait.ge [sflag:s29], $0x1  }
0xc5: {  	[sflag:s29] =	ssyncadd.s32 $0xFFFFFFFF  }
0xc6: {  	_ =	strace $0x90000057  }
0xc7: {  	_ =	sfence  }
0xc8: {  	s30 =	sld [smem:$0x0];
	_ =	sdelay $0x2  }
0xc9: {  	s31 =	sshll.u32 s1, $0xD;
	s1 =	sshrl.u32 s1, $0x2  }
0xca: {  	s4 =	sand.u32 $0x4000, s31;
	s1 =	sadd.s32 s1, s30  }
0xcb: {  	s0 =	sor.u32 s4, s0;
	s1 =	sshll.u32 s1, $0x11  }
0xcc: {  	s0 =	sor.u32 s1, s0  }
0xcd: {  	s0 =	sadd.s32 $0x8F2B, s0  }
0xce: {  	[sflag:s0] =	ssyncadd.remote.s32 $0x1  }
0xcf: {  	_ =	sfence.sel $0xFFFF  }
0xd0: {  	[dreg:$0x0] =	wrdreg $0xFFFFFFFF;
	(pc) =	sbr.abs _section_cstart, $3  }
0xd1: {  	[dreg:$0x1] =	wrdreg $0xFFFFFFFF  }
0xd2: {  	_ =	task.clear_ibuf [dreg:s22], $0x2FFFF;
	_ =	strace $0x9FFFFFFF  }
0xd3: {  	(tm) =	ssettm $0x7FFFFFFF  }
tec
execute0_lowered:
.L_overlay_start_1:
0x0: {  	(tag) =	ssettag $0x1  }
0x1: {  	s0 =	rddreg [dreg:$0x0]  }
0x2: {  	s3 =	rddreg [dreg:$0x1]  }
0x3: {  	s1 =	srdreg.scid;
	s4 =	rddreg [dreg:$0x2]  }
0x4: {  	s26 =	stileid.u32;
	s28 =	rddreg [dreg:$0x3];
	s2 =	simm.s32 $0x0  }
0x5: {  	s21 =	simm.s32 $0x100;
	s22 =	simm.s32 $0x180;
	[smem:$0x7FF] =	sst s2  }
0x6: {  	s23 =	simm.s32 $0x200;
	_ =	strace $0x80000056;
	[dreg:$0x17] =	wrdreg s21  }
0x7: {  	s1 =	sand.u32 $0x1, s1;
	s5 =	sshll.u32 s26, $0x1;
	[dreg:$0x18] =	wrdreg s22  }
0x8: {  	s24 =	simm.s32 $0x280;
	s5 =	sor.u32 s1, s5;
	[dreg:$0x19] =	wrdreg s23  }
0x9: {  	s29 =	simm.s32 $0x300;
	[dreg:$0x1a] =	wrdreg s24;
	s6 =	sshll.u32 s5, $0x8  }
0xa: {  	s7 =	sshll.u32 s5, $0x4;
	s8 =	sshll.u32 s5, $0xF;
	s5 =	sshll.u32 s5, $0xB  }
0xb: {  	[dreg:$0x1b] =	wrdreg s29;
	s6 =	sadd.s32 s6, s0;
	s4 =	sadd.s32 s4, s5  }
0xc: {  	s7 =	sadd.s32 s7, s0;
	s6 =	sadd.s32 $0xB800, s6;
	[dreg:$0x6] =	wrdreg s4  }
0xd: {  	s0 =	sadd.s32 s8, s0;
	s31 =	sadd.s32 $0x5700, s7;
	[dreg:$0x4] =	wrdreg s6  }
0xe: {  	s25 =	simm.s32 $0xA;
	s5 =	sadd.s32 $0x38F400, s0;
	[dreg:$0x5] =	wrdreg s31  }
0xf: {  	s30 =	simm.s32 $0x400;
	s7 =	sadd.s32 $0x395C00, s0;
	[dreg:$0x7] =	wrdreg s5  }
0x10: {  	p1 =	por $0x0, $0x0;
	s8 =	sadd.s32 $0x396400, s0;
	[dreg:$0x9] =	wrdreg s7  }
0x11: {  	p0 =	sgt.u32 s26, $0x7;
	s9 =	sadd.s32 $0x396C00, s0;
	[dreg:$0xa] =	wrdreg s8  }
0x12: {  	s1 =	ssub.s32 $0x2, s1;
	s10 =	sadd.s32 $0x38FC00, s0;
	[dreg:$0xb] =	wrdreg s9  }
0x13: {  	s24 =	simm.s32 $0x480;
	s11 =	sadd.s32 $0x390400, s0;
	[dreg:$0xc] =	wrdreg s10  }
0x14: {  	s23 =	simm.s32 $0x500;
	s12 =	sadd.s32 $0x390C00, s0;
	[dreg:$0xd] =	wrdreg s11  }
0x15: {  	s22 =	simm.s32 $0x580;
	s13 =	sadd.s32 $0x391400, s0;
	[dreg:$0xe] =	wrdreg s12  }
0x16: {  	s21 =	simm.s32 $0x600;
	s14 =	sadd.s32 $0x391C00, s0;
	[dreg:$0xf] =	wrdreg s13  }
0x17: {  	s19 =	sshrl.u32 s1, $0x1;
	s15 =	sadd.s32 $0x392400, s0;
	[dreg:$0x10] =	wrdreg s14  }
0x18: {  	s1 =	ssub.s32 s1, s19;
	s16 =	sadd.s32 $0x392C00, s0;
	[dreg:$0x11] =	wrdreg s15  }
0x19: {  	s19 =	simm.s32 $0x700;
	s17 =	sadd.s32 $0x393400, s0;
	[dreg:$0x12] =	wrdreg s16  }
0x1a: {  	s18 =	sadd.s32 $0x393C00, s0;
	s20 =	sadd.s32 $0x394400, s0;
	[dreg:$0x13] =	wrdreg s17  }
0x1b: {  	s1 =	smax.u32 s1, $0x1;
	s4 =	simm.s32 $0x10880;
	[dreg:$0x14] =	wrdreg s18  }
0x1c: {  	s6 =	sadd.s32 $0x395400, s0;
	[dreg:$0x15] =	wrdreg s20;
	s0 =	sadd.s32 $0x394C00, s0  }
0x1d: {  	s14 =	simm.s32 $0x80;
	s12 =	simm.s32 $0x4880;
	s18 =	sadd.s32 $0xFFFFFFFF, s1  }
0x1e: {  	s7 =	simm.s32 $0x8880;
	s5 =	simm.s32 $0xC880;
	p2 =	sne.s32 s18, $0x0  }
.Ltmp0:
0x1f: {  	s16 =	simm.s32 $0x1;
	s15 =	simm.s32 $0x2;
	(pc) =	sbr.rel @!p2 .LBB2_1-.Ltmp0, $4  }
0x20: {  	s13 =	simm.s32 $0x3;
	s11 =	simm.s32 $0x4;
	[dreg:$0x8] =	wrdreg s6  }
0x21: {  	s8 =	simm.s32 $0x5;
	s31 =	simm.s32 $0x380;
	[dreg:$0x16] =	wrdreg s0  }
0x22: {  	s9 =	simm.s32 $0x6;
	s10 =	simm.s32 $0x7;
	[dreg:$0x1c] =	wrdreg s31  }
0x23: {  	s20 =	simm.s32 $0x680;
	s6 =	simm.s32 $0x8;
	s17 =	rddreg [dreg:$0x4]  }
0x24: {  	[tilespmem:s2], [sflag:$0xA] =	stream.linear.gather [hbm4b:s17+s2], $0x800, $0x38;
	[tilespmem:$0x14880] =	vst v63  }
0x25: {  	_ =	swait.ge [sflag:s25], $0x800  }
0x26: {  	s26 =	simm.s32 @!p0 $0xA;
	s28 =	simm.s32 @!p0 $0x0;
	[sflag:s25] =	ssyncset.done $0x0  }
0x27: {  	s29 =	simm.s32 @!p0 $0x800;
	s1 =	rddreg [dreg:$0x5];
	[sflag:s25] =	ssyncadd.s32 $0xFFFFF800  }
0x28: {  	[tilespmem:s29], [sflag:$0xA] =	stream.linear.gather @!p0 [hbm4b:s1+s28], $0x80, $0x38;
	[tilespmem:$0x14880] =	vst v63  }
0x29: {  	_ =	swait.ge @!p0 [sflag:s26], $0x80  }
0x2a: {  	s30 =	simm.s32 @!p0 $0x9;
	[sflag:s26] =	ssyncset.done @!p0 $0x0  }
0x2b: {  	s0 =	simm.s32 @!p0 $0x80;
	s1 =	simm.s32 @!p0 $0x880;
	[sflag:s26] =	ssyncadd.s32 @!p0 $0xFFFFFF80  }
0x2c: {  	[tilespmem:s1], [sflag:$0x9] =	stream.indirect.gather @!p0 [hbm4b:s3+s0], $0x80, s29, s0, $0xb8;
	[tilespmem:$0x14880] =	vst v63  }
0x2d: {  	_ =	swait.ge @!p0 [sflag:s30], $0x4000  }
0x2e: {  	[sflag:s30] =	ssyncset.done @!p0 $0x0  }
0x2f: {  	s17 =	rddreg [dreg:$0x6];
	[sflag:s30] =	ssyncadd.s32 @!p0 $0xFFFFC000  }
0x30: {  	[hbm4b:s17+s28] =	stream.linear.scatter @!p0 [tilespmem:s1], [sflag:$0xA], $0x4000, $0x38;
	[tilespmem:$0x14880] =	vst v63  }
0x31: {  	_ =	swait.ge @!p0 [sflag:s26], $0x4000  }
0x32: {  	[sflag:s26] =	ssyncset.done @!p0 $0x0  }
0x33: {  	[sflag:s26] =	ssyncadd.s32 @!p0 $0xFFFFC000  }
0x34: {  	[tilespmem:s12], [sflag:$0x1] =	stream.indirect.gather [hbm4b:s3+s14], $0x80, s2, s14, $0xb8;
	[tilespmem:$0x14880] =	vst v63  }
0x35: {  	_ = 	snop  }
0x36: {  	[tilespmem:s7], [sflag:$0x2] =	stream.indirect.gather [hbm4b:s3+s14], $0x80, s14, s14, $0xb8;
	[tilespmem:$0x14880] =	vst v63  }
0x37: {  	s0 =	rddreg [dreg:$0x17]  }
0x38: {  	[tilespmem:s5], [sflag:$0x3] =	stream.indirect.gather [hbm4b:s3+s14], $0x80, s0, s14, $0xb8;
	[tilespmem:$0x14880] =	vst v63  }
0x39: {  	s22 =	rddreg [dreg:$0x18]  }
0x3a: {  	[tilespmem:s4], [sflag:$0x4] =	stream.indirect.gather [hbm4b:s3+s14], $0x80, s22, s14, $0xb8;
	[tilespmem:$0x14880] =	vst v63  }
0x3b: {  	_ =	swait.ge [sflag:s16], $0x4000  }
0x3c: {  	[sflag:s16] =	ssyncset.done $0x0  }
0x3d: {  	s17 =	rddreg [dreg:$0x7];
	[sflag:s16] =	ssyncadd.s32 $0xFFFFC000  }
0x3e: {  	[hbm4b:s17+s2] =	stream.linear.scatter [tilespmem:s12], [sflag:$0x5], $0x4000, $0x38;
	[tilespmem:$0x14880] =	vst v63  }
0x3f: {  	_ =	swait.ge [sflag:s15], $0x4000  }
0x40: {  	[sflag:s15] =	ssyncset.done $0x0  }
0x41: {  	s22 =	rddreg [dreg:$0xc];
	[sflag:s15] =	ssyncadd.s32 $0xFFFFC000  }
0x42: {  	[hbm4b:s22+s2] =	stream.linear.scatter [tilespmem:s7], [sflag:$0x6], $0x4000, $0x38;
	[tilespmem:$0x14880] =	vst v63  }
0x43: {  	_ =	swait.ge [sflag:s13], $0x4000  }
0x44: {  	[sflag:s13] =	ssyncset.done $0x0  }
0x45: {  	s17 =	rddreg [dreg:$0xd];
	[sflag:s13] =	ssyncadd.s32 $0xFFFFC000  }
0x46: {  	[hbm4b:s17+s2] =	stream.linear.scatter [tilespmem:s5], [sflag:$0x7], $0x4000, $0x38;
	[tilespmem:$0x14880] =	vst v63  }
0x47: {  	_ =	swait.ge [sflag:s11], $0x4000  }
0x48: {  	[sflag:s11] =	ssyncset.done $0x0  }
0x49: {  	s22 =	rddreg [dreg:$0xe];
	[sflag:s11] =	ssyncadd.s32 $0xFFFFC000  }
0x4a: {  	[hbm4b:s22+s2] =	stream.linear.scatter [tilespmem:s4], [sflag:$0x8], $0x4000, $0x38;
	[tilespmem:$0x14880] =	vst v63  }
0x4b: {  	_ =	swait.ge [sflag:s8], $0x4000  }
0x4c: {  	[sflag:s8] =	ssyncset.done $0x0  }
0x4d: {  	s17 =	rddreg [dreg:$0x19];
	[sflag:s8] =	ssyncadd.s32 $0xFFFFC000  }
0x4e: {  	[tilespmem:s12], [sflag:$0x1] =	stream.indirect.gather [hbm4b:s3+s14], $0x80, s17, s14, $0xb8;
	[tilespmem:$0x14880] =	vst v63  }
0x4f: {  	_ =	swait.ge [sflag:s9], $0x4000  }
0x50: {  	[sflag:s9] =	ssyncset.done $0x0  }
0x51: {  	s22 =	rddreg [dreg:$0x1a];
	[sflag:s9] =	ssyncadd.s32 $0xFFFFC000  }
0x52: {  	[tilespmem:s7], [sflag:$0x2] =	stream.indirect.gather [hbm4b:s3+s14], $0x80, s22, s14, $0xb8;
	[tilespmem:$0x14880] =	vst v63  }
0x53: {  	_ =	swait.ge [sflag:s10], $0x4000  }
0x54: {  	[sflag:s10] =	ssyncset.done $0x0  }
0x55: {  	s17 =	rddreg [dreg:$0x1b];
	[sflag:s10] =	ssyncadd.s32 $0xFFFFC000  }
0x56: {  	[tilespmem:s5], [sflag:$0x3] =	stream.indirect.gather [hbm4b:s3+s14], $0x80, s17, s14, $0xb8;
	[tilespmem:$0x14880] =	vst v63  }
0x57: {  	_ =	swait.ge [sflag:s6], $0x4000  }
0x58: {  	[sflag:s6] =	ssyncset.done $0x0  }
0x59: {  	s22 =	rddreg [dreg:$0x1c];
	[sflag:s6] =	ssyncadd.s32 $0xFFFFC000  }
0x5a: {  	[tilespmem:s4], [sflag:$0x4] =	stream.indirect.gather [hbm4b:s3+s14], $0x80, s22, s14, $0xb8;
	[tilespmem:$0x14880] =	vst v63  }
0x5b: {  	_ =	swait.ge [sflag:s16], $0x4000  }
0x5c: {  	[sflag:s16] =	ssyncset.done $0x0  }
0x5d: {  	s17 =	rddreg [dreg:$0xf];
	[sflag:s16] =	ssyncadd.s32 $0xFFFFC000  }
0x5e: {  	[hbm4b:s17+s2] =	stream.linear.scatter [tilespmem:s12], [sflag:$0x5], $0x4000, $0x38;
	[tilespmem:$0x14880] =	vst v63  }
0x5f: {  	_ =	swait.ge [sflag:s15], $0x4000  }
0x60: {  	[sflag:s15] =	ssyncset.done $0x0  }
0x61: {  	s22 =	rddreg [dreg:$0x10];
	[sflag:s15] =	ssyncadd.s32 $0xFFFFC000  }
0x62: {  	[hbm4b:s22+s2] =	stream.linear.scatter [tilespmem:s7], [sflag:$0x6], $0x4000, $0x38;
	[tilespmem:$0x14880] =	vst v63  }
0x63: {  	_ =	swait.ge [sflag:s13], $0x4000  }
0x64: {  	[sflag:s13] =	ssyncset.done $0x0  }
0x65: {  	s17 =	rddreg [dreg:$0x11];
	[sflag:s13] =	ssyncadd.s32 $0xFFFFC000  }
0x66: {  	[hbm4b:s17+s2] =	stream.linear.scatter [tilespmem:s5], [sflag:$0x7], $0x4000, $0x38;
	[tilespmem:$0x14880] =	vst v63  }
0x67: {  	_ =	swait.ge [sflag:s11], $0x4000  }
0x68: {  	[sflag:s11] =	ssyncset.done $0x0  }
0x69: {  	s22 =	rddreg [dreg:$0x12];
	[sflag:s11] =	ssyncadd.s32 $0xFFFFC000  }
0x6a: {  	[hbm4b:s22+s2] =	stream.linear.scatter [tilespmem:s4], [sflag:$0x8], $0x4000, $0x38;
	[tilespmem:$0x14880] =	vst v63  }
0x6b: {  	_ =	swait.ge [sflag:s8], $0x4000  }
0x6c: {  	[sflag:s8] =	ssyncset.done $0x0  }
0x6d: {  	s19 =	simm.s32 $0x400;
	[sflag:s8] =	ssyncadd.s32 $0xFFFFC000  }
0x6e: {  	[tilespmem:s12], [sflag:$0x1] =	stream.indirect.gather [hbm4b:s3+s14], $0x80, s19, s14, $0xb8;
	[tilespmem:$0x14880] =	vst v63  }
0x6f: {  	_ =	swait.ge [sflag:s9], $0x4000  }
0x70: {  	[sflag:s9] =	ssyncset.done $0x0  }
0x71: {  	s24 =	simm.s32 $0x480;
	[sflag:s9] =	ssyncadd.s32 $0xFFFFC000  }
0x72: {  	[tilespmem:s7], [sflag:$0x2] =	stream.indirect.gather [hbm4b:s3+s14], $0x80, s24, s14, $0xb8;
	[tilespmem:$0x14880] =	vst v63  }
0x73: {  	_ =	swait.ge [sflag:s10], $0x4000  }
0x74: {  	[sflag:s10] =	ssyncset.done $0x0  }
0x75: {  	s23 =	simm.s32 $0x500;
	[sflag:s10] =	ssyncadd.s32 $0xFFFFC000  }
0x76: {  	[tilespmem:s5], [sflag:$0x3] =	stream.indirect.gather [hbm4b:s3+s14], $0x80, s23, s14, $0xb8;
	[tilespmem:$0x14880] =	vst v63  }
0x77: {  	_ =	swait.ge [sflag:s6], $0x4000  }
0x78: {  	[sflag:s6] =	ssyncset.done $0x0  }
0x79: {  	s31 =	simm.s32 $0x580;
	[sflag:s6] =	ssyncadd.s32 $0xFFFFC000  }
0x7a: {  	[tilespmem:s4], [sflag:$0x4] =	stream.indirect.gather [hbm4b:s3+s14], $0x80, s31, s14, $0xb8;
	[tilespmem:$0x14880] =	vst v63  }
0x7b: {  	_ =	swait.ge [sflag:s16], $0x4000  }
0x7c: {  	[sflag:s16] =	ssyncset.done $0x0  }
0x7d: {  	s17 =	rddreg [dreg:$0x13];
	[sflag:s16] =	ssyncadd.s32 $0xFFFFC000  }
0x7e: {  	[hbm4b:s17+s2] =	stream.linear.scatter [tilespmem:s12], [sflag:$0x5], $0x4000, $0x38;
	[tilespmem:$0x14880] =	vst v63  }
0x7f: {  	_ =	swait.ge [sflag:s15], $0x4000  }
0x80: {  	[sflag:s15] =	ssyncset.done $0x0  }
0x81: {  	s17 =	rddreg [dreg:$0x14];
	[sflag:s15] =	ssyncadd.s32 $0xFFFFC000  }
0x82: {  	[hbm4b:s17+s2] =	stream.linear.scatter [tilespmem:s7], [sflag:$0x6], $0x4000, $0x38;
	[tilespmem:$0x14880] =	vst v63  }
0x83: {  	_ =	swait.ge [sflag:s13], $0x4000  }
0x84: {  	[sflag:s13] =	ssyncset.done $0x0  }
0x85: {  	s17 =	rddreg [dreg:$0x15];
	[sflag:s13] =	ssyncadd.s32 $0xFFFFC000  }
0x86: {  	[hbm4b:s17+s2] =	stream.linear.scatter [tilespmem:s5], [sflag:$0x7], $0x4000, $0x38;
	[tilespmem:$0x14880] =	vst v63  }
0x87: {  	_ =	swait.ge [sflag:s11], $0x4000  }
0x88: {  	[sflag:s11] =	ssyncset.done $0x0  }
0x89: {  	s17 =	rddreg [dreg:$0x16];
	[sflag:s11] =	ssyncadd.s32 $0xFFFFC000  }
0x8a: {  	[hbm4b:s17+s2] =	stream.linear.scatter [tilespmem:s4], [sflag:$0x8], $0x4000, $0x38;
	[tilespmem:$0x14880] =	vst v63  }
0x8b: {  	_ =	swait.ge [sflag:s8], $0x4000  }
0x8c: {  	[sflag:s8] =	ssyncset.done $0x0  }
0x8d: {  	s21 =	simm.s32 $0x600;
	[sflag:s8] =	ssyncadd.s32 $0xFFFFC000  }
0x8e: {  	[tilespmem:s12], [sflag:$0x1] =	stream.indirect.gather [hbm4b:s3+s14], $0x80, s21, s14, $0xb8;
	[tilespmem:$0x14880] =	vst v63  }
0x8f: {  	_ =	swait.ge [sflag:s9], $0x4000  }
0x90: {  	[sflag:s9] =	ssyncset.done $0x0  }
0x91: {  	s20 =	simm.s32 $0x680;
	[sflag:s9] =	ssyncadd.s32 $0xFFFFC000  }
0x92: {  	[tilespmem:s7], [sflag:$0x2] =	stream.indirect.gather [hbm4b:s3+s14], $0x80, s20, s14, $0xb8;
	[tilespmem:$0x14880] =	vst v63  }
0x93: {  	_ =	swait.ge [sflag:s10], $0x4000  }
0x94: {  	[sflag:s10] =	ssyncset.done $0x0  }
0x95: {  	s17 =	simm.s32 $0x700;
	[sflag:s10] =	ssyncadd.s32 $0xFFFFC000  }
0x96: {  	[tilespmem:s5], [sflag:$0x3] =	stream.indirect.gather [hbm4b:s3+s14], $0x80, s17, s14, $0xb8;
	[tilespmem:$0x14880] =	vst v63  }
0x97: {  	_ =	swait.ge [sflag:s6], $0x4000  }
0x98: {  	[sflag:s6] =	ssyncset.done $0x0  }
0x99: {  	s17 =	simm.s32 $0x780;
	[sflag:s6] =	ssyncadd.s32 $0xFFFFC000  }
0x9a: {  	[tilespmem:s4], [sflag:$0x4] =	stream.indirect.gather [hbm4b:s3+s14], $0x80, s17, s14, $0xb8;
	[tilespmem:$0x14880] =	vst v63  }
0x9b: {  	_ =	swait.ge [sflag:s16], $0x4000  }
0x9c: {  	[sflag:s16] =	ssyncset.done $0x0  }
0x9d: {  	s17 =	rddreg [dreg:$0x8];
	[sflag:s16] =	ssyncadd.s32 $0xFFFFC000  }
0x9e: {  	[hbm4b:s17+s2] =	stream.linear.scatter [tilespmem:s12], [sflag:$0x5], $0x4000, $0x38;
	[tilespmem:$0x14880] =	vst v63  }
0x9f: {  	_ =	swait.ge [sflag:s15], $0x4000  }
0xa0: {  	[sflag:s15] =	ssyncset.done $0x0  }
0xa1: {  	s17 =	rddreg [dreg:$0x9];
	[sflag:s15] =	ssyncadd.s32 $0xFFFFC000  }
0xa2: {  	[hbm4b:s17+s2] =	stream.linear.scatter [tilespmem:s7], [sflag:$0x6], $0x4000, $0x38;
	[tilespmem:$0x14880] =	vst v63  }
0xa3: {  	_ =	swait.ge [sflag:s13], $0x4000  }
0xa4: {  	[sflag:s13] =	ssyncset.done $0x0  }
0xa5: {  	s17 =	rddreg [dreg:$0xa];
	[sflag:s13] =	ssyncadd.s32 $0xFFFFC000  }
0xa6: {  	[hbm4b:s17+s2] =	stream.linear.scatter [tilespmem:s5], [sflag:$0x7], $0x4000, $0x38;
	[tilespmem:$0x14880] =	vst v63  }
0xa7: {  	_ =	swait.ge [sflag:s11], $0x4000  }
0xa8: {  	[sflag:s11] =	ssyncset.done $0x0  }
0xa9: {  	s17 =	rddreg [dreg:$0xb];
	[sflag:s11] =	ssyncadd.s32 $0xFFFFC000  }
0xaa: {  	[hbm4b:s17+s2] =	stream.linear.scatter [tilespmem:s4], [sflag:$0x8], $0x4000, $0x38;
	[tilespmem:$0x14880] =	vst v63  }
0xab: {  	_ =	swait.ge [sflag:s8], $0x4000  }
0xac: {  	[sflag:s8] =	ssyncset.done $0x0  }
0xad: {  	[sflag:s8] =	ssyncadd.s32 $0xFFFFC000  }
0xae: {  	_ =	swait.ge [sflag:s9], $0x4000  }
0xaf: {  	s0 =	sadd.s32 $0xFFFFFFFF, s18;
	[sflag:s9] =	ssyncset.done $0x0  }
0xb0: {  	p2 =	sne.s32 s0, $0x0;
	[sflag:s9] =	ssyncadd.s32 $0xFFFFC000  }
.Ltmp1:
0xb1: {  	p1 =	por $0x1, $0x1;
	_ =	swait.ge [sflag:s10], $0x4000;
	(pc) =	sbr.rel @!p2 .LBB2_3-.Ltmp1, $4  }
0xb2: {  	s22 =	simm.s32 $0x400;
	s19 =	simm.s32 $0x480;
	[sflag:s10] =	ssyncset.done $0x0  }
0xb3: {  	s24 =	simm.s32 $0x500;
	s23 =	simm.s32 $0x580;
	[sflag:s10] =	ssyncadd.s32 $0xFFFFC000  }
0xb4: {  	s31 =	simm.s32 $0x600;
	s21 =	simm.s32 $0x680;
	_ =	swait.ge [sflag:s6], $0x4000  }
0xb5: {  	s20 =	simm.s32 $0x700;
	s17 =	rddreg [dreg:$0x4];
	[sflag:s6] =	ssyncset.done $0x0  }
.LBB2_4:
0xb6: {  	[sflag:s6] =	ssyncadd.s32 $0xFFFFC000  }
0xb7: {  	[tilespmem:s2], [sflag:$0xA] =	stream.linear.gather [hbm4b:s17+s2], $0x800, $0x38;
	[tilespmem:$0x14880] =	vst v63  }
0xb8: {  	_ =	swait.ge [sflag:s25], $0x800  }
0xb9: {  	[sflag:s25] =	ssyncset.done $0x0  }
0xba: {  	s17 =	rddreg [dreg:$0x5];
	[sflag:s25] =	ssyncadd.s32 $0xFFFFF800  }
0xbb: {  	[tilespmem:s29], [sflag:$0xA] =	stream.linear.gather @!p0 [hbm4b:s17+s28], $0x80, $0x38;
	[tilespmem:$0x14880] =	vst v63  }
0xbc: {  	_ =	swait.ge @!p0 [sflag:s26], $0x80  }
0xbd: {  	[sflag:s26] =	ssyncset.done @!p0 $0x0  }
0xbe: {  	s17 =	simm.s32 @!p0 $0x80;
	[sflag:s26] =	ssyncadd.s32 @!p0 $0xFFFFFF80  }
0xbf: {  	[tilespmem:s1], [sflag:$0x9] =	stream.indirect.gather @!p0 [hbm4b:s3+s17], $0x80, s29, s17, $0xb8;
	[tilespmem:$0x14880] =	vst v63  }
0xc0: {  	_ =	swait.ge @!p0 [sflag:s30], $0x4000  }
0xc1: {  	[sflag:s30] =	ssyncset.done @!p0 $0x0  }
0xc2: {  	s17 =	rddreg [dreg:$0x6];
	[sflag:s30] =	ssyncadd.s32 @!p0 $0xFFFFC000  }
0xc3: {  	[hbm4b:s17+s28] =	stream.linear.scatter @!p0 [tilespmem:s1], [sflag:$0xA], $0x4000, $0x38;
	[tilespmem:$0x14880] =	vst v63  }
0xc4: {  	_ =	swait.ge @!p0 [sflag:s26], $0x4000  }
0xc5: {  	[sflag:s26] =	ssyncset.done @!p0 $0x0  }
0xc6: {  	[sflag:s26] =	ssyncadd.s32 @!p0 $0xFFFFC000  }
0xc7: {  	[tilespmem:s12], [sflag:$0x1] =	stream.indirect.gather [hbm4b:s3+s14], $0x80, s2, s14, $0xb8;
	[tilespmem:$0x14880] =	vst v63  }
0xc8: {  	_ = 	snop  }
0xc9: {  	[tilespmem:s7], [sflag:$0x2] =	stream.indirect.gather [hbm4b:s3+s14], $0x80, s14, s14, $0xb8;
	[tilespmem:$0x14880] =	vst v63  }
0xca: {  	s17 =	rddreg [dreg:$0x17]  }
0xcb: {  	[tilespmem:s5], [sflag:$0x3] =	stream.indirect.gather [hbm4b:s3+s14], $0x80, s17, s14, $0xb8;
	[tilespmem:$0x14880] =	vst v63  }
0xcc: {  	s18 =	rddreg [dreg:$0x18]  }
0xcd: {  	[tilespmem:s4], [sflag:$0x4] =	stream.indirect.gather [hbm4b:s3+s14], $0x80, s18, s14, $0xb8;
	[tilespmem:$0x14880] =	vst v63  }
0xce: {  	_ =	swait.ge [sflag:s16], $0x4000  }
0xcf: {  	[sflag:s16] =	ssyncset.done $0x0  }
0xd0: {  	s17 =	rddreg [dreg:$0x7];
	[sflag:s16] =	ssyncadd.s32 $0xFFFFC000  }
0xd1: {  	[hbm4b:s17+s2] =	stream.linear.scatter [tilespmem:s12], [sflag:$0x5], $0x4000, $0x38;
	[tilespmem:$0x14880] =	vst v63  }
0xd2: {  	_ =	swait.ge [sflag:s15], $0x4000  }
0xd3: {  	[sflag:s15] =	ssyncset.done $0x0  }
0xd4: {  	s17 =	rddreg [dreg:$0xc];
	[sflag:s15] =	ssyncadd.s32 $0xFFFFC000  }
0xd5: {  	[hbm4b:s17+s2] =	stream.linear.scatter [tilespmem:s7], [sflag:$0x6], $0x4000, $0x38;
	[tilespmem:$0x14880] =	vst v63  }
0xd6: {  	_ =	swait.ge [sflag:s13], $0x4000  }
0xd7: {  	[sflag:s13] =	ssyncset.done $0x0  }
0xd8: {  	s17 =	rddreg [dreg:$0xd];
	[sflag:s13] =	ssyncadd.s32 $0xFFFFC000  }
0xd9: {  	[hbm4b:s17+s2] =	stream.linear.scatter [tilespmem:s5], [sflag:$0x7], $0x4000, $0x38;
	[tilespmem:$0x14880] =	vst v63  }
0xda: {  	_ =	swait.ge [sflag:s11], $0x4000  }
0xdb: {  	[sflag:s11] =	ssyncset.done $0x0  }
0xdc: {  	s17 =	rddreg [dreg:$0xe];
	[sflag:s11] =	ssyncadd.s32 $0xFFFFC000  }
0xdd: {  	[hbm4b:s17+s2] =	stream.linear.scatter [tilespmem:s4], [sflag:$0x8], $0x4000, $0x38;
	[tilespmem:$0x14880] =	vst v63  }
0xde: {  	_ =	swait.ge [sflag:s8], $0x4000  }
0xdf: {  	[sflag:s8] =	ssyncset.done $0x0  }
0xe0: {  	s17 =	rddreg [dreg:$0x19];
	[sflag:s8] =	ssyncadd.s32 $0xFFFFC000  }
0xe1: {  	[tilespmem:s12], [sflag:$0x1] =	stream.indirect.gather [hbm4b:s3+s14], $0x80, s17, s14, $0xb8;
	[tilespmem:$0x14880] =	vst v63  }
0xe2: {  	_ =	swait.ge [sflag:s9], $0x4000  }
0xe3: {  	[sflag:s9] =	ssyncset.done $0x0  }
0xe4: {  	s17 =	rddreg [dreg:$0x1a];
	[sflag:s9] =	ssyncadd.s32 $0xFFFFC000  }
0xe5: {  	[tilespmem:s7], [sflag:$0x2] =	stream.indirect.gather [hbm4b:s3+s14], $0x80, s17, s14, $0xb8;
	[tilespmem:$0x14880] =	vst v63  }
0xe6: {  	_ =	swait.ge [sflag:s10], $0x4000  }
0xe7: {  	[sflag:s10] =	ssyncset.done $0x0  }
0xe8: {  	s17 =	rddreg [dreg:$0x1b];
	[sflag:s10] =	ssyncadd.s32 $0xFFFFC000  }
0xe9: {  	[tilespmem:s5], [sflag:$0x3] =	stream.indirect.gather [hbm4b:s3+s14], $0x80, s17, s14, $0xb8;
	[tilespmem:$0x14880] =	vst v63  }
0xea: {  	_ =	swait.ge [sflag:s6], $0x4000  }
0xeb: {  	[sflag:s6] =	ssyncset.done $0x0  }
0xec: {  	s17 =	rddreg [dreg:$0x1c];
	[sflag:s6] =	ssyncadd.s32 $0xFFFFC000  }
0xed: {  	[tilespmem:s4], [sflag:$0x4] =	stream.indirect.gather [hbm4b:s3+s14], $0x80, s17, s14, $0xb8;
	[tilespmem:$0x14880] =	vst v63  }
0xee: {  	_ =	swait.ge [sflag:s16], $0x4000  }
0xef: {  	[sflag:s16] =	ssyncset.done $0x0  }
0xf0: {  	s17 =	rddreg [dreg:$0xf];
	[sflag:s16] =	ssyncadd.s32 $0xFFFFC000  }
0xf1: {  	[hbm4b:s17+s2] =	stream.linear.scatter [tilespmem:s12], [sflag:$0x5], $0x4000, $0x38;
	[tilespmem:$0x14880] =	vst v63  }
0xf2: {  	_ =	swait.ge [sflag:s15], $0x4000  }
0xf3: {  	[sflag:s15] =	ssyncset.done $0x0  }
0xf4: {  	s17 =	rddreg [dreg:$0x10];
	[sflag:s15] =	ssyncadd.s32 $0xFFFFC000  }
0xf5: {  	[hbm4b:s17+s2] =	stream.linear.scatter [tilespmem:s7], [sflag:$0x6], $0x4000, $0x38;
	[tilespmem:$0x14880] =	vst v63  }
0xf6: {  	_ =	swait.ge [sflag:s13], $0x4000  }
0xf7: {  	[sflag:s13] =	ssyncset.done $0x0  }
0xf8: {  	s17 =	rddreg [dreg:$0x11];
	[sflag:s13] =	ssyncadd.s32 $0xFFFFC000  }
0xf9: {  	[hbm4b:s17+s2] =	stream.linear.scatter [tilespmem:s5], [sflag:$0x7], $0x4000, $0x38;
	[tilespmem:$0x14880] =	vst v63  }
0xfa: {  	_ =	swait.ge [sflag:s11], $0x4000  }
0xfb: {  	[sflag:s11] =	ssyncset.done $0x0  }
0xfc: {  	s17 =	rddreg [dreg:$0x12];
	[sflag:s11] =	ssyncadd.s32 $0xFFFFC000  }
0xfd: {  	[hbm4b:s17+s2] =	stream.linear.scatter [tilespmem:s4], [sflag:$0x8], $0x4000, $0x38;
	[tilespmem:$0x14880] =	vst v63  }
0xfe: {  	_ =	swait.ge [sflag:s8], $0x4000  }
0xff: {  	[sflag:s8] =	ssyncset.done $0x0  }
0x100: {  	[sflag:s8] =	ssyncadd.s32 $0xFFFFC000  }
0x101: {  	[tilespmem:s12], [sflag:$0x1] =	stream.indirect.gather [hbm4b:s3+s14], $0x80, s22, s14, $0xb8;
	[tilespmem:$0x14880] =	vst v63  }
0x102: {  	_ =	swait.ge [sflag:s9], $0x4000  }
0x103: {  	[sflag:s9] =	ssyncset.done $0x0  }
0x104: {  	[sflag:s9] =	ssyncadd.s32 $0xFFFFC000  }
0x105: {  	[tilespmem:s7], [sflag:$0x2] =	stream.indirect.gather [hbm4b:s3+s14], $0x80, s19, s14, $0xb8;
	[tilespmem:$0x14880] =	vst v63  }
0x106: {  	_ =	swait.ge [sflag:s10], $0x4000  }
0x107: {  	[sflag:s10] =	ssyncset.done $0x0  }
0x108: {  	[sflag:s10] =	ssyncadd.s32 $0xFFFFC000  }
0x109: {  	[tilespmem:s5], [sflag:$0x3] =	stream.indirect.gather [hbm4b:s3+s14], $0x80, s24, s14, $0xb8;
	[tilespmem:$0x14880] =	vst v63  }
0x10a: {  	_ =	swait.ge [sflag:s6], $0x4000  }
0x10b: {  	[sflag:s6] =	ssyncset.done $0x0  }
0x10c: {  	[sflag:s6] =	ssyncadd.s32 $0xFFFFC000  }
0x10d: {  	[tilespmem:s4], [sflag:$0x4] =	stream.indirect.gather [hbm4b:s3+s14], $0x80, s23, s14, $0xb8;
	[tilespmem:$0x14880] =	vst v63  }
0x10e: {  	_ =	swait.ge [sflag:s16], $0x4000  }
0x10f: {  	[sflag:s16] =	ssyncset.done $0x0  }
0x110: {  	s17 =	rddreg [dreg:$0x13];
	[sflag:s16] =	ssyncadd.s32 $0xFFFFC000  }
0x111: {  	[hbm4b:s17+s2] =	stream.linear.scatter [tilespmem:s12], [sflag:$0x5], $0x4000, $0x38;
	[tilespmem:$0x14880] =	vst v63  }
0x112: {  	_ =	swait.ge [sflag:s15], $0x4000  }
0x113: {  	[sflag:s15] =	ssyncset.done $0x0  }
0x114: {  	s17 =	rddreg [dreg:$0x14];
	[sflag:s15] =	ssyncadd.s32 $0xFFFFC000  }
0x115: {  	[hbm4b:s17+s2] =	stream.linear.scatter [tilespmem:s7], [sflag:$0x6], $0x4000, $0x38;
	[tilespmem:$0x14880] =	vst v63  }
0x116: {  	_ =	swait.ge [sflag:s13], $0x4000  }
0x117: {  	[sflag:s13] =	ssyncset.done $0x0  }
0x118: {  	s17 =	rddreg [dreg:$0x15];
	[sflag:s13] =	ssyncadd.s32 $0xFFFFC000  }
0x119: {  	[hbm4b:s17+s2] =	stream.linear.scatter [tilespmem:s5], [sflag:$0x7], $0x4000, $0x38;
	[tilespmem:$0x14880] =	vst v63  }
0x11a: {  	_ =	swait.ge [sflag:s11], $0x4000  }
0x11b: {  	[sflag:s11] =	ssyncset.done $0x0  }
0x11c: {  	s17 =	rddreg [dreg:$0x16];
	[sflag:s11] =	ssyncadd.s32 $0xFFFFC000  }
0x11d: {  	[hbm4b:s17+s2] =	stream.linear.scatter [tilespmem:s4], [sflag:$0x8], $0x4000, $0x38;
	[tilespmem:$0x14880] =	vst v63  }
0x11e: {  	_ =	swait.ge [sflag:s8], $0x4000  }
0x11f: {  	[sflag:s8] =	ssyncset.done $0x0  }
0x120: {  	[sflag:s8] =	ssyncadd.s32 $0xFFFFC000  }
0x121: {  	[tilespmem:s12], [sflag:$0x1] =	stream.indirect.gather [hbm4b:s3+s14], $0x80, s31, s14, $0xb8;
	[tilespmem:$0x14880] =	vst v63  }
0x122: {  	_ =	swait.ge [sflag:s9], $0x4000  }
0x123: {  	[sflag:s9] =	ssyncset.done $0x0  }
0x124: {  	[sflag:s9] =	ssyncadd.s32 $0xFFFFC000  }
0x125: {  	[tilespmem:s7], [sflag:$0x2] =	stream.indirect.gather [hbm4b:s3+s14], $0x80, s21, s14, $0xb8;
	[tilespmem:$0x14880] =	vst v63  }
0x126: {  	_ =	swait.ge [sflag:s10], $0x4000  }
0x127: {  	[sflag:s10] =	ssyncset.done $0x0  }
0x128: {  	[sflag:s10] =	ssyncadd.s32 $0xFFFFC000  }
0x129: {  	[tilespmem:s5], [sflag:$0x3] =	stream.indirect.gather [hbm4b:s3+s14], $0x80, s20, s14, $0xb8;
	[tilespmem:$0x14880] =	vst v63  }
0x12a: {  	_ =	swait.ge [sflag:s6], $0x4000  }
0x12b: {  	[sflag:s6] =	ssyncset.done $0x0  }
0x12c: {  	s18 =	simm.s32 $0x780;
	[sflag:s6] =	ssyncadd.s32 $0xFFFFC000  }
0x12d: {  	[tilespmem:s4], [sflag:$0x4] =	stream.indirect.gather [hbm4b:s3+s14], $0x80, s18, s14, $0xb8;
	[tilespmem:$0x14880] =	vst v63  }
0x12e: {  	_ =	swait.ge [sflag:s16], $0x4000  }
0x12f: {  	[sflag:s16] =	ssyncset.done $0x0  }
0x130: {  	s18 =	rddreg [dreg:$0x8];
	[sflag:s16] =	ssyncadd.s32 $0xFFFFC000  }
0x131: {  	[hbm4b:s18+s2] =	stream.linear.scatter [tilespmem:s12], [sflag:$0x5], $0x4000, $0x38;
	[tilespmem:$0x14880] =	vst v63  }
0x132: {  	_ =	swait.ge [sflag:s15], $0x4000  }
0x133: {  	[sflag:s15] =	ssyncset.done $0x0  }
0x134: {  	s18 =	rddreg [dreg:$0x9];
	[sflag:s15] =	ssyncadd.s32 $0xFFFFC000  }
0x135: {  	[hbm4b:s18+s2] =	stream.linear.scatter [tilespmem:s7], [sflag:$0x6], $0x4000, $0x38;
	[tilespmem:$0x14880] =	vst v63  }
0x136: {  	_ =	swait.ge [sflag:s13], $0x4000  }
0x137: {  	[sflag:s13] =	ssyncset.done $0x0  }
0x138: {  	s18 =	rddreg [dreg:$0xa];
	[sflag:s13] =	ssyncadd.s32 $0xFFFFC000  }
0x139: {  	[hbm4b:s18+s2] =	stream.linear.scatter [tilespmem:s5], [sflag:$0x7], $0x4000, $0x38;
	[tilespmem:$0x14880] =	vst v63  }
0x13a: {  	_ =	swait.ge [sflag:s11], $0x4000  }
0x13b: {  	[sflag:s11] =	ssyncset.done $0x0  }
0x13c: {  	s18 =	rddreg [dreg:$0xb];
	[sflag:s11] =	ssyncadd.s32 $0xFFFFC000  }
0x13d: {  	[hbm4b:s18+s2] =	stream.linear.scatter [tilespmem:s4], [sflag:$0x8], $0x4000, $0x38;
	[tilespmem:$0x14880] =	vst v63  }
0x13e: {  	_ =	swait.ge [sflag:s8], $0x4000  }
0x13f: {  	[sflag:s8] =	ssyncset.done $0x0  }
0x140: {  	[sflag:s8] =	ssyncadd.s32 $0xFFFFC000  }
0x141: {  	_ =	swait.ge [sflag:s9], $0x4000  }
0x142: {  	s0 =	sadd.s32 $0xFFFFFFFF, s0;
	[sflag:s9] =	ssyncset.done $0x0  }
0x143: {  	p2 =	sne.s32 s0, $0x0;
	[sflag:s9] =	ssyncadd.s32 $0xFFFFC000  }
.Ltmp2:
0x144: {  	_ =	swait.ge [sflag:s10], $0x4000;
	(pc) =	sbr.rel @p2 .LBB2_4-.Ltmp2, $4  }
0x145: {  	[sflag:s10] =	ssyncset.done $0x0  }
0x146: {  	[sflag:s10] =	ssyncadd.s32 $0xFFFFC000  }
0x147: {  	_ =	swait.ge [sflag:s6], $0x4000  }
0x148: {  	s17 =	rddreg [dreg:$0x4];
	[sflag:s6] =	ssyncset.done $0x0  }
0x149: {  	s29 =	simm.s32 $0x780  }
0x14a: {  	s26 =	stileid.u32;
	s28 =	rddreg [dreg:$0x3];
	s19 =	simm.s32 $0x700  }
0x14b: {  	s20 =	simm.s32 $0x680;
	s21 =	simm.s32 $0x600;
	s22 =	simm.s32 $0x580  }
0x14c: {  	s23 =	simm.s32 $0x500;
	s24 =	simm.s32 $0x480;
	s30 =	simm.s32 $0x400  }
.LBB2_6:
0x14d: {  	[sflag:s6] =	ssyncadd.s32 @p1 $0xFFFFC000  }
0x14e: {  	[tilespmem:s2], [sflag:$0xA] =	stream.linear.gather [hbm4b:s17+s2], $0x800, $0x38;
	[tilespmem:$0x14880] =	vst v63  }
0x14f: {  	_ =	swait.ge [sflag:s25], $0x800  }
0x150: {  	s1 =	simm.s32 @!p0 $0x0;
	[sflag:s25] =	ssyncset.done $0x0  }
0x151: {  	s17 =	simm.s32 @!p0 $0x800;
	s0 =	rddreg [dreg:$0x5];
	[sflag:s25] =	ssyncadd.s32 $0xFFFFF800  }
0x152: {  	[tilespmem:s17], [sflag:$0xA] =	stream.linear.gather @!p0 [hbm4b:s0+s1], $0x80, $0x38;
	[tilespmem:$0x14880] =	vst v63  }
0x153: {  	s0 =	simm.s32 @!p0 $0xA  }
0x154: {  	_ =	swait.ge @!p0 [sflag:s0], $0x80  }
0x155: {  	[sflag:s0] =	ssyncset.done @!p0 $0x0  }
0x156: {  	s18 =	simm.s32 @!p0 $0x80;
	s25 =	simm.s32 @!p0 $0x880;
	[sflag:s0] =	ssyncadd.s32 @!p0 $0xFFFFFF80  }
0x157: {  	[tilespmem:s25], [sflag:$0x9] =	stream.indirect.gather @!p0 [hbm4b:s3+s18], $0x80, s17, s18, $0xb8;
	[tilespmem:$0x14880] =	vst v63  }
0x158: {  	s17 =	simm.s32 @!p0 $0x9  }
0x159: {  	_ =	swait.ge @!p0 [sflag:s17], $0x4000  }
0x15a: {  	[sflag:s17] =	ssyncset.done @!p0 $0x0  }
0x15b: {  	s18 =	rddreg [dreg:$0x6];
	[sflag:s17] =	ssyncadd.s32 @!p0 $0xFFFFC000  }
0x15c: {  	[hbm4b:s18+s1] =	stream.linear.scatter @!p0 [tilespmem:s25], [sflag:$0xA], $0x4000, $0x38;
	[tilespmem:$0x14880] =	vst v63  }
0x15d: {  	_ =	swait.ge @!p0 [sflag:s0], $0x4000  }
0x15e: {  	[sflag:s0] =	ssyncset.done @!p0 $0x0  }
0x15f: {  	[sflag:s0] =	ssyncadd.s32 @!p0 $0xFFFFC000  }
0x160: {  	[tilespmem:s12], [sflag:$0x1] =	stream.indirect.gather [hbm4b:s3+s14], $0x80, s2, s14, $0xb8;
	[tilespmem:$0x14880] =	vst v63  }
0x161: {  	_ = 	snop  }
0x162: {  	[tilespmem:s7], [sflag:$0x2] =	stream.indirect.gather [hbm4b:s3+s14], $0x80, s14, s14, $0xb8;
	[tilespmem:$0x14880] =	vst v63  }
0x163: {  	s25 =	rddreg [dreg:$0x17]  }
0x164: {  	[tilespmem:s5], [sflag:$0x3] =	stream.indirect.gather [hbm4b:s3+s14], $0x80, s25, s14, $0xb8;
	[tilespmem:$0x14880] =	vst v63  }
0x165: {  	s31 =	rddreg [dreg:$0x18]  }
0x166: {  	[tilespmem:s4], [sflag:$0x4] =	stream.indirect.gather [hbm4b:s3+s14], $0x80, s31, s14, $0xb8;
	[tilespmem:$0x14880] =	vst v63  }
0x167: {  	_ =	swait.ge [sflag:s16], $0x4000  }
0x168: {  	[sflag:s16] =	ssyncset.done $0x0  }
0x169: {  	s1 =	rddreg [dreg:$0x7];
	[sflag:s16] =	ssyncadd.s32 $0xFFFFC000  }
0x16a: {  	[hbm4b:s1+s2] =	stream.linear.scatter [tilespmem:s12], [sflag:$0x5], $0x4000, $0x38;
	[tilespmem:$0x14880] =	vst v63  }
0x16b: {  	_ =	swait.ge [sflag:s15], $0x4000  }
0x16c: {  	[sflag:s15] =	ssyncset.done $0x0  }
0x16d: {  	s17 =	rddreg [dreg:$0xc];
	[sflag:s15] =	ssyncadd.s32 $0xFFFFC000  }
0x16e: {  	[hbm4b:s17+s2] =	stream.linear.scatter [tilespmem:s7], [sflag:$0x6], $0x4000, $0x38;
	[tilespmem:$0x14880] =	vst v63  }
0x16f: {  	_ =	swait.ge [sflag:s13], $0x4000  }
0x170: {  	[sflag:s13] =	ssyncset.done $0x0  }
0x171: {  	s18 =	rddreg [dreg:$0xd];
	[sflag:s13] =	ssyncadd.s32 $0xFFFFC000  }
0x172: {  	[hbm4b:s18+s2] =	stream.linear.scatter [tilespmem:s5], [sflag:$0x7], $0x4000, $0x38;
	[tilespmem:$0x14880] =	vst v63  }
0x173: {  	_ =	swait.ge [sflag:s11], $0x4000  }
0x174: {  	[sflag:s11] =	ssyncset.done $0x0  }
0x175: {  	s25 =	rddreg [dreg:$0xe];
	[sflag:s11] =	ssyncadd.s32 $0xFFFFC000  }
0x176: {  	[hbm4b:s25+s2] =	stream.linear.scatter [tilespmem:s4], [sflag:$0x8], $0x4000, $0x38;
	[tilespmem:$0x14880] =	vst v63  }
0x177: {  	_ =	swait.ge [sflag:s8], $0x4000  }
0x178: {  	[sflag:s8] =	ssyncset.done $0x0  }
0x179: {  	s31 =	rddreg [dreg:$0x19];
	[sflag:s8] =	ssyncadd.s32 $0xFFFFC000  }
0x17a: {  	[tilespmem:s12], [sflag:$0x1] =	stream.indirect.gather [hbm4b:s3+s14], $0x80, s31, s14, $0xb8;
	[tilespmem:$0x14880] =	vst v63  }
0x17b: {  	_ =	swait.ge [sflag:s9], $0x4000  }
0x17c: {  	[sflag:s9] =	ssyncset.done $0x0  }
0x17d: {  	s1 =	rddreg [dreg:$0x1a];
	[sflag:s9] =	ssyncadd.s32 $0xFFFFC000  }
0x17e: {  	[tilespmem:s7], [sflag:$0x2] =	stream.indirect.gather [hbm4b:s3+s14], $0x80, s1, s14, $0xb8;
	[tilespmem:$0x14880] =	vst v63  }
0x17f: {  	_ =	swait.ge [sflag:s10], $0x4000  }
0x180: {  	[sflag:s10] =	ssyncset.done $0x0  }
0x181: {  	s17 =	rddreg [dreg:$0x1b];
	[sflag:s10] =	ssyncadd.s32 $0xFFFFC000  }
0x182: {  	[tilespmem:s5], [sflag:$0x3] =	stream.indirect.gather [hbm4b:s3+s14], $0x80, s17, s14, $0xb8;
	[tilespmem:$0x14880] =	vst v63  }
0x183: {  	_ =	swait.ge [sflag:s6], $0x4000  }
0x184: {  	[sflag:s6] =	ssyncset.done $0x0  }
0x185: {  	s18 =	rddreg [dreg:$0x1c];
	[sflag:s6] =	ssyncadd.s32 $0xFFFFC000  }
0x186: {  	[tilespmem:s4], [sflag:$0x4] =	stream.indirect.gather [hbm4b:s3+s14], $0x80, s18, s14, $0xb8;
	[tilespmem:$0x14880] =	vst v63  }
0x187: {  	_ =	swait.ge [sflag:s16], $0x4000  }
0x188: {  	[sflag:s16] =	ssyncset.done $0x0  }
0x189: {  	s25 =	rddreg [dreg:$0xf];
	[sflag:s16] =	ssyncadd.s32 $0xFFFFC000  }
0x18a: {  	[hbm4b:s25+s2] =	stream.linear.scatter [tilespmem:s12], [sflag:$0x5], $0x4000, $0x38;
	[tilespmem:$0x14880] =	vst v63  }
0x18b: {  	_ =	swait.ge [sflag:s15], $0x4000  }
0x18c: {  	[sflag:s15] =	ssyncset.done $0x0  }
0x18d: {  	s31 =	rddreg [dreg:$0x10];
	[sflag:s15] =	ssyncadd.s32 $0xFFFFC000  }
0x18e: {  	[hbm4b:s31+s2] =	stream.linear.scatter [tilespmem:s7], [sflag:$0x6], $0x4000, $0x38;
	[tilespmem:$0x14880] =	vst v63  }
0x18f: {  	_ =	swait.ge [sflag:s13], $0x4000  }
0x190: {  	[sflag:s13] =	ssyncset.done $0x0  }
0x191: {  	s1 =	rddreg [dreg:$0x11];
	[sflag:s13] =	ssyncadd.s32 $0xFFFFC000  }
0x192: {  	[hbm4b:s1+s2] =	stream.linear.scatter [tilespmem:s5], [sflag:$0x7], $0x4000, $0x38;
	[tilespmem:$0x14880] =	vst v63  }
0x193: {  	_ =	swait.ge [sflag:s11], $0x4000  }
0x194: {  	[sflag:s11] =	ssyncset.done $0x0  }
0x195: {  	s17 =	rddreg [dreg:$0x12];
	[sflag:s11] =	ssyncadd.s32 $0xFFFFC000  }
0x196: {  	[hbm4b:s17+s2] =	stream.linear.scatter [tilespmem:s4], [sflag:$0x8], $0x4000, $0x38;
	[tilespmem:$0x14880] =	vst v63  }
0x197: {  	_ =	swait.ge [sflag:s8], $0x4000  }
0x198: {  	[sflag:s8] =	ssyncset.done $0x0  }
0x199: {  	[sflag:s8] =	ssyncadd.s32 $0xFFFFC000  }
0x19a: {  	[tilespmem:s12], [sflag:$0x1] =	stream.indirect.gather [hbm4b:s3+s14], $0x80, s30, s14, $0xb8;
	[tilespmem:$0x14880] =	vst v63  }
0x19b: {  	_ =	swait.ge [sflag:s9], $0x4000  }
0x19c: {  	[sflag:s9] =	ssyncset.done $0x0  }
0x19d: {  	[sflag:s9] =	ssyncadd.s32 $0xFFFFC000  }
0x19e: {  	[tilespmem:s7], [sflag:$0x2] =	stream.indirect.gather [hbm4b:s3+s14], $0x80, s24, s14, $0xb8;
	[tilespmem:$0x14880] =	vst v63  }
0x19f: {  	_ =	swait.ge [sflag:s10], $0x4000  }
0x1a0: {  	[sflag:s10] =	ssyncset.done $0x0  }
0x1a1: {  	[sflag:s10] =	ssyncadd.s32 $0xFFFFC000  }
0x1a2: {  	[tilespmem:s5], [sflag:$0x3] =	stream.indirect.gather [hbm4b:s3+s14], $0x80, s23, s14, $0xb8;
	[tilespmem:$0x14880] =	vst v63  }
0x1a3: {  	_ =	swait.ge [sflag:s6], $0x4000  }
0x1a4: {  	[sflag:s6] =	ssyncset.done $0x0  }
0x1a5: {  	[sflag:s6] =	ssyncadd.s32 $0xFFFFC000  }
0x1a6: {  	[tilespmem:s4], [sflag:$0x4] =	stream.indirect.gather [hbm4b:s3+s14], $0x80, s22, s14, $0xb8;
	[tilespmem:$0x14880] =	vst v63  }
0x1a7: {  	_ =	swait.ge [sflag:s16], $0x4000  }
0x1a8: {  	[sflag:s16] =	ssyncset.done $0x0  }
0x1a9: {  	s18 =	rddreg [dreg:$0x13];
	[sflag:s16] =	ssyncadd.s32 $0xFFFFC000  }
0x1aa: {  	[hbm4b:s18+s2] =	stream.linear.scatter [tilespmem:s12], [sflag:$0x5], $0x4000, $0x38;
	[tilespmem:$0x14880] =	vst v63  }
0x1ab: {  	_ =	swait.ge [sflag:s15], $0x4000  }
0x1ac: {  	[sflag:s15] =	ssyncset.done $0x0  }
0x1ad: {  	s22 =	rddreg [dreg:$0x14];
	[sflag:s15] =	ssyncadd.s32 $0xFFFFC000  }
0x1ae: {  	[hbm4b:s22+s2] =	stream.linear.scatter [tilespmem:s7], [sflag:$0x6], $0x4000, $0x38;
	[tilespmem:$0x14880] =	vst v63  }
0x1af: {  	_ =	swait.ge [sflag:s13], $0x4000  }
0x1b0: {  	[sflag:s13] =	ssyncset.done $0x0  }
0x1b1: {  	s23 =	rddreg [dreg:$0x15];
	[sflag:s13] =	ssyncadd.s32 $0xFFFFC000  }
0x1b2: {  	[hbm4b:s23+s2] =	stream.linear.scatter [tilespmem:s5], [sflag:$0x7], $0x4000, $0x38;
	[tilespmem:$0x14880] =	vst v63  }
0x1b3: {  	_ =	swait.ge [sflag:s11], $0x4000  }
0x1b4: {  	[sflag:s11] =	ssyncset.done $0x0  }
0x1b5: {  	s24 =	rddreg [dreg:$0x16];
	[sflag:s11] =	ssyncadd.s32 $0xFFFFC000  }
0x1b6: {  	[hbm4b:s24+s2] =	stream.linear.scatter [tilespmem:s4], [sflag:$0x8], $0x4000, $0x38;
	[tilespmem:$0x14880] =	vst v63  }
0x1b7: {  	_ =	swait.ge [sflag:s8], $0x4000  }
0x1b8: {  	[sflag:s8] =	ssyncset.done $0x0  }
0x1b9: {  	[sflag:s8] =	ssyncadd.s32 $0xFFFFC000  }
0x1ba: {  	[tilespmem:s12], [sflag:$0x1] =	stream.indirect.gather [hbm4b:s3+s14], $0x80, s21, s14, $0xb8;
	[tilespmem:$0x14880] =	vst v63  }
0x1bb: {  	_ =	swait.ge [sflag:s9], $0x4000  }
0x1bc: {  	[sflag:s9] =	ssyncset.done $0x0  }
0x1bd: {  	[sflag:s9] =	ssyncadd.s32 $0xFFFFC000  }
0x1be: {  	[tilespmem:s7], [sflag:$0x2] =	stream.indirect.gather [hbm4b:s3+s14], $0x80, s20, s14, $0xb8;
	[tilespmem:$0x14880] =	vst v63  }
0x1bf: {  	_ =	swait.ge [sflag:s10], $0x4000  }
0x1c0: {  	[sflag:s10] =	ssyncset.done $0x0  }
0x1c1: {  	[sflag:s10] =	ssyncadd.s32 $0xFFFFC000  }
0x1c2: {  	[tilespmem:s5], [sflag:$0x3] =	stream.indirect.gather [hbm4b:s3+s14], $0x80, s19, s14, $0xb8;
	[tilespmem:$0x14880] =	vst v63  }
0x1c3: {  	_ =	swait.ge [sflag:s6], $0x4000  }
0x1c4: {  	[sflag:s6] =	ssyncset.done $0x0  }
0x1c5: {  	[sflag:s6] =	ssyncadd.s32 $0xFFFFC000  }
0x1c6: {  	[tilespmem:s4], [sflag:$0x4] =	stream.indirect.gather [hbm4b:s3+s14], $0x80, s29, s14, $0xb8;
	[tilespmem:$0x14880] =	vst v63  }
0x1c7: {  	_ =	swait.ge [sflag:s16], $0x4000  }
0x1c8: {  	[sflag:s16] =	ssyncset.done $0x0  }
0x1c9: {  	s25 =	rddreg [dreg:$0x8];
	[sflag:s16] =	ssyncadd.s32 $0xFFFFC000  }
0x1ca: {  	[hbm4b:s25+s2] =	stream.linear.scatter [tilespmem:s12], [sflag:$0x5], $0x4000, $0x38;
	[tilespmem:$0x14880] =	vst v63  }
0x1cb: {  	_ =	swait.ge [sflag:s15], $0x4000  }
0x1cc: {  	[sflag:s15] =	ssyncset.done $0x0  }
0x1cd: {  	s29 =	rddreg [dreg:$0x9];
	[sflag:s15] =	ssyncadd.s32 $0xFFFFC000  }
0x1ce: {  	[hbm4b:s29+s2] =	stream.linear.scatter [tilespmem:s7], [sflag:$0x6], $0x4000, $0x38;
	[tilespmem:$0x14880] =	vst v63  }
0x1cf: {  	_ =	swait.ge [sflag:s13], $0x4000  }
0x1d0: {  	[sflag:s13] =	ssyncset.done $0x0  }
0x1d1: {  	s30 =	rddreg [dreg:$0xa];
	[sflag:s13] =	ssyncadd.s32 $0xFFFFC000  }
0x1d2: {  	[hbm4b:s30+s2] =	stream.linear.scatter [tilespmem:s5], [sflag:$0x7], $0x4000, $0x38;
	[tilespmem:$0x14880] =	vst v63  }
0x1d3: {  	_ =	swait.ge [sflag:s11], $0x4000  }
0x1d4: {  	[sflag:s11] =	ssyncset.done $0x0  }
0x1d5: {  	s31 =	rddreg [dreg:$0xb];
	[sflag:s11] =	ssyncadd.s32 $0xFFFFC000  }
0x1d6: {  	[hbm4b:s31+s2] =	stream.linear.scatter [tilespmem:s4], [sflag:$0x8], $0x4000, $0x38;
	[tilespmem:$0x14880] =	vst v63  }
0x1d7: {  	_ =	swait.ge [sflag:s8], $0x4000  }
0x1d8: {  	[sflag:s8] =	ssyncset.done $0x0  }
0x1d9: {  	[sflag:s8] =	ssyncadd.s32 $0xFFFFC000  }
0x1da: {  	_ =	swait.ge [sflag:s9], $0x4000  }
0x1db: {  	[sflag:s9] =	ssyncset.done $0x0  }
0x1dc: {  	[sflag:s9] =	ssyncadd.s32 $0xFFFFC000  }
0x1dd: {  	_ =	swait.ge [sflag:s10], $0x4000  }
0x1de: {  	[sflag:s10] =	ssyncset.done $0x0  }
0x1df: {  	[sflag:s10] =	ssyncadd.s32 $0xFFFFC000  }
0x1e0: {  	_ =	swait.ge [sflag:s6], $0x4000  }
0x1e1: {  	[sflag:s6] =	ssyncset.done $0x0  }
0x1e2: {  	[sflag:s6] =	ssyncadd.s32 $0xFFFFC000  }
0x1e3: {  	_ =	sfence.sel $0x180000  }
0x1e4: {  	[bflag:$0x0] =	sbarrier.arrive $0xFFFF  }
0x1e5: {  	p0 =	sne.s32 s26, $0x0;
	_ =	strace $0x90000056  }
0x1e6: {  	s0 =	sadd.s32 @!p0 $0x100000, s28;
	[bflag:$0x2] =	sbarrier.arrive $0xFFFF  }
0x1e7: {  	[sflag:s0] =	ssyncadd.tile.s32 @!p0 $0x1;
	_ =	shalt  }
.LBB2_1:
.Ltmp3:
0x1e8: {  	(pc) =	sbr.rel .LBB2_6-.Ltmp3, $2  }
0x1e9: {  	_ =	sdelay $0x2  }
0x1ea: {  	s29 =	simm.s32 $0x780  }
.LBB2_3:
.Ltmp4:
0x1eb: {  	(pc) =	sbr.rel .LBB2_6-.Ltmp4, $4  }
0x1ec: {  	s29 =	simm.s32 $0x780  }
0x1ed: {  	s26 =	stileid.u32;
	s28 =	rddreg [dreg:$0x3];
	s19 =	simm.s32 $0x700  }
0x1ee: {  	s20 =	simm.s32 $0x680;
	s21 =	simm.s32 $0x600;
	s22 =	simm.s32 $0x580  }
0x1ef: {  	s23 =	simm.s32 $0x500;
	s24 =	simm.s32 $0x480;
	s30 =	simm.s32 $0x400  }
.Lfunc_end2:
_tile_overlayer_lowered:
.L_overlay_start_2:
0x1f0: {  	(tag) =	ssettag $0x2  }
0x1f1: {  	s0 =	rddreg [dreg:$0x0];
	s2 =	stileid.u32  }
0x1f2: {  	s1 =	rddreg [dreg:$0x1];
	p0 =	sne.s32 s2, $0x0  }
0x1f3: {  	s3 =	rddreg [dreg:$0x2];
	[bflag:$0x3] =	sbarrier.arrive $0xFFFF;
	s2 =	simm.s32 @!p0 $0x1C0A  }
0x1f4: {  	[timem:s3], [sflag:s2] =	dma.local @!p0 [hbm:s0], s1  }
0x1f5: {  	s0 =	simm.s32 @!p0 $0xA  }
0x1f6: {  	_ =	swait.ge @!p0 [sflag:s0], s1  }
0x1f7: {  	s1 =	ssub.s32 @!p0 $0x0, s1;
	[sflag:s0] =	ssyncset.done @!p0 $0x0  }
0x1f8: {  	[sflag:s0] =	ssyncadd.s32 @!p0 s1  }
0x1f9: {  	[bflag:$0x3] =	sbarrier.arrive $0xFFFF  }
0x1fa: {  	_ =	shalt  }

</sc_bundles>
